<compile_context>
chip_gen: v7x
topology: tpu7x:2x2x1
jax: 0.10.2.dev20260603
libtpu: 0.0.44.dev20260713+nightly
codegen_flags: <defaults>
</compile_context>

<pallas_src>
import jax
import jax.numpy as jnp
from jax import lax
from jax.experimental import pallas as pl
from jax.experimental.pallas import tpu as pltpu
from jax.experimental.pallas import tpu_sc as plsc

D = 128
B = 50000
NW = 32
NS = 16
CHUNK = 80
NCHUNKS = B // CHUNK
K = -(-NCHUNKS // NW)
NBUF = 6
LANES = 16


def _body(idx_hbm, node_hbm, weight_hbm, out_hbm, *scratch):
    idx_v = scratch[0:NBUF]
    rows_v = scratch[NBUF:2 * NBUF]
    ident_v = scratch[2 * NBUF:3 * NBUF]
    spmem = scratch[3 * NBUF]
    sem_i = scratch[3 * NBUF + 1:4 * NBUF + 1]
    sem_n = scratch[4 * NBUF + 1:5 * NBUF + 1]
    sem_g = scratch[5 * NBUF + 1:6 * NBUF + 1]
    sem_s = scratch[6 * NBUF + 1:7 * NBUF + 1]
    sem_o = scratch[7 * NBUF + 1:8 * NBUF + 1]

    wid = lax.axis_index("s") * 2 + lax.axis_index("c")
    sid = lax.axis_index("s")

    for b in range(NBUF):
        row0 = (sid * NBUF + b) * CHUNK
        for j in range(CHUNK // LANES):
            ident_v[b][pl.ds(j * LANES, LANES)] = (
                lax.iota(jnp.int32, LANES) + (row0 + j * LANES))

    def valid(m):
        return (wid + m * NW) < NCHUNKS

    def base(m):
        return (wid + m * NW) * CHUNK

    def srow(m):
        b = m % NBUF
        return (sid * NBUF + b) * CHUNK

    def d_idx(m):
        return pltpu.make_async_copy(
            idx_hbm.at[pl.ds(base(m), CHUNK)], idx_v[m % NBUF], sem_i[m % NBUF])

    def d_node(m):
        return pltpu.make_async_copy(
            node_hbm.at[pl.ds(base(m), CHUNK)],
            spmem.at[pl.ds(srow(m), CHUNK)], sem_n[m % NBUF])

    def d_gather(m):
        return pltpu.make_async_copy(
            weight_hbm.at[idx_v[m % NBUF]], rows_v[m % NBUF], sem_g[m % NBUF])

    def d_scatter(m):
        return pltpu.make_async_copy(
            rows_v[m % NBUF], spmem.at[ident_v[m % NBUF]], sem_s[m % NBUF])

    def d_out(m):
        return pltpu.make_async_copy(
            spmem.at[pl.ds(srow(m), CHUNK)],
            out_hbm.at[pl.ds(base(m), CHUNK)], sem_o[m % NBUF])

    def stage_in(m):
        if 0 <= m < K:
            @pl.when(valid(m))
            def _():
                d_idx(m).start()
                d_node(m).start()

    def stage_gather(m):
        if 0 <= m < K:
            @pl.when(valid(m))
            def _():
                d_idx(m).wait()
                d_gather(m).start()

    def stage_scatter(m):
        if 0 <= m < K:
            @pl.when(valid(m))
            def _():
                d_gather(m).wait()
                d_node(m).wait()
                d_scatter(m).start(add=True)

    def stage_out(m):
        if 0 <= m < K:
            @pl.when(valid(m))
            def _():
                d_scatter(m).wait()
                d_out(m).start()

    def wait_out(m):
        if 0 <= m < K:
            @pl.when(valid(m))
            def _():
                d_out(m).wait()

    stage_in(0)
    stage_in(1)
    stage_in(2)
    stage_gather(0)

    for k in range(K):
        stage_out(k - 1)
        wait_out(k - 3)
        stage_in(k + 3)
        stage_gather(k + 1)
        stage_scatter(k)

    stage_out(K - 1)
    for m in range(max(K - 3, 0), K):
        wait_out(m)


@jax.jit
def _run(id, node_embedding, weight):
    mesh = plsc.VectorSubcoreMesh(core_axis_name="c", subcore_axis_name="s")
    f = pl.kernel(
        _body,
        out_type=jax.ShapeDtypeStruct((B, D), jnp.float32),
        mesh=mesh,
        scratch_types=(
            [pltpu.VMEM((CHUNK,), jnp.int32) for _ in range(NBUF)]
            + [pltpu.VMEM((CHUNK, D), jnp.float32) for _ in range(NBUF)]
            + [pltpu.VMEM((CHUNK,), jnp.int32) for _ in range(NBUF)]
            + [pltpu.VMEM_SHARED((NS * NBUF * CHUNK, D), jnp.float32)]
            + [pltpu.SemaphoreType.DMA for _ in range(5 * NBUF)]
        ),
    )
    return f(id, node_embedding, weight)


def kernel(id, node_embedding, weight):
    return _run(id.astype(jnp.int32), node_embedding, weight)

# --- scband reference (transcript-rebuilt; emitter-appended) ---
"""Pipeline reference for scband-structure-prompt-layer-42726334661004 (READ-ONLY COPY).

The authoritative reference and input builder live on the scoring server;
editing this copy changes nothing except your own understanding.
"""

import jax, jax.numpy as jnp
import numpy as np

SIZE = 100000
INPUT_DIM = 128
N_IDS = 50000

def setup_inputs(seed: int = 0) -> dict:
    key = jax.random.key(seed)
    k1, k2, k3 = jax.random.split(key, 3)
    # xavier_uniform init for weight [SIZE, INPUT_DIM]
    bound = float(np.sqrt(6.0 / (SIZE + INPUT_DIM)))
    weight = jax.random.uniform(k1, (SIZE, INPUT_DIM), dtype=jnp.float32, minval=-bound, maxval=bound)
    idx = jax.random.randint(k2, (N_IDS,), 0, SIZE, dtype=jnp.int64) if jax.config.jax_enable_x64 else jax.random.randint(k2, (N_IDS,), 0, SIZE, dtype=jnp.int32)
    node_embedding = jax.random.normal(k3, (N_IDS, INPUT_DIM), dtype=jnp.float32)
    return {"id": idx, "node_embedding": node_embedding, "weight": weight}

def reference(id, node_embedding, weight):
    # node_embedding = node_embedding + self.weight[id]
    gathered = jnp.take(weight, id, axis=0)
    return node_embedding + gathered

if __name__ == "__main__":
    import jax
    _d = setup_inputs()
    print(jax.jit(kernel)(*tuple(_d.values())))

</pallas_src>

<mosaic_0001>
#map = affine_map<(d0, d1) -> (0)>
#map1 = affine_map<(d0, d1) -> (0, 0)>
module attributes {stable_mosaic.version = 14 : i64} {
  func.func @_body(%arg0: i32, %arg1: i32, %arg2: memref<50000xi32, #tpu.memory_space<hbm>>, %arg3: memref<50000x128xf32, #tpu.memory_space<hbm>>, %arg4: memref<100000x128xf32, #tpu.memory_space<hbm>>, %arg5: memref<50000x128xf32, #tpu.memory_space<hbm>>, %arg6: memref<80xi32, #tpu.memory_space<vmem>>, %arg7: memref<80xi32, #tpu.memory_space<vmem>>, %arg8: memref<80xi32, #tpu.memory_space<vmem>>, %arg9: memref<80xi32, #tpu.memory_space<vmem>>, %arg10: memref<80xi32, #tpu.memory_space<vmem>>, %arg11: memref<80xi32, #tpu.memory_space<vmem>>, %arg12: memref<80x128xf32, #tpu.memory_space<vmem>>, %arg13: memref<80x128xf32, #tpu.memory_space<vmem>>, %arg14: memref<80x128xf32, #tpu.memory_space<vmem>>, %arg15: memref<80x128xf32, #tpu.memory_space<vmem>>, %arg16: memref<80x128xf32, #tpu.memory_space<vmem>>, %arg17: memref<80x128xf32, #tpu.memory_space<vmem>>, %arg18: memref<80xi32, #tpu.memory_space<vmem>>, %arg19: memref<80xi32, #tpu.memory_space<vmem>>, %arg20: memref<80xi32, #tpu.memory_space<vmem>>, %arg21: memref<80xi32, #tpu.memory_space<vmem>>, %arg22: memref<80xi32, #tpu.memory_space<vmem>>, %arg23: memref<80xi32, #tpu.memory_space<vmem>>, %arg24: memref<7680x128xf32, #tpu.memory_space<vmem_shared>>, %arg25: memref<!tpu.dma_semaphore, #tpu.memory_space<semaphore_mem>>, %arg26: memref<!tpu.dma_semaphore, #tpu.memory_space<semaphore_mem>>, %arg27: memref<!tpu.dma_semaphore, #tpu.memory_space<semaphore_mem>>, %arg28: memref<!tpu.dma_semaphore, #tpu.memory_space<semaphore_mem>>, %arg29: memref<!tpu.dma_semaphore, #tpu.memory_space<semaphore_mem>>, %arg30: memref<!tpu.dma_semaphore, #tpu.memory_space<semaphore_mem>>, %arg31: memref<!tpu.dma_semaphore, #tpu.memory_space<semaphore_mem>>, %arg32: memref<!tpu.dma_semaphore, #tpu.memory_space<semaphore_mem>>, %arg33: memref<!tpu.dma_semaphore, #tpu.memory_space<semaphore_mem>>, %arg34: memref<!tpu.dma_semaphore, #tpu.memory_space<semaphore_mem>>, %arg35: memref<!tpu.dma_semaphore, #tpu.memory_space<semaphore_mem>>, %arg36: memref<!tpu.dma_semaphore, #tpu.memory_space<semaphore_mem>>, %arg37: memref<!tpu.dma_semaphore, #tpu.memory_space<semaphore_mem>>, %arg38: memref<!tpu.dma_semaphore, #tpu.memory_space<semaphore_mem>>, %arg39: memref<!tpu.dma_semaphore, #tpu.memory_space<semaphore_mem>>, %arg40: memref<!tpu.dma_semaphore, #tpu.memory_space<semaphore_mem>>, %arg41: memref<!tpu.dma_semaphore, #tpu.memory_space<semaphore_mem>>, %arg42: memref<!tpu.dma_semaphore, #tpu.memory_space<semaphore_mem>>, %arg43: memref<!tpu.dma_semaphore, #tpu.memory_space<semaphore_mem>>, %arg44: memref<!tpu.dma_semaphore, #tpu.memory_space<semaphore_mem>>, %arg45: memref<!tpu.dma_semaphore, #tpu.memory_space<semaphore_mem>>, %arg46: memref<!tpu.dma_semaphore, #tpu.memory_space<semaphore_mem>>, %arg47: memref<!tpu.dma_semaphore, #tpu.memory_space<semaphore_mem>>, %arg48: memref<!tpu.dma_semaphore, #tpu.memory_space<semaphore_mem>>, %arg49: memref<!tpu.dma_semaphore, #tpu.memory_space<semaphore_mem>>, %arg50: memref<!tpu.dma_semaphore, #tpu.memory_space<semaphore_mem>>, %arg51: memref<!tpu.dma_semaphore, #tpu.memory_space<semaphore_mem>>, %arg52: memref<!tpu.dma_semaphore, #tpu.memory_space<semaphore_mem>>, %arg53: memref<!tpu.dma_semaphore, #tpu.memory_space<semaphore_mem>>, %arg54: memref<!tpu.dma_semaphore, #tpu.memory_space<semaphore_mem>>) attributes {dimension_semantics = [#tpu.dimension_semantics<core_parallel>, #tpu.dimension_semantics<subcore_parallel>], iteration_bounds = array<i64: 2, 16>, scalar_prefetch = 0 : i64, scratch_operands = 49 : i64, tpu.core_type = #tpu.core_type<sc_vector_subcore>, window_params = [{transform_indices = #map}, {transform_indices = #map1}, {transform_indices = #map1}, {transform_indices = #map1}]} {
    %mul3A = arith.constant 2 : i32
    %mul3A_0 = arith.muli %arg1, %mul3A : i32
    %add3A = arith.addi %mul3A_0, %arg0 : i32
    %mul3A_1 = arith.constant 6 : i32
    %mul3A_2 = arith.muli %arg1, %mul3A_1 : i32
    %add3A_3 = arith.constant 0 : i32
    %add3A_4 = arith.addi %mul3A_2, %add3A_3 : i32
    %mul3A_5 = arith.constant 80 : i32
    %mul3A_6 = arith.muli %add3A_4, %mul3A_5 : i32
    %iota3A = tpu.iota {dimensions = array<i32: 0>} : vector<16xi32>
    %add3A_7 = arith.constant 0 : i32
    %add3A_8 = arith.addi %mul3A_6, %add3A_7 : i32
    %add3A_9 = vector.broadcast %add3A_8 : i32 to vector<16xi32>
    %add3A_10 = arith.addi %iota3A, %add3A_9 : vector<16xi32>
    %swap3A = arith.constant 0 : index
    %swap3A_11 = tpu.vector_load %arg18[%swap3A] {strides = array<i32>} : memref<80xi32, #tpu.memory_space<vmem>>, vector<16xi32>,
    %swap3A_12 = vector.shape_cast %swap3A_11 : vector<16xi32> to vector<16xi32>
    %swap3A_13 = vector.shape_cast %add3A_10 : vector<16xi32> to vector<16xi32>
    tpu.vector_store %arg18[%swap3A], %swap3A_13 {strides = array<i32>} : memref<80xi32, #tpu.memory_space<vmem>>, vector<16xi32>,
    %iota3A_14 = tpu.iota {dimensions = array<i32: 0>} : vector<16xi32>
    %add3A_15 = arith.constant 16 : i32
    %add3A_16 = arith.addi %mul3A_6, %add3A_15 : i32
    %add3A_17 = vector.broadcast %add3A_16 : i32 to vector<16xi32>
    %add3A_18 = arith.addi %iota3A_14, %add3A_17 : vector<16xi32>
    %swap3A_19 = arith.constant 16 : index
    %swap3A_20 = tpu.vector_load %arg18[%swap3A_19] {strides = array<i32>} : memref<80xi32, #tpu.memory_space<vmem>>, vector<16xi32>,
    %swap3A_21 = vector.shape_cast %swap3A_20 : vector<16xi32> to vector<16xi32>
    %swap3A_22 = vector.shape_cast %add3A_18 : vector<16xi32> to vector<16xi32>
    tpu.vector_store %arg18[%swap3A_19], %swap3A_22 {strides = array<i32>} : memref<80xi32, #tpu.memory_space<vmem>>, vector<16xi32>,
    %iota3A_23 = tpu.iota {dimensions = array<i32: 0>} : vector<16xi32>
    %add3A_24 = arith.constant 32 : i32
    %add3A_25 = arith.addi %mul3A_6, %add3A_24 : i32
    %add3A_26 = vector.broadcast %add3A_25 : i32 to vector<16xi32>
    %add3A_27 = arith.addi %iota3A_23, %add3A_26 : vector<16xi32>
    %swap3A_28 = arith.constant 32 : index
    %swap3A_29 = tpu.vector_load %arg18[%swap3A_28] {strides = array<i32>} : memref<80xi32, #tpu.memory_space<vmem>>, vector<16xi32>,
    %swap3A_30 = vector.shape_cast %swap3A_29 : vector<16xi32> to vector<16xi32>
    %swap3A_31 = vector.shape_cast %add3A_27 : vector<16xi32> to vector<16xi32>
    tpu.vector_store %arg18[%swap3A_28], %swap3A_31 {strides = array<i32>} : memref<80xi32, #tpu.memory_space<vmem>>, vector<16xi32>,
    %iota3A_32 = tpu.iota {dimensions = array<i32: 0>} : vector<16xi32>
    %add3A_33 = arith.constant 48 : i32
    %add3A_34 = arith.addi %mul3A_6, %add3A_33 : i32
    %add3A_35 = vector.broadcast %add3A_34 : i32 to vector<16xi32>
    %add3A_36 = arith.addi %iota3A_32, %add3A_35 : vector<16xi32>
    %swap3A_37 = arith.constant 48 : index
    %swap3A_38 = tpu.vector_load %arg18[%swap3A_37] {strides = array<i32>} : memref<80xi32, #tpu.memory_space<vmem>>, vector<16xi32>,
    %swap3A_39 = vector.shape_cast %swap3A_38 : vector<16xi32> to vector<16xi32>
    %swap3A_40 = vector.shape_cast %add3A_36 : vector<16xi32> to vector<16xi32>
    tpu.vector_store %arg18[%swap3A_37], %swap3A_40 {strides = array<i32>} : memref<80xi32, #tpu.memory_space<vmem>>, vector<16xi32>,
    %iota3A_41 = tpu.iota {dimensions = array<i32: 0>} : vector<16xi32>
    %add3A_42 = arith.constant 64 : i32
    %add3A_43 = arith.addi %mul3A_6, %add3A_42 : i32
    %add3A_44 = vector.broadcast %add3A_43 : i32 to vector<16xi32>
    %add3A_45 = arith.addi %iota3A_41, %add3A_44 : vector<16xi32>
    %swap3A_46 = arith.constant 64 : index
    %swap3A_47 = tpu.vector_load %arg18[%swap3A_46] {strides = array<i32>} : memref<80xi32, #tpu.memory_space<vmem>>, vector<16xi32>,
    %swap3A_48 = vector.shape_cast %swap3A_47 : vector<16xi32> to vector<16xi32>
    %swap3A_49 = vector.shape_cast %add3A_45 : vector<16xi32> to vector<16xi32>
    tpu.vector_store %arg18[%swap3A_46], %swap3A_49 {strides = array<i32>} : memref<80xi32, #tpu.memory_space<vmem>>, vector<16xi32>,
    %mul3A_50 = arith.constant 6 : i32
    %mul3A_51 = arith.muli %arg1, %mul3A_50 : i32
    %add3A_52 = arith.constant 1 : i32
    %add3A_53 = arith.addi %mul3A_51, %add3A_52 : i32
    %mul3A_54 = arith.constant 80 : i32
    %mul3A_55 = arith.muli %add3A_53, %mul3A_54 : i32
    %iota3A_56 = tpu.iota {dimensions = array<i32: 0>} : vector<16xi32>
    %add3A_57 = arith.constant 0 : i32
    %add3A_58 = arith.addi %mul3A_55, %add3A_57 : i32
    %add3A_59 = vector.broadcast %add3A_58 : i32 to vector<16xi32>
    %add3A_60 = arith.addi %iota3A_56, %add3A_59 : vector<16xi32>
    %swap3A_61 = arith.constant 0 : index
    %swap3A_62 = tpu.vector_load %arg19[%swap3A_61] {strides = array<i32>} : memref<80xi32, #tpu.memory_space<vmem>>, vector<16xi32>,
    %swap3A_63 = vector.shape_cast %swap3A_62 : vector<16xi32> to vector<16xi32>
    %swap3A_64 = vector.shape_cast %add3A_60 : vector<16xi32> to vector<16xi32>
    tpu.vector_store %arg19[%swap3A_61], %swap3A_64 {strides = array<i32>} : memref<80xi32, #tpu.memory_space<vmem>>, vector<16xi32>,
    %iota3A_65 = tpu.iota {dimensions = array<i32: 0>} : vector<16xi32>
    %add3A_66 = arith.constant 16 : i32
    %add3A_67 = arith.addi %mul3A_55, %add3A_66 : i32
    %add3A_68 = vector.broadcast %add3A_67 : i32 to vector<16xi32>
    %add3A_69 = arith.addi %iota3A_65, %add3A_68 : vector<16xi32>
    %swap3A_70 = arith.constant 16 : index
    %swap3A_71 = tpu.vector_load %arg19[%swap3A_70] {strides = array<i32>} : memref<80xi32, #tpu.memory_space<vmem>>, vector<16xi32>,
    %swap3A_72 = vector.shape_cast %swap3A_71 : vector<16xi32> to vector<16xi32>
    %swap3A_73 = vector.shape_cast %add3A_69 : vector<16xi32> to vector<16xi32>
    tpu.vector_store %arg19[%swap3A_70], %swap3A_73 {strides = array<i32>} : memref<80xi32, #tpu.memory_space<vmem>>, vector<16xi32>,
    %iota3A_74 = tpu.iota {dimensions = array<i32: 0>} : vector<16xi32>
    %add3A_75 = arith.constant 32 : i32
    %add3A_76 = arith.addi %mul3A_55, %add3A_75 : i32
    %add3A_77 = vector.broadcast %add3A_76 : i32 to vector<16xi32>
    %add3A_78 = arith.addi %iota3A_74, %add3A_77 : vector<16xi32>
    %swap3A_79 = arith.constant 32 : index
    %swap3A_80 = tpu.vector_load %arg19[%swap3A_79] {strides = array<i32>} : memref<80xi32, #tpu.memory_space<vmem>>, vector<16xi32>,
    %swap3A_81 = vector.shape_cast %swap3A_80 : vector<16xi32> to vector<16xi32>
    %swap3A_82 = vector.shape_cast %add3A_78 : vector<16xi32> to vector<16xi32>
    tpu.vector_store %arg19[%swap3A_79], %swap3A_82 {strides = array<i32>} : memref<80xi32, #tpu.memory_space<vmem>>, vector<16xi32>,
    %iota3A_83 = tpu.iota {dimensions = array<i32: 0>} : vector<16xi32>
    %add3A_84 = arith.constant 48 : i32
    %add3A_85 = arith.addi %mul3A_55, %add3A_84 : i32
    %add3A_86 = vector.broadcast %add3A_85 : i32 to vector<16xi32>
    %add3A_87 = arith.addi %iota3A_83, %add3A_86 : vector<16xi32>
    %swap3A_88 = arith.constant 48 : index
    %swap3A_89 = tpu.vector_load %arg19[%swap3A_88] {strides = array<i32>} : memref<80xi32, #tpu.memory_space<vmem>>, vector<16xi32>,
    %swap3A_90 = vector.shape_cast %swap3A_89 : vector<16xi32> to vector<16xi32>
    %swap3A_91 = vector.shape_cast %add3A_87 : vector<16xi32> to vector<16xi32>
    tpu.vector_store %arg19[%swap3A_88], %swap3A_91 {strides = array<i32>} : memref<80xi32, #tpu.memory_space<vmem>>, vector<16xi32>,
    %iota3A_92 = tpu.iota {dimensions = array<i32: 0>} : vector<16xi32>
    %add3A_93 = arith.constant 64 : i32
    %add3A_94 = arith.addi %mul3A_55, %add3A_93 : i32
    %add3A_95 = vector.broadcast %add3A_94 : i32 to vector<16xi32>
    %add3A_96 = arith.addi %iota3A_92, %add3A_95 : vector<16xi32>
    %swap3A_97 = arith.constant 64 : index
    %swap3A_98 = tpu.vector_load %arg19[%swap3A_97] {strides = array<i32>} : memref<80xi32, #tpu.memory_space<vmem>>, vector<16xi32>,
    %swap3A_99 = vector.shape_cast %swap3A_98 : vector<16xi32> to vector<16xi32>
    %swap3A_100 = vector.shape_cast %add3A_96 : vector<16xi32> to vector<16xi32>
    tpu.vector_store %arg19[%swap3A_97], %swap3A_100 {strides = array<i32>} : memref<80xi32, #tpu.memory_space<vmem>>, vector<16xi32>,
    %mul3A_101 = arith.constant 6 : i32
    %mul3A_102 = arith.muli %arg1, %mul3A_101 : i32
    %add3A_103 = arith.constant 2 : i32
    %add3A_104 = arith.addi %mul3A_102, %add3A_103 : i32
    %mul3A_105 = arith.constant 80 : i32
    %mul3A_106 = arith.muli %add3A_104, %mul3A_105 : i32
    %iota3A_107 = tpu.iota {dimensions = array<i32: 0>} : vector<16xi32>
    %add3A_108 = arith.constant 0 : i32
    %add3A_109 = arith.addi %mul3A_106, %add3A_108 : i32
    %add3A_110 = vector.broadcast %add3A_109 : i32 to vector<16xi32>
    %add3A_111 = arith.addi %iota3A_107, %add3A_110 : vector<16xi32>
    %swap3A_112 = arith.constant 0 : index
    %swap3A_113 = tpu.vector_load %arg20[%swap3A_112] {strides = array<i32>} : memref<80xi32, #tpu.memory_space<vmem>>, vector<16xi32>,
    %swap3A_114 = vector.shape_cast %swap3A_113 : vector<16xi32> to vector<16xi32>
    %swap3A_115 = vector.shape_cast %add3A_111 : vector<16xi32> to vector<16xi32>
    tpu.vector_store %arg20[%swap3A_112], %swap3A_115 {strides = array<i32>} : memref<80xi32, #tpu.memory_space<vmem>>, vector<16xi32>,
    %iota3A_116 = tpu.iota {dimensions = array<i32: 0>} : vector<16xi32>
    %add3A_117 = arith.constant 16 : i32
    %add3A_118 = arith.addi %mul3A_106, %add3A_117 : i32
    %add3A_119 = vector.broadcast %add3A_118 : i32 to vector<16xi32>
    %add3A_120 = arith.addi %iota3A_116, %add3A_119 : vector<16xi32>
    %swap3A_121 = arith.constant 16 : index
    %swap3A_122 = tpu.vector_load %arg20[%swap3A_121] {strides = array<i32>} : memref<80xi32, #tpu.memory_space<vmem>>, vector<16xi32>,
    %swap3A_123 = vector.shape_cast %swap3A_122 : vector<16xi32> to vector<16xi32>
    %swap3A_124 = vector.shape_cast %add3A_120 : vector<16xi32> to vector<16xi32>
    tpu.vector_store %arg20[%swap3A_121], %swap3A_124 {strides = array<i32>} : memref<80xi32, #tpu.memory_space<vmem>>, vector<16xi32>,
    %iota3A_125 = tpu.iota {dimensions = array<i32: 0>} : vector<16xi32>
    %add3A_126 = arith.constant 32 : i32
    %add3A_127 = arith.addi %mul3A_106, %add3A_126 : i32
    %add3A_128 = vector.broadcast %add3A_127 : i32 to vector<16xi32>
    %add3A_129 = arith.addi %iota3A_125, %add3A_128 : vector<16xi32>
    %swap3A_130 = arith.constant 32 : index
    %swap3A_131 = tpu.vector_load %arg20[%swap3A_130] {strides = array<i32>} : memref<80xi32, #tpu.memory_space<vmem>>, vector<16xi32>,
    %swap3A_132 = vector.shape_cast %swap3A_131 : vector<16xi32> to vector<16xi32>
    %swap3A_133 = vector.shape_cast %add3A_129 : vector<16xi32> to vector<16xi32>
    tpu.vector_store %arg20[%swap3A_130], %swap3A_133 {strides = array<i32>} : memref<80xi32, #tpu.memory_space<vmem>>, vector<16xi32>,
    %iota3A_134 = tpu.iota {dimensions = array<i32: 0>} : vector<16xi32>
    %add3A_135 = arith.constant 48 : i32
    %add3A_136 = arith.addi %mul3A_106, %add3A_135 : i32
    %add3A_137 = vector.broadcast %add3A_136 : i32 to vector<16xi32>
    %add3A_138 = arith.addi %iota3A_134, %add3A_137 : vector<16xi32>
    %swap3A_139 = arith.constant 48 : index
    %swap3A_140 = tpu.vector_load %arg20[%swap3A_139] {strides = array<i32>} : memref<80xi32, #tpu.memory_space<vmem>>, vector<16xi32>,
    %swap3A_141 = vector.shape_cast %swap3A_140 : vector<16xi32> to vector<16xi32>
    %swap3A_142 = vector.shape_cast %add3A_138 : vector<16xi32> to vector<16xi32>
    tpu.vector_store %arg20[%swap3A_139], %swap3A_142 {strides = array<i32>} : memref<80xi32, #tpu.memory_space<vmem>>, vector<16xi32>,
    %iota3A_143 = tpu.iota {dimensions = array<i32: 0>} : vector<16xi32>
    %add3A_144 = arith.constant 64 : i32
    %add3A_145 = arith.addi %mul3A_106, %add3A_144 : i32
    %add3A_146 = vector.broadcast %add3A_145 : i32 to vector<16xi32>
    %add3A_147 = arith.addi %iota3A_143, %add3A_146 : vector<16xi32>
    %swap3A_148 = arith.constant 64 : index
    %swap3A_149 = tpu.vector_load %arg20[%swap3A_148] {strides = array<i32>} : memref<80xi32, #tpu.memory_space<vmem>>, vector<16xi32>,
    %swap3A_150 = vector.shape_cast %swap3A_149 : vector<16xi32> to vector<16xi32>
    %swap3A_151 = vector.shape_cast %add3A_147 : vector<16xi32> to vector<16xi32>
    tpu.vector_store %arg20[%swap3A_148], %swap3A_151 {strides = array<i32>} : memref<80xi32, #tpu.memory_space<vmem>>, vector<16xi32>,
    %mul3A_152 = arith.constant 6 : i32
    %mul3A_153 = arith.muli %arg1, %mul3A_152 : i32
    %add3A_154 = arith.constant 3 : i32
    %add3A_155 = arith.addi %mul3A_153, %add3A_154 : i32
    %mul3A_156 = arith.constant 80 : i32
    %mul3A_157 = arith.muli %add3A_155, %mul3A_156 : i32
    %iota3A_158 = tpu.iota {dimensions = array<i32: 0>} : vector<16xi32>
    %add3A_159 = arith.constant 0 : i32
    %add3A_160 = arith.addi %mul3A_157, %add3A_159 : i32
    %add3A_161 = vector.broadcast %add3A_160 : i32 to vector<16xi32>
    %add3A_162 = arith.addi %iota3A_158, %add3A_161 : vector<16xi32>
    %swap3A_163 = arith.constant 0 : index
    %swap3A_164 = tpu.vector_load %arg21[%swap3A_163] {strides = array<i32>} : memref<80xi32, #tpu.memory_space<vmem>>, vector<16xi32>,
    %swap3A_165 = vector.shape_cast %swap3A_164 : vector<16xi32> to vector<16xi32>
    %swap3A_166 = vector.shape_cast %add3A_162 : vector<16xi32> to vector<16xi32>
    tpu.vector_store %arg21[%swap3A_163], %swap3A_166 {strides = array<i32>} : memref<80xi32, #tpu.memory_space<vmem>>, vector<16xi32>,
    %iota3A_167 = tpu.iota {dimensions = array<i32: 0>} : vector<16xi32>
    %add3A_168 = arith.constant 16 : i32
    %add3A_169 = arith.addi %mul3A_157, %add3A_168 : i32
    %add3A_170 = vector.broadcast %add3A_169 : i32 to vector<16xi32>
    %add3A_171 = arith.addi %iota3A_167, %add3A_170 : vector<16xi32>
    %swap3A_172 = arith.constant 16 : index
    %swap3A_173 = tpu.vector_load %arg21[%swap3A_172] {strides = array<i32>} : memref<80xi32, #tpu.memory_space<vmem>>, vector<16xi32>,
    %swap3A_174 = vector.shape_cast %swap3A_173 : vector<16xi32> to vector<16xi32>
    %swap3A_175 = vector.shape_cast %add3A_171 : vector<16xi32> to vector<16xi32>
    tpu.vector_store %arg21[%swap3A_172], %swap3A_175 {strides = array<i32>} : memref<80xi32, #tpu.memory_space<vmem>>, vector<16xi32>,
    %iota3A_176 = tpu.iota {dimensions = array<i32: 0>} : vector<16xi32>
    %add3A_177 = arith.constant 32 : i32
    %add3A_178 = arith.addi %mul3A_157, %add3A_177 : i32
    %add3A_179 = vector.broadcast %add3A_178 : i32 to vector<16xi32>
    %add3A_180 = arith.addi %iota3A_176, %add3A_179 : vector<16xi32>
    %swap3A_181 = arith.constant 32 : index
    %swap3A_182 = tpu.vector_load %arg21[%swap3A_181] {strides = array<i32>} : memref<80xi32, #tpu.memory_space<vmem>>, vector<16xi32>,
    %swap3A_183 = vector.shape_cast %swap3A_182 : vector<16xi32> to vector<16xi32>
    %swap3A_184 = vector.shape_cast %add3A_180 : vector<16xi32> to vector<16xi32>
    tpu.vector_store %arg21[%swap3A_181], %swap3A_184 {strides = array<i32>} : memref<80xi32, #tpu.memory_space<vmem>>, vector<16xi32>,
    %iota3A_185 = tpu.iota {dimensions = array<i32: 0>} : vector<16xi32>
    %add3A_186 = arith.constant 48 : i32
    %add3A_187 = arith.addi %mul3A_157, %add3A_186 : i32
    %add3A_188 = vector.broadcast %add3A_187 : i32 to vector<16xi32>
    %add3A_189 = arith.addi %iota3A_185, %add3A_188 : vector<16xi32>
    %swap3A_190 = arith.constant 48 : index
    %swap3A_191 = tpu.vector_load %arg21[%swap3A_190] {strides = array<i32>} : memref<80xi32, #tpu.memory_space<vmem>>, vector<16xi32>,
    %swap3A_192 = vector.shape_cast %swap3A_191 : vector<16xi32> to vector<16xi32>
    %swap3A_193 = vector.shape_cast %add3A_189 : vector<16xi32> to vector<16xi32>
    tpu.vector_store %arg21[%swap3A_190], %swap3A_193 {strides = array<i32>} : memref<80xi32, #tpu.memory_space<vmem>>, vector<16xi32>,
    %iota3A_194 = tpu.iota {dimensions = array<i32: 0>} : vector<16xi32>
    %add3A_195 = arith.constant 64 : i32
    %add3A_196 = arith.addi %mul3A_157, %add3A_195 : i32
    %add3A_197 = vector.broadcast %add3A_196 : i32 to vector<16xi32>
    %add3A_198 = arith.addi %iota3A_194, %add3A_197 : vector<16xi32>
    %swap3A_199 = arith.constant 64 : index
    %swap3A_200 = tpu.vector_load %arg21[%swap3A_199] {strides = array<i32>} : memref<80xi32, #tpu.memory_space<vmem>>, vector<16xi32>,
    %swap3A_201 = vector.shape_cast %swap3A_200 : vector<16xi32> to vector<16xi32>
    %swap3A_202 = vector.shape_cast %add3A_198 : vector<16xi32> to vector<16xi32>
    tpu.vector_store %arg21[%swap3A_199], %swap3A_202 {strides = array<i32>} : memref<80xi32, #tpu.memory_space<vmem>>, vector<16xi32>,
    %mul3A_203 = arith.constant 6 : i32
    %mul3A_204 = arith.muli %arg1, %mul3A_203 : i32
    %add3A_205 = arith.constant 4 : i32
    %add3A_206 = arith.addi %mul3A_204, %add3A_205 : i32
    %mul3A_207 = arith.constant 80 : i32
    %mul3A_208 = arith.muli %add3A_206, %mul3A_207 : i32
    %iota3A_209 = tpu.iota {dimensions = array<i32: 0>} : vector<16xi32>
    %add3A_210 = arith.constant 0 : i32
    %add3A_211 = arith.addi %mul3A_208, %add3A_210 : i32
    %add3A_212 = vector.broadcast %add3A_211 : i32 to vector<16xi32>
    %add3A_213 = arith.addi %iota3A_209, %add3A_212 : vector<16xi32>
    %swap3A_214 = arith.constant 0 : index
    %swap3A_215 = tpu.vector_load %arg22[%swap3A_214] {strides = array<i32>} : memref<80xi32, #tpu.memory_space<vmem>>, vector<16xi32>,
    %swap3A_216 = vector.shape_cast %swap3A_215 : vector<16xi32> to vector<16xi32>
    %swap3A_217 = vector.shape_cast %add3A_213 : vector<16xi32> to vector<16xi32>
    tpu.vector_store %arg22[%swap3A_214], %swap3A_217 {strides = array<i32>} : memref<80xi32, #tpu.memory_space<vmem>>, vector<16xi32>,
    %iota3A_218 = tpu.iota {dimensions = array<i32: 0>} : vector<16xi32>
    %add3A_219 = arith.constant 16 : i32
    %add3A_220 = arith.addi %mul3A_208, %add3A_219 : i32
    %add3A_221 = vector.broadcast %add3A_220 : i32 to vector<16xi32>
    %add3A_222 = arith.addi %iota3A_218, %add3A_221 : vector<16xi32>
    %swap3A_223 = arith.constant 16 : index
    %swap3A_224 = tpu.vector_load %arg22[%swap3A_223] {strides = array<i32>} : memref<80xi32, #tpu.memory_space<vmem>>, vector<16xi32>,
    %swap3A_225 = vector.shape_cast %swap3A_224 : vector<16xi32> to vector<16xi32>
    %swap3A_226 = vector.shape_cast %add3A_222 : vector<16xi32> to vector<16xi32>
    tpu.vector_store %arg22[%swap3A_223], %swap3A_226 {strides = array<i32>} : memref<80xi32, #tpu.memory_space<vmem>>, vector<16xi32>,
    %iota3A_227 = tpu.iota {dimensions = array<i32: 0>} : vector<16xi32>
    %add3A_228 = arith.constant 32 : i32
    %add3A_229 = arith.addi %mul3A_208, %add3A_228 : i32
    %add3A_230 = vector.broadcast %add3A_229 : i32 to vector<16xi32>
    %add3A_231 = arith.addi %iota3A_227, %add3A_230 : vector<16xi32>
    %swap3A_232 = arith.constant 32 : index
    %swap3A_233 = tpu.vector_load %arg22[%swap3A_232] {strides = array<i32>} : memref<80xi32, #tpu.memory_space<vmem>>, vector<16xi32>,
    %swap3A_234 = vector.shape_cast %swap3A_233 : vector<16xi32> to vector<16xi32>
    %swap3A_235 = vector.shape_cast %add3A_231 : vector<16xi32> to vector<16xi32>
    tpu.vector_store %arg22[%swap3A_232], %swap3A_235 {strides = array<i32>} : memref<80xi32, #tpu.memory_space<vmem>>, vector<16xi32>,
    %iota3A_236 = tpu.iota {dimensions = array<i32: 0>} : vector<16xi32>
    %add3A_237 = arith.constant 48 : i32
    %add3A_238 = arith.addi %mul3A_208, %add3A_237 : i32
    %add3A_239 = vector.broadcast %add3A_238 : i32 to vector<16xi32>
    %add3A_240 = arith.addi %iota3A_236, %add3A_239 : vector<16xi32>
    %swap3A_241 = arith.constant 48 : index
    %swap3A_242 = tpu.vector_load %arg22[%swap3A_241] {strides = array<i32>} : memref<80xi32, #tpu.memory_space<vmem>>, vector<16xi32>,
    %swap3A_243 = vector.shape_cast %swap3A_242 : vector<16xi32> to vector<16xi32>
    %swap3A_244 = vector.shape_cast %add3A_240 : vector<16xi32> to vector<16xi32>
    tpu.vector_store %arg22[%swap3A_241], %swap3A_244 {strides = array<i32>} : memref<80xi32, #tpu.memory_space<vmem>>, vector<16xi32>,
    %iota3A_245 = tpu.iota {dimensions = array<i32: 0>} : vector<16xi32>
    %add3A_246 = arith.constant 64 : i32
    %add3A_247 = arith.addi %mul3A_208, %add3A_246 : i32
    %add3A_248 = vector.broadcast %add3A_247 : i32 to vector<16xi32>
    %add3A_249 = arith.addi %iota3A_245, %add3A_248 : vector<16xi32>
    %swap3A_250 = arith.constant 64 : index
    %swap3A_251 = tpu.vector_load %arg22[%swap3A_250] {strides = array<i32>} : memref<80xi32, #tpu.memory_space<vmem>>, vector<16xi32>,
    %swap3A_252 = vector.shape_cast %swap3A_251 : vector<16xi32> to vector<16xi32>
    %swap3A_253 = vector.shape_cast %add3A_249 : vector<16xi32> to vector<16xi32>
    tpu.vector_store %arg22[%swap3A_250], %swap3A_253 {strides = array<i32>} : memref<80xi32, #tpu.memory_space<vmem>>, vector<16xi32>,
    %mul3A_254 = arith.constant 6 : i32
    %mul3A_255 = arith.muli %arg1, %mul3A_254 : i32
    %add3A_256 = arith.constant 5 : i32
    %add3A_257 = arith.addi %mul3A_255, %add3A_256 : i32
    %mul3A_258 = arith.constant 80 : i32
    %mul3A_259 = arith.muli %add3A_257, %mul3A_258 : i32
    %iota3A_260 = tpu.iota {dimensions = array<i32: 0>} : vector<16xi32>
    %add3A_261 = arith.constant 0 : i32
    %add3A_262 = arith.addi %mul3A_259, %add3A_261 : i32
    %add3A_263 = vector.broadcast %add3A_262 : i32 to vector<16xi32>
    %add3A_264 = arith.addi %iota3A_260, %add3A_263 : vector<16xi32>
    %swap3A_265 = arith.constant 0 : index
    %swap3A_266 = tpu.vector_load %arg23[%swap3A_265] {strides = array<i32>} : memref<80xi32, #tpu.memory_space<vmem>>, vector<16xi32>,
    %swap3A_267 = vector.shape_cast %swap3A_266 : vector<16xi32> to vector<16xi32>
    %swap3A_268 = vector.shape_cast %add3A_264 : vector<16xi32> to vector<16xi32>
    tpu.vector_store %arg23[%swap3A_265], %swap3A_268 {strides = array<i32>} : memref<80xi32, #tpu.memory_space<vmem>>, vector<16xi32>,
    %iota3A_269 = tpu.iota {dimensions = array<i32: 0>} : vector<16xi32>
    %add3A_270 = arith.constant 16 : i32
    %add3A_271 = arith.addi %mul3A_259, %add3A_270 : i32
    %add3A_272 = vector.broadcast %add3A_271 : i32 to vector<16xi32>
    %add3A_273 = arith.addi %iota3A_269, %add3A_272 : vector<16xi32>
    %swap3A_274 = arith.constant 16 : index
    %swap3A_275 = tpu.vector_load %arg23[%swap3A_274] {strides = array<i32>} : memref<80xi32, #tpu.memory_space<vmem>>, vector<16xi32>,
    %swap3A_276 = vector.shape_cast %swap3A_275 : vector<16xi32> to vector<16xi32>
    %swap3A_277 = vector.shape_cast %add3A_273 : vector<16xi32> to vector<16xi32>
    tpu.vector_store %arg23[%swap3A_274], %swap3A_277 {strides = array<i32>} : memref<80xi32, #tpu.memory_space<vmem>>, vector<16xi32>,
    %iota3A_278 = tpu.iota {dimensions = array<i32: 0>} : vector<16xi32>
    %add3A_279 = arith.constant 32 : i32
    %add3A_280 = arith.addi %mul3A_259, %add3A_279 : i32
    %add3A_281 = vector.broadcast %add3A_280 : i32 to vector<16xi32>
    %add3A_282 = arith.addi %iota3A_278, %add3A_281 : vector<16xi32>
    %swap3A_283 = arith.constant 32 : index
    %swap3A_284 = tpu.vector_load %arg23[%swap3A_283] {strides = array<i32>} : memref<80xi32, #tpu.memory_space<vmem>>, vector<16xi32>,
    %swap3A_285 = vector.shape_cast %swap3A_284 : vector<16xi32> to vector<16xi32>
    %swap3A_286 = vector.shape_cast %add3A_282 : vector<16xi32> to vector<16xi32>
    tpu.vector_store %arg23[%swap3A_283], %swap3A_286 {strides = array<i32>} : memref<80xi32, #tpu.memory_space<vmem>>, vector<16xi32>,
    %iota3A_287 = tpu.iota {dimensions = array<i32: 0>} : vector<16xi32>
    %add3A_288 = arith.constant 48 : i32
    %add3A_289 = arith.addi %mul3A_259, %add3A_288 : i32
    %add3A_290 = vector.broadcast %add3A_289 : i32 to vector<16xi32>
    %add3A_291 = arith.addi %iota3A_287, %add3A_290 : vector<16xi32>
    %swap3A_292 = arith.constant 48 : index
    %swap3A_293 = tpu.vector_load %arg23[%swap3A_292] {strides = array<i32>} : memref<80xi32, #tpu.memory_space<vmem>>, vector<16xi32>,
    %swap3A_294 = vector.shape_cast %swap3A_293 : vector<16xi32> to vector<16xi32>
    %swap3A_295 = vector.shape_cast %add3A_291 : vector<16xi32> to vector<16xi32>
    tpu.vector_store %arg23[%swap3A_292], %swap3A_295 {strides = array<i32>} : memref<80xi32, #tpu.memory_space<vmem>>, vector<16xi32>,
    %iota3A_296 = tpu.iota {dimensions = array<i32: 0>} : vector<16xi32>
    %add3A_297 = arith.constant 64 : i32
    %add3A_298 = arith.addi %mul3A_259, %add3A_297 : i32
    %add3A_299 = vector.broadcast %add3A_298 : i32 to vector<16xi32>
    %add3A_300 = arith.addi %iota3A_296, %add3A_299 : vector<16xi32>
    %swap3A_301 = arith.constant 64 : index
    %swap3A_302 = tpu.vector_load %arg23[%swap3A_301] {strides = array<i32>} : memref<80xi32, #tpu.memory_space<vmem>>, vector<16xi32>,
    %swap3A_303 = vector.shape_cast %swap3A_302 : vector<16xi32> to vector<16xi32>
    %swap3A_304 = vector.shape_cast %add3A_300 : vector<16xi32> to vector<16xi32>
    tpu.vector_store %arg23[%swap3A_301], %swap3A_304 {strides = array<i32>} : memref<80xi32, #tpu.memory_space<vmem>>, vector<16xi32>,
    %add3A_305 = arith.constant 0 : i32
    %add3A_306 = arith.addi %add3A, %add3A_305 : i32
    %lt3A = arith.constant 625 : i32
    %lt3A_307 = arith.cmpi slt, %add3A_306, %lt3A : i32
    %convert_element_type3A = arith.extui %lt3A_307 : i1 to i32
    %cond3A = arith.constant 0 : i32
    %cond3A_308 = arith.cmpi ne, %convert_element_type3A, %cond3A : i32
    scf.if %cond3A_308 {
      %add3A_1002 = arith.constant 0 : i32
      %add3A_1003 = arith.addi %add3A, %add3A_1002 : i32
      %mul3A_1004 = arith.constant 80 : i32
      %mul3A_1005 = arith.muli %add3A_1003, %mul3A_1004 : i32
      %dma_start3A = tpu.memref_slice %arg2[%mul3A_1005] : memref<50000xi32, #tpu.memory_space<hbm>> -> memref<80xi32, #tpu.memory_space<hbm>>
      %dma_start3A_1006 = tpu.memref_slice %arg2[%mul3A_1005] : memref<50000xi32, #tpu.memory_space<hbm>> -> memref<80xi32, #tpu.memory_space<hbm>>
      tpu.enqueue_dma source(%dma_start3A_1006 : memref<80xi32, #tpu.memory_space<hbm>>) target(%arg6 : memref<80xi32, #tpu.memory_space<vmem>>) target_semaphore(%arg25 : memref<!tpu.dma_semaphore, #tpu.memory_space<semaphore_mem>>)
      %add3A_1007 = arith.constant 0 : i32
      %add3A_1008 = arith.addi %add3A, %add3A_1007 : i32
      %mul3A_1009 = arith.constant 80 : i32
      %mul3A_1010 = arith.muli %add3A_1008, %mul3A_1009 : i32
      %mul3A_1011 = arith.constant 6 : i32
      %mul3A_1012 = arith.muli %arg1, %mul3A_1011 : i32
      %add3A_1013 = arith.constant 0 : i32
      %add3A_1014 = arith.addi %mul3A_1012, %add3A_1013 : i32
      %mul3A_1015 = arith.constant 80 : i32
      %mul3A_1016 = arith.muli %add3A_1014, %mul3A_1015 : i32
      %dma_start3A_1017 = arith.constant 0 : i32
      %dma_start3A_1018 = tpu.memref_slice %arg24[%mul3A_1016, %dma_start3A_1017] : memref<7680x128xf32, #tpu.memory_space<vmem_shared>> -> memref<80x128xf32, #tpu.memory_space<vmem_shared>>
      %dma_start3A_1019 = arith.constant 0 : i32
      %dma_start3A_1020 = tpu.memref_slice %arg3[%mul3A_1010, %dma_start3A_1019] : memref<50000x128xf32, #tpu.memory_space<hbm>> -> memref<80x128xf32, #tpu.memory_space<hbm>>
      tpu.enqueue_dma source(%dma_start3A_1020 : memref<80x128xf32, #tpu.memory_space<hbm>>) target(%dma_start3A_1018 : memref<80x128xf32, #tpu.memory_space<vmem_shared>>) target_semaphore(%arg31 : memref<!tpu.dma_semaphore, #tpu.memory_space<semaphore_mem>>)
    } else {
    }
    %add3A_309 = arith.constant 32 : i32
    %add3A_310 = arith.addi %add3A, %add3A_309 : i32
    %lt3A_311 = arith.constant 625 : i32
    %lt3A_312 = arith.cmpi slt, %add3A_310, %lt3A_311 : i32
    %convert_element_type3A_313 = arith.extui %lt3A_312 : i1 to i32
    %cond3A_314 = arith.constant 0 : i32
    %cond3A_315 = arith.cmpi ne, %convert_element_type3A_313, %cond3A_314 : i32
    scf.if %cond3A_315 {
      %add3A_1002 = arith.constant 32 : i32
      %add3A_1003 = arith.addi %add3A, %add3A_1002 : i32
      %mul3A_1004 = arith.constant 80 : i32
      %mul3A_1005 = arith.muli %add3A_1003, %mul3A_1004 : i32
      %dma_start3A = tpu.memref_slice %arg2[%mul3A_1005] : memref<50000xi32, #tpu.memory_space<hbm>> -> memref<80xi32, #tpu.memory_space<hbm>>
      %dma_start3A_1006 = tpu.memref_slice %arg2[%mul3A_1005] : memref<50000xi32, #tpu.memory_space<hbm>> -> memref<80xi32, #tpu.memory_space<hbm>>
      tpu.enqueue_dma source(%dma_start3A_1006 : memref<80xi32, #tpu.memory_space<hbm>>) target(%arg7 : memref<80xi32, #tpu.memory_space<vmem>>) target_semaphore(%arg26 : memref<!tpu.dma_semaphore, #tpu.memory_space<semaphore_mem>>)
      %add3A_1007 = arith.constant 32 : i32
      %add3A_1008 = arith.addi %add3A, %add3A_1007 : i32
      %mul3A_1009 = arith.constant 80 : i32
      %mul3A_1010 = arith.muli %add3A_1008, %mul3A_1009 : i32
      %mul3A_1011 = arith.constant 6 : i32
      %mul3A_1012 = arith.muli %arg1, %mul3A_1011 : i32
      %add3A_1013 = arith.constant 1 : i32
      %add3A_1014 = arith.addi %mul3A_1012, %add3A_1013 : i32
      %mul3A_1015 = arith.constant 80 : i32
      %mul3A_1016 = arith.muli %add3A_1014, %mul3A_1015 : i32
      %dma_start3A_1017 = arith.constant 0 : i32
      %dma_start3A_1018 = tpu.memref_slice %arg24[%mul3A_1016, %dma_start3A_1017] : memref<7680x128xf32, #tpu.memory_space<vmem_shared>> -> memref<80x128xf32, #tpu.memory_space<vmem_shared>>
      %dma_start3A_1019 = arith.constant 0 : i32
      %dma_start3A_1020 = tpu.memref_slice %arg3[%mul3A_1010, %dma_start3A_1019] : memref<50000x128xf32, #tpu.memory_space<hbm>> -> memref<80x128xf32, #tpu.memory_space<hbm>>
      tpu.enqueue_dma source(%dma_start3A_1020 : memref<80x128xf32, #tpu.memory_space<hbm>>) target(%dma_start3A_1018 : memref<80x128xf32, #tpu.memory_space<vmem_shared>>) target_semaphore(%arg32 : memref<!tpu.dma_semaphore, #tpu.memory_space<semaphore_mem>>)
    } else {
    }
    %add3A_316 = arith.constant 64 : i32
    %add3A_317 = arith.addi %add3A, %add3A_316 : i32
    %lt3A_318 = arith.constant 625 : i32
    %lt3A_319 = arith.cmpi slt, %add3A_317, %lt3A_318 : i32
    %convert_element_type3A_320 = arith.extui %lt3A_319 : i1 to i32
    %cond3A_321 = arith.constant 0 : i32
    %cond3A_322 = arith.cmpi ne, %convert_element_type3A_320, %cond3A_321 : i32
    scf.if %cond3A_322 {
      %add3A_1002 = arith.constant 64 : i32
      %add3A_1003 = arith.addi %add3A, %add3A_1002 : i32
      %mul3A_1004 = arith.constant 80 : i32
      %mul3A_1005 = arith.muli %add3A_1003, %mul3A_1004 : i32
      %dma_start3A = tpu.memref_slice %arg2[%mul3A_1005] : memref<50000xi32, #tpu.memory_space<hbm>> -> memref<80xi32, #tpu.memory_space<hbm>>
      %dma_start3A_1006 = tpu.memref_slice %arg2[%mul3A_1005] : memref<50000xi32, #tpu.memory_space<hbm>> -> memref<80xi32, #tpu.memory_space<hbm>>
      tpu.enqueue_dma source(%dma_start3A_1006 : memref<80xi32, #tpu.memory_space<hbm>>) target(%arg8 : memref<80xi32, #tpu.memory_space<vmem>>) target_semaphore(%arg27 : memref<!tpu.dma_semaphore, #tpu.memory_space<semaphore_mem>>)
      %add3A_1007 = arith.constant 64 : i32
      %add3A_1008 = arith.addi %add3A, %add3A_1007 : i32
      %mul3A_1009 = arith.constant 80 : i32
      %mul3A_1010 = arith.muli %add3A_1008, %mul3A_1009 : i32
      %mul3A_1011 = arith.constant 6 : i32
      %mul3A_1012 = arith.muli %arg1, %mul3A_1011 : i32
      %add3A_1013 = arith.constant 2 : i32
      %add3A_1014 = arith.addi %mul3A_1012, %add3A_1013 : i32
      %mul3A_1015 = arith.constant 80 : i32
      %mul3A_1016 = arith.muli %add3A_1014, %mul3A_1015 : i32
      %dma_start3A_1017 = arith.constant 0 : i32
      %dma_start3A_1018 = tpu.memref_slice %arg24[%mul3A_1016, %dma_start3A_1017] : memref<7680x128xf32, #tpu.memory_space<vmem_shared>> -> memref<80x128xf32, #tpu.memory_space<vmem_shared>>
      %dma_start3A_1019 = arith.constant 0 : i32
      %dma_start3A_1020 = tpu.memref_slice %arg3[%mul3A_1010, %dma_start3A_1019] : memref<50000x128xf32, #tpu.memory_space<hbm>> -> memref<80x128xf32, #tpu.memory_space<hbm>>
      tpu.enqueue_dma source(%dma_start3A_1020 : memref<80x128xf32, #tpu.memory_space<hbm>>) target(%dma_start3A_1018 : memref<80x128xf32, #tpu.memory_space<vmem_shared>>) target_semaphore(%arg33 : memref<!tpu.dma_semaphore, #tpu.memory_space<semaphore_mem>>)
    } else {
    }
    %add3A_323 = arith.constant 0 : i32
    %add3A_324 = arith.addi %add3A, %add3A_323 : i32
    %lt3A_325 = arith.constant 625 : i32
    %lt3A_326 = arith.cmpi slt, %add3A_324, %lt3A_325 : i32
    %convert_element_type3A_327 = arith.extui %lt3A_326 : i1 to i32
    %cond3A_328 = arith.constant 0 : i32
    %cond3A_329 = arith.cmpi ne, %convert_element_type3A_327, %cond3A_328 : i32
    scf.if %cond3A_329 {
      %add3A_1002 = arith.constant 0 : i32
      %add3A_1003 = arith.addi %add3A, %add3A_1002 : i32
      %mul3A_1004 = arith.constant 80 : i32
      %mul3A_1005 = arith.muli %add3A_1003, %mul3A_1004 : i32
      %dma_wait3A = tpu.memref_slice %arg2[%mul3A_1005] : memref<50000xi32, #tpu.memory_space<hbm>> -> memref<80xi32, #tpu.memory_space<hbm>>
      %dma_wait3A_1006 = tpu.memref_slice %arg2[%mul3A_1005] : memref<50000xi32, #tpu.memory_space<hbm>> -> memref<80xi32, #tpu.memory_space<hbm>>
      tpu.wait_dma2 semaphore(%arg25 : memref<!tpu.dma_semaphore, #tpu.memory_space<semaphore_mem>>) src(%dma_wait3A_1006 : memref<80xi32, #tpu.memory_space<hbm>>) dst(%arg6 : memref<80xi32, #tpu.memory_space<vmem>>)
      %dma_start3A = arith.constant 0 : i32
      %dma_start3A_1007 = arith.constant 0 : i32
      %dma_start3A_1008 = tpu.memref_slice %arg4[%dma_start3A, %dma_start3A_1007] : memref<100000x128xf32, #tpu.memory_space<hbm>> -> memref<100000x128xf32, #tpu.memory_space<hbm>>
      tpu.enqueue_indirect_dma source(%dma_start3A_1008 : memref<100000x128xf32, #tpu.memory_space<hbm>>) target(%arg12 : memref<80x128xf32, #tpu.memory_space<vmem>>) offsets(%arg6 : memref<80xi32, #tpu.memory_space<vmem>>) semaphore(%arg37 : memref<!tpu.dma_semaphore, #tpu.memory_space<semaphore_mem>>)
    } else {
    }
    %add3A_330 = arith.constant 96 : i32
    %add3A_331 = arith.addi %add3A, %add3A_330 : i32
    %lt3A_332 = arith.constant 625 : i32
    %lt3A_333 = arith.cmpi slt, %add3A_331, %lt3A_332 : i32
    %convert_element_type3A_334 = arith.extui %lt3A_333 : i1 to i32
    %cond3A_335 = arith.constant 0 : i32
    %cond3A_336 = arith.cmpi ne, %convert_element_type3A_334, %cond3A_335 : i32
    scf.if %cond3A_336 {
      %add3A_1002 = arith.constant 96 : i32
      %add3A_1003 = arith.addi %add3A, %add3A_1002 : i32
      %mul3A_1004 = arith.constant 80 : i32
      %mul3A_1005 = arith.muli %add3A_1003, %mul3A_1004 : i32
      %dma_start3A = tpu.memref_slice %arg2[%mul3A_1005] : memref<50000xi32, #tpu.memory_space<hbm>> -> memref<80xi32, #tpu.memory_space<hbm>>
      %dma_start3A_1006 = tpu.memref_slice %arg2[%mul3A_1005] : memref<50000xi32, #tpu.memory_space<hbm>> -> memref<80xi32, #tpu.memory_space<hbm>>
      tpu.enqueue_dma source(%dma_start3A_1006 : memref<80xi32, #tpu.memory_space<hbm>>) target(%arg9 : memref<80xi32, #tpu.memory_space<vmem>>) target_semaphore(%arg28 : memref<!tpu.dma_semaphore, #tpu.memory_space<semaphore_mem>>)
      %add3A_1007 = arith.constant 96 : i32
      %add3A_1008 = arith.addi %add3A, %add3A_1007 : i32
      %mul3A_1009 = arith.constant 80 : i32
      %mul3A_1010 = arith.muli %add3A_1008, %mul3A_1009 : i32
      %mul3A_1011 = arith.constant 6 : i32
      %mul3A_1012 = arith.muli %arg1, %mul3A_1011 : i32
      %add3A_1013 = arith.constant 3 : i32
      %add3A_1014 = arith.addi %mul3A_1012, %add3A_1013 : i32
      %mul3A_1015 = arith.constant 80 : i32
      %mul3A_1016 = arith.muli %add3A_1014, %mul3A_1015 : i32
      %dma_start3A_1017 = arith.constant 0 : i32
      %dma_start3A_1018 = tpu.memref_slice %arg24[%mul3A_1016, %dma_start3A_1017] : memref<7680x128xf32, #tpu.memory_space<vmem_shared>> -> memref<80x128xf32, #tpu.memory_space<vmem_shared>>
      %dma_start3A_1019 = arith.constant 0 : i32
      %dma_start3A_1020 = tpu.memref_slice %arg3[%mul3A_1010, %dma_start3A_1019] : memref<50000x128xf32, #tpu.memory_space<hbm>> -> memref<80x128xf32, #tpu.memory_space<hbm>>
      tpu.enqueue_dma source(%dma_start3A_1020 : memref<80x128xf32, #tpu.memory_space<hbm>>) target(%dma_start3A_1018 : memref<80x128xf32, #tpu.memory_space<vmem_shared>>) target_semaphore(%arg34 : memref<!tpu.dma_semaphore, #tpu.memory_space<semaphore_mem>>)
    } else {
    }
    %add3A_337 = arith.constant 32 : i32
    %add3A_338 = arith.addi %add3A, %add3A_337 : i32
    %lt3A_339 = arith.constant 625 : i32
    %lt3A_340 = arith.cmpi slt, %add3A_338, %lt3A_339 : i32
    %convert_element_type3A_341 = arith.extui %lt3A_340 : i1 to i32
    %cond3A_342 = arith.constant 0 : i32
    %cond3A_343 = arith.cmpi ne, %convert_element_type3A_341, %cond3A_342 : i32
    scf.if %cond3A_343 {
      %add3A_1002 = arith.constant 32 : i32
      %add3A_1003 = arith.addi %add3A, %add3A_1002 : i32
      %mul3A_1004 = arith.constant 80 : i32
      %mul3A_1005 = arith.muli %add3A_1003, %mul3A_1004 : i32
      %dma_wait3A = tpu.memref_slice %arg2[%mul3A_1005] : memref<50000xi32, #tpu.memory_space<hbm>> -> memref<80xi32, #tpu.memory_space<hbm>>
      %dma_wait3A_1006 = tpu.memref_slice %arg2[%mul3A_1005] : memref<50000xi32, #tpu.memory_space<hbm>> -> memref<80xi32, #tpu.memory_space<hbm>>
      tpu.wait_dma2 semaphore(%arg26 : memref<!tpu.dma_semaphore, #tpu.memory_space<semaphore_mem>>) src(%dma_wait3A_1006 : memref<80xi32, #tpu.memory_space<hbm>>) dst(%arg7 : memref<80xi32, #tpu.memory_space<vmem>>)
      %dma_start3A = arith.constant 0 : i32
      %dma_start3A_1007 = arith.constant 0 : i32
      %dma_start3A_1008 = tpu.memref_slice %arg4[%dma_start3A, %dma_start3A_1007] : memref<100000x128xf32, #tpu.memory_space<hbm>> -> memref<100000x128xf32, #tpu.memory_space<hbm>>
      tpu.enqueue_indirect_dma source(%dma_start3A_1008 : memref<100000x128xf32, #tpu.memory_space<hbm>>) target(%arg13 : memref<80x128xf32, #tpu.memory_space<vmem>>) offsets(%arg7 : memref<80xi32, #tpu.memory_space<vmem>>) semaphore(%arg38 : memref<!tpu.dma_semaphore, #tpu.memory_space<semaphore_mem>>)
    } else {
    }
    %add3A_344 = arith.constant 0 : i32
    %add3A_345 = arith.addi %add3A, %add3A_344 : i32
    %lt3A_346 = arith.constant 625 : i32
    %lt3A_347 = arith.cmpi slt, %add3A_345, %lt3A_346 : i32
    %convert_element_type3A_348 = arith.extui %lt3A_347 : i1 to i32
    %cond3A_349 = arith.constant 0 : i32
    %cond3A_350 = arith.cmpi ne, %convert_element_type3A_348, %cond3A_349 : i32
    scf.if %cond3A_350 {
      %dma_wait3A = arith.constant 0 : i32
      %dma_wait3A_1002 = arith.constant 0 : i32
      %dma_wait3A_1003 = tpu.memref_slice %arg4[%dma_wait3A, %dma_wait3A_1002] : memref<100000x128xf32, #tpu.memory_space<hbm>> -> memref<100000x128xf32, #tpu.memory_space<hbm>>
      tpu.wait_indirect_dma semaphore(%arg37 : memref<!tpu.dma_semaphore, #tpu.memory_space<semaphore_mem>>) src(%dma_wait3A_1003 : memref<100000x128xf32, #tpu.memory_space<hbm>>) dst(%arg12 : memref<80x128xf32, #tpu.memory_space<vmem>>)
      %add3A_1004 = arith.constant 0 : i32
      %add3A_1005 = arith.addi %add3A, %add3A_1004 : i32
      %mul3A_1006 = arith.constant 80 : i32
      %mul3A_1007 = arith.muli %add3A_1005, %mul3A_1006 : i32
      %mul3A_1008 = arith.constant 6 : i32
      %mul3A_1009 = arith.muli %arg1, %mul3A_1008 : i32
      %add3A_1010 = arith.constant 0 : i32
      %add3A_1011 = arith.addi %mul3A_1009, %add3A_1010 : i32
      %mul3A_1012 = arith.constant 80 : i32
      %mul3A_1013 = arith.muli %add3A_1011, %mul3A_1012 : i32
      %dma_wait3A_1014 = arith.constant 0 : i32
      %dma_wait3A_1015 = tpu.memref_slice %arg24[%mul3A_1013, %dma_wait3A_1014] : memref<7680x128xf32, #tpu.memory_space<vmem_shared>> -> memref<80x128xf32, #tpu.memory_space<vmem_shared>>
      %dma_wait3A_1016 = arith.constant 0 : i32
      %dma_wait3A_1017 = tpu.memref_slice %arg3[%mul3A_1007, %dma_wait3A_1016] : memref<50000x128xf32, #tpu.memory_space<hbm>> -> memref<80x128xf32, #tpu.memory_space<hbm>>
      tpu.wait_dma2 semaphore(%arg31 : memref<!tpu.dma_semaphore, #tpu.memory_space<semaphore_mem>>) src(%dma_wait3A_1017 : memref<80x128xf32, #tpu.memory_space<hbm>>) dst(%dma_wait3A_1015 : memref<80x128xf32, #tpu.memory_space<vmem_shared>>)
      %dma_start3A = arith.constant 0 : i32
      %dma_start3A_1018 = arith.constant 0 : i32
      %dma_start3A_1019 = tpu.memref_slice %arg24[%dma_start3A, %dma_start3A_1018] : memref<7680x128xf32, #tpu.memory_space<vmem_shared>> -> memref<7680x128xf32, #tpu.memory_space<vmem_shared>>
      tpu.enqueue_indirect_dma source(%arg12 : memref<80x128xf32, #tpu.memory_space<vmem>>) target(%dma_start3A_1019 : memref<7680x128xf32, #tpu.memory_space<vmem_shared>>) offsets(%arg18 : memref<80xi32, #tpu.memory_space<vmem>>) semaphore(%arg43 : memref<!tpu.dma_semaphore, #tpu.memory_space<semaphore_mem>>) {add = true}
    } else {
    }
    %add3A_351 = arith.constant 0 : i32
    %add3A_352 = arith.addi %add3A, %add3A_351 : i32
    %lt3A_353 = arith.constant 625 : i32
    %lt3A_354 = arith.cmpi slt, %add3A_352, %lt3A_353 : i32
    %convert_element_type3A_355 = arith.extui %lt3A_354 : i1 to i32
    %cond3A_356 = arith.constant 0 : i32
    %cond3A_357 = arith.cmpi ne, %convert_element_type3A_355, %cond3A_356 : i32
    scf.if %cond3A_357 {
      %dma_wait3A = arith.constant 0 : i32
      %dma_wait3A_1002 = arith.constant 0 : i32
      %dma_wait3A_1003 = tpu.memref_slice %arg24[%dma_wait3A, %dma_wait3A_1002] : memref<7680x128xf32, #tpu.memory_space<vmem_shared>> -> memref<7680x128xf32, #tpu.memory_space<vmem_shared>>
      tpu.wait_indirect_dma semaphore(%arg43 : memref<!tpu.dma_semaphore, #tpu.memory_space<semaphore_mem>>) src(%arg12 : memref<80x128xf32, #tpu.memory_space<vmem>>) dst(%dma_wait3A_1003 : memref<7680x128xf32, #tpu.memory_space<vmem_shared>>)
      %mul3A_1004 = arith.constant 6 : i32
      %mul3A_1005 = arith.muli %arg1, %mul3A_1004 : i32
      %add3A_1006 = arith.constant 0 : i32
      %add3A_1007 = arith.addi %mul3A_1005, %add3A_1006 : i32
      %mul3A_1008 = arith.constant 80 : i32
      %mul3A_1009 = arith.muli %add3A_1007, %mul3A_1008 : i32
      %add3A_1010 = arith.constant 0 : i32
      %add3A_1011 = arith.addi %add3A, %add3A_1010 : i32
      %mul3A_1012 = arith.constant 80 : i32
      %mul3A_1013 = arith.muli %add3A_1011, %mul3A_1012 : i32
      %dma_start3A = arith.constant 0 : i32
      %dma_start3A_1014 = tpu.memref_slice %arg5[%mul3A_1013, %dma_start3A] : memref<50000x128xf32, #tpu.memory_space<hbm>> -> memref<80x128xf32, #tpu.memory_space<hbm>>
      %dma_start3A_1015 = arith.constant 0 : i32
      %dma_start3A_1016 = tpu.memref_slice %arg24[%mul3A_1009, %dma_start3A_1015] : memref<7680x128xf32, #tpu.memory_space<vmem_shared>> -> memref<80x128xf32, #tpu.memory_space<vmem_shared>>
      tpu.enqueue_dma source(%dma_start3A_1016 : memref<80x128xf32, #tpu.memory_space<vmem_shared>>) target(%dma_start3A_1014 : memref<80x128xf32, #tpu.memory_space<hbm>>) target_semaphore(%arg49 : memref<!tpu.dma_semaphore, #tpu.memory_space<semaphore_mem>>)
    } else {
    }
    %add3A_358 = arith.constant 128 : i32
    %add3A_359 = arith.addi %add3A, %add3A_358 : i32
    %lt3A_360 = arith.constant 625 : i32
    %lt3A_361 = arith.cmpi slt, %add3A_359, %lt3A_360 : i32
    %convert_element_type3A_362 = arith.extui %lt3A_361 : i1 to i32
    %cond3A_363 = arith.constant 0 : i32
    %cond3A_364 = arith.cmpi ne, %convert_element_type3A_362, %cond3A_363 : i32
    scf.if %cond3A_364 {
      %add3A_1002 = arith.constant 128 : i32
      %add3A_1003 = arith.addi %add3A, %add3A_1002 : i32
      %mul3A_1004 = arith.constant 80 : i32
      %mul3A_1005 = arith.muli %add3A_1003, %mul3A_1004 : i32
      %dma_start3A = tpu.memref_slice %arg2[%mul3A_1005] : memref<50000xi32, #tpu.memory_space<hbm>> -> memref<80xi32, #tpu.memory_space<hbm>>
      %dma_start3A_1006 = tpu.memref_slice %arg2[%mul3A_1005] : memref<50000xi32, #tpu.memory_space<hbm>> -> memref<80xi32, #tpu.memory_space<hbm>>
      tpu.enqueue_dma source(%dma_start3A_1006 : memref<80xi32, #tpu.memory_space<hbm>>) target(%arg10 : memref<80xi32, #tpu.memory_space<vmem>>) target_semaphore(%arg29 : memref<!tpu.dma_semaphore, #tpu.memory_space<semaphore_mem>>)
      %add3A_1007 = arith.constant 128 : i32
      %add3A_1008 = arith.addi %add3A, %add3A_1007 : i32
      %mul3A_1009 = arith.constant 80 : i32
      %mul3A_1010 = arith.muli %add3A_1008, %mul3A_1009 : i32
      %mul3A_1011 = arith.constant 6 : i32
      %mul3A_1012 = arith.muli %arg1, %mul3A_1011 : i32
      %add3A_1013 = arith.constant 4 : i32
      %add3A_1014 = arith.addi %mul3A_1012, %add3A_1013 : i32
      %mul3A_1015 = arith.constant 80 : i32
      %mul3A_1016 = arith.muli %add3A_1014, %mul3A_1015 : i32
      %dma_start3A_1017 = arith.constant 0 : i32
      %dma_start3A_1018 = tpu.memref_slice %arg24[%mul3A_1016, %dma_start3A_1017] : memref<7680x128xf32, #tpu.memory_space<vmem_shared>> -> memref<80x128xf32, #tpu.memory_space<vmem_shared>>
      %dma_start3A_1019 = arith.constant 0 : i32
      %dma_start3A_1020 = tpu.memref_slice %arg3[%mul3A_1010, %dma_start3A_1019] : memref<50000x128xf32, #tpu.memory_space<hbm>> -> memref<80x128xf32, #tpu.memory_space<hbm>>
      tpu.enqueue_dma source(%dma_start3A_1020 : memref<80x128xf32, #tpu.memory_space<hbm>>) target(%dma_start3A_1018 : memref<80x128xf32, #tpu.memory_space<vmem_shared>>) target_semaphore(%arg35 : memref<!tpu.dma_semaphore, #tpu.memory_space<semaphore_mem>>)
    } else {
    }
    %add3A_365 = arith.constant 64 : i32
    %add3A_366 = arith.addi %add3A, %add3A_365 : i32
    %lt3A_367 = arith.constant 625 : i32
    %lt3A_368 = arith.cmpi slt, %add3A_366, %lt3A_367 : i32
    %convert_element_type3A_369 = arith.extui %lt3A_368 : i1 to i32
    %cond3A_370 = arith.constant 0 : i32
    %cond3A_371 = arith.cmpi ne, %convert_element_type3A_369, %cond3A_370 : i32
    scf.if %cond3A_371 {
      %add3A_1002 = arith.constant 64 : i32
      %add3A_1003 = arith.addi %add3A, %add3A_1002 : i32
      %mul3A_1004 = arith.constant 80 : i32
      %mul3A_1005 = arith.muli %add3A_1003, %mul3A_1004 : i32
      %dma_wait3A = tpu.memref_slice %arg2[%mul3A_1005] : memref<50000xi32, #tpu.memory_space<hbm>> -> memref<80xi32, #tpu.memory_space<hbm>>
      %dma_wait3A_1006 = tpu.memref_slice %arg2[%mul3A_1005] : memref<50000xi32, #tpu.memory_space<hbm>> -> memref<80xi32, #tpu.memory_space<hbm>>
      tpu.wait_dma2 semaphore(%arg27 : memref<!tpu.dma_semaphore, #tpu.memory_space<semaphore_mem>>) src(%dma_wait3A_1006 : memref<80xi32, #tpu.memory_space<hbm>>) dst(%arg8 : memref<80xi32, #tpu.memory_space<vmem>>)
      %dma_start3A = arith.constant 0 : i32
      %dma_start3A_1007 = arith.constant 0 : i32
      %dma_start3A_1008 = tpu.memref_slice %arg4[%dma_start3A, %dma_start3A_1007] : memref<100000x128xf32, #tpu.memory_space<hbm>> -> memref<100000x128xf32, #tpu.memory_space<hbm>>
      tpu.enqueue_indirect_dma source(%dma_start3A_1008 : memref<100000x128xf32, #tpu.memory_space<hbm>>) target(%arg14 : memref<80x128xf32, #tpu.memory_space<vmem>>) offsets(%arg8 : memref<80xi32, #tpu.memory_space<vmem>>) semaphore(%arg39 : memref<!tpu.dma_semaphore, #tpu.memory_space<semaphore_mem>>)
    } else {
    }
    %add3A_372 = arith.constant 32 : i32
    %add3A_373 = arith.addi %add3A, %add3A_372 : i32
    %lt3A_374 = arith.constant 625 : i32
    %lt3A_375 = arith.cmpi slt, %add3A_373, %lt3A_374 : i32
    %convert_element_type3A_376 = arith.extui %lt3A_375 : i1 to i32
    %cond3A_377 = arith.constant 0 : i32
    %cond3A_378 = arith.cmpi ne, %convert_element_type3A_376, %cond3A_377 : i32
    scf.if %cond3A_378 {
      %dma_wait3A = arith.constant 0 : i32
      %dma_wait3A_1002 = arith.constant 0 : i32
      %dma_wait3A_1003 = tpu.memref_slice %arg4[%dma_wait3A, %dma_wait3A_1002] : memref<100000x128xf32, #tpu.memory_space<hbm>> -> memref<100000x128xf32, #tpu.memory_space<hbm>>
      tpu.wait_indirect_dma semaphore(%arg38 : memref<!tpu.dma_semaphore, #tpu.memory_space<semaphore_mem>>) src(%dma_wait3A_1003 : memref<100000x128xf32, #tpu.memory_space<hbm>>) dst(%arg13 : memref<80x128xf32, #tpu.memory_space<vmem>>)
      %add3A_1004 = arith.constant 32 : i32
      %add3A_1005 = arith.addi %add3A, %add3A_1004 : i32
      %mul3A_1006 = arith.constant 80 : i32
      %mul3A_1007 = arith.muli %add3A_1005, %mul3A_1006 : i32
      %mul3A_1008 = arith.constant 6 : i32
      %mul3A_1009 = arith.muli %arg1, %mul3A_1008 : i32
      %add3A_1010 = arith.constant 1 : i32
      %add3A_1011 = arith.addi %mul3A_1009, %add3A_1010 : i32
      %mul3A_1012 = arith.constant 80 : i32
      %mul3A_1013 = arith.muli %add3A_1011, %mul3A_1012 : i32
      %dma_wait3A_1014 = arith.constant 0 : i32
      %dma_wait3A_1015 = tpu.memref_slice %arg24[%mul3A_1013, %dma_wait3A_1014] : memref<7680x128xf32, #tpu.memory_space<vmem_shared>> -> memref<80x128xf32, #tpu.memory_space<vmem_shared>>
      %dma_wait3A_1016 = arith.constant 0 : i32
      %dma_wait3A_1017 = tpu.memref_slice %arg3[%mul3A_1007, %dma_wait3A_1016] : memref<50000x128xf32, #tpu.memory_space<hbm>> -> memref<80x128xf32, #tpu.memory_space<hbm>>
      tpu.wait_dma2 semaphore(%arg32 : memref<!tpu.dma_semaphore, #tpu.memory_space<semaphore_mem>>) src(%dma_wait3A_1017 : memref<80x128xf32, #tpu.memory_space<hbm>>) dst(%dma_wait3A_1015 : memref<80x128xf32, #tpu.memory_space<vmem_shared>>)
      %dma_start3A = arith.constant 0 : i32
      %dma_start3A_1018 = arith.constant 0 : i32
      %dma_start3A_1019 = tpu.memref_slice %arg24[%dma_start3A, %dma_start3A_1018] : memref<7680x128xf32, #tpu.memory_space<vmem_shared>> -> memref<7680x128xf32, #tpu.memory_space<vmem_shared>>
      tpu.enqueue_indirect_dma source(%arg13 : memref<80x128xf32, #tpu.memory_space<vmem>>) target(%dma_start3A_1019 : memref<7680x128xf32, #tpu.memory_space<vmem_shared>>) offsets(%arg19 : memref<80xi32, #tpu.memory_space<vmem>>) semaphore(%arg44 : memref<!tpu.dma_semaphore, #tpu.memory_space<semaphore_mem>>) {add = true}
    } else {
    }
    %add3A_379 = arith.constant 32 : i32
    %add3A_380 = arith.addi %add3A, %add3A_379 : i32
    %lt3A_381 = arith.constant 625 : i32
    %lt3A_382 = arith.cmpi slt, %add3A_380, %lt3A_381 : i32
    %convert_element_type3A_383 = arith.extui %lt3A_382 : i1 to i32
    %cond3A_384 = arith.constant 0 : i32
    %cond3A_385 = arith.cmpi ne, %convert_element_type3A_383, %cond3A_384 : i32
    scf.if %cond3A_385 {
      %dma_wait3A = arith.constant 0 : i32
      %dma_wait3A_1002 = arith.constant 0 : i32
      %dma_wait3A_1003 = tpu.memref_slice %arg24[%dma_wait3A, %dma_wait3A_1002] : memref<7680x128xf32, #tpu.memory_space<vmem_shared>> -> memref<7680x128xf32, #tpu.memory_space<vmem_shared>>
      tpu.wait_indirect_dma semaphore(%arg44 : memref<!tpu.dma_semaphore, #tpu.memory_space<semaphore_mem>>) src(%arg13 : memref<80x128xf32, #tpu.memory_space<vmem>>) dst(%dma_wait3A_1003 : memref<7680x128xf32, #tpu.memory_space<vmem_shared>>)
      %mul3A_1004 = arith.constant 6 : i32
      %mul3A_1005 = arith.muli %arg1, %mul3A_1004 : i32
      %add3A_1006 = arith.constant 1 : i32
      %add3A_1007 = arith.addi %mul3A_1005, %add3A_1006 : i32
      %mul3A_1008 = arith.constant 80 : i32
      %mul3A_1009 = arith.muli %add3A_1007, %mul3A_1008 : i32
      %add3A_1010 = arith.constant 32 : i32
      %add3A_1011 = arith.addi %add3A, %add3A_1010 : i32
      %mul3A_1012 = arith.constant 80 : i32
      %mul3A_1013 = arith.muli %add3A_1011, %mul3A_1012 : i32
      %dma_start3A = arith.constant 0 : i32
      %dma_start3A_1014 = tpu.memref_slice %arg5[%mul3A_1013, %dma_start3A] : memref<50000x128xf32, #tpu.memory_space<hbm>> -> memref<80x128xf32, #tpu.memory_space<hbm>>
      %dma_start3A_1015 = arith.constant 0 : i32
      %dma_start3A_1016 = tpu.memref_slice %arg24[%mul3A_1009, %dma_start3A_1015] : memref<7680x128xf32, #tpu.memory_space<vmem_shared>> -> memref<80x128xf32, #tpu.memory_space<vmem_shared>>
      tpu.enqueue_dma source(%dma_start3A_1016 : memref<80x128xf32, #tpu.memory_space<vmem_shared>>) target(%dma_start3A_1014 : memref<80x128xf32, #tpu.memory_space<hbm>>) target_semaphore(%arg50 : memref<!tpu.dma_semaphore, #tpu.memory_space<semaphore_mem>>)
    } else {
    }
    %add3A_386 = arith.constant 160 : i32
    %add3A_387 = arith.addi %add3A, %add3A_386 : i32
    %lt3A_388 = arith.constant 625 : i32
    %lt3A_389 = arith.cmpi slt, %add3A_387, %lt3A_388 : i32
    %convert_element_type3A_390 = arith.extui %lt3A_389 : i1 to i32
    %cond3A_391 = arith.constant 0 : i32
    %cond3A_392 = arith.cmpi ne, %convert_element_type3A_390, %cond3A_391 : i32
    scf.if %cond3A_392 {
      %add3A_1002 = arith.constant 160 : i32
      %add3A_1003 = arith.addi %add3A, %add3A_1002 : i32
      %mul3A_1004 = arith.constant 80 : i32
      %mul3A_1005 = arith.muli %add3A_1003, %mul3A_1004 : i32
      %dma_start3A = tpu.memref_slice %arg2[%mul3A_1005] : memref<50000xi32, #tpu.memory_space<hbm>> -> memref<80xi32, #tpu.memory_space<hbm>>
      %dma_start3A_1006 = tpu.memref_slice %arg2[%mul3A_1005] : memref<50000xi32, #tpu.memory_space<hbm>> -> memref<80xi32, #tpu.memory_space<hbm>>
      tpu.enqueue_dma source(%dma_start3A_1006 : memref<80xi32, #tpu.memory_space<hbm>>) target(%arg11 : memref<80xi32, #tpu.memory_space<vmem>>) target_semaphore(%arg30 : memref<!tpu.dma_semaphore, #tpu.memory_space<semaphore_mem>>)
      %add3A_1007 = arith.constant 160 : i32
      %add3A_1008 = arith.addi %add3A, %add3A_1007 : i32
      %mul3A_1009 = arith.constant 80 : i32
      %mul3A_1010 = arith.muli %add3A_1008, %mul3A_1009 : i32
      %mul3A_1011 = arith.constant 6 : i32
      %mul3A_1012 = arith.muli %arg1, %mul3A_1011 : i32
      %add3A_1013 = arith.constant 5 : i32
      %add3A_1014 = arith.addi %mul3A_1012, %add3A_1013 : i32
      %mul3A_1015 = arith.constant 80 : i32
      %mul3A_1016 = arith.muli %add3A_1014, %mul3A_1015 : i32
      %dma_start3A_1017 = arith.constant 0 : i32
      %dma_start3A_1018 = tpu.memref_slice %arg24[%mul3A_1016, %dma_start3A_1017] : memref<7680x128xf32, #tpu.memory_space<vmem_shared>> -> memref<80x128xf32, #tpu.memory_space<vmem_shared>>
      %dma_start3A_1019 = arith.constant 0 : i32
      %dma_start3A_1020 = tpu.memref_slice %arg3[%mul3A_1010, %dma_start3A_1019] : memref<50000x128xf32, #tpu.memory_space<hbm>> -> memref<80x128xf32, #tpu.memory_space<hbm>>
      tpu.enqueue_dma source(%dma_start3A_1020 : memref<80x128xf32, #tpu.memory_space<hbm>>) target(%dma_start3A_1018 : memref<80x128xf32, #tpu.memory_space<vmem_shared>>) target_semaphore(%arg36 : memref<!tpu.dma_semaphore, #tpu.memory_space<semaphore_mem>>)
    } else {
    }
    %add3A_393 = arith.constant 96 : i32
    %add3A_394 = arith.addi %add3A, %add3A_393 : i32
    %lt3A_395 = arith.constant 625 : i32
    %lt3A_396 = arith.cmpi slt, %add3A_394, %lt3A_395 : i32
    %convert_element_type3A_397 = arith.extui %lt3A_396 : i1 to i32
    %cond3A_398 = arith.constant 0 : i32
    %cond3A_399 = arith.cmpi ne, %convert_element_type3A_397, %cond3A_398 : i32
    scf.if %cond3A_399 {
      %add3A_1002 = arith.constant 96 : i32
      %add3A_1003 = arith.addi %add3A, %add3A_1002 : i32
      %mul3A_1004 = arith.constant 80 : i32
      %mul3A_1005 = arith.muli %add3A_1003, %mul3A_1004 : i32
      %dma_wait3A = tpu.memref_slice %arg2[%mul3A_1005] : memref<50000xi32, #tpu.memory_space<hbm>> -> memref<80xi32, #tpu.memory_space<hbm>>
      %dma_wait3A_1006 = tpu.memref_slice %arg2[%mul3A_1005] : memref<50000xi32, #tpu.memory_space<hbm>> -> memref<80xi32, #tpu.memory_space<hbm>>
      tpu.wait_dma2 semaphore(%arg28 : memref<!tpu.dma_semaphore, #tpu.memory_space<semaphore_mem>>) src(%dma_wait3A_1006 : memref<80xi32, #tpu.memory_space<hbm>>) dst(%arg9 : memref<80xi32, #tpu.memory_space<vmem>>)
      %dma_start3A = arith.constant 0 : i32
      %dma_start3A_1007 = arith.constant 0 : i32
      %dma_start3A_1008 = tpu.memref_slice %arg4[%dma_start3A, %dma_start3A_1007] : memref<100000x128xf32, #tpu.memory_space<hbm>> -> memref<100000x128xf32, #tpu.memory_space<hbm>>
      tpu.enqueue_indirect_dma source(%dma_start3A_1008 : memref<100000x128xf32, #tpu.memory_space<hbm>>) target(%arg15 : memref<80x128xf32, #tpu.memory_space<vmem>>) offsets(%arg9 : memref<80xi32, #tpu.memory_space<vmem>>) semaphore(%arg40 : memref<!tpu.dma_semaphore, #tpu.memory_space<semaphore_mem>>)
    } else {
    }
    %add3A_400 = arith.constant 64 : i32
    %add3A_401 = arith.addi %add3A, %add3A_400 : i32
    %lt3A_402 = arith.constant 625 : i32
    %lt3A_403 = arith.cmpi slt, %add3A_401, %lt3A_402 : i32
    %convert_element_type3A_404 = arith.extui %lt3A_403 : i1 to i32
    %cond3A_405 = arith.constant 0 : i32
    %cond3A_406 = arith.cmpi ne, %convert_element_type3A_404, %cond3A_405 : i32
    scf.if %cond3A_406 {
      %dma_wait3A = arith.constant 0 : i32
      %dma_wait3A_1002 = arith.constant 0 : i32
      %dma_wait3A_1003 = tpu.memref_slice %arg4[%dma_wait3A, %dma_wait3A_1002] : memref<100000x128xf32, #tpu.memory_space<hbm>> -> memref<100000x128xf32, #tpu.memory_space<hbm>>
      tpu.wait_indirect_dma semaphore(%arg39 : memref<!tpu.dma_semaphore, #tpu.memory_space<semaphore_mem>>) src(%dma_wait3A_1003 : memref<100000x128xf32, #tpu.memory_space<hbm>>) dst(%arg14 : memref<80x128xf32, #tpu.memory_space<vmem>>)
      %add3A_1004 = arith.constant 64 : i32
      %add3A_1005 = arith.addi %add3A, %add3A_1004 : i32
      %mul3A_1006 = arith.constant 80 : i32
      %mul3A_1007 = arith.muli %add3A_1005, %mul3A_1006 : i32
      %mul3A_1008 = arith.constant 6 : i32
      %mul3A_1009 = arith.muli %arg1, %mul3A_1008 : i32
      %add3A_1010 = arith.constant 2 : i32
      %add3A_1011 = arith.addi %mul3A_1009, %add3A_1010 : i32
      %mul3A_1012 = arith.constant 80 : i32
      %mul3A_1013 = arith.muli %add3A_1011, %mul3A_1012 : i32
      %dma_wait3A_1014 = arith.constant 0 : i32
      %dma_wait3A_1015 = tpu.memref_slice %arg24[%mul3A_1013, %dma_wait3A_1014] : memref<7680x128xf32, #tpu.memory_space<vmem_shared>> -> memref<80x128xf32, #tpu.memory_space<vmem_shared>>
      %dma_wait3A_1016 = arith.constant 0 : i32
      %dma_wait3A_1017 = tpu.memref_slice %arg3[%mul3A_1007, %dma_wait3A_1016] : memref<50000x128xf32, #tpu.memory_space<hbm>> -> memref<80x128xf32, #tpu.memory_space<hbm>>
      tpu.wait_dma2 semaphore(%arg33 : memref<!tpu.dma_semaphore, #tpu.memory_space<semaphore_mem>>) src(%dma_wait3A_1017 : memref<80x128xf32, #tpu.memory_space<hbm>>) dst(%dma_wait3A_1015 : memref<80x128xf32, #tpu.memory_space<vmem_shared>>)
      %dma_start3A = arith.constant 0 : i32
      %dma_start3A_1018 = arith.constant 0 : i32
      %dma_start3A_1019 = tpu.memref_slice %arg24[%dma_start3A, %dma_start3A_1018] : memref<7680x128xf32, #tpu.memory_space<vmem_shared>> -> memref<7680x128xf32, #tpu.memory_space<vmem_shared>>
      tpu.enqueue_indirect_dma source(%arg14 : memref<80x128xf32, #tpu.memory_space<vmem>>) target(%dma_start3A_1019 : memref<7680x128xf32, #tpu.memory_space<vmem_shared>>) offsets(%arg20 : memref<80xi32, #tpu.memory_space<vmem>>) semaphore(%arg45 : memref<!tpu.dma_semaphore, #tpu.memory_space<semaphore_mem>>) {add = true}
    } else {
    }
    %add3A_407 = arith.constant 64 : i32
    %add3A_408 = arith.addi %add3A, %add3A_407 : i32
    %lt3A_409 = arith.constant 625 : i32
    %lt3A_410 = arith.cmpi slt, %add3A_408, %lt3A_409 : i32
    %convert_element_type3A_411 = arith.extui %lt3A_410 : i1 to i32
    %cond3A_412 = arith.constant 0 : i32
    %cond3A_413 = arith.cmpi ne, %convert_element_type3A_411, %cond3A_412 : i32
    scf.if %cond3A_413 {
      %dma_wait3A = arith.constant 0 : i32
      %dma_wait3A_1002 = arith.constant 0 : i32
      %dma_wait3A_1003 = tpu.memref_slice %arg24[%dma_wait3A, %dma_wait3A_1002] : memref<7680x128xf32, #tpu.memory_space<vmem_shared>> -> memref<7680x128xf32, #tpu.memory_space<vmem_shared>>
      tpu.wait_indirect_dma semaphore(%arg45 : memref<!tpu.dma_semaphore, #tpu.memory_space<semaphore_mem>>) src(%arg14 : memref<80x128xf32, #tpu.memory_space<vmem>>) dst(%dma_wait3A_1003 : memref<7680x128xf32, #tpu.memory_space<vmem_shared>>)
      %mul3A_1004 = arith.constant 6 : i32
      %mul3A_1005 = arith.muli %arg1, %mul3A_1004 : i32
      %add3A_1006 = arith.constant 2 : i32
      %add3A_1007 = arith.addi %mul3A_1005, %add3A_1006 : i32
      %mul3A_1008 = arith.constant 80 : i32
      %mul3A_1009 = arith.muli %add3A_1007, %mul3A_1008 : i32
      %add3A_1010 = arith.constant 64 : i32
      %add3A_1011 = arith.addi %add3A, %add3A_1010 : i32
      %mul3A_1012 = arith.constant 80 : i32
      %mul3A_1013 = arith.muli %add3A_1011, %mul3A_1012 : i32
      %dma_start3A = arith.constant 0 : i32
      %dma_start3A_1014 = tpu.memref_slice %arg5[%mul3A_1013, %dma_start3A] : memref<50000x128xf32, #tpu.memory_space<hbm>> -> memref<80x128xf32, #tpu.memory_space<hbm>>
      %dma_start3A_1015 = arith.constant 0 : i32
      %dma_start3A_1016 = tpu.memref_slice %arg24[%mul3A_1009, %dma_start3A_1015] : memref<7680x128xf32, #tpu.memory_space<vmem_shared>> -> memref<80x128xf32, #tpu.memory_space<vmem_shared>>
      tpu.enqueue_dma source(%dma_start3A_1016 : memref<80x128xf32, #tpu.memory_space<vmem_shared>>) target(%dma_start3A_1014 : memref<80x128xf32, #tpu.memory_space<hbm>>) target_semaphore(%arg51 : memref<!tpu.dma_semaphore, #tpu.memory_space<semaphore_mem>>)
    } else {
    }
    %add3A_414 = arith.constant 0 : i32
    %add3A_415 = arith.addi %add3A, %add3A_414 : i32
    %lt3A_416 = arith.constant 625 : i32
    %lt3A_417 = arith.cmpi slt, %add3A_415, %lt3A_416 : i32
    %convert_element_type3A_418 = arith.extui %lt3A_417 : i1 to i32
    %cond3A_419 = arith.constant 0 : i32
    %cond3A_420 = arith.cmpi ne, %convert_element_type3A_418, %cond3A_419 : i32
    scf.if %cond3A_420 {
      %mul3A_1002 = arith.constant 6 : i32
      %mul3A_1003 = arith.muli %arg1, %mul3A_1002 : i32
      %add3A_1004 = arith.constant 0 : i32
      %add3A_1005 = arith.addi %mul3A_1003, %add3A_1004 : i32
      %mul3A_1006 = arith.constant 80 : i32
      %mul3A_1007 = arith.muli %add3A_1005, %mul3A_1006 : i32
      %add3A_1008 = arith.constant 0 : i32
      %add3A_1009 = arith.addi %add3A, %add3A_1008 : i32
      %mul3A_1010 = arith.constant 80 : i32
      %mul3A_1011 = arith.muli %add3A_1009, %mul3A_1010 : i32
      %dma_wait3A = arith.constant 0 : i32
      %dma_wait3A_1012 = tpu.memref_slice %arg5[%mul3A_1011, %dma_wait3A] : memref<50000x128xf32, #tpu.memory_space<hbm>> -> memref<80x128xf32, #tpu.memory_space<hbm>>
      %dma_wait3A_1013 = arith.constant 0 : i32
      %dma_wait3A_1014 = tpu.memref_slice %arg24[%mul3A_1007, %dma_wait3A_1013] : memref<7680x128xf32, #tpu.memory_space<vmem_shared>> -> memref<80x128xf32, #tpu.memory_space<vmem_shared>>
      tpu.wait_dma2 semaphore(%arg49 : memref<!tpu.dma_semaphore, #tpu.memory_space<semaphore_mem>>) src(%dma_wait3A_1014 : memref<80x128xf32, #tpu.memory_space<vmem_shared>>) dst(%dma_wait3A_1012 : memref<80x128xf32, #tpu.memory_space<hbm>>)
    } else {
    }
    %add3A_421 = arith.constant 192 : i32
    %add3A_422 = arith.addi %add3A, %add3A_421 : i32
    %lt3A_423 = arith.constant 625 : i32
    %lt3A_424 = arith.cmpi slt, %add3A_422, %lt3A_423 : i32
    %convert_element_type3A_425 = arith.extui %lt3A_424 : i1 to i32
    %cond3A_426 = arith.constant 0 : i32
    %cond3A_427 = arith.cmpi ne, %convert_element_type3A_425, %cond3A_426 : i32
    scf.if %cond3A_427 {
      %add3A_1002 = arith.constant 192 : i32
      %add3A_1003 = arith.addi %add3A, %add3A_1002 : i32
      %mul3A_1004 = arith.constant 80 : i32
      %mul3A_1005 = arith.muli %add3A_1003, %mul3A_1004 : i32
      %dma_start3A = tpu.memref_slice %arg2[%mul3A_1005] : memref<50000xi32, #tpu.memory_space<hbm>> -> memref<80xi32, #tpu.memory_space<hbm>>
      %dma_start3A_1006 = tpu.memref_slice %arg2[%mul3A_1005] : memref<50000xi32, #tpu.memory_space<hbm>> -> memref<80xi32, #tpu.memory_space<hbm>>
      tpu.enqueue_dma source(%dma_start3A_1006 : memref<80xi32, #tpu.memory_space<hbm>>) target(%arg6 : memref<80xi32, #tpu.memory_space<vmem>>) target_semaphore(%arg25 : memref<!tpu.dma_semaphore, #tpu.memory_space<semaphore_mem>>)
      %add3A_1007 = arith.constant 192 : i32
      %add3A_1008 = arith.addi %add3A, %add3A_1007 : i32
      %mul3A_1009 = arith.constant 80 : i32
      %mul3A_1010 = arith.muli %add3A_1008, %mul3A_1009 : i32
      %mul3A_1011 = arith.constant 6 : i32
      %mul3A_1012 = arith.muli %arg1, %mul3A_1011 : i32
      %add3A_1013 = arith.constant 0 : i32
      %add3A_1014 = arith.addi %mul3A_1012, %add3A_1013 : i32
      %mul3A_1015 = arith.constant 80 : i32
      %mul3A_1016 = arith.muli %add3A_1014, %mul3A_1015 : i32
      %dma_start3A_1017 = arith.constant 0 : i32
      %dma_start3A_1018 = tpu.memref_slice %arg24[%mul3A_1016, %dma_start3A_1017] : memref<7680x128xf32, #tpu.memory_space<vmem_shared>> -> memref<80x128xf32, #tpu.memory_space<vmem_shared>>
      %dma_start3A_1019 = arith.constant 0 : i32
      %dma_start3A_1020 = tpu.memref_slice %arg3[%mul3A_1010, %dma_start3A_1019] : memref<50000x128xf32, #tpu.memory_space<hbm>> -> memref<80x128xf32, #tpu.memory_space<hbm>>
      tpu.enqueue_dma source(%dma_start3A_1020 : memref<80x128xf32, #tpu.memory_space<hbm>>) target(%dma_start3A_1018 : memref<80x128xf32, #tpu.memory_space<vmem_shared>>) target_semaphore(%arg31 : memref<!tpu.dma_semaphore, #tpu.memory_space<semaphore_mem>>)
    } else {
    }
    %add3A_428 = arith.constant 128 : i32
    %add3A_429 = arith.addi %add3A, %add3A_428 : i32
    %lt3A_430 = arith.constant 625 : i32
    %lt3A_431 = arith.cmpi slt, %add3A_429, %lt3A_430 : i32
    %convert_element_type3A_432 = arith.extui %lt3A_431 : i1 to i32
    %cond3A_433 = arith.constant 0 : i32
    %cond3A_434 = arith.cmpi ne, %convert_element_type3A_432, %cond3A_433 : i32
    scf.if %cond3A_434 {
      %add3A_1002 = arith.constant 128 : i32
      %add3A_1003 = arith.addi %add3A, %add3A_1002 : i32
      %mul3A_1004 = arith.constant 80 : i32
      %mul3A_1005 = arith.muli %add3A_1003, %mul3A_1004 : i32
      %dma_wait3A = tpu.memref_slice %arg2[%mul3A_1005] : memref<50000xi32, #tpu.memory_space<hbm>> -> memref<80xi32, #tpu.memory_space<hbm>>
      %dma_wait3A_1006 = tpu.memref_slice %arg2[%mul3A_1005] : memref<50000xi32, #tpu.memory_space<hbm>> -> memref<80xi32, #tpu.memory_space<hbm>>
      tpu.wait_dma2 semaphore(%arg29 : memref<!tpu.dma_semaphore, #tpu.memory_space<semaphore_mem>>) src(%dma_wait3A_1006 : memref<80xi32, #tpu.memory_space<hbm>>) dst(%arg10 : memref<80xi32, #tpu.memory_space<vmem>>)
      %dma_start3A = arith.constant 0 : i32
      %dma_start3A_1007 = arith.constant 0 : i32
      %dma_start3A_1008 = tpu.memref_slice %arg4[%dma_start3A, %dma_start3A_1007] : memref<100000x128xf32, #tpu.memory_space<hbm>> -> memref<100000x128xf32, #tpu.memory_space<hbm>>
      tpu.enqueue_indirect_dma source(%dma_start3A_1008 : memref<100000x128xf32, #tpu.memory_space<hbm>>) target(%arg16 : memref<80x128xf32, #tpu.memory_space<vmem>>) offsets(%arg10 : memref<80xi32, #tpu.memory_space<vmem>>) semaphore(%arg41 : memref<!tpu.dma_semaphore, #tpu.memory_space<semaphore_mem>>)
    } else {
    }
    %add3A_435 = arith.constant 96 : i32
    %add3A_436 = arith.addi %add3A, %add3A_435 : i32
    %lt3A_437 = arith.constant 625 : i32
    %lt3A_438 = arith.cmpi slt, %add3A_436, %lt3A_437 : i32
    %convert_element_type3A_439 = arith.extui %lt3A_438 : i1 to i32
    %cond3A_440 = arith.constant 0 : i32
    %cond3A_441 = arith.cmpi ne, %convert_element_type3A_439, %cond3A_440 : i32
    scf.if %cond3A_441 {
      %dma_wait3A = arith.constant 0 : i32
      %dma_wait3A_1002 = arith.constant 0 : i32
      %dma_wait3A_1003 = tpu.memref_slice %arg4[%dma_wait3A, %dma_wait3A_1002] : memref<100000x128xf32, #tpu.memory_space<hbm>> -> memref<100000x128xf32, #tpu.memory_space<hbm>>
      tpu.wait_indirect_dma semaphore(%arg40 : memref<!tpu.dma_semaphore, #tpu.memory_space<semaphore_mem>>) src(%dma_wait3A_1003 : memref<100000x128xf32, #tpu.memory_space<hbm>>) dst(%arg15 : memref<80x128xf32, #tpu.memory_space<vmem>>)
      %add3A_1004 = arith.constant 96 : i32
      %add3A_1005 = arith.addi %add3A, %add3A_1004 : i32
      %mul3A_1006 = arith.constant 80 : i32
      %mul3A_1007 = arith.muli %add3A_1005, %mul3A_1006 : i32
      %mul3A_1008 = arith.constant 6 : i32
      %mul3A_1009 = arith.muli %arg1, %mul3A_1008 : i32
      %add3A_1010 = arith.constant 3 : i32
      %add3A_1011 = arith.addi %mul3A_1009, %add3A_1010 : i32
      %mul3A_1012 = arith.constant 80 : i32
      %mul3A_1013 = arith.muli %add3A_1011, %mul3A_1012 : i32
      %dma_wait3A_1014 = arith.constant 0 : i32
      %dma_wait3A_1015 = tpu.memref_slice %arg24[%mul3A_1013, %dma_wait3A_1014] : memref<7680x128xf32, #tpu.memory_space<vmem_shared>> -> memref<80x128xf32, #tpu.memory_space<vmem_shared>>
      %dma_wait3A_1016 = arith.constant 0 : i32
      %dma_wait3A_1017 = tpu.memref_slice %arg3[%mul3A_1007, %dma_wait3A_1016] : memref<50000x128xf32, #tpu.memory_space<hbm>> -> memref<80x128xf32, #tpu.memory_space<hbm>>
      tpu.wait_dma2 semaphore(%arg34 : memref<!tpu.dma_semaphore, #tpu.memory_space<semaphore_mem>>) src(%dma_wait3A_1017 : memref<80x128xf32, #tpu.memory_space<hbm>>) dst(%dma_wait3A_1015 : memref<80x128xf32, #tpu.memory_space<vmem_shared>>)
      %dma_start3A = arith.constant 0 : i32
      %dma_start3A_1018 = arith.constant 0 : i32
      %dma_start3A_1019 = tpu.memref_slice %arg24[%dma_start3A, %dma_start3A_1018] : memref<7680x128xf32, #tpu.memory_space<vmem_shared>> -> memref<7680x128xf32, #tpu.memory_space<vmem_shared>>
      tpu.enqueue_indirect_dma source(%arg15 : memref<80x128xf32, #tpu.memory_space<vmem>>) target(%dma_start3A_1019 : memref<7680x128xf32, #tpu.memory_space<vmem_shared>>) offsets(%arg21 : memref<80xi32, #tpu.memory_space<vmem>>) semaphore(%arg46 : memref<!tpu.dma_semaphore, #tpu.memory_space<semaphore_mem>>) {add = true}
    } else {
    }
    %add3A_442 = arith.constant 96 : i32
    %add3A_443 = arith.addi %add3A, %add3A_442 : i32
    %lt3A_444 = arith.constant 625 : i32
    %lt3A_445 = arith.cmpi slt, %add3A_443, %lt3A_444 : i32
    %convert_element_type3A_446 = arith.extui %lt3A_445 : i1 to i32
    %cond3A_447 = arith.constant 0 : i32
    %cond3A_448 = arith.cmpi ne, %convert_element_type3A_446, %cond3A_447 : i32
    scf.if %cond3A_448 {
      %dma_wait3A = arith.constant 0 : i32
      %dma_wait3A_1002 = arith.constant 0 : i32
      %dma_wait3A_1003 = tpu.memref_slice %arg24[%dma_wait3A, %dma_wait3A_1002] : memref<7680x128xf32, #tpu.memory_space<vmem_shared>> -> memref<7680x128xf32, #tpu.memory_space<vmem_shared>>
      tpu.wait_indirect_dma semaphore(%arg46 : memref<!tpu.dma_semaphore, #tpu.memory_space<semaphore_mem>>) src(%arg15 : memref<80x128xf32, #tpu.memory_space<vmem>>) dst(%dma_wait3A_1003 : memref<7680x128xf32, #tpu.memory_space<vmem_shared>>)
      %mul3A_1004 = arith.constant 6 : i32
      %mul3A_1005 = arith.muli %arg1, %mul3A_1004 : i32
      %add3A_1006 = arith.constant 3 : i32
      %add3A_1007 = arith.addi %mul3A_1005, %add3A_1006 : i32
      %mul3A_1008 = arith.constant 80 : i32
      %mul3A_1009 = arith.muli %add3A_1007, %mul3A_1008 : i32
      %add3A_1010 = arith.constant 96 : i32
      %add3A_1011 = arith.addi %add3A, %add3A_1010 : i32
      %mul3A_1012 = arith.constant 80 : i32
      %mul3A_1013 = arith.muli %add3A_1011, %mul3A_1012 : i32
      %dma_start3A = arith.constant 0 : i32
      %dma_start3A_1014 = tpu.memref_slice %arg5[%mul3A_1013, %dma_start3A] : memref<50000x128xf32, #tpu.memory_space<hbm>> -> memref<80x128xf32, #tpu.memory_space<hbm>>
      %dma_start3A_1015 = arith.constant 0 : i32
      %dma_start3A_1016 = tpu.memref_slice %arg24[%mul3A_1009, %dma_start3A_1015] : memref<7680x128xf32, #tpu.memory_space<vmem_shared>> -> memref<80x128xf32, #tpu.memory_space<vmem_shared>>
      tpu.enqueue_dma source(%dma_start3A_1016 : memref<80x128xf32, #tpu.memory_space<vmem_shared>>) target(%dma_start3A_1014 : memref<80x128xf32, #tpu.memory_space<hbm>>) target_semaphore(%arg52 : memref<!tpu.dma_semaphore, #tpu.memory_space<semaphore_mem>>)
    } else {
    }
    %add3A_449 = arith.constant 32 : i32
    %add3A_450 = arith.addi %add3A, %add3A_449 : i32
    %lt3A_451 = arith.constant 625 : i32
    %lt3A_452 = arith.cmpi slt, %add3A_450, %lt3A_451 : i32
    %convert_element_type3A_453 = arith.extui %lt3A_452 : i1 to i32
    %cond3A_454 = arith.constant 0 : i32
    %cond3A_455 = arith.cmpi ne, %convert_element_type3A_453, %cond3A_454 : i32
    scf.if %cond3A_455 {
      %mul3A_1002 = arith.constant 6 : i32
      %mul3A_1003 = arith.muli %arg1, %mul3A_1002 : i32
      %add3A_1004 = arith.constant 1 : i32
      %add3A_1005 = arith.addi %mul3A_1003, %add3A_1004 : i32
      %mul3A_1006 = arith.constant 80 : i32
      %mul3A_1007 = arith.muli %add3A_1005, %mul3A_1006 : i32
      %add3A_1008 = arith.constant 32 : i32
      %add3A_1009 = arith.addi %add3A, %add3A_1008 : i32
      %mul3A_1010 = arith.constant 80 : i32
      %mul3A_1011 = arith.muli %add3A_1009, %mul3A_1010 : i32
      %dma_wait3A = arith.constant 0 : i32
      %dma_wait3A_1012 = tpu.memref_slice %arg5[%mul3A_1011, %dma_wait3A] : memref<50000x128xf32, #tpu.memory_space<hbm>> -> memref<80x128xf32, #tpu.memory_space<hbm>>
      %dma_wait3A_1013 = arith.constant 0 : i32
      %dma_wait3A_1014 = tpu.memref_slice %arg24[%mul3A_1007, %dma_wait3A_1013] : memref<7680x128xf32, #tpu.memory_space<vmem_shared>> -> memref<80x128xf32, #tpu.memory_space<vmem_shared>>
      tpu.wait_dma2 semaphore(%arg50 : memref<!tpu.dma_semaphore, #tpu.memory_space<semaphore_mem>>) src(%dma_wait3A_1014 : memref<80x128xf32, #tpu.memory_space<vmem_shared>>) dst(%dma_wait3A_1012 : memref<80x128xf32, #tpu.memory_space<hbm>>)
    } else {
    }
    %add3A_456 = arith.constant 224 : i32
    %add3A_457 = arith.addi %add3A, %add3A_456 : i32
    %lt3A_458 = arith.constant 625 : i32
    %lt3A_459 = arith.cmpi slt, %add3A_457, %lt3A_458 : i32
    %convert_element_type3A_460 = arith.extui %lt3A_459 : i1 to i32
    %cond3A_461 = arith.constant 0 : i32
    %cond3A_462 = arith.cmpi ne, %convert_element_type3A_460, %cond3A_461 : i32
    scf.if %cond3A_462 {
      %add3A_1002 = arith.constant 224 : i32
      %add3A_1003 = arith.addi %add3A, %add3A_1002 : i32
      %mul3A_1004 = arith.constant 80 : i32
      %mul3A_1005 = arith.muli %add3A_1003, %mul3A_1004 : i32
      %dma_start3A = tpu.memref_slice %arg2[%mul3A_1005] : memref<50000xi32, #tpu.memory_space<hbm>> -> memref<80xi32, #tpu.memory_space<hbm>>
      %dma_start3A_1006 = tpu.memref_slice %arg2[%mul3A_1005] : memref<50000xi32, #tpu.memory_space<hbm>> -> memref<80xi32, #tpu.memory_space<hbm>>
      tpu.enqueue_dma source(%dma_start3A_1006 : memref<80xi32, #tpu.memory_space<hbm>>) target(%arg7 : memref<80xi32, #tpu.memory_space<vmem>>) target_semaphore(%arg26 : memref<!tpu.dma_semaphore, #tpu.memory_space<semaphore_mem>>)
      %add3A_1007 = arith.constant 224 : i32
      %add3A_1008 = arith.addi %add3A, %add3A_1007 : i32
      %mul3A_1009 = arith.constant 80 : i32
      %mul3A_1010 = arith.muli %add3A_1008, %mul3A_1009 : i32
      %mul3A_1011 = arith.constant 6 : i32
      %mul3A_1012 = arith.muli %arg1, %mul3A_1011 : i32
      %add3A_1013 = arith.constant 1 : i32
      %add3A_1014 = arith.addi %mul3A_1012, %add3A_1013 : i32
      %mul3A_1015 = arith.constant 80 : i32
      %mul3A_1016 = arith.muli %add3A_1014, %mul3A_1015 : i32
      %dma_start3A_1017 = arith.constant 0 : i32
      %dma_start3A_1018 = tpu.memref_slice %arg24[%mul3A_1016, %dma_start3A_1017] : memref<7680x128xf32, #tpu.memory_space<vmem_shared>> -> memref<80x128xf32, #tpu.memory_space<vmem_shared>>
      %dma_start3A_1019 = arith.constant 0 : i32
      %dma_start3A_1020 = tpu.memref_slice %arg3[%mul3A_1010, %dma_start3A_1019] : memref<50000x128xf32, #tpu.memory_space<hbm>> -> memref<80x128xf32, #tpu.memory_space<hbm>>
      tpu.enqueue_dma source(%dma_start3A_1020 : memref<80x128xf32, #tpu.memory_space<hbm>>) target(%dma_start3A_1018 : memref<80x128xf32, #tpu.memory_space<vmem_shared>>) target_semaphore(%arg32 : memref<!tpu.dma_semaphore, #tpu.memory_space<semaphore_mem>>)
    } else {
    }
    %add3A_463 = arith.constant 160 : i32
    %add3A_464 = arith.addi %add3A, %add3A_463 : i32
    %lt3A_465 = arith.constant 625 : i32
    %lt3A_466 = arith.cmpi slt, %add3A_464, %lt3A_465 : i32
    %convert_element_type3A_467 = arith.extui %lt3A_466 : i1 to i32
    %cond3A_468 = arith.constant 0 : i32
    %cond3A_469 = arith.cmpi ne, %convert_element_type3A_467, %cond3A_468 : i32
    scf.if %cond3A_469 {
      %add3A_1002 = arith.constant 160 : i32
      %add3A_1003 = arith.addi %add3A, %add3A_1002 : i32
      %mul3A_1004 = arith.constant 80 : i32
      %mul3A_1005 = arith.muli %add3A_1003, %mul3A_1004 : i32
      %dma_wait3A = tpu.memref_slice %arg2[%mul3A_1005] : memref<50000xi32, #tpu.memory_space<hbm>> -> memref<80xi32, #tpu.memory_space<hbm>>
      %dma_wait3A_1006 = tpu.memref_slice %arg2[%mul3A_1005] : memref<50000xi32, #tpu.memory_space<hbm>> -> memref<80xi32, #tpu.memory_space<hbm>>
      tpu.wait_dma2 semaphore(%arg30 : memref<!tpu.dma_semaphore, #tpu.memory_space<semaphore_mem>>) src(%dma_wait3A_1006 : memref<80xi32, #tpu.memory_space<hbm>>) dst(%arg11 : memref<80xi32, #tpu.memory_space<vmem>>)
      %dma_start3A = arith.constant 0 : i32
      %dma_start3A_1007 = arith.constant 0 : i32
      %dma_start3A_1008 = tpu.memref_slice %arg4[%dma_start3A, %dma_start3A_1007] : memref<100000x128xf32, #tpu.memory_space<hbm>> -> memref<100000x128xf32, #tpu.memory_space<hbm>>
      tpu.enqueue_indirect_dma source(%dma_start3A_1008 : memref<100000x128xf32, #tpu.memory_space<hbm>>) target(%arg17 : memref<80x128xf32, #tpu.memory_space<vmem>>) offsets(%arg11 : memref<80xi32, #tpu.memory_space<vmem>>) semaphore(%arg42 : memref<!tpu.dma_semaphore, #tpu.memory_space<semaphore_mem>>)
    } else {
    }
    %add3A_470 = arith.constant 128 : i32
    %add3A_471 = arith.addi %add3A, %add3A_470 : i32
    %lt3A_472 = arith.constant 625 : i32
    %lt3A_473 = arith.cmpi slt, %add3A_471, %lt3A_472 : i32
    %convert_element_type3A_474 = arith.extui %lt3A_473 : i1 to i32
    %cond3A_475 = arith.constant 0 : i32
    %cond3A_476 = arith.cmpi ne, %convert_element_type3A_474, %cond3A_475 : i32
    scf.if %cond3A_476 {
      %dma_wait3A = arith.constant 0 : i32
      %dma_wait3A_1002 = arith.constant 0 : i32
      %dma_wait3A_1003 = tpu.memref_slice %arg4[%dma_wait3A, %dma_wait3A_1002] : memref<100000x128xf32, #tpu.memory_space<hbm>> -> memref<100000x128xf32, #tpu.memory_space<hbm>>
      tpu.wait_indirect_dma semaphore(%arg41 : memref<!tpu.dma_semaphore, #tpu.memory_space<semaphore_mem>>) src(%dma_wait3A_1003 : memref<100000x128xf32, #tpu.memory_space<hbm>>) dst(%arg16 : memref<80x128xf32, #tpu.memory_space<vmem>>)
      %add3A_1004 = arith.constant 128 : i32
      %add3A_1005 = arith.addi %add3A, %add3A_1004 : i32
      %mul3A_1006 = arith.constant 80 : i32
      %mul3A_1007 = arith.muli %add3A_1005, %mul3A_1006 : i32
      %mul3A_1008 = arith.constant 6 : i32
      %mul3A_1009 = arith.muli %arg1, %mul3A_1008 : i32
      %add3A_1010 = arith.constant 4 : i32
      %add3A_1011 = arith.addi %mul3A_1009, %add3A_1010 : i32
      %mul3A_1012 = arith.constant 80 : i32
      %mul3A_1013 = arith.muli %add3A_1011, %mul3A_1012 : i32
      %dma_wait3A_1014 = arith.constant 0 : i32
      %dma_wait3A_1015 = tpu.memref_slice %arg24[%mul3A_1013, %dma_wait3A_1014] : memref<7680x128xf32, #tpu.memory_space<vmem_shared>> -> memref<80x128xf32, #tpu.memory_space<vmem_shared>>
      %dma_wait3A_1016 = arith.constant 0 : i32
      %dma_wait3A_1017 = tpu.memref_slice %arg3[%mul3A_1007, %dma_wait3A_1016] : memref<50000x128xf32, #tpu.memory_space<hbm>> -> memref<80x128xf32, #tpu.memory_space<hbm>>
      tpu.wait_dma2 semaphore(%arg35 : memref<!tpu.dma_semaphore, #tpu.memory_space<semaphore_mem>>) src(%dma_wait3A_1017 : memref<80x128xf32, #tpu.memory_space<hbm>>) dst(%dma_wait3A_1015 : memref<80x128xf32, #tpu.memory_space<vmem_shared>>)
      %dma_start3A = arith.constant 0 : i32
      %dma_start3A_1018 = arith.constant 0 : i32
      %dma_start3A_1019 = tpu.memref_slice %arg24[%dma_start3A, %dma_start3A_1018] : memref<7680x128xf32, #tpu.memory_space<vmem_shared>> -> memref<7680x128xf32, #tpu.memory_space<vmem_shared>>
      tpu.enqueue_indirect_dma source(%arg16 : memref<80x128xf32, #tpu.memory_space<vmem>>) target(%dma_start3A_1019 : memref<7680x128xf32, #tpu.memory_space<vmem_shared>>) offsets(%arg22 : memref<80xi32, #tpu.memory_space<vmem>>) semaphore(%arg47 : memref<!tpu.dma_semaphore, #tpu.memory_space<semaphore_mem>>) {add = true}
    } else {
    }
    %add3A_477 = arith.constant 128 : i32
    %add3A_478 = arith.addi %add3A, %add3A_477 : i32
    %lt3A_479 = arith.constant 625 : i32
    %lt3A_480 = arith.cmpi slt, %add3A_478, %lt3A_479 : i32
    %convert_element_type3A_481 = arith.extui %lt3A_480 : i1 to i32
    %cond3A_482 = arith.constant 0 : i32
    %cond3A_483 = arith.cmpi ne, %convert_element_type3A_481, %cond3A_482 : i32
    scf.if %cond3A_483 {
      %dma_wait3A = arith.constant 0 : i32
      %dma_wait3A_1002 = arith.constant 0 : i32
      %dma_wait3A_1003 = tpu.memref_slice %arg24[%dma_wait3A, %dma_wait3A_1002] : memref<7680x128xf32, #tpu.memory_space<vmem_shared>> -> memref<7680x128xf32, #tpu.memory_space<vmem_shared>>
      tpu.wait_indirect_dma semaphore(%arg47 : memref<!tpu.dma_semaphore, #tpu.memory_space<semaphore_mem>>) src(%arg16 : memref<80x128xf32, #tpu.memory_space<vmem>>) dst(%dma_wait3A_1003 : memref<7680x128xf32, #tpu.memory_space<vmem_shared>>)
      %mul3A_1004 = arith.constant 6 : i32
      %mul3A_1005 = arith.muli %arg1, %mul3A_1004 : i32
      %add3A_1006 = arith.constant 4 : i32
      %add3A_1007 = arith.addi %mul3A_1005, %add3A_1006 : i32
      %mul3A_1008 = arith.constant 80 : i32
      %mul3A_1009 = arith.muli %add3A_1007, %mul3A_1008 : i32
      %add3A_1010 = arith.constant 128 : i32
      %add3A_1011 = arith.addi %add3A, %add3A_1010 : i32
      %mul3A_1012 = arith.constant 80 : i32
      %mul3A_1013 = arith.muli %add3A_1011, %mul3A_1012 : i32
      %dma_start3A = arith.constant 0 : i32
      %dma_start3A_1014 = tpu.memref_slice %arg5[%mul3A_1013, %dma_start3A] : memref<50000x128xf32, #tpu.memory_space<hbm>> -> memref<80x128xf32, #tpu.memory_space<hbm>>
      %dma_start3A_1015 = arith.constant 0 : i32
      %dma_start3A_1016 = tpu.memref_slice %arg24[%mul3A_1009, %dma_start3A_1015] : memref<7680x128xf32, #tpu.memory_space<vmem_shared>> -> memref<80x128xf32, #tpu.memory_space<vmem_shared>>
      tpu.enqueue_dma source(%dma_start3A_1016 : memref<80x128xf32, #tpu.memory_space<vmem_shared>>) target(%dma_start3A_1014 : memref<80x128xf32, #tpu.memory_space<hbm>>) target_semaphore(%arg53 : memref<!tpu.dma_semaphore, #tpu.memory_space<semaphore_mem>>)
    } else {
    }
    %add3A_484 = arith.constant 64 : i32
    %add3A_485 = arith.addi %add3A, %add3A_484 : i32
    %lt3A_486 = arith.constant 625 : i32
    %lt3A_487 = arith.cmpi slt, %add3A_485, %lt3A_486 : i32
    %convert_element_type3A_488 = arith.extui %lt3A_487 : i1 to i32
    %cond3A_489 = arith.constant 0 : i32
    %cond3A_490 = arith.cmpi ne, %convert_element_type3A_488, %cond3A_489 : i32
    scf.if %cond3A_490 {
      %mul3A_1002 = arith.constant 6 : i32
      %mul3A_1003 = arith.muli %arg1, %mul3A_1002 : i32
      %add3A_1004 = arith.constant 2 : i32
      %add3A_1005 = arith.addi %mul3A_1003, %add3A_1004 : i32
      %mul3A_1006 = arith.constant 80 : i32
      %mul3A_1007 = arith.muli %add3A_1005, %mul3A_1006 : i32
      %add3A_1008 = arith.constant 64 : i32
      %add3A_1009 = arith.addi %add3A, %add3A_1008 : i32
      %mul3A_1010 = arith.constant 80 : i32
      %mul3A_1011 = arith.muli %add3A_1009, %mul3A_1010 : i32
      %dma_wait3A = arith.constant 0 : i32
      %dma_wait3A_1012 = tpu.memref_slice %arg5[%mul3A_1011, %dma_wait3A] : memref<50000x128xf32, #tpu.memory_space<hbm>> -> memref<80x128xf32, #tpu.memory_space<hbm>>
      %dma_wait3A_1013 = arith.constant 0 : i32
      %dma_wait3A_1014 = tpu.memref_slice %arg24[%mul3A_1007, %dma_wait3A_1013] : memref<7680x128xf32, #tpu.memory_space<vmem_shared>> -> memref<80x128xf32, #tpu.memory_space<vmem_shared>>
      tpu.wait_dma2 semaphore(%arg51 : memref<!tpu.dma_semaphore, #tpu.memory_space<semaphore_mem>>) src(%dma_wait3A_1014 : memref<80x128xf32, #tpu.memory_space<vmem_shared>>) dst(%dma_wait3A_1012 : memref<80x128xf32, #tpu.memory_space<hbm>>)
    } else {
    }
    %add3A_491 = arith.constant 256 : i32
    %add3A_492 = arith.addi %add3A, %add3A_491 : i32
    %lt3A_493 = arith.constant 625 : i32
    %lt3A_494 = arith.cmpi slt, %add3A_492, %lt3A_493 : i32
    %convert_element_type3A_495 = arith.extui %lt3A_494 : i1 to i32
    %cond3A_496 = arith.constant 0 : i32
    %cond3A_497 = arith.cmpi ne, %convert_element_type3A_495, %cond3A_496 : i32
    scf.if %cond3A_497 {
      %add3A_1002 = arith.constant 256 : i32
      %add3A_1003 = arith.addi %add3A, %add3A_1002 : i32
      %mul3A_1004 = arith.constant 80 : i32
      %mul3A_1005 = arith.muli %add3A_1003, %mul3A_1004 : i32
      %dma_start3A = tpu.memref_slice %arg2[%mul3A_1005] : memref<50000xi32, #tpu.memory_space<hbm>> -> memref<80xi32, #tpu.memory_space<hbm>>
      %dma_start3A_1006 = tpu.memref_slice %arg2[%mul3A_1005] : memref<50000xi32, #tpu.memory_space<hbm>> -> memref<80xi32, #tpu.memory_space<hbm>>
      tpu.enqueue_dma source(%dma_start3A_1006 : memref<80xi32, #tpu.memory_space<hbm>>) target(%arg8 : memref<80xi32, #tpu.memory_space<vmem>>) target_semaphore(%arg27 : memref<!tpu.dma_semaphore, #tpu.memory_space<semaphore_mem>>)
      %add3A_1007 = arith.constant 256 : i32
      %add3A_1008 = arith.addi %add3A, %add3A_1007 : i32
      %mul3A_1009 = arith.constant 80 : i32
      %mul3A_1010 = arith.muli %add3A_1008, %mul3A_1009 : i32
      %mul3A_1011 = arith.constant 6 : i32
      %mul3A_1012 = arith.muli %arg1, %mul3A_1011 : i32
      %add3A_1013 = arith.constant 2 : i32
      %add3A_1014 = arith.addi %mul3A_1012, %add3A_1013 : i32
      %mul3A_1015 = arith.constant 80 : i32
      %mul3A_1016 = arith.muli %add3A_1014, %mul3A_1015 : i32
      %dma_start3A_1017 = arith.constant 0 : i32
      %dma_start3A_1018 = tpu.memref_slice %arg24[%mul3A_1016, %dma_start3A_1017] : memref<7680x128xf32, #tpu.memory_space<vmem_shared>> -> memref<80x128xf32, #tpu.memory_space<vmem_shared>>
      %dma_start3A_1019 = arith.constant 0 : i32
      %dma_start3A_1020 = tpu.memref_slice %arg3[%mul3A_1010, %dma_start3A_1019] : memref<50000x128xf32, #tpu.memory_space<hbm>> -> memref<80x128xf32, #tpu.memory_space<hbm>>
      tpu.enqueue_dma source(%dma_start3A_1020 : memref<80x128xf32, #tpu.memory_space<hbm>>) target(%dma_start3A_1018 : memref<80x128xf32, #tpu.memory_space<vmem_shared>>) target_semaphore(%arg33 : memref<!tpu.dma_semaphore, #tpu.memory_space<semaphore_mem>>)
    } else {
    }
    %add3A_498 = arith.constant 192 : i32
    %add3A_499 = arith.addi %add3A, %add3A_498 : i32
    %lt3A_500 = arith.constant 625 : i32
    %lt3A_501 = arith.cmpi slt, %add3A_499, %lt3A_500 : i32
    %convert_element_type3A_502 = arith.extui %lt3A_501 : i1 to i32
    %cond3A_503 = arith.constant 0 : i32
    %cond3A_504 = arith.cmpi ne, %convert_element_type3A_502, %cond3A_503 : i32
    scf.if %cond3A_504 {
      %add3A_1002 = arith.constant 192 : i32
      %add3A_1003 = arith.addi %add3A, %add3A_1002 : i32
      %mul3A_1004 = arith.constant 80 : i32
      %mul3A_1005 = arith.muli %add3A_1003, %mul3A_1004 : i32
      %dma_wait3A = tpu.memref_slice %arg2[%mul3A_1005] : memref<50000xi32, #tpu.memory_space<hbm>> -> memref<80xi32, #tpu.memory_space<hbm>>
      %dma_wait3A_1006 = tpu.memref_slice %arg2[%mul3A_1005] : memref<50000xi32, #tpu.memory_space<hbm>> -> memref<80xi32, #tpu.memory_space<hbm>>
      tpu.wait_dma2 semaphore(%arg25 : memref<!tpu.dma_semaphore, #tpu.memory_space<semaphore_mem>>) src(%dma_wait3A_1006 : memref<80xi32, #tpu.memory_space<hbm>>) dst(%arg6 : memref<80xi32, #tpu.memory_space<vmem>>)
      %dma_start3A = arith.constant 0 : i32
      %dma_start3A_1007 = arith.constant 0 : i32
      %dma_start3A_1008 = tpu.memref_slice %arg4[%dma_start3A, %dma_start3A_1007] : memref<100000x128xf32, #tpu.memory_space<hbm>> -> memref<100000x128xf32, #tpu.memory_space<hbm>>
      tpu.enqueue_indirect_dma source(%dma_start3A_1008 : memref<100000x128xf32, #tpu.memory_space<hbm>>) target(%arg12 : memref<80x128xf32, #tpu.memory_space<vmem>>) offsets(%arg6 : memref<80xi32, #tpu.memory_space<vmem>>) semaphore(%arg37 : memref<!tpu.dma_semaphore, #tpu.memory_space<semaphore_mem>>)
    } else {
    }
    %add3A_505 = arith.constant 160 : i32
    %add3A_506 = arith.addi %add3A, %add3A_505 : i32
    %lt3A_507 = arith.constant 625 : i32
    %lt3A_508 = arith.cmpi slt, %add3A_506, %lt3A_507 : i32
    %convert_element_type3A_509 = arith.extui %lt3A_508 : i1 to i32
    %cond3A_510 = arith.constant 0 : i32
    %cond3A_511 = arith.cmpi ne, %convert_element_type3A_509, %cond3A_510 : i32
    scf.if %cond3A_511 {
      %dma_wait3A = arith.constant 0 : i32
      %dma_wait3A_1002 = arith.constant 0 : i32
      %dma_wait3A_1003 = tpu.memref_slice %arg4[%dma_wait3A, %dma_wait3A_1002] : memref<100000x128xf32, #tpu.memory_space<hbm>> -> memref<100000x128xf32, #tpu.memory_space<hbm>>
      tpu.wait_indirect_dma semaphore(%arg42 : memref<!tpu.dma_semaphore, #tpu.memory_space<semaphore_mem>>) src(%dma_wait3A_1003 : memref<100000x128xf32, #tpu.memory_space<hbm>>) dst(%arg17 : memref<80x128xf32, #tpu.memory_space<vmem>>)
      %add3A_1004 = arith.constant 160 : i32
      %add3A_1005 = arith.addi %add3A, %add3A_1004 : i32
      %mul3A_1006 = arith.constant 80 : i32
      %mul3A_1007 = arith.muli %add3A_1005, %mul3A_1006 : i32
      %mul3A_1008 = arith.constant 6 : i32
      %mul3A_1009 = arith.muli %arg1, %mul3A_1008 : i32
      %add3A_1010 = arith.constant 5 : i32
      %add3A_1011 = arith.addi %mul3A_1009, %add3A_1010 : i32
      %mul3A_1012 = arith.constant 80 : i32
      %mul3A_1013 = arith.muli %add3A_1011, %mul3A_1012 : i32
      %dma_wait3A_1014 = arith.constant 0 : i32
      %dma_wait3A_1015 = tpu.memref_slice %arg24[%mul3A_1013, %dma_wait3A_1014] : memref<7680x128xf32, #tpu.memory_space<vmem_shared>> -> memref<80x128xf32, #tpu.memory_space<vmem_shared>>
      %dma_wait3A_1016 = arith.constant 0 : i32
      %dma_wait3A_1017 = tpu.memref_slice %arg3[%mul3A_1007, %dma_wait3A_1016] : memref<50000x128xf32, #tpu.memory_space<hbm>> -> memref<80x128xf32, #tpu.memory_space<hbm>>
      tpu.wait_dma2 semaphore(%arg36 : memref<!tpu.dma_semaphore, #tpu.memory_space<semaphore_mem>>) src(%dma_wait3A_1017 : memref<80x128xf32, #tpu.memory_space<hbm>>) dst(%dma_wait3A_1015 : memref<80x128xf32, #tpu.memory_space<vmem_shared>>)
      %dma_start3A = arith.constant 0 : i32
      %dma_start3A_1018 = arith.constant 0 : i32
      %dma_start3A_1019 = tpu.memref_slice %arg24[%dma_start3A, %dma_start3A_1018] : memref<7680x128xf32, #tpu.memory_space<vmem_shared>> -> memref<7680x128xf32, #tpu.memory_space<vmem_shared>>
      tpu.enqueue_indirect_dma source(%arg17 : memref<80x128xf32, #tpu.memory_space<vmem>>) target(%dma_start3A_1019 : memref<7680x128xf32, #tpu.memory_space<vmem_shared>>) offsets(%arg23 : memref<80xi32, #tpu.memory_space<vmem>>) semaphore(%arg48 : memref<!tpu.dma_semaphore, #tpu.memory_space<semaphore_mem>>) {add = true}
    } else {
    }
    %add3A_512 = arith.constant 160 : i32
    %add3A_513 = arith.addi %add3A, %add3A_512 : i32
    %lt3A_514 = arith.constant 625 : i32
    %lt3A_515 = arith.cmpi slt, %add3A_513, %lt3A_514 : i32
    %convert_element_type3A_516 = arith.extui %lt3A_515 : i1 to i32
    %cond3A_517 = arith.constant 0 : i32
    %cond3A_518 = arith.cmpi ne, %convert_element_type3A_516, %cond3A_517 : i32
    scf.if %cond3A_518 {
      %dma_wait3A = arith.constant 0 : i32
      %dma_wait3A_1002 = arith.constant 0 : i32
      %dma_wait3A_1003 = tpu.memref_slice %arg24[%dma_wait3A, %dma_wait3A_1002] : memref<7680x128xf32, #tpu.memory_space<vmem_shared>> -> memref<7680x128xf32, #tpu.memory_space<vmem_shared>>
      tpu.wait_indirect_dma semaphore(%arg48 : memref<!tpu.dma_semaphore, #tpu.memory_space<semaphore_mem>>) src(%arg17 : memref<80x128xf32, #tpu.memory_space<vmem>>) dst(%dma_wait3A_1003 : memref<7680x128xf32, #tpu.memory_space<vmem_shared>>)
      %mul3A_1004 = arith.constant 6 : i32
      %mul3A_1005 = arith.muli %arg1, %mul3A_1004 : i32
      %add3A_1006 = arith.constant 5 : i32
      %add3A_1007 = arith.addi %mul3A_1005, %add3A_1006 : i32
      %mul3A_1008 = arith.constant 80 : i32
      %mul3A_1009 = arith.muli %add3A_1007, %mul3A_1008 : i32
      %add3A_1010 = arith.constant 160 : i32
      %add3A_1011 = arith.addi %add3A, %add3A_1010 : i32
      %mul3A_1012 = arith.constant 80 : i32
      %mul3A_1013 = arith.muli %add3A_1011, %mul3A_1012 : i32
      %dma_start3A = arith.constant 0 : i32
      %dma_start3A_1014 = tpu.memref_slice %arg5[%mul3A_1013, %dma_start3A] : memref<50000x128xf32, #tpu.memory_space<hbm>> -> memref<80x128xf32, #tpu.memory_space<hbm>>
      %dma_start3A_1015 = arith.constant 0 : i32
      %dma_start3A_1016 = tpu.memref_slice %arg24[%mul3A_1009, %dma_start3A_1015] : memref<7680x128xf32, #tpu.memory_space<vmem_shared>> -> memref<80x128xf32, #tpu.memory_space<vmem_shared>>
      tpu.enqueue_dma source(%dma_start3A_1016 : memref<80x128xf32, #tpu.memory_space<vmem_shared>>) target(%dma_start3A_1014 : memref<80x128xf32, #tpu.memory_space<hbm>>) target_semaphore(%arg54 : memref<!tpu.dma_semaphore, #tpu.memory_space<semaphore_mem>>)
    } else {
    }
    %add3A_519 = arith.constant 96 : i32
    %add3A_520 = arith.addi %add3A, %add3A_519 : i32
    %lt3A_521 = arith.constant 625 : i32
    %lt3A_522 = arith.cmpi slt, %add3A_520, %lt3A_521 : i32
    %convert_element_type3A_523 = arith.extui %lt3A_522 : i1 to i32
    %cond3A_524 = arith.constant 0 : i32
    %cond3A_525 = arith.cmpi ne, %convert_element_type3A_523, %cond3A_524 : i32
    scf.if %cond3A_525 {
      %mul3A_1002 = arith.constant 6 : i32
      %mul3A_1003 = arith.muli %arg1, %mul3A_1002 : i32
      %add3A_1004 = arith.constant 3 : i32
      %add3A_1005 = arith.addi %mul3A_1003, %add3A_1004 : i32
      %mul3A_1006 = arith.constant 80 : i32
      %mul3A_1007 = arith.muli %add3A_1005, %mul3A_1006 : i32
      %add3A_1008 = arith.constant 96 : i32
      %add3A_1009 = arith.addi %add3A, %add3A_1008 : i32
      %mul3A_1010 = arith.constant 80 : i32
      %mul3A_1011 = arith.muli %add3A_1009, %mul3A_1010 : i32
      %dma_wait3A = arith.constant 0 : i32
      %dma_wait3A_1012 = tpu.memref_slice %arg5[%mul3A_1011, %dma_wait3A] : memref<50000x128xf32, #tpu.memory_space<hbm>> -> memref<80x128xf32, #tpu.memory_space<hbm>>
      %dma_wait3A_1013 = arith.constant 0 : i32
      %dma_wait3A_1014 = tpu.memref_slice %arg24[%mul3A_1007, %dma_wait3A_1013] : memref<7680x128xf32, #tpu.memory_space<vmem_shared>> -> memref<80x128xf32, #tpu.memory_space<vmem_shared>>
      tpu.wait_dma2 semaphore(%arg52 : memref<!tpu.dma_semaphore, #tpu.memory_space<semaphore_mem>>) src(%dma_wait3A_1014 : memref<80x128xf32, #tpu.memory_space<vmem_shared>>) dst(%dma_wait3A_1012 : memref<80x128xf32, #tpu.memory_space<hbm>>)
    } else {
    }
    %add3A_526 = arith.constant 288 : i32
    %add3A_527 = arith.addi %add3A, %add3A_526 : i32
    %lt3A_528 = arith.constant 625 : i32
    %lt3A_529 = arith.cmpi slt, %add3A_527, %lt3A_528 : i32
    %convert_element_type3A_530 = arith.extui %lt3A_529 : i1 to i32
    %cond3A_531 = arith.constant 0 : i32
    %cond3A_532 = arith.cmpi ne, %convert_element_type3A_530, %cond3A_531 : i32
    scf.if %cond3A_532 {
      %add3A_1002 = arith.constant 288 : i32
      %add3A_1003 = arith.addi %add3A, %add3A_1002 : i32
      %mul3A_1004 = arith.constant 80 : i32
      %mul3A_1005 = arith.muli %add3A_1003, %mul3A_1004 : i32
      %dma_start3A = tpu.memref_slice %arg2[%mul3A_1005] : memref<50000xi32, #tpu.memory_space<hbm>> -> memref<80xi32, #tpu.memory_space<hbm>>
      %dma_start3A_1006 = tpu.memref_slice %arg2[%mul3A_1005] : memref<50000xi32, #tpu.memory_space<hbm>> -> memref<80xi32, #tpu.memory_space<hbm>>
      tpu.enqueue_dma source(%dma_start3A_1006 : memref<80xi32, #tpu.memory_space<hbm>>) target(%arg9 : memref<80xi32, #tpu.memory_space<vmem>>) target_semaphore(%arg28 : memref<!tpu.dma_semaphore, #tpu.memory_space<semaphore_mem>>)
      %add3A_1007 = arith.constant 288 : i32
      %add3A_1008 = arith.addi %add3A, %add3A_1007 : i32
      %mul3A_1009 = arith.constant 80 : i32
      %mul3A_1010 = arith.muli %add3A_1008, %mul3A_1009 : i32
      %mul3A_1011 = arith.constant 6 : i32
      %mul3A_1012 = arith.muli %arg1, %mul3A_1011 : i32
      %add3A_1013 = arith.constant 3 : i32
      %add3A_1014 = arith.addi %mul3A_1012, %add3A_1013 : i32
      %mul3A_1015 = arith.constant 80 : i32
      %mul3A_1016 = arith.muli %add3A_1014, %mul3A_1015 : i32
      %dma_start3A_1017 = arith.constant 0 : i32
      %dma_start3A_1018 = tpu.memref_slice %arg24[%mul3A_1016, %dma_start3A_1017] : memref<7680x128xf32, #tpu.memory_space<vmem_shared>> -> memref<80x128xf32, #tpu.memory_space<vmem_shared>>
      %dma_start3A_1019 = arith.constant 0 : i32
      %dma_start3A_1020 = tpu.memref_slice %arg3[%mul3A_1010, %dma_start3A_1019] : memref<50000x128xf32, #tpu.memory_space<hbm>> -> memref<80x128xf32, #tpu.memory_space<hbm>>
      tpu.enqueue_dma source(%dma_start3A_1020 : memref<80x128xf32, #tpu.memory_space<hbm>>) target(%dma_start3A_1018 : memref<80x128xf32, #tpu.memory_space<vmem_shared>>) target_semaphore(%arg34 : memref<!tpu.dma_semaphore, #tpu.memory_space<semaphore_mem>>)
    } else {
    }
    %add3A_533 = arith.constant 224 : i32
    %add3A_534 = arith.addi %add3A, %add3A_533 : i32
    %lt3A_535 = arith.constant 625 : i32
    %lt3A_536 = arith.cmpi slt, %add3A_534, %lt3A_535 : i32
    %convert_element_type3A_537 = arith.extui %lt3A_536 : i1 to i32
    %cond3A_538 = arith.constant 0 : i32
    %cond3A_539 = arith.cmpi ne, %convert_element_type3A_537, %cond3A_538 : i32
    scf.if %cond3A_539 {
      %add3A_1002 = arith.constant 224 : i32
      %add3A_1003 = arith.addi %add3A, %add3A_1002 : i32
      %mul3A_1004 = arith.constant 80 : i32
      %mul3A_1005 = arith.muli %add3A_1003, %mul3A_1004 : i32
      %dma_wait3A = tpu.memref_slice %arg2[%mul3A_1005] : memref<50000xi32, #tpu.memory_space<hbm>> -> memref<80xi32, #tpu.memory_space<hbm>>
      %dma_wait3A_1006 = tpu.memref_slice %arg2[%mul3A_1005] : memref<50000xi32, #tpu.memory_space<hbm>> -> memref<80xi32, #tpu.memory_space<hbm>>
      tpu.wait_dma2 semaphore(%arg26 : memref<!tpu.dma_semaphore, #tpu.memory_space<semaphore_mem>>) src(%dma_wait3A_1006 : memref<80xi32, #tpu.memory_space<hbm>>) dst(%arg7 : memref<80xi32, #tpu.memory_space<vmem>>)
      %dma_start3A = arith.constant 0 : i32
      %dma_start3A_1007 = arith.constant 0 : i32
      %dma_start3A_1008 = tpu.memref_slice %arg4[%dma_start3A, %dma_start3A_1007] : memref<100000x128xf32, #tpu.memory_space<hbm>> -> memref<100000x128xf32, #tpu.memory_space<hbm>>
      tpu.enqueue_indirect_dma source(%dma_start3A_1008 : memref<100000x128xf32, #tpu.memory_space<hbm>>) target(%arg13 : memref<80x128xf32, #tpu.memory_space<vmem>>) offsets(%arg7 : memref<80xi32, #tpu.memory_space<vmem>>) semaphore(%arg38 : memref<!tpu.dma_semaphore, #tpu.memory_space<semaphore_mem>>)
    } else {
    }
    %add3A_540 = arith.constant 192 : i32
    %add3A_541 = arith.addi %add3A, %add3A_540 : i32
    %lt3A_542 = arith.constant 625 : i32
    %lt3A_543 = arith.cmpi slt, %add3A_541, %lt3A_542 : i32
    %convert_element_type3A_544 = arith.extui %lt3A_543 : i1 to i32
    %cond3A_545 = arith.constant 0 : i32
    %cond3A_546 = arith.cmpi ne, %convert_element_type3A_544, %cond3A_545 : i32
    scf.if %cond3A_546 {
      %dma_wait3A = arith.constant 0 : i32
      %dma_wait3A_1002 = arith.constant 0 : i32
      %dma_wait3A_1003 = tpu.memref_slice %arg4[%dma_wait3A, %dma_wait3A_1002] : memref<100000x128xf32, #tpu.memory_space<hbm>> -> memref<100000x128xf32, #tpu.memory_space<hbm>>
      tpu.wait_indirect_dma semaphore(%arg37 : memref<!tpu.dma_semaphore, #tpu.memory_space<semaphore_mem>>) src(%dma_wait3A_1003 : memref<100000x128xf32, #tpu.memory_space<hbm>>) dst(%arg12 : memref<80x128xf32, #tpu.memory_space<vmem>>)
      %add3A_1004 = arith.constant 192 : i32
      %add3A_1005 = arith.addi %add3A, %add3A_1004 : i32
      %mul3A_1006 = arith.constant 80 : i32
      %mul3A_1007 = arith.muli %add3A_1005, %mul3A_1006 : i32
      %mul3A_1008 = arith.constant 6 : i32
      %mul3A_1009 = arith.muli %arg1, %mul3A_1008 : i32
      %add3A_1010 = arith.constant 0 : i32
      %add3A_1011 = arith.addi %mul3A_1009, %add3A_1010 : i32
      %mul3A_1012 = arith.constant 80 : i32
      %mul3A_1013 = arith.muli %add3A_1011, %mul3A_1012 : i32
      %dma_wait3A_1014 = arith.constant 0 : i32
      %dma_wait3A_1015 = tpu.memref_slice %arg24[%mul3A_1013, %dma_wait3A_1014] : memref<7680x128xf32, #tpu.memory_space<vmem_shared>> -> memref<80x128xf32, #tpu.memory_space<vmem_shared>>
      %dma_wait3A_1016 = arith.constant 0 : i32
      %dma_wait3A_1017 = tpu.memref_slice %arg3[%mul3A_1007, %dma_wait3A_1016] : memref<50000x128xf32, #tpu.memory_space<hbm>> -> memref<80x128xf32, #tpu.memory_space<hbm>>
      tpu.wait_dma2 semaphore(%arg31 : memref<!tpu.dma_semaphore, #tpu.memory_space<semaphore_mem>>) src(%dma_wait3A_1017 : memref<80x128xf32, #tpu.memory_space<hbm>>) dst(%dma_wait3A_1015 : memref<80x128xf32, #tpu.memory_space<vmem_shared>>)
      %dma_start3A = arith.constant 0 : i32
      %dma_start3A_1018 = arith.constant 0 : i32
      %dma_start3A_1019 = tpu.memref_slice %arg24[%dma_start3A, %dma_start3A_1018] : memref<7680x128xf32, #tpu.memory_space<vmem_shared>> -> memref<7680x128xf32, #tpu.memory_space<vmem_shared>>
      tpu.enqueue_indirect_dma source(%arg12 : memref<80x128xf32, #tpu.memory_space<vmem>>) target(%dma_start3A_1019 : memref<7680x128xf32, #tpu.memory_space<vmem_shared>>) offsets(%arg18 : memref<80xi32, #tpu.memory_space<vmem>>) semaphore(%arg43 : memref<!tpu.dma_semaphore, #tpu.memory_space<semaphore_mem>>) {add = true}
    } else {
    }
    %add3A_547 = arith.constant 192 : i32
    %add3A_548 = arith.addi %add3A, %add3A_547 : i32
    %lt3A_549 = arith.constant 625 : i32
    %lt3A_550 = arith.cmpi slt, %add3A_548, %lt3A_549 : i32
    %convert_element_type3A_551 = arith.extui %lt3A_550 : i1 to i32
    %cond3A_552 = arith.constant 0 : i32
    %cond3A_553 = arith.cmpi ne, %convert_element_type3A_551, %cond3A_552 : i32
    scf.if %cond3A_553 {
      %dma_wait3A = arith.constant 0 : i32
      %dma_wait3A_1002 = arith.constant 0 : i32
      %dma_wait3A_1003 = tpu.memref_slice %arg24[%dma_wait3A, %dma_wait3A_1002] : memref<7680x128xf32, #tpu.memory_space<vmem_shared>> -> memref<7680x128xf32, #tpu.memory_space<vmem_shared>>
      tpu.wait_indirect_dma semaphore(%arg43 : memref<!tpu.dma_semaphore, #tpu.memory_space<semaphore_mem>>) src(%arg12 : memref<80x128xf32, #tpu.memory_space<vmem>>) dst(%dma_wait3A_1003 : memref<7680x128xf32, #tpu.memory_space<vmem_shared>>)
      %mul3A_1004 = arith.constant 6 : i32
      %mul3A_1005 = arith.muli %arg1, %mul3A_1004 : i32
      %add3A_1006 = arith.constant 0 : i32
      %add3A_1007 = arith.addi %mul3A_1005, %add3A_1006 : i32
      %mul3A_1008 = arith.constant 80 : i32
      %mul3A_1009 = arith.muli %add3A_1007, %mul3A_1008 : i32
      %add3A_1010 = arith.constant 192 : i32
      %add3A_1011 = arith.addi %add3A, %add3A_1010 : i32
      %mul3A_1012 = arith.constant 80 : i32
      %mul3A_1013 = arith.muli %add3A_1011, %mul3A_1012 : i32
      %dma_start3A = arith.constant 0 : i32
      %dma_start3A_1014 = tpu.memref_slice %arg5[%mul3A_1013, %dma_start3A] : memref<50000x128xf32, #tpu.memory_space<hbm>> -> memref<80x128xf32, #tpu.memory_space<hbm>>
      %dma_start3A_1015 = arith.constant 0 : i32
      %dma_start3A_1016 = tpu.memref_slice %arg24[%mul3A_1009, %dma_start3A_1015] : memref<7680x128xf32, #tpu.memory_space<vmem_shared>> -> memref<80x128xf32, #tpu.memory_space<vmem_shared>>
      tpu.enqueue_dma source(%dma_start3A_1016 : memref<80x128xf32, #tpu.memory_space<vmem_shared>>) target(%dma_start3A_1014 : memref<80x128xf32, #tpu.memory_space<hbm>>) target_semaphore(%arg49 : memref<!tpu.dma_semaphore, #tpu.memory_space<semaphore_mem>>)
    } else {
    }
    %add3A_554 = arith.constant 128 : i32
    %add3A_555 = arith.addi %add3A, %add3A_554 : i32
    %lt3A_556 = arith.constant 625 : i32
    %lt3A_557 = arith.cmpi slt, %add3A_555, %lt3A_556 : i32
    %convert_element_type3A_558 = arith.extui %lt3A_557 : i1 to i32
    %cond3A_559 = arith.constant 0 : i32
    %cond3A_560 = arith.cmpi ne, %convert_element_type3A_558, %cond3A_559 : i32
    scf.if %cond3A_560 {
      %mul3A_1002 = arith.constant 6 : i32
      %mul3A_1003 = arith.muli %arg1, %mul3A_1002 : i32
      %add3A_1004 = arith.constant 4 : i32
      %add3A_1005 = arith.addi %mul3A_1003, %add3A_1004 : i32
      %mul3A_1006 = arith.constant 80 : i32
      %mul3A_1007 = arith.muli %add3A_1005, %mul3A_1006 : i32
      %add3A_1008 = arith.constant 128 : i32
      %add3A_1009 = arith.addi %add3A, %add3A_1008 : i32
      %mul3A_1010 = arith.constant 80 : i32
      %mul3A_1011 = arith.muli %add3A_1009, %mul3A_1010 : i32
      %dma_wait3A = arith.constant 0 : i32
      %dma_wait3A_1012 = tpu.memref_slice %arg5[%mul3A_1011, %dma_wait3A] : memref<50000x128xf32, #tpu.memory_space<hbm>> -> memref<80x128xf32, #tpu.memory_space<hbm>>
      %dma_wait3A_1013 = arith.constant 0 : i32
      %dma_wait3A_1014 = tpu.memref_slice %arg24[%mul3A_1007, %dma_wait3A_1013] : memref<7680x128xf32, #tpu.memory_space<vmem_shared>> -> memref<80x128xf32, #tpu.memory_space<vmem_shared>>
      tpu.wait_dma2 semaphore(%arg53 : memref<!tpu.dma_semaphore, #tpu.memory_space<semaphore_mem>>) src(%dma_wait3A_1014 : memref<80x128xf32, #tpu.memory_space<vmem_shared>>) dst(%dma_wait3A_1012 : memref<80x128xf32, #tpu.memory_space<hbm>>)
    } else {
    }
    %add3A_561 = arith.constant 320 : i32
    %add3A_562 = arith.addi %add3A, %add3A_561 : i32
    %lt3A_563 = arith.constant 625 : i32
    %lt3A_564 = arith.cmpi slt, %add3A_562, %lt3A_563 : i32
    %convert_element_type3A_565 = arith.extui %lt3A_564 : i1 to i32
    %cond3A_566 = arith.constant 0 : i32
    %cond3A_567 = arith.cmpi ne, %convert_element_type3A_565, %cond3A_566 : i32
    scf.if %cond3A_567 {
      %add3A_1002 = arith.constant 320 : i32
      %add3A_1003 = arith.addi %add3A, %add3A_1002 : i32
      %mul3A_1004 = arith.constant 80 : i32
      %mul3A_1005 = arith.muli %add3A_1003, %mul3A_1004 : i32
      %dma_start3A = tpu.memref_slice %arg2[%mul3A_1005] : memref<50000xi32, #tpu.memory_space<hbm>> -> memref<80xi32, #tpu.memory_space<hbm>>
      %dma_start3A_1006 = tpu.memref_slice %arg2[%mul3A_1005] : memref<50000xi32, #tpu.memory_space<hbm>> -> memref<80xi32, #tpu.memory_space<hbm>>
      tpu.enqueue_dma source(%dma_start3A_1006 : memref<80xi32, #tpu.memory_space<hbm>>) target(%arg10 : memref<80xi32, #tpu.memory_space<vmem>>) target_semaphore(%arg29 : memref<!tpu.dma_semaphore, #tpu.memory_space<semaphore_mem>>)
      %add3A_1007 = arith.constant 320 : i32
      %add3A_1008 = arith.addi %add3A, %add3A_1007 : i32
      %mul3A_1009 = arith.constant 80 : i32
      %mul3A_1010 = arith.muli %add3A_1008, %mul3A_1009 : i32
      %mul3A_1011 = arith.constant 6 : i32
      %mul3A_1012 = arith.muli %arg1, %mul3A_1011 : i32
      %add3A_1013 = arith.constant 4 : i32
      %add3A_1014 = arith.addi %mul3A_1012, %add3A_1013 : i32
      %mul3A_1015 = arith.constant 80 : i32
      %mul3A_1016 = arith.muli %add3A_1014, %mul3A_1015 : i32
      %dma_start3A_1017 = arith.constant 0 : i32
      %dma_start3A_1018 = tpu.memref_slice %arg24[%mul3A_1016, %dma_start3A_1017] : memref<7680x128xf32, #tpu.memory_space<vmem_shared>> -> memref<80x128xf32, #tpu.memory_space<vmem_shared>>
      %dma_start3A_1019 = arith.constant 0 : i32
      %dma_start3A_1020 = tpu.memref_slice %arg3[%mul3A_1010, %dma_start3A_1019] : memref<50000x128xf32, #tpu.memory_space<hbm>> -> memref<80x128xf32, #tpu.memory_space<hbm>>
      tpu.enqueue_dma source(%dma_start3A_1020 : memref<80x128xf32, #tpu.memory_space<hbm>>) target(%dma_start3A_1018 : memref<80x128xf32, #tpu.memory_space<vmem_shared>>) target_semaphore(%arg35 : memref<!tpu.dma_semaphore, #tpu.memory_space<semaphore_mem>>)
    } else {
    }
    %add3A_568 = arith.constant 256 : i32
    %add3A_569 = arith.addi %add3A, %add3A_568 : i32
    %lt3A_570 = arith.constant 625 : i32
    %lt3A_571 = arith.cmpi slt, %add3A_569, %lt3A_570 : i32
    %convert_element_type3A_572 = arith.extui %lt3A_571 : i1 to i32
    %cond3A_573 = arith.constant 0 : i32
    %cond3A_574 = arith.cmpi ne, %convert_element_type3A_572, %cond3A_573 : i32
    scf.if %cond3A_574 {
      %add3A_1002 = arith.constant 256 : i32
      %add3A_1003 = arith.addi %add3A, %add3A_1002 : i32
      %mul3A_1004 = arith.constant 80 : i32
      %mul3A_1005 = arith.muli %add3A_1003, %mul3A_1004 : i32
      %dma_wait3A = tpu.memref_slice %arg2[%mul3A_1005] : memref<50000xi32, #tpu.memory_space<hbm>> -> memref<80xi32, #tpu.memory_space<hbm>>
      %dma_wait3A_1006 = tpu.memref_slice %arg2[%mul3A_1005] : memref<50000xi32, #tpu.memory_space<hbm>> -> memref<80xi32, #tpu.memory_space<hbm>>
      tpu.wait_dma2 semaphore(%arg27 : memref<!tpu.dma_semaphore, #tpu.memory_space<semaphore_mem>>) src(%dma_wait3A_1006 : memref<80xi32, #tpu.memory_space<hbm>>) dst(%arg8 : memref<80xi32, #tpu.memory_space<vmem>>)
      %dma_start3A = arith.constant 0 : i32
      %dma_start3A_1007 = arith.constant 0 : i32
      %dma_start3A_1008 = tpu.memref_slice %arg4[%dma_start3A, %dma_start3A_1007] : memref<100000x128xf32, #tpu.memory_space<hbm>> -> memref<100000x128xf32, #tpu.memory_space<hbm>>
      tpu.enqueue_indirect_dma source(%dma_start3A_1008 : memref<100000x128xf32, #tpu.memory_space<hbm>>) target(%arg14 : memref<80x128xf32, #tpu.memory_space<vmem>>) offsets(%arg8 : memref<80xi32, #tpu.memory_space<vmem>>) semaphore(%arg39 : memref<!tpu.dma_semaphore, #tpu.memory_space<semaphore_mem>>)
    } else {
    }
    %add3A_575 = arith.constant 224 : i32
    %add3A_576 = arith.addi %add3A, %add3A_575 : i32
    %lt3A_577 = arith.constant 625 : i32
    %lt3A_578 = arith.cmpi slt, %add3A_576, %lt3A_577 : i32
    %convert_element_type3A_579 = arith.extui %lt3A_578 : i1 to i32
    %cond3A_580 = arith.constant 0 : i32
    %cond3A_581 = arith.cmpi ne, %convert_element_type3A_579, %cond3A_580 : i32
    scf.if %cond3A_581 {
      %dma_wait3A = arith.constant 0 : i32
      %dma_wait3A_1002 = arith.constant 0 : i32
      %dma_wait3A_1003 = tpu.memref_slice %arg4[%dma_wait3A, %dma_wait3A_1002] : memref<100000x128xf32, #tpu.memory_space<hbm>> -> memref<100000x128xf32, #tpu.memory_space<hbm>>
      tpu.wait_indirect_dma semaphore(%arg38 : memref<!tpu.dma_semaphore, #tpu.memory_space<semaphore_mem>>) src(%dma_wait3A_1003 : memref<100000x128xf32, #tpu.memory_space<hbm>>) dst(%arg13 : memref<80x128xf32, #tpu.memory_space<vmem>>)
      %add3A_1004 = arith.constant 224 : i32
      %add3A_1005 = arith.addi %add3A, %add3A_1004 : i32
      %mul3A_1006 = arith.constant 80 : i32
      %mul3A_1007 = arith.muli %add3A_1005, %mul3A_1006 : i32
      %mul3A_1008 = arith.constant 6 : i32
      %mul3A_1009 = arith.muli %arg1, %mul3A_1008 : i32
      %add3A_1010 = arith.constant 1 : i32
      %add3A_1011 = arith.addi %mul3A_1009, %add3A_1010 : i32
      %mul3A_1012 = arith.constant 80 : i32
      %mul3A_1013 = arith.muli %add3A_1011, %mul3A_1012 : i32
      %dma_wait3A_1014 = arith.constant 0 : i32
      %dma_wait3A_1015 = tpu.memref_slice %arg24[%mul3A_1013, %dma_wait3A_1014] : memref<7680x128xf32, #tpu.memory_space<vmem_shared>> -> memref<80x128xf32, #tpu.memory_space<vmem_shared>>
      %dma_wait3A_1016 = arith.constant 0 : i32
      %dma_wait3A_1017 = tpu.memref_slice %arg3[%mul3A_1007, %dma_wait3A_1016] : memref<50000x128xf32, #tpu.memory_space<hbm>> -> memref<80x128xf32, #tpu.memory_space<hbm>>
      tpu.wait_dma2 semaphore(%arg32 : memref<!tpu.dma_semaphore, #tpu.memory_space<semaphore_mem>>) src(%dma_wait3A_1017 : memref<80x128xf32, #tpu.memory_space<hbm>>) dst(%dma_wait3A_1015 : memref<80x128xf32, #tpu.memory_space<vmem_shared>>)
      %dma_start3A = arith.constant 0 : i32
      %dma_start3A_1018 = arith.constant 0 : i32
      %dma_start3A_1019 = tpu.memref_slice %arg24[%dma_start3A, %dma_start3A_1018] : memref<7680x128xf32, #tpu.memory_space<vmem_shared>> -> memref<7680x128xf32, #tpu.memory_space<vmem_shared>>
      tpu.enqueue_indirect_dma source(%arg13 : memref<80x128xf32, #tpu.memory_space<vmem>>) target(%dma_start3A_1019 : memref<7680x128xf32, #tpu.memory_space<vmem_shared>>) offsets(%arg19 : memref<80xi32, #tpu.memory_space<vmem>>) semaphore(%arg44 : memref<!tpu.dma_semaphore, #tpu.memory_space<semaphore_mem>>) {add = true}
    } else {
    }
    %add3A_582 = arith.constant 224 : i32
    %add3A_583 = arith.addi %add3A, %add3A_582 : i32
    %lt3A_584 = arith.constant 625 : i32
    %lt3A_585 = arith.cmpi slt, %add3A_583, %lt3A_584 : i32
    %convert_element_type3A_586 = arith.extui %lt3A_585 : i1 to i32
    %cond3A_587 = arith.constant 0 : i32
    %cond3A_588 = arith.cmpi ne, %convert_element_type3A_586, %cond3A_587 : i32
    scf.if %cond3A_588 {
      %dma_wait3A = arith.constant 0 : i32
      %dma_wait3A_1002 = arith.constant 0 : i32
      %dma_wait3A_1003 = tpu.memref_slice %arg24[%dma_wait3A, %dma_wait3A_1002] : memref<7680x128xf32, #tpu.memory_space<vmem_shared>> -> memref<7680x128xf32, #tpu.memory_space<vmem_shared>>
      tpu.wait_indirect_dma semaphore(%arg44 : memref<!tpu.dma_semaphore, #tpu.memory_space<semaphore_mem>>) src(%arg13 : memref<80x128xf32, #tpu.memory_space<vmem>>) dst(%dma_wait3A_1003 : memref<7680x128xf32, #tpu.memory_space<vmem_shared>>)
      %mul3A_1004 = arith.constant 6 : i32
      %mul3A_1005 = arith.muli %arg1, %mul3A_1004 : i32
      %add3A_1006 = arith.constant 1 : i32
      %add3A_1007 = arith.addi %mul3A_1005, %add3A_1006 : i32
      %mul3A_1008 = arith.constant 80 : i32
      %mul3A_1009 = arith.muli %add3A_1007, %mul3A_1008 : i32
      %add3A_1010 = arith.constant 224 : i32
      %add3A_1011 = arith.addi %add3A, %add3A_1010 : i32
      %mul3A_1012 = arith.constant 80 : i32
      %mul3A_1013 = arith.muli %add3A_1011, %mul3A_1012 : i32
      %dma_start3A = arith.constant 0 : i32
      %dma_start3A_1014 = tpu.memref_slice %arg5[%mul3A_1013, %dma_start3A] : memref<50000x128xf32, #tpu.memory_space<hbm>> -> memref<80x128xf32, #tpu.memory_space<hbm>>
      %dma_start3A_1015 = arith.constant 0 : i32
      %dma_start3A_1016 = tpu.memref_slice %arg24[%mul3A_1009, %dma_start3A_1015] : memref<7680x128xf32, #tpu.memory_space<vmem_shared>> -> memref<80x128xf32, #tpu.memory_space<vmem_shared>>
      tpu.enqueue_dma source(%dma_start3A_1016 : memref<80x128xf32, #tpu.memory_space<vmem_shared>>) target(%dma_start3A_1014 : memref<80x128xf32, #tpu.memory_space<hbm>>) target_semaphore(%arg50 : memref<!tpu.dma_semaphore, #tpu.memory_space<semaphore_mem>>)
    } else {
    }
    %add3A_589 = arith.constant 160 : i32
    %add3A_590 = arith.addi %add3A, %add3A_589 : i32
    %lt3A_591 = arith.constant 625 : i32
    %lt3A_592 = arith.cmpi slt, %add3A_590, %lt3A_591 : i32
    %convert_element_type3A_593 = arith.extui %lt3A_592 : i1 to i32
    %cond3A_594 = arith.constant 0 : i32
    %cond3A_595 = arith.cmpi ne, %convert_element_type3A_593, %cond3A_594 : i32
    scf.if %cond3A_595 {
      %mul3A_1002 = arith.constant 6 : i32
      %mul3A_1003 = arith.muli %arg1, %mul3A_1002 : i32
      %add3A_1004 = arith.constant 5 : i32
      %add3A_1005 = arith.addi %mul3A_1003, %add3A_1004 : i32
      %mul3A_1006 = arith.constant 80 : i32
      %mul3A_1007 = arith.muli %add3A_1005, %mul3A_1006 : i32
      %add3A_1008 = arith.constant 160 : i32
      %add3A_1009 = arith.addi %add3A, %add3A_1008 : i32
      %mul3A_1010 = arith.constant 80 : i32
      %mul3A_1011 = arith.muli %add3A_1009, %mul3A_1010 : i32
      %dma_wait3A = arith.constant 0 : i32
      %dma_wait3A_1012 = tpu.memref_slice %arg5[%mul3A_1011, %dma_wait3A] : memref<50000x128xf32, #tpu.memory_space<hbm>> -> memref<80x128xf32, #tpu.memory_space<hbm>>
      %dma_wait3A_1013 = arith.constant 0 : i32
      %dma_wait3A_1014 = tpu.memref_slice %arg24[%mul3A_1007, %dma_wait3A_1013] : memref<7680x128xf32, #tpu.memory_space<vmem_shared>> -> memref<80x128xf32, #tpu.memory_space<vmem_shared>>
      tpu.wait_dma2 semaphore(%arg54 : memref<!tpu.dma_semaphore, #tpu.memory_space<semaphore_mem>>) src(%dma_wait3A_1014 : memref<80x128xf32, #tpu.memory_space<vmem_shared>>) dst(%dma_wait3A_1012 : memref<80x128xf32, #tpu.memory_space<hbm>>)
    } else {
    }
    %add3A_596 = arith.constant 352 : i32
    %add3A_597 = arith.addi %add3A, %add3A_596 : i32
    %lt3A_598 = arith.constant 625 : i32
    %lt3A_599 = arith.cmpi slt, %add3A_597, %lt3A_598 : i32
    %convert_element_type3A_600 = arith.extui %lt3A_599 : i1 to i32
    %cond3A_601 = arith.constant 0 : i32
    %cond3A_602 = arith.cmpi ne, %convert_element_type3A_600, %cond3A_601 : i32
    scf.if %cond3A_602 {
      %add3A_1002 = arith.constant 352 : i32
      %add3A_1003 = arith.addi %add3A, %add3A_1002 : i32
      %mul3A_1004 = arith.constant 80 : i32
      %mul3A_1005 = arith.muli %add3A_1003, %mul3A_1004 : i32
      %dma_start3A = tpu.memref_slice %arg2[%mul3A_1005] : memref<50000xi32, #tpu.memory_space<hbm>> -> memref<80xi32, #tpu.memory_space<hbm>>
      %dma_start3A_1006 = tpu.memref_slice %arg2[%mul3A_1005] : memref<50000xi32, #tpu.memory_space<hbm>> -> memref<80xi32, #tpu.memory_space<hbm>>
      tpu.enqueue_dma source(%dma_start3A_1006 : memref<80xi32, #tpu.memory_space<hbm>>) target(%arg11 : memref<80xi32, #tpu.memory_space<vmem>>) target_semaphore(%arg30 : memref<!tpu.dma_semaphore, #tpu.memory_space<semaphore_mem>>)
      %add3A_1007 = arith.constant 352 : i32
      %add3A_1008 = arith.addi %add3A, %add3A_1007 : i32
      %mul3A_1009 = arith.constant 80 : i32
      %mul3A_1010 = arith.muli %add3A_1008, %mul3A_1009 : i32
      %mul3A_1011 = arith.constant 6 : i32
      %mul3A_1012 = arith.muli %arg1, %mul3A_1011 : i32
      %add3A_1013 = arith.constant 5 : i32
      %add3A_1014 = arith.addi %mul3A_1012, %add3A_1013 : i32
      %mul3A_1015 = arith.constant 80 : i32
      %mul3A_1016 = arith.muli %add3A_1014, %mul3A_1015 : i32
      %dma_start3A_1017 = arith.constant 0 : i32
      %dma_start3A_1018 = tpu.memref_slice %arg24[%mul3A_1016, %dma_start3A_1017] : memref<7680x128xf32, #tpu.memory_space<vmem_shared>> -> memref<80x128xf32, #tpu.memory_space<vmem_shared>>
      %dma_start3A_1019 = arith.constant 0 : i32
      %dma_start3A_1020 = tpu.memref_slice %arg3[%mul3A_1010, %dma_start3A_1019] : memref<50000x128xf32, #tpu.memory_space<hbm>> -> memref<80x128xf32, #tpu.memory_space<hbm>>
      tpu.enqueue_dma source(%dma_start3A_1020 : memref<80x128xf32, #tpu.memory_space<hbm>>) target(%dma_start3A_1018 : memref<80x128xf32, #tpu.memory_space<vmem_shared>>) target_semaphore(%arg36 : memref<!tpu.dma_semaphore, #tpu.memory_space<semaphore_mem>>)
    } else {
    }
    %add3A_603 = arith.constant 288 : i32
    %add3A_604 = arith.addi %add3A, %add3A_603 : i32
    %lt3A_605 = arith.constant 625 : i32
    %lt3A_606 = arith.cmpi slt, %add3A_604, %lt3A_605 : i32
    %convert_element_type3A_607 = arith.extui %lt3A_606 : i1 to i32
    %cond3A_608 = arith.constant 0 : i32
    %cond3A_609 = arith.cmpi ne, %convert_element_type3A_607, %cond3A_608 : i32
    scf.if %cond3A_609 {
      %add3A_1002 = arith.constant 288 : i32
      %add3A_1003 = arith.addi %add3A, %add3A_1002 : i32
      %mul3A_1004 = arith.constant 80 : i32
      %mul3A_1005 = arith.muli %add3A_1003, %mul3A_1004 : i32
      %dma_wait3A = tpu.memref_slice %arg2[%mul3A_1005] : memref<50000xi32, #tpu.memory_space<hbm>> -> memref<80xi32, #tpu.memory_space<hbm>>
      %dma_wait3A_1006 = tpu.memref_slice %arg2[%mul3A_1005] : memref<50000xi32, #tpu.memory_space<hbm>> -> memref<80xi32, #tpu.memory_space<hbm>>
      tpu.wait_dma2 semaphore(%arg28 : memref<!tpu.dma_semaphore, #tpu.memory_space<semaphore_mem>>) src(%dma_wait3A_1006 : memref<80xi32, #tpu.memory_space<hbm>>) dst(%arg9 : memref<80xi32, #tpu.memory_space<vmem>>)
      %dma_start3A = arith.constant 0 : i32
      %dma_start3A_1007 = arith.constant 0 : i32
      %dma_start3A_1008 = tpu.memref_slice %arg4[%dma_start3A, %dma_start3A_1007] : memref<100000x128xf32, #tpu.memory_space<hbm>> -> memref<100000x128xf32, #tpu.memory_space<hbm>>
      tpu.enqueue_indirect_dma source(%dma_start3A_1008 : memref<100000x128xf32, #tpu.memory_space<hbm>>) target(%arg15 : memref<80x128xf32, #tpu.memory_space<vmem>>) offsets(%arg9 : memref<80xi32, #tpu.memory_space<vmem>>) semaphore(%arg40 : memref<!tpu.dma_semaphore, #tpu.memory_space<semaphore_mem>>)
    } else {
    }
    %add3A_610 = arith.constant 256 : i32
    %add3A_611 = arith.addi %add3A, %add3A_610 : i32
    %lt3A_612 = arith.constant 625 : i32
    %lt3A_613 = arith.cmpi slt, %add3A_611, %lt3A_612 : i32
    %convert_element_type3A_614 = arith.extui %lt3A_613 : i1 to i32
    %cond3A_615 = arith.constant 0 : i32
    %cond3A_616 = arith.cmpi ne, %convert_element_type3A_614, %cond3A_615 : i32
    scf.if %cond3A_616 {
      %dma_wait3A = arith.constant 0 : i32
      %dma_wait3A_1002 = arith.constant 0 : i32
      %dma_wait3A_1003 = tpu.memref_slice %arg4[%dma_wait3A, %dma_wait3A_1002] : memref<100000x128xf32, #tpu.memory_space<hbm>> -> memref<100000x128xf32, #tpu.memory_space<hbm>>
      tpu.wait_indirect_dma semaphore(%arg39 : memref<!tpu.dma_semaphore, #tpu.memory_space<semaphore_mem>>) src(%dma_wait3A_1003 : memref<100000x128xf32, #tpu.memory_space<hbm>>) dst(%arg14 : memref<80x128xf32, #tpu.memory_space<vmem>>)
      %add3A_1004 = arith.constant 256 : i32
      %add3A_1005 = arith.addi %add3A, %add3A_1004 : i32
      %mul3A_1006 = arith.constant 80 : i32
      %mul3A_1007 = arith.muli %add3A_1005, %mul3A_1006 : i32
      %mul3A_1008 = arith.constant 6 : i32
      %mul3A_1009 = arith.muli %arg1, %mul3A_1008 : i32
      %add3A_1010 = arith.constant 2 : i32
      %add3A_1011 = arith.addi %mul3A_1009, %add3A_1010 : i32
      %mul3A_1012 = arith.constant 80 : i32
      %mul3A_1013 = arith.muli %add3A_1011, %mul3A_1012 : i32
      %dma_wait3A_1014 = arith.constant 0 : i32
      %dma_wait3A_1015 = tpu.memref_slice %arg24[%mul3A_1013, %dma_wait3A_1014] : memref<7680x128xf32, #tpu.memory_space<vmem_shared>> -> memref<80x128xf32, #tpu.memory_space<vmem_shared>>
      %dma_wait3A_1016 = arith.constant 0 : i32
      %dma_wait3A_1017 = tpu.memref_slice %arg3[%mul3A_1007, %dma_wait3A_1016] : memref<50000x128xf32, #tpu.memory_space<hbm>> -> memref<80x128xf32, #tpu.memory_space<hbm>>
      tpu.wait_dma2 semaphore(%arg33 : memref<!tpu.dma_semaphore, #tpu.memory_space<semaphore_mem>>) src(%dma_wait3A_1017 : memref<80x128xf32, #tpu.memory_space<hbm>>) dst(%dma_wait3A_1015 : memref<80x128xf32, #tpu.memory_space<vmem_shared>>)
      %dma_start3A = arith.constant 0 : i32
      %dma_start3A_1018 = arith.constant 0 : i32
      %dma_start3A_1019 = tpu.memref_slice %arg24[%dma_start3A, %dma_start3A_1018] : memref<7680x128xf32, #tpu.memory_space<vmem_shared>> -> memref<7680x128xf32, #tpu.memory_space<vmem_shared>>
      tpu.enqueue_indirect_dma source(%arg14 : memref<80x128xf32, #tpu.memory_space<vmem>>) target(%dma_start3A_1019 : memref<7680x128xf32, #tpu.memory_space<vmem_shared>>) offsets(%arg20 : memref<80xi32, #tpu.memory_space<vmem>>) semaphore(%arg45 : memref<!tpu.dma_semaphore, #tpu.memory_space<semaphore_mem>>) {add = true}
    } else {
    }
    %add3A_617 = arith.constant 256 : i32
    %add3A_618 = arith.addi %add3A, %add3A_617 : i32
    %lt3A_619 = arith.constant 625 : i32
    %lt3A_620 = arith.cmpi slt, %add3A_618, %lt3A_619 : i32
    %convert_element_type3A_621 = arith.extui %lt3A_620 : i1 to i32
    %cond3A_622 = arith.constant 0 : i32
    %cond3A_623 = arith.cmpi ne, %convert_element_type3A_621, %cond3A_622 : i32
    scf.if %cond3A_623 {
      %dma_wait3A = arith.constant 0 : i32
      %dma_wait3A_1002 = arith.constant 0 : i32
      %dma_wait3A_1003 = tpu.memref_slice %arg24[%dma_wait3A, %dma_wait3A_1002] : memref<7680x128xf32, #tpu.memory_space<vmem_shared>> -> memref<7680x128xf32, #tpu.memory_space<vmem_shared>>
      tpu.wait_indirect_dma semaphore(%arg45 : memref<!tpu.dma_semaphore, #tpu.memory_space<semaphore_mem>>) src(%arg14 : memref<80x128xf32, #tpu.memory_space<vmem>>) dst(%dma_wait3A_1003 : memref<7680x128xf32, #tpu.memory_space<vmem_shared>>)
      %mul3A_1004 = arith.constant 6 : i32
      %mul3A_1005 = arith.muli %arg1, %mul3A_1004 : i32
      %add3A_1006 = arith.constant 2 : i32
      %add3A_1007 = arith.addi %mul3A_1005, %add3A_1006 : i32
      %mul3A_1008 = arith.constant 80 : i32
      %mul3A_1009 = arith.muli %add3A_1007, %mul3A_1008 : i32
      %add3A_1010 = arith.constant 256 : i32
      %add3A_1011 = arith.addi %add3A, %add3A_1010 : i32
      %mul3A_1012 = arith.constant 80 : i32
      %mul3A_1013 = arith.muli %add3A_1011, %mul3A_1012 : i32
      %dma_start3A = arith.constant 0 : i32
      %dma_start3A_1014 = tpu.memref_slice %arg5[%mul3A_1013, %dma_start3A] : memref<50000x128xf32, #tpu.memory_space<hbm>> -> memref<80x128xf32, #tpu.memory_space<hbm>>
      %dma_start3A_1015 = arith.constant 0 : i32
      %dma_start3A_1016 = tpu.memref_slice %arg24[%mul3A_1009, %dma_start3A_1015] : memref<7680x128xf32, #tpu.memory_space<vmem_shared>> -> memref<80x128xf32, #tpu.memory_space<vmem_shared>>
      tpu.enqueue_dma source(%dma_start3A_1016 : memref<80x128xf32, #tpu.memory_space<vmem_shared>>) target(%dma_start3A_1014 : memref<80x128xf32, #tpu.memory_space<hbm>>) target_semaphore(%arg51 : memref<!tpu.dma_semaphore, #tpu.memory_space<semaphore_mem>>)
    } else {
    }
    %add3A_624 = arith.constant 192 : i32
    %add3A_625 = arith.addi %add3A, %add3A_624 : i32
    %lt3A_626 = arith.constant 625 : i32
    %lt3A_627 = arith.cmpi slt, %add3A_625, %lt3A_626 : i32
    %convert_element_type3A_628 = arith.extui %lt3A_627 : i1 to i32
    %cond3A_629 = arith.constant 0 : i32
    %cond3A_630 = arith.cmpi ne, %convert_element_type3A_628, %cond3A_629 : i32
    scf.if %cond3A_630 {
      %mul3A_1002 = arith.constant 6 : i32
      %mul3A_1003 = arith.muli %arg1, %mul3A_1002 : i32
      %add3A_1004 = arith.constant 0 : i32
      %add3A_1005 = arith.addi %mul3A_1003, %add3A_1004 : i32
      %mul3A_1006 = arith.constant 80 : i32
      %mul3A_1007 = arith.muli %add3A_1005, %mul3A_1006 : i32
      %add3A_1008 = arith.constant 192 : i32
      %add3A_1009 = arith.addi %add3A, %add3A_1008 : i32
      %mul3A_1010 = arith.constant 80 : i32
      %mul3A_1011 = arith.muli %add3A_1009, %mul3A_1010 : i32
      %dma_wait3A = arith.constant 0 : i32
      %dma_wait3A_1012 = tpu.memref_slice %arg5[%mul3A_1011, %dma_wait3A] : memref<50000x128xf32, #tpu.memory_space<hbm>> -> memref<80x128xf32, #tpu.memory_space<hbm>>
      %dma_wait3A_1013 = arith.constant 0 : i32
      %dma_wait3A_1014 = tpu.memref_slice %arg24[%mul3A_1007, %dma_wait3A_1013] : memref<7680x128xf32, #tpu.memory_space<vmem_shared>> -> memref<80x128xf32, #tpu.memory_space<vmem_shared>>
      tpu.wait_dma2 semaphore(%arg49 : memref<!tpu.dma_semaphore, #tpu.memory_space<semaphore_mem>>) src(%dma_wait3A_1014 : memref<80x128xf32, #tpu.memory_space<vmem_shared>>) dst(%dma_wait3A_1012 : memref<80x128xf32, #tpu.memory_space<hbm>>)
    } else {
    }
    %add3A_631 = arith.constant 384 : i32
    %add3A_632 = arith.addi %add3A, %add3A_631 : i32
    %lt3A_633 = arith.constant 625 : i32
    %lt3A_634 = arith.cmpi slt, %add3A_632, %lt3A_633 : i32
    %convert_element_type3A_635 = arith.extui %lt3A_634 : i1 to i32
    %cond3A_636 = arith.constant 0 : i32
    %cond3A_637 = arith.cmpi ne, %convert_element_type3A_635, %cond3A_636 : i32
    scf.if %cond3A_637 {
      %add3A_1002 = arith.constant 384 : i32
      %add3A_1003 = arith.addi %add3A, %add3A_1002 : i32
      %mul3A_1004 = arith.constant 80 : i32
      %mul3A_1005 = arith.muli %add3A_1003, %mul3A_1004 : i32
      %dma_start3A = tpu.memref_slice %arg2[%mul3A_1005] : memref<50000xi32, #tpu.memory_space<hbm>> -> memref<80xi32, #tpu.memory_space<hbm>>
      %dma_start3A_1006 = tpu.memref_slice %arg2[%mul3A_1005] : memref<50000xi32, #tpu.memory_space<hbm>> -> memref<80xi32, #tpu.memory_space<hbm>>
      tpu.enqueue_dma source(%dma_start3A_1006 : memref<80xi32, #tpu.memory_space<hbm>>) target(%arg6 : memref<80xi32, #tpu.memory_space<vmem>>) target_semaphore(%arg25 : memref<!tpu.dma_semaphore, #tpu.memory_space<semaphore_mem>>)
      %add3A_1007 = arith.constant 384 : i32
      %add3A_1008 = arith.addi %add3A, %add3A_1007 : i32
      %mul3A_1009 = arith.constant 80 : i32
      %mul3A_1010 = arith.muli %add3A_1008, %mul3A_1009 : i32
      %mul3A_1011 = arith.constant 6 : i32
      %mul3A_1012 = arith.muli %arg1, %mul3A_1011 : i32
      %add3A_1013 = arith.constant 0 : i32
      %add3A_1014 = arith.addi %mul3A_1012, %add3A_1013 : i32
      %mul3A_1015 = arith.constant 80 : i32
      %mul3A_1016 = arith.muli %add3A_1014, %mul3A_1015 : i32
      %dma_start3A_1017 = arith.constant 0 : i32
      %dma_start3A_1018 = tpu.memref_slice %arg24[%mul3A_1016, %dma_start3A_1017] : memref<7680x128xf32, #tpu.memory_space<vmem_shared>> -> memref<80x128xf32, #tpu.memory_space<vmem_shared>>
      %dma_start3A_1019 = arith.constant 0 : i32
      %dma_start3A_1020 = tpu.memref_slice %arg3[%mul3A_1010, %dma_start3A_1019] : memref<50000x128xf32, #tpu.memory_space<hbm>> -> memref<80x128xf32, #tpu.memory_space<hbm>>
      tpu.enqueue_dma source(%dma_start3A_1020 : memref<80x128xf32, #tpu.memory_space<hbm>>) target(%dma_start3A_1018 : memref<80x128xf32, #tpu.memory_space<vmem_shared>>) target_semaphore(%arg31 : memref<!tpu.dma_semaphore, #tpu.memory_space<semaphore_mem>>)
    } else {
    }
    %add3A_638 = arith.constant 320 : i32
    %add3A_639 = arith.addi %add3A, %add3A_638 : i32
    %lt3A_640 = arith.constant 625 : i32
    %lt3A_641 = arith.cmpi slt, %add3A_639, %lt3A_640 : i32
    %convert_element_type3A_642 = arith.extui %lt3A_641 : i1 to i32
    %cond3A_643 = arith.constant 0 : i32
    %cond3A_644 = arith.cmpi ne, %convert_element_type3A_642, %cond3A_643 : i32
    scf.if %cond3A_644 {
      %add3A_1002 = arith.constant 320 : i32
      %add3A_1003 = arith.addi %add3A, %add3A_1002 : i32
      %mul3A_1004 = arith.constant 80 : i32
      %mul3A_1005 = arith.muli %add3A_1003, %mul3A_1004 : i32
      %dma_wait3A = tpu.memref_slice %arg2[%mul3A_1005] : memref<50000xi32, #tpu.memory_space<hbm>> -> memref<80xi32, #tpu.memory_space<hbm>>
      %dma_wait3A_1006 = tpu.memref_slice %arg2[%mul3A_1005] : memref<50000xi32, #tpu.memory_space<hbm>> -> memref<80xi32, #tpu.memory_space<hbm>>
      tpu.wait_dma2 semaphore(%arg29 : memref<!tpu.dma_semaphore, #tpu.memory_space<semaphore_mem>>) src(%dma_wait3A_1006 : memref<80xi32, #tpu.memory_space<hbm>>) dst(%arg10 : memref<80xi32, #tpu.memory_space<vmem>>)
      %dma_start3A = arith.constant 0 : i32
      %dma_start3A_1007 = arith.constant 0 : i32
      %dma_start3A_1008 = tpu.memref_slice %arg4[%dma_start3A, %dma_start3A_1007] : memref<100000x128xf32, #tpu.memory_space<hbm>> -> memref<100000x128xf32, #tpu.memory_space<hbm>>
      tpu.enqueue_indirect_dma source(%dma_start3A_1008 : memref<100000x128xf32, #tpu.memory_space<hbm>>) target(%arg16 : memref<80x128xf32, #tpu.memory_space<vmem>>) offsets(%arg10 : memref<80xi32, #tpu.memory_space<vmem>>) semaphore(%arg41 : memref<!tpu.dma_semaphore, #tpu.memory_space<semaphore_mem>>)
    } else {
    }
    %add3A_645 = arith.constant 288 : i32
    %add3A_646 = arith.addi %add3A, %add3A_645 : i32
    %lt3A_647 = arith.constant 625 : i32
    %lt3A_648 = arith.cmpi slt, %add3A_646, %lt3A_647 : i32
    %convert_element_type3A_649 = arith.extui %lt3A_648 : i1 to i32
    %cond3A_650 = arith.constant 0 : i32
    %cond3A_651 = arith.cmpi ne, %convert_element_type3A_649, %cond3A_650 : i32
    scf.if %cond3A_651 {
      %dma_wait3A = arith.constant 0 : i32
      %dma_wait3A_1002 = arith.constant 0 : i32
      %dma_wait3A_1003 = tpu.memref_slice %arg4[%dma_wait3A, %dma_wait3A_1002] : memref<100000x128xf32, #tpu.memory_space<hbm>> -> memref<100000x128xf32, #tpu.memory_space<hbm>>
      tpu.wait_indirect_dma semaphore(%arg40 : memref<!tpu.dma_semaphore, #tpu.memory_space<semaphore_mem>>) src(%dma_wait3A_1003 : memref<100000x128xf32, #tpu.memory_space<hbm>>) dst(%arg15 : memref<80x128xf32, #tpu.memory_space<vmem>>)
      %add3A_1004 = arith.constant 288 : i32
      %add3A_1005 = arith.addi %add3A, %add3A_1004 : i32
      %mul3A_1006 = arith.constant 80 : i32
      %mul3A_1007 = arith.muli %add3A_1005, %mul3A_1006 : i32
      %mul3A_1008 = arith.constant 6 : i32
      %mul3A_1009 = arith.muli %arg1, %mul3A_1008 : i32
      %add3A_1010 = arith.constant 3 : i32
      %add3A_1011 = arith.addi %mul3A_1009, %add3A_1010 : i32
      %mul3A_1012 = arith.constant 80 : i32
      %mul3A_1013 = arith.muli %add3A_1011, %mul3A_1012 : i32
      %dma_wait3A_1014 = arith.constant 0 : i32
      %dma_wait3A_1015 = tpu.memref_slice %arg24[%mul3A_1013, %dma_wait3A_1014] : memref<7680x128xf32, #tpu.memory_space<vmem_shared>> -> memref<80x128xf32, #tpu.memory_space<vmem_shared>>
      %dma_wait3A_1016 = arith.constant 0 : i32
      %dma_wait3A_1017 = tpu.memref_slice %arg3[%mul3A_1007, %dma_wait3A_1016] : memref<50000x128xf32, #tpu.memory_space<hbm>> -> memref<80x128xf32, #tpu.memory_space<hbm>>
      tpu.wait_dma2 semaphore(%arg34 : memref<!tpu.dma_semaphore, #tpu.memory_space<semaphore_mem>>) src(%dma_wait3A_1017 : memref<80x128xf32, #tpu.memory_space<hbm>>) dst(%dma_wait3A_1015 : memref<80x128xf32, #tpu.memory_space<vmem_shared>>)
      %dma_start3A = arith.constant 0 : i32
      %dma_start3A_1018 = arith.constant 0 : i32
      %dma_start3A_1019 = tpu.memref_slice %arg24[%dma_start3A, %dma_start3A_1018] : memref<7680x128xf32, #tpu.memory_space<vmem_shared>> -> memref<7680x128xf32, #tpu.memory_space<vmem_shared>>
      tpu.enqueue_indirect_dma source(%arg15 : memref<80x128xf32, #tpu.memory_space<vmem>>) target(%dma_start3A_1019 : memref<7680x128xf32, #tpu.memory_space<vmem_shared>>) offsets(%arg21 : memref<80xi32, #tpu.memory_space<vmem>>) semaphore(%arg46 : memref<!tpu.dma_semaphore, #tpu.memory_space<semaphore_mem>>) {add = true}
    } else {
    }
    %add3A_652 = arith.constant 288 : i32
    %add3A_653 = arith.addi %add3A, %add3A_652 : i32
    %lt3A_654 = arith.constant 625 : i32
    %lt3A_655 = arith.cmpi slt, %add3A_653, %lt3A_654 : i32
    %convert_element_type3A_656 = arith.extui %lt3A_655 : i1 to i32
    %cond3A_657 = arith.constant 0 : i32
    %cond3A_658 = arith.cmpi ne, %convert_element_type3A_656, %cond3A_657 : i32
    scf.if %cond3A_658 {
      %dma_wait3A = arith.constant 0 : i32
      %dma_wait3A_1002 = arith.constant 0 : i32
      %dma_wait3A_1003 = tpu.memref_slice %arg24[%dma_wait3A, %dma_wait3A_1002] : memref<7680x128xf32, #tpu.memory_space<vmem_shared>> -> memref<7680x128xf32, #tpu.memory_space<vmem_shared>>
      tpu.wait_indirect_dma semaphore(%arg46 : memref<!tpu.dma_semaphore, #tpu.memory_space<semaphore_mem>>) src(%arg15 : memref<80x128xf32, #tpu.memory_space<vmem>>) dst(%dma_wait3A_1003 : memref<7680x128xf32, #tpu.memory_space<vmem_shared>>)
      %mul3A_1004 = arith.constant 6 : i32
      %mul3A_1005 = arith.muli %arg1, %mul3A_1004 : i32
      %add3A_1006 = arith.constant 3 : i32
      %add3A_1007 = arith.addi %mul3A_1005, %add3A_1006 : i32
      %mul3A_1008 = arith.constant 80 : i32
      %mul3A_1009 = arith.muli %add3A_1007, %mul3A_1008 : i32
      %add3A_1010 = arith.constant 288 : i32
      %add3A_1011 = arith.addi %add3A, %add3A_1010 : i32
      %mul3A_1012 = arith.constant 80 : i32
      %mul3A_1013 = arith.muli %add3A_1011, %mul3A_1012 : i32
      %dma_start3A = arith.constant 0 : i32
      %dma_start3A_1014 = tpu.memref_slice %arg5[%mul3A_1013, %dma_start3A] : memref<50000x128xf32, #tpu.memory_space<hbm>> -> memref<80x128xf32, #tpu.memory_space<hbm>>
      %dma_start3A_1015 = arith.constant 0 : i32
      %dma_start3A_1016 = tpu.memref_slice %arg24[%mul3A_1009, %dma_start3A_1015] : memref<7680x128xf32, #tpu.memory_space<vmem_shared>> -> memref<80x128xf32, #tpu.memory_space<vmem_shared>>
      tpu.enqueue_dma source(%dma_start3A_1016 : memref<80x128xf32, #tpu.memory_space<vmem_shared>>) target(%dma_start3A_1014 : memref<80x128xf32, #tpu.memory_space<hbm>>) target_semaphore(%arg52 : memref<!tpu.dma_semaphore, #tpu.memory_space<semaphore_mem>>)
    } else {
    }
    %add3A_659 = arith.constant 224 : i32
    %add3A_660 = arith.addi %add3A, %add3A_659 : i32
    %lt3A_661 = arith.constant 625 : i32
    %lt3A_662 = arith.cmpi slt, %add3A_660, %lt3A_661 : i32
    %convert_element_type3A_663 = arith.extui %lt3A_662 : i1 to i32
    %cond3A_664 = arith.constant 0 : i32
    %cond3A_665 = arith.cmpi ne, %convert_element_type3A_663, %cond3A_664 : i32
    scf.if %cond3A_665 {
      %mul3A_1002 = arith.constant 6 : i32
      %mul3A_1003 = arith.muli %arg1, %mul3A_1002 : i32
      %add3A_1004 = arith.constant 1 : i32
      %add3A_1005 = arith.addi %mul3A_1003, %add3A_1004 : i32
      %mul3A_1006 = arith.constant 80 : i32
      %mul3A_1007 = arith.muli %add3A_1005, %mul3A_1006 : i32
      %add3A_1008 = arith.constant 224 : i32
      %add3A_1009 = arith.addi %add3A, %add3A_1008 : i32
      %mul3A_1010 = arith.constant 80 : i32
      %mul3A_1011 = arith.muli %add3A_1009, %mul3A_1010 : i32
      %dma_wait3A = arith.constant 0 : i32
      %dma_wait3A_1012 = tpu.memref_slice %arg5[%mul3A_1011, %dma_wait3A] : memref<50000x128xf32, #tpu.memory_space<hbm>> -> memref<80x128xf32, #tpu.memory_space<hbm>>
      %dma_wait3A_1013 = arith.constant 0 : i32
      %dma_wait3A_1014 = tpu.memref_slice %arg24[%mul3A_1007, %dma_wait3A_1013] : memref<7680x128xf32, #tpu.memory_space<vmem_shared>> -> memref<80x128xf32, #tpu.memory_space<vmem_shared>>
      tpu.wait_dma2 semaphore(%arg50 : memref<!tpu.dma_semaphore, #tpu.memory_space<semaphore_mem>>) src(%dma_wait3A_1014 : memref<80x128xf32, #tpu.memory_space<vmem_shared>>) dst(%dma_wait3A_1012 : memref<80x128xf32, #tpu.memory_space<hbm>>)
    } else {
    }
    %add3A_666 = arith.constant 416 : i32
    %add3A_667 = arith.addi %add3A, %add3A_666 : i32
    %lt3A_668 = arith.constant 625 : i32
    %lt3A_669 = arith.cmpi slt, %add3A_667, %lt3A_668 : i32
    %convert_element_type3A_670 = arith.extui %lt3A_669 : i1 to i32
    %cond3A_671 = arith.constant 0 : i32
    %cond3A_672 = arith.cmpi ne, %convert_element_type3A_670, %cond3A_671 : i32
    scf.if %cond3A_672 {
      %add3A_1002 = arith.constant 416 : i32
      %add3A_1003 = arith.addi %add3A, %add3A_1002 : i32
      %mul3A_1004 = arith.constant 80 : i32
      %mul3A_1005 = arith.muli %add3A_1003, %mul3A_1004 : i32
      %dma_start3A = tpu.memref_slice %arg2[%mul3A_1005] : memref<50000xi32, #tpu.memory_space<hbm>> -> memref<80xi32, #tpu.memory_space<hbm>>
      %dma_start3A_1006 = tpu.memref_slice %arg2[%mul3A_1005] : memref<50000xi32, #tpu.memory_space<hbm>> -> memref<80xi32, #tpu.memory_space<hbm>>
      tpu.enqueue_dma source(%dma_start3A_1006 : memref<80xi32, #tpu.memory_space<hbm>>) target(%arg7 : memref<80xi32, #tpu.memory_space<vmem>>) target_semaphore(%arg26 : memref<!tpu.dma_semaphore, #tpu.memory_space<semaphore_mem>>)
      %add3A_1007 = arith.constant 416 : i32
      %add3A_1008 = arith.addi %add3A, %add3A_1007 : i32
      %mul3A_1009 = arith.constant 80 : i32
      %mul3A_1010 = arith.muli %add3A_1008, %mul3A_1009 : i32
      %mul3A_1011 = arith.constant 6 : i32
      %mul3A_1012 = arith.muli %arg1, %mul3A_1011 : i32
      %add3A_1013 = arith.constant 1 : i32
      %add3A_1014 = arith.addi %mul3A_1012, %add3A_1013 : i32
      %mul3A_1015 = arith.constant 80 : i32
      %mul3A_1016 = arith.muli %add3A_1014, %mul3A_1015 : i32
      %dma_start3A_1017 = arith.constant 0 : i32
      %dma_start3A_1018 = tpu.memref_slice %arg24[%mul3A_1016, %dma_start3A_1017] : memref<7680x128xf32, #tpu.memory_space<vmem_shared>> -> memref<80x128xf32, #tpu.memory_space<vmem_shared>>
      %dma_start3A_1019 = arith.constant 0 : i32
      %dma_start3A_1020 = tpu.memref_slice %arg3[%mul3A_1010, %dma_start3A_1019] : memref<50000x128xf32, #tpu.memory_space<hbm>> -> memref<80x128xf32, #tpu.memory_space<hbm>>
      tpu.enqueue_dma source(%dma_start3A_1020 : memref<80x128xf32, #tpu.memory_space<hbm>>) target(%dma_start3A_1018 : memref<80x128xf32, #tpu.memory_space<vmem_shared>>) target_semaphore(%arg32 : memref<!tpu.dma_semaphore, #tpu.memory_space<semaphore_mem>>)
    } else {
    }
    %add3A_673 = arith.constant 352 : i32
    %add3A_674 = arith.addi %add3A, %add3A_673 : i32
    %lt3A_675 = arith.constant 625 : i32
    %lt3A_676 = arith.cmpi slt, %add3A_674, %lt3A_675 : i32
    %convert_element_type3A_677 = arith.extui %lt3A_676 : i1 to i32
    %cond3A_678 = arith.constant 0 : i32
    %cond3A_679 = arith.cmpi ne, %convert_element_type3A_677, %cond3A_678 : i32
    scf.if %cond3A_679 {
      %add3A_1002 = arith.constant 352 : i32
      %add3A_1003 = arith.addi %add3A, %add3A_1002 : i32
      %mul3A_1004 = arith.constant 80 : i32
      %mul3A_1005 = arith.muli %add3A_1003, %mul3A_1004 : i32
      %dma_wait3A = tpu.memref_slice %arg2[%mul3A_1005] : memref<50000xi32, #tpu.memory_space<hbm>> -> memref<80xi32, #tpu.memory_space<hbm>>
      %dma_wait3A_1006 = tpu.memref_slice %arg2[%mul3A_1005] : memref<50000xi32, #tpu.memory_space<hbm>> -> memref<80xi32, #tpu.memory_space<hbm>>
      tpu.wait_dma2 semaphore(%arg30 : memref<!tpu.dma_semaphore, #tpu.memory_space<semaphore_mem>>) src(%dma_wait3A_1006 : memref<80xi32, #tpu.memory_space<hbm>>) dst(%arg11 : memref<80xi32, #tpu.memory_space<vmem>>)
      %dma_start3A = arith.constant 0 : i32
      %dma_start3A_1007 = arith.constant 0 : i32
      %dma_start3A_1008 = tpu.memref_slice %arg4[%dma_start3A, %dma_start3A_1007] : memref<100000x128xf32, #tpu.memory_space<hbm>> -> memref<100000x128xf32, #tpu.memory_space<hbm>>
      tpu.enqueue_indirect_dma source(%dma_start3A_1008 : memref<100000x128xf32, #tpu.memory_space<hbm>>) target(%arg17 : memref<80x128xf32, #tpu.memory_space<vmem>>) offsets(%arg11 : memref<80xi32, #tpu.memory_space<vmem>>) semaphore(%arg42 : memref<!tpu.dma_semaphore, #tpu.memory_space<semaphore_mem>>)
    } else {
    }
    %add3A_680 = arith.constant 320 : i32
    %add3A_681 = arith.addi %add3A, %add3A_680 : i32
    %lt3A_682 = arith.constant 625 : i32
    %lt3A_683 = arith.cmpi slt, %add3A_681, %lt3A_682 : i32
    %convert_element_type3A_684 = arith.extui %lt3A_683 : i1 to i32
    %cond3A_685 = arith.constant 0 : i32
    %cond3A_686 = arith.cmpi ne, %convert_element_type3A_684, %cond3A_685 : i32
    scf.if %cond3A_686 {
      %dma_wait3A = arith.constant 0 : i32
      %dma_wait3A_1002 = arith.constant 0 : i32
      %dma_wait3A_1003 = tpu.memref_slice %arg4[%dma_wait3A, %dma_wait3A_1002] : memref<100000x128xf32, #tpu.memory_space<hbm>> -> memref<100000x128xf32, #tpu.memory_space<hbm>>
      tpu.wait_indirect_dma semaphore(%arg41 : memref<!tpu.dma_semaphore, #tpu.memory_space<semaphore_mem>>) src(%dma_wait3A_1003 : memref<100000x128xf32, #tpu.memory_space<hbm>>) dst(%arg16 : memref<80x128xf32, #tpu.memory_space<vmem>>)
      %add3A_1004 = arith.constant 320 : i32
      %add3A_1005 = arith.addi %add3A, %add3A_1004 : i32
      %mul3A_1006 = arith.constant 80 : i32
      %mul3A_1007 = arith.muli %add3A_1005, %mul3A_1006 : i32
      %mul3A_1008 = arith.constant 6 : i32
      %mul3A_1009 = arith.muli %arg1, %mul3A_1008 : i32
      %add3A_1010 = arith.constant 4 : i32
      %add3A_1011 = arith.addi %mul3A_1009, %add3A_1010 : i32
      %mul3A_1012 = arith.constant 80 : i32
      %mul3A_1013 = arith.muli %add3A_1011, %mul3A_1012 : i32
      %dma_wait3A_1014 = arith.constant 0 : i32
      %dma_wait3A_1015 = tpu.memref_slice %arg24[%mul3A_1013, %dma_wait3A_1014] : memref<7680x128xf32, #tpu.memory_space<vmem_shared>> -> memref<80x128xf32, #tpu.memory_space<vmem_shared>>
      %dma_wait3A_1016 = arith.constant 0 : i32
      %dma_wait3A_1017 = tpu.memref_slice %arg3[%mul3A_1007, %dma_wait3A_1016] : memref<50000x128xf32, #tpu.memory_space<hbm>> -> memref<80x128xf32, #tpu.memory_space<hbm>>
      tpu.wait_dma2 semaphore(%arg35 : memref<!tpu.dma_semaphore, #tpu.memory_space<semaphore_mem>>) src(%dma_wait3A_1017 : memref<80x128xf32, #tpu.memory_space<hbm>>) dst(%dma_wait3A_1015 : memref<80x128xf32, #tpu.memory_space<vmem_shared>>)
      %dma_start3A = arith.constant 0 : i32
      %dma_start3A_1018 = arith.constant 0 : i32
      %dma_start3A_1019 = tpu.memref_slice %arg24[%dma_start3A, %dma_start3A_1018] : memref<7680x128xf32, #tpu.memory_space<vmem_shared>> -> memref<7680x128xf32, #tpu.memory_space<vmem_shared>>
      tpu.enqueue_indirect_dma source(%arg16 : memref<80x128xf32, #tpu.memory_space<vmem>>) target(%dma_start3A_1019 : memref<7680x128xf32, #tpu.memory_space<vmem_shared>>) offsets(%arg22 : memref<80xi32, #tpu.memory_space<vmem>>) semaphore(%arg47 : memref<!tpu.dma_semaphore, #tpu.memory_space<semaphore_mem>>) {add = true}
    } else {
    }
    %add3A_687 = arith.constant 320 : i32
    %add3A_688 = arith.addi %add3A, %add3A_687 : i32
    %lt3A_689 = arith.constant 625 : i32
    %lt3A_690 = arith.cmpi slt, %add3A_688, %lt3A_689 : i32
    %convert_element_type3A_691 = arith.extui %lt3A_690 : i1 to i32
    %cond3A_692 = arith.constant 0 : i32
    %cond3A_693 = arith.cmpi ne, %convert_element_type3A_691, %cond3A_692 : i32
    scf.if %cond3A_693 {
      %dma_wait3A = arith.constant 0 : i32
      %dma_wait3A_1002 = arith.constant 0 : i32
      %dma_wait3A_1003 = tpu.memref_slice %arg24[%dma_wait3A, %dma_wait3A_1002] : memref<7680x128xf32, #tpu.memory_space<vmem_shared>> -> memref<7680x128xf32, #tpu.memory_space<vmem_shared>>
      tpu.wait_indirect_dma semaphore(%arg47 : memref<!tpu.dma_semaphore, #tpu.memory_space<semaphore_mem>>) src(%arg16 : memref<80x128xf32, #tpu.memory_space<vmem>>) dst(%dma_wait3A_1003 : memref<7680x128xf32, #tpu.memory_space<vmem_shared>>)
      %mul3A_1004 = arith.constant 6 : i32
      %mul3A_1005 = arith.muli %arg1, %mul3A_1004 : i32
      %add3A_1006 = arith.constant 4 : i32
      %add3A_1007 = arith.addi %mul3A_1005, %add3A_1006 : i32
      %mul3A_1008 = arith.constant 80 : i32
      %mul3A_1009 = arith.muli %add3A_1007, %mul3A_1008 : i32
      %add3A_1010 = arith.constant 320 : i32
      %add3A_1011 = arith.addi %add3A, %add3A_1010 : i32
      %mul3A_1012 = arith.constant 80 : i32
      %mul3A_1013 = arith.muli %add3A_1011, %mul3A_1012 : i32
      %dma_start3A = arith.constant 0 : i32
      %dma_start3A_1014 = tpu.memref_slice %arg5[%mul3A_1013, %dma_start3A] : memref<50000x128xf32, #tpu.memory_space<hbm>> -> memref<80x128xf32, #tpu.memory_space<hbm>>
      %dma_start3A_1015 = arith.constant 0 : i32
      %dma_start3A_1016 = tpu.memref_slice %arg24[%mul3A_1009, %dma_start3A_1015] : memref<7680x128xf32, #tpu.memory_space<vmem_shared>> -> memref<80x128xf32, #tpu.memory_space<vmem_shared>>
      tpu.enqueue_dma source(%dma_start3A_1016 : memref<80x128xf32, #tpu.memory_space<vmem_shared>>) target(%dma_start3A_1014 : memref<80x128xf32, #tpu.memory_space<hbm>>) target_semaphore(%arg53 : memref<!tpu.dma_semaphore, #tpu.memory_space<semaphore_mem>>)
    } else {
    }
    %add3A_694 = arith.constant 256 : i32
    %add3A_695 = arith.addi %add3A, %add3A_694 : i32
    %lt3A_696 = arith.constant 625 : i32
    %lt3A_697 = arith.cmpi slt, %add3A_695, %lt3A_696 : i32
    %convert_element_type3A_698 = arith.extui %lt3A_697 : i1 to i32
    %cond3A_699 = arith.constant 0 : i32
    %cond3A_700 = arith.cmpi ne, %convert_element_type3A_698, %cond3A_699 : i32
    scf.if %cond3A_700 {
      %mul3A_1002 = arith.constant 6 : i32
      %mul3A_1003 = arith.muli %arg1, %mul3A_1002 : i32
      %add3A_1004 = arith.constant 2 : i32
      %add3A_1005 = arith.addi %mul3A_1003, %add3A_1004 : i32
      %mul3A_1006 = arith.constant 80 : i32
      %mul3A_1007 = arith.muli %add3A_1005, %mul3A_1006 : i32
      %add3A_1008 = arith.constant 256 : i32
      %add3A_1009 = arith.addi %add3A, %add3A_1008 : i32
      %mul3A_1010 = arith.constant 80 : i32
      %mul3A_1011 = arith.muli %add3A_1009, %mul3A_1010 : i32
      %dma_wait3A = arith.constant 0 : i32
      %dma_wait3A_1012 = tpu.memref_slice %arg5[%mul3A_1011, %dma_wait3A] : memref<50000x128xf32, #tpu.memory_space<hbm>> -> memref<80x128xf32, #tpu.memory_space<hbm>>
      %dma_wait3A_1013 = arith.constant 0 : i32
      %dma_wait3A_1014 = tpu.memref_slice %arg24[%mul3A_1007, %dma_wait3A_1013] : memref<7680x128xf32, #tpu.memory_space<vmem_shared>> -> memref<80x128xf32, #tpu.memory_space<vmem_shared>>
      tpu.wait_dma2 semaphore(%arg51 : memref<!tpu.dma_semaphore, #tpu.memory_space<semaphore_mem>>) src(%dma_wait3A_1014 : memref<80x128xf32, #tpu.memory_space<vmem_shared>>) dst(%dma_wait3A_1012 : memref<80x128xf32, #tpu.memory_space<hbm>>)
    } else {
    }
    %add3A_701 = arith.constant 448 : i32
    %add3A_702 = arith.addi %add3A, %add3A_701 : i32
    %lt3A_703 = arith.constant 625 : i32
    %lt3A_704 = arith.cmpi slt, %add3A_702, %lt3A_703 : i32
    %convert_element_type3A_705 = arith.extui %lt3A_704 : i1 to i32
    %cond3A_706 = arith.constant 0 : i32
    %cond3A_707 = arith.cmpi ne, %convert_element_type3A_705, %cond3A_706 : i32
    scf.if %cond3A_707 {
      %add3A_1002 = arith.constant 448 : i32
      %add3A_1003 = arith.addi %add3A, %add3A_1002 : i32
      %mul3A_1004 = arith.constant 80 : i32
      %mul3A_1005 = arith.muli %add3A_1003, %mul3A_1004 : i32
      %dma_start3A = tpu.memref_slice %arg2[%mul3A_1005] : memref<50000xi32, #tpu.memory_space<hbm>> -> memref<80xi32, #tpu.memory_space<hbm>>
      %dma_start3A_1006 = tpu.memref_slice %arg2[%mul3A_1005] : memref<50000xi32, #tpu.memory_space<hbm>> -> memref<80xi32, #tpu.memory_space<hbm>>
      tpu.enqueue_dma source(%dma_start3A_1006 : memref<80xi32, #tpu.memory_space<hbm>>) target(%arg8 : memref<80xi32, #tpu.memory_space<vmem>>) target_semaphore(%arg27 : memref<!tpu.dma_semaphore, #tpu.memory_space<semaphore_mem>>)
      %add3A_1007 = arith.constant 448 : i32
      %add3A_1008 = arith.addi %add3A, %add3A_1007 : i32
      %mul3A_1009 = arith.constant 80 : i32
      %mul3A_1010 = arith.muli %add3A_1008, %mul3A_1009 : i32
      %mul3A_1011 = arith.constant 6 : i32
      %mul3A_1012 = arith.muli %arg1, %mul3A_1011 : i32
      %add3A_1013 = arith.constant 2 : i32
      %add3A_1014 = arith.addi %mul3A_1012, %add3A_1013 : i32
      %mul3A_1015 = arith.constant 80 : i32
      %mul3A_1016 = arith.muli %add3A_1014, %mul3A_1015 : i32
      %dma_start3A_1017 = arith.constant 0 : i32
      %dma_start3A_1018 = tpu.memref_slice %arg24[%mul3A_1016, %dma_start3A_1017] : memref<7680x128xf32, #tpu.memory_space<vmem_shared>> -> memref<80x128xf32, #tpu.memory_space<vmem_shared>>
      %dma_start3A_1019 = arith.constant 0 : i32
      %dma_start3A_1020 = tpu.memref_slice %arg3[%mul3A_1010, %dma_start3A_1019] : memref<50000x128xf32, #tpu.memory_space<hbm>> -> memref<80x128xf32, #tpu.memory_space<hbm>>
      tpu.enqueue_dma source(%dma_start3A_1020 : memref<80x128xf32, #tpu.memory_space<hbm>>) target(%dma_start3A_1018 : memref<80x128xf32, #tpu.memory_space<vmem_shared>>) target_semaphore(%arg33 : memref<!tpu.dma_semaphore, #tpu.memory_space<semaphore_mem>>)
    } else {
    }
    %add3A_708 = arith.constant 384 : i32
    %add3A_709 = arith.addi %add3A, %add3A_708 : i32
    %lt3A_710 = arith.constant 625 : i32
    %lt3A_711 = arith.cmpi slt, %add3A_709, %lt3A_710 : i32
    %convert_element_type3A_712 = arith.extui %lt3A_711 : i1 to i32
    %cond3A_713 = arith.constant 0 : i32
    %cond3A_714 = arith.cmpi ne, %convert_element_type3A_712, %cond3A_713 : i32
    scf.if %cond3A_714 {
      %add3A_1002 = arith.constant 384 : i32
      %add3A_1003 = arith.addi %add3A, %add3A_1002 : i32
      %mul3A_1004 = arith.constant 80 : i32
      %mul3A_1005 = arith.muli %add3A_1003, %mul3A_1004 : i32
      %dma_wait3A = tpu.memref_slice %arg2[%mul3A_1005] : memref<50000xi32, #tpu.memory_space<hbm>> -> memref<80xi32, #tpu.memory_space<hbm>>
      %dma_wait3A_1006 = tpu.memref_slice %arg2[%mul3A_1005] : memref<50000xi32, #tpu.memory_space<hbm>> -> memref<80xi32, #tpu.memory_space<hbm>>
      tpu.wait_dma2 semaphore(%arg25 : memref<!tpu.dma_semaphore, #tpu.memory_space<semaphore_mem>>) src(%dma_wait3A_1006 : memref<80xi32, #tpu.memory_space<hbm>>) dst(%arg6 : memref<80xi32, #tpu.memory_space<vmem>>)
      %dma_start3A = arith.constant 0 : i32
      %dma_start3A_1007 = arith.constant 0 : i32
      %dma_start3A_1008 = tpu.memref_slice %arg4[%dma_start3A, %dma_start3A_1007] : memref<100000x128xf32, #tpu.memory_space<hbm>> -> memref<100000x128xf32, #tpu.memory_space<hbm>>
      tpu.enqueue_indirect_dma source(%dma_start3A_1008 : memref<100000x128xf32, #tpu.memory_space<hbm>>) target(%arg12 : memref<80x128xf32, #tpu.memory_space<vmem>>) offsets(%arg6 : memref<80xi32, #tpu.memory_space<vmem>>) semaphore(%arg37 : memref<!tpu.dma_semaphore, #tpu.memory_space<semaphore_mem>>)
    } else {
    }
    %add3A_715 = arith.constant 352 : i32
    %add3A_716 = arith.addi %add3A, %add3A_715 : i32
    %lt3A_717 = arith.constant 625 : i32
    %lt3A_718 = arith.cmpi slt, %add3A_716, %lt3A_717 : i32
    %convert_element_type3A_719 = arith.extui %lt3A_718 : i1 to i32
    %cond3A_720 = arith.constant 0 : i32
    %cond3A_721 = arith.cmpi ne, %convert_element_type3A_719, %cond3A_720 : i32
    scf.if %cond3A_721 {
      %dma_wait3A = arith.constant 0 : i32
      %dma_wait3A_1002 = arith.constant 0 : i32
      %dma_wait3A_1003 = tpu.memref_slice %arg4[%dma_wait3A, %dma_wait3A_1002] : memref<100000x128xf32, #tpu.memory_space<hbm>> -> memref<100000x128xf32, #tpu.memory_space<hbm>>
      tpu.wait_indirect_dma semaphore(%arg42 : memref<!tpu.dma_semaphore, #tpu.memory_space<semaphore_mem>>) src(%dma_wait3A_1003 : memref<100000x128xf32, #tpu.memory_space<hbm>>) dst(%arg17 : memref<80x128xf32, #tpu.memory_space<vmem>>)
      %add3A_1004 = arith.constant 352 : i32
      %add3A_1005 = arith.addi %add3A, %add3A_1004 : i32
      %mul3A_1006 = arith.constant 80 : i32
      %mul3A_1007 = arith.muli %add3A_1005, %mul3A_1006 : i32
      %mul3A_1008 = arith.constant 6 : i32
      %mul3A_1009 = arith.muli %arg1, %mul3A_1008 : i32
      %add3A_1010 = arith.constant 5 : i32
      %add3A_1011 = arith.addi %mul3A_1009, %add3A_1010 : i32
      %mul3A_1012 = arith.constant 80 : i32
      %mul3A_1013 = arith.muli %add3A_1011, %mul3A_1012 : i32
      %dma_wait3A_1014 = arith.constant 0 : i32
      %dma_wait3A_1015 = tpu.memref_slice %arg24[%mul3A_1013, %dma_wait3A_1014] : memref<7680x128xf32, #tpu.memory_space<vmem_shared>> -> memref<80x128xf32, #tpu.memory_space<vmem_shared>>
      %dma_wait3A_1016 = arith.constant 0 : i32
      %dma_wait3A_1017 = tpu.memref_slice %arg3[%mul3A_1007, %dma_wait3A_1016] : memref<50000x128xf32, #tpu.memory_space<hbm>> -> memref<80x128xf32, #tpu.memory_space<hbm>>
      tpu.wait_dma2 semaphore(%arg36 : memref<!tpu.dma_semaphore, #tpu.memory_space<semaphore_mem>>) src(%dma_wait3A_1017 : memref<80x128xf32, #tpu.memory_space<hbm>>) dst(%dma_wait3A_1015 : memref<80x128xf32, #tpu.memory_space<vmem_shared>>)
      %dma_start3A = arith.constant 0 : i32
      %dma_start3A_1018 = arith.constant 0 : i32
      %dma_start3A_1019 = tpu.memref_slice %arg24[%dma_start3A, %dma_start3A_1018] : memref<7680x128xf32, #tpu.memory_space<vmem_shared>> -> memref<7680x128xf32, #tpu.memory_space<vmem_shared>>
      tpu.enqueue_indirect_dma source(%arg17 : memref<80x128xf32, #tpu.memory_space<vmem>>) target(%dma_start3A_1019 : memref<7680x128xf32, #tpu.memory_space<vmem_shared>>) offsets(%arg23 : memref<80xi32, #tpu.memory_space<vmem>>) semaphore(%arg48 : memref<!tpu.dma_semaphore, #tpu.memory_space<semaphore_mem>>) {add = true}
    } else {
    }
    %add3A_722 = arith.constant 352 : i32
    %add3A_723 = arith.addi %add3A, %add3A_722 : i32
    %lt3A_724 = arith.constant 625 : i32
    %lt3A_725 = arith.cmpi slt, %add3A_723, %lt3A_724 : i32
    %convert_element_type3A_726 = arith.extui %lt3A_725 : i1 to i32
    %cond3A_727 = arith.constant 0 : i32
    %cond3A_728 = arith.cmpi ne, %convert_element_type3A_726, %cond3A_727 : i32
    scf.if %cond3A_728 {
      %dma_wait3A = arith.constant 0 : i32
      %dma_wait3A_1002 = arith.constant 0 : i32
      %dma_wait3A_1003 = tpu.memref_slice %arg24[%dma_wait3A, %dma_wait3A_1002] : memref<7680x128xf32, #tpu.memory_space<vmem_shared>> -> memref<7680x128xf32, #tpu.memory_space<vmem_shared>>
      tpu.wait_indirect_dma semaphore(%arg48 : memref<!tpu.dma_semaphore, #tpu.memory_space<semaphore_mem>>) src(%arg17 : memref<80x128xf32, #tpu.memory_space<vmem>>) dst(%dma_wait3A_1003 : memref<7680x128xf32, #tpu.memory_space<vmem_shared>>)
      %mul3A_1004 = arith.constant 6 : i32
      %mul3A_1005 = arith.muli %arg1, %mul3A_1004 : i32
      %add3A_1006 = arith.constant 5 : i32
      %add3A_1007 = arith.addi %mul3A_1005, %add3A_1006 : i32
      %mul3A_1008 = arith.constant 80 : i32
      %mul3A_1009 = arith.muli %add3A_1007, %mul3A_1008 : i32
      %add3A_1010 = arith.constant 352 : i32
      %add3A_1011 = arith.addi %add3A, %add3A_1010 : i32
      %mul3A_1012 = arith.constant 80 : i32
      %mul3A_1013 = arith.muli %add3A_1011, %mul3A_1012 : i32
      %dma_start3A = arith.constant 0 : i32
      %dma_start3A_1014 = tpu.memref_slice %arg5[%mul3A_1013, %dma_start3A] : memref<50000x128xf32, #tpu.memory_space<hbm>> -> memref<80x128xf32, #tpu.memory_space<hbm>>
      %dma_start3A_1015 = arith.constant 0 : i32
      %dma_start3A_1016 = tpu.memref_slice %arg24[%mul3A_1009, %dma_start3A_1015] : memref<7680x128xf32, #tpu.memory_space<vmem_shared>> -> memref<80x128xf32, #tpu.memory_space<vmem_shared>>
      tpu.enqueue_dma source(%dma_start3A_1016 : memref<80x128xf32, #tpu.memory_space<vmem_shared>>) target(%dma_start3A_1014 : memref<80x128xf32, #tpu.memory_space<hbm>>) target_semaphore(%arg54 : memref<!tpu.dma_semaphore, #tpu.memory_space<semaphore_mem>>)
    } else {
    }
    %add3A_729 = arith.constant 288 : i32
    %add3A_730 = arith.addi %add3A, %add3A_729 : i32
    %lt3A_731 = arith.constant 625 : i32
    %lt3A_732 = arith.cmpi slt, %add3A_730, %lt3A_731 : i32
    %convert_element_type3A_733 = arith.extui %lt3A_732 : i1 to i32
    %cond3A_734 = arith.constant 0 : i32
    %cond3A_735 = arith.cmpi ne, %convert_element_type3A_733, %cond3A_734 : i32
    scf.if %cond3A_735 {
      %mul3A_1002 = arith.constant 6 : i32
      %mul3A_1003 = arith.muli %arg1, %mul3A_1002 : i32
      %add3A_1004 = arith.constant 3 : i32
      %add3A_1005 = arith.addi %mul3A_1003, %add3A_1004 : i32
      %mul3A_1006 = arith.constant 80 : i32
      %mul3A_1007 = arith.muli %add3A_1005, %mul3A_1006 : i32
      %add3A_1008 = arith.constant 288 : i32
      %add3A_1009 = arith.addi %add3A, %add3A_1008 : i32
      %mul3A_1010 = arith.constant 80 : i32
      %mul3A_1011 = arith.muli %add3A_1009, %mul3A_1010 : i32
      %dma_wait3A = arith.constant 0 : i32
      %dma_wait3A_1012 = tpu.memref_slice %arg5[%mul3A_1011, %dma_wait3A] : memref<50000x128xf32, #tpu.memory_space<hbm>> -> memref<80x128xf32, #tpu.memory_space<hbm>>
      %dma_wait3A_1013 = arith.constant 0 : i32
      %dma_wait3A_1014 = tpu.memref_slice %arg24[%mul3A_1007, %dma_wait3A_1013] : memref<7680x128xf32, #tpu.memory_space<vmem_shared>> -> memref<80x128xf32, #tpu.memory_space<vmem_shared>>
      tpu.wait_dma2 semaphore(%arg52 : memref<!tpu.dma_semaphore, #tpu.memory_space<semaphore_mem>>) src(%dma_wait3A_1014 : memref<80x128xf32, #tpu.memory_space<vmem_shared>>) dst(%dma_wait3A_1012 : memref<80x128xf32, #tpu.memory_space<hbm>>)
    } else {
    }
    %add3A_736 = arith.constant 480 : i32
    %add3A_737 = arith.addi %add3A, %add3A_736 : i32
    %lt3A_738 = arith.constant 625 : i32
    %lt3A_739 = arith.cmpi slt, %add3A_737, %lt3A_738 : i32
    %convert_element_type3A_740 = arith.extui %lt3A_739 : i1 to i32
    %cond3A_741 = arith.constant 0 : i32
    %cond3A_742 = arith.cmpi ne, %convert_element_type3A_740, %cond3A_741 : i32
    scf.if %cond3A_742 {
      %add3A_1002 = arith.constant 480 : i32
      %add3A_1003 = arith.addi %add3A, %add3A_1002 : i32
      %mul3A_1004 = arith.constant 80 : i32
      %mul3A_1005 = arith.muli %add3A_1003, %mul3A_1004 : i32
      %dma_start3A = tpu.memref_slice %arg2[%mul3A_1005] : memref<50000xi32, #tpu.memory_space<hbm>> -> memref<80xi32, #tpu.memory_space<hbm>>
      %dma_start3A_1006 = tpu.memref_slice %arg2[%mul3A_1005] : memref<50000xi32, #tpu.memory_space<hbm>> -> memref<80xi32, #tpu.memory_space<hbm>>
      tpu.enqueue_dma source(%dma_start3A_1006 : memref<80xi32, #tpu.memory_space<hbm>>) target(%arg9 : memref<80xi32, #tpu.memory_space<vmem>>) target_semaphore(%arg28 : memref<!tpu.dma_semaphore, #tpu.memory_space<semaphore_mem>>)
      %add3A_1007 = arith.constant 480 : i32
      %add3A_1008 = arith.addi %add3A, %add3A_1007 : i32
      %mul3A_1009 = arith.constant 80 : i32
      %mul3A_1010 = arith.muli %add3A_1008, %mul3A_1009 : i32
      %mul3A_1011 = arith.constant 6 : i32
      %mul3A_1012 = arith.muli %arg1, %mul3A_1011 : i32
      %add3A_1013 = arith.constant 3 : i32
      %add3A_1014 = arith.addi %mul3A_1012, %add3A_1013 : i32
      %mul3A_1015 = arith.constant 80 : i32
      %mul3A_1016 = arith.muli %add3A_1014, %mul3A_1015 : i32
      %dma_start3A_1017 = arith.constant 0 : i32
      %dma_start3A_1018 = tpu.memref_slice %arg24[%mul3A_1016, %dma_start3A_1017] : memref<7680x128xf32, #tpu.memory_space<vmem_shared>> -> memref<80x128xf32, #tpu.memory_space<vmem_shared>>
      %dma_start3A_1019 = arith.constant 0 : i32
      %dma_start3A_1020 = tpu.memref_slice %arg3[%mul3A_1010, %dma_start3A_1019] : memref<50000x128xf32, #tpu.memory_space<hbm>> -> memref<80x128xf32, #tpu.memory_space<hbm>>
      tpu.enqueue_dma source(%dma_start3A_1020 : memref<80x128xf32, #tpu.memory_space<hbm>>) target(%dma_start3A_1018 : memref<80x128xf32, #tpu.memory_space<vmem_shared>>) target_semaphore(%arg34 : memref<!tpu.dma_semaphore, #tpu.memory_space<semaphore_mem>>)
    } else {
    }
    %add3A_743 = arith.constant 416 : i32
    %add3A_744 = arith.addi %add3A, %add3A_743 : i32
    %lt3A_745 = arith.constant 625 : i32
    %lt3A_746 = arith.cmpi slt, %add3A_744, %lt3A_745 : i32
    %convert_element_type3A_747 = arith.extui %lt3A_746 : i1 to i32
    %cond3A_748 = arith.constant 0 : i32
    %cond3A_749 = arith.cmpi ne, %convert_element_type3A_747, %cond3A_748 : i32
    scf.if %cond3A_749 {
      %add3A_1002 = arith.constant 416 : i32
      %add3A_1003 = arith.addi %add3A, %add3A_1002 : i32
      %mul3A_1004 = arith.constant 80 : i32
      %mul3A_1005 = arith.muli %add3A_1003, %mul3A_1004 : i32
      %dma_wait3A = tpu.memref_slice %arg2[%mul3A_1005] : memref<50000xi32, #tpu.memory_space<hbm>> -> memref<80xi32, #tpu.memory_space<hbm>>
      %dma_wait3A_1006 = tpu.memref_slice %arg2[%mul3A_1005] : memref<50000xi32, #tpu.memory_space<hbm>> -> memref<80xi32, #tpu.memory_space<hbm>>
      tpu.wait_dma2 semaphore(%arg26 : memref<!tpu.dma_semaphore, #tpu.memory_space<semaphore_mem>>) src(%dma_wait3A_1006 : memref<80xi32, #tpu.memory_space<hbm>>) dst(%arg7 : memref<80xi32, #tpu.memory_space<vmem>>)
      %dma_start3A = arith.constant 0 : i32
      %dma_start3A_1007 = arith.constant 0 : i32
      %dma_start3A_1008 = tpu.memref_slice %arg4[%dma_start3A, %dma_start3A_1007] : memref<100000x128xf32, #tpu.memory_space<hbm>> -> memref<100000x128xf32, #tpu.memory_space<hbm>>
      tpu.enqueue_indirect_dma source(%dma_start3A_1008 : memref<100000x128xf32, #tpu.memory_space<hbm>>) target(%arg13 : memref<80x128xf32, #tpu.memory_space<vmem>>) offsets(%arg7 : memref<80xi32, #tpu.memory_space<vmem>>) semaphore(%arg38 : memref<!tpu.dma_semaphore, #tpu.memory_space<semaphore_mem>>)
    } else {
    }
    %add3A_750 = arith.constant 384 : i32
    %add3A_751 = arith.addi %add3A, %add3A_750 : i32
    %lt3A_752 = arith.constant 625 : i32
    %lt3A_753 = arith.cmpi slt, %add3A_751, %lt3A_752 : i32
    %convert_element_type3A_754 = arith.extui %lt3A_753 : i1 to i32
    %cond3A_755 = arith.constant 0 : i32
    %cond3A_756 = arith.cmpi ne, %convert_element_type3A_754, %cond3A_755 : i32
    scf.if %cond3A_756 {
      %dma_wait3A = arith.constant 0 : i32
      %dma_wait3A_1002 = arith.constant 0 : i32
      %dma_wait3A_1003 = tpu.memref_slice %arg4[%dma_wait3A, %dma_wait3A_1002] : memref<100000x128xf32, #tpu.memory_space<hbm>> -> memref<100000x128xf32, #tpu.memory_space<hbm>>
      tpu.wait_indirect_dma semaphore(%arg37 : memref<!tpu.dma_semaphore, #tpu.memory_space<semaphore_mem>>) src(%dma_wait3A_1003 : memref<100000x128xf32, #tpu.memory_space<hbm>>) dst(%arg12 : memref<80x128xf32, #tpu.memory_space<vmem>>)
      %add3A_1004 = arith.constant 384 : i32
      %add3A_1005 = arith.addi %add3A, %add3A_1004 : i32
      %mul3A_1006 = arith.constant 80 : i32
      %mul3A_1007 = arith.muli %add3A_1005, %mul3A_1006 : i32
      %mul3A_1008 = arith.constant 6 : i32
      %mul3A_1009 = arith.muli %arg1, %mul3A_1008 : i32
      %add3A_1010 = arith.constant 0 : i32
      %add3A_1011 = arith.addi %mul3A_1009, %add3A_1010 : i32
      %mul3A_1012 = arith.constant 80 : i32
      %mul3A_1013 = arith.muli %add3A_1011, %mul3A_1012 : i32
      %dma_wait3A_1014 = arith.constant 0 : i32
      %dma_wait3A_1015 = tpu.memref_slice %arg24[%mul3A_1013, %dma_wait3A_1014] : memref<7680x128xf32, #tpu.memory_space<vmem_shared>> -> memref<80x128xf32, #tpu.memory_space<vmem_shared>>
      %dma_wait3A_1016 = arith.constant 0 : i32
      %dma_wait3A_1017 = tpu.memref_slice %arg3[%mul3A_1007, %dma_wait3A_1016] : memref<50000x128xf32, #tpu.memory_space<hbm>> -> memref<80x128xf32, #tpu.memory_space<hbm>>
      tpu.wait_dma2 semaphore(%arg31 : memref<!tpu.dma_semaphore, #tpu.memory_space<semaphore_mem>>) src(%dma_wait3A_1017 : memref<80x128xf32, #tpu.memory_space<hbm>>) dst(%dma_wait3A_1015 : memref<80x128xf32, #tpu.memory_space<vmem_shared>>)
      %dma_start3A = arith.constant 0 : i32
      %dma_start3A_1018 = arith.constant 0 : i32
      %dma_start3A_1019 = tpu.memref_slice %arg24[%dma_start3A, %dma_start3A_1018] : memref<7680x128xf32, #tpu.memory_space<vmem_shared>> -> memref<7680x128xf32, #tpu.memory_space<vmem_shared>>
      tpu.enqueue_indirect_dma source(%arg12 : memref<80x128xf32, #tpu.memory_space<vmem>>) target(%dma_start3A_1019 : memref<7680x128xf32, #tpu.memory_space<vmem_shared>>) offsets(%arg18 : memref<80xi32, #tpu.memory_space<vmem>>) semaphore(%arg43 : memref<!tpu.dma_semaphore, #tpu.memory_space<semaphore_mem>>) {add = true}
    } else {
    }
    %add3A_757 = arith.constant 384 : i32
    %add3A_758 = arith.addi %add3A, %add3A_757 : i32
    %lt3A_759 = arith.constant 625 : i32
    %lt3A_760 = arith.cmpi slt, %add3A_758, %lt3A_759 : i32
    %convert_element_type3A_761 = arith.extui %lt3A_760 : i1 to i32
    %cond3A_762 = arith.constant 0 : i32
    %cond3A_763 = arith.cmpi ne, %convert_element_type3A_761, %cond3A_762 : i32
    scf.if %cond3A_763 {
      %dma_wait3A = arith.constant 0 : i32
      %dma_wait3A_1002 = arith.constant 0 : i32
      %dma_wait3A_1003 = tpu.memref_slice %arg24[%dma_wait3A, %dma_wait3A_1002] : memref<7680x128xf32, #tpu.memory_space<vmem_shared>> -> memref<7680x128xf32, #tpu.memory_space<vmem_shared>>
      tpu.wait_indirect_dma semaphore(%arg43 : memref<!tpu.dma_semaphore, #tpu.memory_space<semaphore_mem>>) src(%arg12 : memref<80x128xf32, #tpu.memory_space<vmem>>) dst(%dma_wait3A_1003 : memref<7680x128xf32, #tpu.memory_space<vmem_shared>>)
      %mul3A_1004 = arith.constant 6 : i32
      %mul3A_1005 = arith.muli %arg1, %mul3A_1004 : i32
      %add3A_1006 = arith.constant 0 : i32
      %add3A_1007 = arith.addi %mul3A_1005, %add3A_1006 : i32
      %mul3A_1008 = arith.constant 80 : i32
      %mul3A_1009 = arith.muli %add3A_1007, %mul3A_1008 : i32
      %add3A_1010 = arith.constant 384 : i32
      %add3A_1011 = arith.addi %add3A, %add3A_1010 : i32
      %mul3A_1012 = arith.constant 80 : i32
      %mul3A_1013 = arith.muli %add3A_1011, %mul3A_1012 : i32
      %dma_start3A = arith.constant 0 : i32
      %dma_start3A_1014 = tpu.memref_slice %arg5[%mul3A_1013, %dma_start3A] : memref<50000x128xf32, #tpu.memory_space<hbm>> -> memref<80x128xf32, #tpu.memory_space<hbm>>
      %dma_start3A_1015 = arith.constant 0 : i32
      %dma_start3A_1016 = tpu.memref_slice %arg24[%mul3A_1009, %dma_start3A_1015] : memref<7680x128xf32, #tpu.memory_space<vmem_shared>> -> memref<80x128xf32, #tpu.memory_space<vmem_shared>>
      tpu.enqueue_dma source(%dma_start3A_1016 : memref<80x128xf32, #tpu.memory_space<vmem_shared>>) target(%dma_start3A_1014 : memref<80x128xf32, #tpu.memory_space<hbm>>) target_semaphore(%arg49 : memref<!tpu.dma_semaphore, #tpu.memory_space<semaphore_mem>>)
    } else {
    }
    %add3A_764 = arith.constant 320 : i32
    %add3A_765 = arith.addi %add3A, %add3A_764 : i32
    %lt3A_766 = arith.constant 625 : i32
    %lt3A_767 = arith.cmpi slt, %add3A_765, %lt3A_766 : i32
    %convert_element_type3A_768 = arith.extui %lt3A_767 : i1 to i32
    %cond3A_769 = arith.constant 0 : i32
    %cond3A_770 = arith.cmpi ne, %convert_element_type3A_768, %cond3A_769 : i32
    scf.if %cond3A_770 {
      %mul3A_1002 = arith.constant 6 : i32
      %mul3A_1003 = arith.muli %arg1, %mul3A_1002 : i32
      %add3A_1004 = arith.constant 4 : i32
      %add3A_1005 = arith.addi %mul3A_1003, %add3A_1004 : i32
      %mul3A_1006 = arith.constant 80 : i32
      %mul3A_1007 = arith.muli %add3A_1005, %mul3A_1006 : i32
      %add3A_1008 = arith.constant 320 : i32
      %add3A_1009 = arith.addi %add3A, %add3A_1008 : i32
      %mul3A_1010 = arith.constant 80 : i32
      %mul3A_1011 = arith.muli %add3A_1009, %mul3A_1010 : i32
      %dma_wait3A = arith.constant 0 : i32
      %dma_wait3A_1012 = tpu.memref_slice %arg5[%mul3A_1011, %dma_wait3A] : memref<50000x128xf32, #tpu.memory_space<hbm>> -> memref<80x128xf32, #tpu.memory_space<hbm>>
      %dma_wait3A_1013 = arith.constant 0 : i32
      %dma_wait3A_1014 = tpu.memref_slice %arg24[%mul3A_1007, %dma_wait3A_1013] : memref<7680x128xf32, #tpu.memory_space<vmem_shared>> -> memref<80x128xf32, #tpu.memory_space<vmem_shared>>
      tpu.wait_dma2 semaphore(%arg53 : memref<!tpu.dma_semaphore, #tpu.memory_space<semaphore_mem>>) src(%dma_wait3A_1014 : memref<80x128xf32, #tpu.memory_space<vmem_shared>>) dst(%dma_wait3A_1012 : memref<80x128xf32, #tpu.memory_space<hbm>>)
    } else {
    }
    %add3A_771 = arith.constant 512 : i32
    %add3A_772 = arith.addi %add3A, %add3A_771 : i32
    %lt3A_773 = arith.constant 625 : i32
    %lt3A_774 = arith.cmpi slt, %add3A_772, %lt3A_773 : i32
    %convert_element_type3A_775 = arith.extui %lt3A_774 : i1 to i32
    %cond3A_776 = arith.constant 0 : i32
    %cond3A_777 = arith.cmpi ne, %convert_element_type3A_775, %cond3A_776 : i32
    scf.if %cond3A_777 {
      %add3A_1002 = arith.constant 512 : i32
      %add3A_1003 = arith.addi %add3A, %add3A_1002 : i32
      %mul3A_1004 = arith.constant 80 : i32
      %mul3A_1005 = arith.muli %add3A_1003, %mul3A_1004 : i32
      %dma_start3A = tpu.memref_slice %arg2[%mul3A_1005] : memref<50000xi32, #tpu.memory_space<hbm>> -> memref<80xi32, #tpu.memory_space<hbm>>
      %dma_start3A_1006 = tpu.memref_slice %arg2[%mul3A_1005] : memref<50000xi32, #tpu.memory_space<hbm>> -> memref<80xi32, #tpu.memory_space<hbm>>
      tpu.enqueue_dma source(%dma_start3A_1006 : memref<80xi32, #tpu.memory_space<hbm>>) target(%arg10 : memref<80xi32, #tpu.memory_space<vmem>>) target_semaphore(%arg29 : memref<!tpu.dma_semaphore, #tpu.memory_space<semaphore_mem>>)
      %add3A_1007 = arith.constant 512 : i32
      %add3A_1008 = arith.addi %add3A, %add3A_1007 : i32
      %mul3A_1009 = arith.constant 80 : i32
      %mul3A_1010 = arith.muli %add3A_1008, %mul3A_1009 : i32
      %mul3A_1011 = arith.constant 6 : i32
      %mul3A_1012 = arith.muli %arg1, %mul3A_1011 : i32
      %add3A_1013 = arith.constant 4 : i32
      %add3A_1014 = arith.addi %mul3A_1012, %add3A_1013 : i32
      %mul3A_1015 = arith.constant 80 : i32
      %mul3A_1016 = arith.muli %add3A_1014, %mul3A_1015 : i32
      %dma_start3A_1017 = arith.constant 0 : i32
      %dma_start3A_1018 = tpu.memref_slice %arg24[%mul3A_1016, %dma_start3A_1017] : memref<7680x128xf32, #tpu.memory_space<vmem_shared>> -> memref<80x128xf32, #tpu.memory_space<vmem_shared>>
      %dma_start3A_1019 = arith.constant 0 : i32
      %dma_start3A_1020 = tpu.memref_slice %arg3[%mul3A_1010, %dma_start3A_1019] : memref<50000x128xf32, #tpu.memory_space<hbm>> -> memref<80x128xf32, #tpu.memory_space<hbm>>
      tpu.enqueue_dma source(%dma_start3A_1020 : memref<80x128xf32, #tpu.memory_space<hbm>>) target(%dma_start3A_1018 : memref<80x128xf32, #tpu.memory_space<vmem_shared>>) target_semaphore(%arg35 : memref<!tpu.dma_semaphore, #tpu.memory_space<semaphore_mem>>)
    } else {
    }
    %add3A_778 = arith.constant 448 : i32
    %add3A_779 = arith.addi %add3A, %add3A_778 : i32
    %lt3A_780 = arith.constant 625 : i32
    %lt3A_781 = arith.cmpi slt, %add3A_779, %lt3A_780 : i32
    %convert_element_type3A_782 = arith.extui %lt3A_781 : i1 to i32
    %cond3A_783 = arith.constant 0 : i32
    %cond3A_784 = arith.cmpi ne, %convert_element_type3A_782, %cond3A_783 : i32
    scf.if %cond3A_784 {
      %add3A_1002 = arith.constant 448 : i32
      %add3A_1003 = arith.addi %add3A, %add3A_1002 : i32
      %mul3A_1004 = arith.constant 80 : i32
      %mul3A_1005 = arith.muli %add3A_1003, %mul3A_1004 : i32
      %dma_wait3A = tpu.memref_slice %arg2[%mul3A_1005] : memref<50000xi32, #tpu.memory_space<hbm>> -> memref<80xi32, #tpu.memory_space<hbm>>
      %dma_wait3A_1006 = tpu.memref_slice %arg2[%mul3A_1005] : memref<50000xi32, #tpu.memory_space<hbm>> -> memref<80xi32, #tpu.memory_space<hbm>>
      tpu.wait_dma2 semaphore(%arg27 : memref<!tpu.dma_semaphore, #tpu.memory_space<semaphore_mem>>) src(%dma_wait3A_1006 : memref<80xi32, #tpu.memory_space<hbm>>) dst(%arg8 : memref<80xi32, #tpu.memory_space<vmem>>)
      %dma_start3A = arith.constant 0 : i32
      %dma_start3A_1007 = arith.constant 0 : i32
      %dma_start3A_1008 = tpu.memref_slice %arg4[%dma_start3A, %dma_start3A_1007] : memref<100000x128xf32, #tpu.memory_space<hbm>> -> memref<100000x128xf32, #tpu.memory_space<hbm>>
      tpu.enqueue_indirect_dma source(%dma_start3A_1008 : memref<100000x128xf32, #tpu.memory_space<hbm>>) target(%arg14 : memref<80x128xf32, #tpu.memory_space<vmem>>) offsets(%arg8 : memref<80xi32, #tpu.memory_space<vmem>>) semaphore(%arg39 : memref<!tpu.dma_semaphore, #tpu.memory_space<semaphore_mem>>)
    } else {
    }
    %add3A_785 = arith.constant 416 : i32
    %add3A_786 = arith.addi %add3A, %add3A_785 : i32
    %lt3A_787 = arith.constant 625 : i32
    %lt3A_788 = arith.cmpi slt, %add3A_786, %lt3A_787 : i32
    %convert_element_type3A_789 = arith.extui %lt3A_788 : i1 to i32
    %cond3A_790 = arith.constant 0 : i32
    %cond3A_791 = arith.cmpi ne, %convert_element_type3A_789, %cond3A_790 : i32
    scf.if %cond3A_791 {
      %dma_wait3A = arith.constant 0 : i32
      %dma_wait3A_1002 = arith.constant 0 : i32
      %dma_wait3A_1003 = tpu.memref_slice %arg4[%dma_wait3A, %dma_wait3A_1002] : memref<100000x128xf32, #tpu.memory_space<hbm>> -> memref<100000x128xf32, #tpu.memory_space<hbm>>
      tpu.wait_indirect_dma semaphore(%arg38 : memref<!tpu.dma_semaphore, #tpu.memory_space<semaphore_mem>>) src(%dma_wait3A_1003 : memref<100000x128xf32, #tpu.memory_space<hbm>>) dst(%arg13 : memref<80x128xf32, #tpu.memory_space<vmem>>)
      %add3A_1004 = arith.constant 416 : i32
      %add3A_1005 = arith.addi %add3A, %add3A_1004 : i32
      %mul3A_1006 = arith.constant 80 : i32
      %mul3A_1007 = arith.muli %add3A_1005, %mul3A_1006 : i32
      %mul3A_1008 = arith.constant 6 : i32
      %mul3A_1009 = arith.muli %arg1, %mul3A_1008 : i32
      %add3A_1010 = arith.constant 1 : i32
      %add3A_1011 = arith.addi %mul3A_1009, %add3A_1010 : i32
      %mul3A_1012 = arith.constant 80 : i32
      %mul3A_1013 = arith.muli %add3A_1011, %mul3A_1012 : i32
      %dma_wait3A_1014 = arith.constant 0 : i32
      %dma_wait3A_1015 = tpu.memref_slice %arg24[%mul3A_1013, %dma_wait3A_1014] : memref<7680x128xf32, #tpu.memory_space<vmem_shared>> -> memref<80x128xf32, #tpu.memory_space<vmem_shared>>
      %dma_wait3A_1016 = arith.constant 0 : i32
      %dma_wait3A_1017 = tpu.memref_slice %arg3[%mul3A_1007, %dma_wait3A_1016] : memref<50000x128xf32, #tpu.memory_space<hbm>> -> memref<80x128xf32, #tpu.memory_space<hbm>>
      tpu.wait_dma2 semaphore(%arg32 : memref<!tpu.dma_semaphore, #tpu.memory_space<semaphore_mem>>) src(%dma_wait3A_1017 : memref<80x128xf32, #tpu.memory_space<hbm>>) dst(%dma_wait3A_1015 : memref<80x128xf32, #tpu.memory_space<vmem_shared>>)
      %dma_start3A = arith.constant 0 : i32
      %dma_start3A_1018 = arith.constant 0 : i32
      %dma_start3A_1019 = tpu.memref_slice %arg24[%dma_start3A, %dma_start3A_1018] : memref<7680x128xf32, #tpu.memory_space<vmem_shared>> -> memref<7680x128xf32, #tpu.memory_space<vmem_shared>>
      tpu.enqueue_indirect_dma source(%arg13 : memref<80x128xf32, #tpu.memory_space<vmem>>) target(%dma_start3A_1019 : memref<7680x128xf32, #tpu.memory_space<vmem_shared>>) offsets(%arg19 : memref<80xi32, #tpu.memory_space<vmem>>) semaphore(%arg44 : memref<!tpu.dma_semaphore, #tpu.memory_space<semaphore_mem>>) {add = true}
    } else {
    }
    %add3A_792 = arith.constant 416 : i32
    %add3A_793 = arith.addi %add3A, %add3A_792 : i32
    %lt3A_794 = arith.constant 625 : i32
    %lt3A_795 = arith.cmpi slt, %add3A_793, %lt3A_794 : i32
    %convert_element_type3A_796 = arith.extui %lt3A_795 : i1 to i32
    %cond3A_797 = arith.constant 0 : i32
    %cond3A_798 = arith.cmpi ne, %convert_element_type3A_796, %cond3A_797 : i32
    scf.if %cond3A_798 {
      %dma_wait3A = arith.constant 0 : i32
      %dma_wait3A_1002 = arith.constant 0 : i32
      %dma_wait3A_1003 = tpu.memref_slice %arg24[%dma_wait3A, %dma_wait3A_1002] : memref<7680x128xf32, #tpu.memory_space<vmem_shared>> -> memref<7680x128xf32, #tpu.memory_space<vmem_shared>>
      tpu.wait_indirect_dma semaphore(%arg44 : memref<!tpu.dma_semaphore, #tpu.memory_space<semaphore_mem>>) src(%arg13 : memref<80x128xf32, #tpu.memory_space<vmem>>) dst(%dma_wait3A_1003 : memref<7680x128xf32, #tpu.memory_space<vmem_shared>>)
      %mul3A_1004 = arith.constant 6 : i32
      %mul3A_1005 = arith.muli %arg1, %mul3A_1004 : i32
      %add3A_1006 = arith.constant 1 : i32
      %add3A_1007 = arith.addi %mul3A_1005, %add3A_1006 : i32
      %mul3A_1008 = arith.constant 80 : i32
      %mul3A_1009 = arith.muli %add3A_1007, %mul3A_1008 : i32
      %add3A_1010 = arith.constant 416 : i32
      %add3A_1011 = arith.addi %add3A, %add3A_1010 : i32
      %mul3A_1012 = arith.constant 80 : i32
      %mul3A_1013 = arith.muli %add3A_1011, %mul3A_1012 : i32
      %dma_start3A = arith.constant 0 : i32
      %dma_start3A_1014 = tpu.memref_slice %arg5[%mul3A_1013, %dma_start3A] : memref<50000x128xf32, #tpu.memory_space<hbm>> -> memref<80x128xf32, #tpu.memory_space<hbm>>
      %dma_start3A_1015 = arith.constant 0 : i32
      %dma_start3A_1016 = tpu.memref_slice %arg24[%mul3A_1009, %dma_start3A_1015] : memref<7680x128xf32, #tpu.memory_space<vmem_shared>> -> memref<80x128xf32, #tpu.memory_space<vmem_shared>>
      tpu.enqueue_dma source(%dma_start3A_1016 : memref<80x128xf32, #tpu.memory_space<vmem_shared>>) target(%dma_start3A_1014 : memref<80x128xf32, #tpu.memory_space<hbm>>) target_semaphore(%arg50 : memref<!tpu.dma_semaphore, #tpu.memory_space<semaphore_mem>>)
    } else {
    }
    %add3A_799 = arith.constant 352 : i32
    %add3A_800 = arith.addi %add3A, %add3A_799 : i32
    %lt3A_801 = arith.constant 625 : i32
    %lt3A_802 = arith.cmpi slt, %add3A_800, %lt3A_801 : i32
    %convert_element_type3A_803 = arith.extui %lt3A_802 : i1 to i32
    %cond3A_804 = arith.constant 0 : i32
    %cond3A_805 = arith.cmpi ne, %convert_element_type3A_803, %cond3A_804 : i32
    scf.if %cond3A_805 {
      %mul3A_1002 = arith.constant 6 : i32
      %mul3A_1003 = arith.muli %arg1, %mul3A_1002 : i32
      %add3A_1004 = arith.constant 5 : i32
      %add3A_1005 = arith.addi %mul3A_1003, %add3A_1004 : i32
      %mul3A_1006 = arith.constant 80 : i32
      %mul3A_1007 = arith.muli %add3A_1005, %mul3A_1006 : i32
      %add3A_1008 = arith.constant 352 : i32
      %add3A_1009 = arith.addi %add3A, %add3A_1008 : i32
      %mul3A_1010 = arith.constant 80 : i32
      %mul3A_1011 = arith.muli %add3A_1009, %mul3A_1010 : i32
      %dma_wait3A = arith.constant 0 : i32
      %dma_wait3A_1012 = tpu.memref_slice %arg5[%mul3A_1011, %dma_wait3A] : memref<50000x128xf32, #tpu.memory_space<hbm>> -> memref<80x128xf32, #tpu.memory_space<hbm>>
      %dma_wait3A_1013 = arith.constant 0 : i32
      %dma_wait3A_1014 = tpu.memref_slice %arg24[%mul3A_1007, %dma_wait3A_1013] : memref<7680x128xf32, #tpu.memory_space<vmem_shared>> -> memref<80x128xf32, #tpu.memory_space<vmem_shared>>
      tpu.wait_dma2 semaphore(%arg54 : memref<!tpu.dma_semaphore, #tpu.memory_space<semaphore_mem>>) src(%dma_wait3A_1014 : memref<80x128xf32, #tpu.memory_space<vmem_shared>>) dst(%dma_wait3A_1012 : memref<80x128xf32, #tpu.memory_space<hbm>>)
    } else {
    }
    %add3A_806 = arith.constant 544 : i32
    %add3A_807 = arith.addi %add3A, %add3A_806 : i32
    %lt3A_808 = arith.constant 625 : i32
    %lt3A_809 = arith.cmpi slt, %add3A_807, %lt3A_808 : i32
    %convert_element_type3A_810 = arith.extui %lt3A_809 : i1 to i32
    %cond3A_811 = arith.constant 0 : i32
    %cond3A_812 = arith.cmpi ne, %convert_element_type3A_810, %cond3A_811 : i32
    scf.if %cond3A_812 {
      %add3A_1002 = arith.constant 544 : i32
      %add3A_1003 = arith.addi %add3A, %add3A_1002 : i32
      %mul3A_1004 = arith.constant 80 : i32
      %mul3A_1005 = arith.muli %add3A_1003, %mul3A_1004 : i32
      %dma_start3A = tpu.memref_slice %arg2[%mul3A_1005] : memref<50000xi32, #tpu.memory_space<hbm>> -> memref<80xi32, #tpu.memory_space<hbm>>
      %dma_start3A_1006 = tpu.memref_slice %arg2[%mul3A_1005] : memref<50000xi32, #tpu.memory_space<hbm>> -> memref<80xi32, #tpu.memory_space<hbm>>
      tpu.enqueue_dma source(%dma_start3A_1006 : memref<80xi32, #tpu.memory_space<hbm>>) target(%arg11 : memref<80xi32, #tpu.memory_space<vmem>>) target_semaphore(%arg30 : memref<!tpu.dma_semaphore, #tpu.memory_space<semaphore_mem>>)
      %add3A_1007 = arith.constant 544 : i32
      %add3A_1008 = arith.addi %add3A, %add3A_1007 : i32
      %mul3A_1009 = arith.constant 80 : i32
      %mul3A_1010 = arith.muli %add3A_1008, %mul3A_1009 : i32
      %mul3A_1011 = arith.constant 6 : i32
      %mul3A_1012 = arith.muli %arg1, %mul3A_1011 : i32
      %add3A_1013 = arith.constant 5 : i32
      %add3A_1014 = arith.addi %mul3A_1012, %add3A_1013 : i32
      %mul3A_1015 = arith.constant 80 : i32
      %mul3A_1016 = arith.muli %add3A_1014, %mul3A_1015 : i32
      %dma_start3A_1017 = arith.constant 0 : i32
      %dma_start3A_1018 = tpu.memref_slice %arg24[%mul3A_1016, %dma_start3A_1017] : memref<7680x128xf32, #tpu.memory_space<vmem_shared>> -> memref<80x128xf32, #tpu.memory_space<vmem_shared>>
      %dma_start3A_1019 = arith.constant 0 : i32
      %dma_start3A_1020 = tpu.memref_slice %arg3[%mul3A_1010, %dma_start3A_1019] : memref<50000x128xf32, #tpu.memory_space<hbm>> -> memref<80x128xf32, #tpu.memory_space<hbm>>
      tpu.enqueue_dma source(%dma_start3A_1020 : memref<80x128xf32, #tpu.memory_space<hbm>>) target(%dma_start3A_1018 : memref<80x128xf32, #tpu.memory_space<vmem_shared>>) target_semaphore(%arg36 : memref<!tpu.dma_semaphore, #tpu.memory_space<semaphore_mem>>)
    } else {
    }
    %add3A_813 = arith.constant 480 : i32
    %add3A_814 = arith.addi %add3A, %add3A_813 : i32
    %lt3A_815 = arith.constant 625 : i32
    %lt3A_816 = arith.cmpi slt, %add3A_814, %lt3A_815 : i32
    %convert_element_type3A_817 = arith.extui %lt3A_816 : i1 to i32
    %cond3A_818 = arith.constant 0 : i32
    %cond3A_819 = arith.cmpi ne, %convert_element_type3A_817, %cond3A_818 : i32
    scf.if %cond3A_819 {
      %add3A_1002 = arith.constant 480 : i32
      %add3A_1003 = arith.addi %add3A, %add3A_1002 : i32
      %mul3A_1004 = arith.constant 80 : i32
      %mul3A_1005 = arith.muli %add3A_1003, %mul3A_1004 : i32
      %dma_wait3A = tpu.memref_slice %arg2[%mul3A_1005] : memref<50000xi32, #tpu.memory_space<hbm>> -> memref<80xi32, #tpu.memory_space<hbm>>
      %dma_wait3A_1006 = tpu.memref_slice %arg2[%mul3A_1005] : memref<50000xi32, #tpu.memory_space<hbm>> -> memref<80xi32, #tpu.memory_space<hbm>>
      tpu.wait_dma2 semaphore(%arg28 : memref<!tpu.dma_semaphore, #tpu.memory_space<semaphore_mem>>) src(%dma_wait3A_1006 : memref<80xi32, #tpu.memory_space<hbm>>) dst(%arg9 : memref<80xi32, #tpu.memory_space<vmem>>)
      %dma_start3A = arith.constant 0 : i32
      %dma_start3A_1007 = arith.constant 0 : i32
      %dma_start3A_1008 = tpu.memref_slice %arg4[%dma_start3A, %dma_start3A_1007] : memref<100000x128xf32, #tpu.memory_space<hbm>> -> memref<100000x128xf32, #tpu.memory_space<hbm>>
      tpu.enqueue_indirect_dma source(%dma_start3A_1008 : memref<100000x128xf32, #tpu.memory_space<hbm>>) target(%arg15 : memref<80x128xf32, #tpu.memory_space<vmem>>) offsets(%arg9 : memref<80xi32, #tpu.memory_space<vmem>>) semaphore(%arg40 : memref<!tpu.dma_semaphore, #tpu.memory_space<semaphore_mem>>)
    } else {
    }
    %add3A_820 = arith.constant 448 : i32
    %add3A_821 = arith.addi %add3A, %add3A_820 : i32
    %lt3A_822 = arith.constant 625 : i32
    %lt3A_823 = arith.cmpi slt, %add3A_821, %lt3A_822 : i32
    %convert_element_type3A_824 = arith.extui %lt3A_823 : i1 to i32
    %cond3A_825 = arith.constant 0 : i32
    %cond3A_826 = arith.cmpi ne, %convert_element_type3A_824, %cond3A_825 : i32
    scf.if %cond3A_826 {
      %dma_wait3A = arith.constant 0 : i32
      %dma_wait3A_1002 = arith.constant 0 : i32
      %dma_wait3A_1003 = tpu.memref_slice %arg4[%dma_wait3A, %dma_wait3A_1002] : memref<100000x128xf32, #tpu.memory_space<hbm>> -> memref<100000x128xf32, #tpu.memory_space<hbm>>
      tpu.wait_indirect_dma semaphore(%arg39 : memref<!tpu.dma_semaphore, #tpu.memory_space<semaphore_mem>>) src(%dma_wait3A_1003 : memref<100000x128xf32, #tpu.memory_space<hbm>>) dst(%arg14 : memref<80x128xf32, #tpu.memory_space<vmem>>)
      %add3A_1004 = arith.constant 448 : i32
      %add3A_1005 = arith.addi %add3A, %add3A_1004 : i32
      %mul3A_1006 = arith.constant 80 : i32
      %mul3A_1007 = arith.muli %add3A_1005, %mul3A_1006 : i32
      %mul3A_1008 = arith.constant 6 : i32
      %mul3A_1009 = arith.muli %arg1, %mul3A_1008 : i32
      %add3A_1010 = arith.constant 2 : i32
      %add3A_1011 = arith.addi %mul3A_1009, %add3A_1010 : i32
      %mul3A_1012 = arith.constant 80 : i32
      %mul3A_1013 = arith.muli %add3A_1011, %mul3A_1012 : i32
      %dma_wait3A_1014 = arith.constant 0 : i32
      %dma_wait3A_1015 = tpu.memref_slice %arg24[%mul3A_1013, %dma_wait3A_1014] : memref<7680x128xf32, #tpu.memory_space<vmem_shared>> -> memref<80x128xf32, #tpu.memory_space<vmem_shared>>
      %dma_wait3A_1016 = arith.constant 0 : i32
      %dma_wait3A_1017 = tpu.memref_slice %arg3[%mul3A_1007, %dma_wait3A_1016] : memref<50000x128xf32, #tpu.memory_space<hbm>> -> memref<80x128xf32, #tpu.memory_space<hbm>>
      tpu.wait_dma2 semaphore(%arg33 : memref<!tpu.dma_semaphore, #tpu.memory_space<semaphore_mem>>) src(%dma_wait3A_1017 : memref<80x128xf32, #tpu.memory_space<hbm>>) dst(%dma_wait3A_1015 : memref<80x128xf32, #tpu.memory_space<vmem_shared>>)
      %dma_start3A = arith.constant 0 : i32
      %dma_start3A_1018 = arith.constant 0 : i32
      %dma_start3A_1019 = tpu.memref_slice %arg24[%dma_start3A, %dma_start3A_1018] : memref<7680x128xf32, #tpu.memory_space<vmem_shared>> -> memref<7680x128xf32, #tpu.memory_space<vmem_shared>>
      tpu.enqueue_indirect_dma source(%arg14 : memref<80x128xf32, #tpu.memory_space<vmem>>) target(%dma_start3A_1019 : memref<7680x128xf32, #tpu.memory_space<vmem_shared>>) offsets(%arg20 : memref<80xi32, #tpu.memory_space<vmem>>) semaphore(%arg45 : memref<!tpu.dma_semaphore, #tpu.memory_space<semaphore_mem>>) {add = true}
    } else {
    }
    %add3A_827 = arith.constant 448 : i32
    %add3A_828 = arith.addi %add3A, %add3A_827 : i32
    %lt3A_829 = arith.constant 625 : i32
    %lt3A_830 = arith.cmpi slt, %add3A_828, %lt3A_829 : i32
    %convert_element_type3A_831 = arith.extui %lt3A_830 : i1 to i32
    %cond3A_832 = arith.constant 0 : i32
    %cond3A_833 = arith.cmpi ne, %convert_element_type3A_831, %cond3A_832 : i32
    scf.if %cond3A_833 {
      %dma_wait3A = arith.constant 0 : i32
      %dma_wait3A_1002 = arith.constant 0 : i32
      %dma_wait3A_1003 = tpu.memref_slice %arg24[%dma_wait3A, %dma_wait3A_1002] : memref<7680x128xf32, #tpu.memory_space<vmem_shared>> -> memref<7680x128xf32, #tpu.memory_space<vmem_shared>>
      tpu.wait_indirect_dma semaphore(%arg45 : memref<!tpu.dma_semaphore, #tpu.memory_space<semaphore_mem>>) src(%arg14 : memref<80x128xf32, #tpu.memory_space<vmem>>) dst(%dma_wait3A_1003 : memref<7680x128xf32, #tpu.memory_space<vmem_shared>>)
      %mul3A_1004 = arith.constant 6 : i32
      %mul3A_1005 = arith.muli %arg1, %mul3A_1004 : i32
      %add3A_1006 = arith.constant 2 : i32
      %add3A_1007 = arith.addi %mul3A_1005, %add3A_1006 : i32
      %mul3A_1008 = arith.constant 80 : i32
      %mul3A_1009 = arith.muli %add3A_1007, %mul3A_1008 : i32
      %add3A_1010 = arith.constant 448 : i32
      %add3A_1011 = arith.addi %add3A, %add3A_1010 : i32
      %mul3A_1012 = arith.constant 80 : i32
      %mul3A_1013 = arith.muli %add3A_1011, %mul3A_1012 : i32
      %dma_start3A = arith.constant 0 : i32
      %dma_start3A_1014 = tpu.memref_slice %arg5[%mul3A_1013, %dma_start3A] : memref<50000x128xf32, #tpu.memory_space<hbm>> -> memref<80x128xf32, #tpu.memory_space<hbm>>
      %dma_start3A_1015 = arith.constant 0 : i32
      %dma_start3A_1016 = tpu.memref_slice %arg24[%mul3A_1009, %dma_start3A_1015] : memref<7680x128xf32, #tpu.memory_space<vmem_shared>> -> memref<80x128xf32, #tpu.memory_space<vmem_shared>>
      tpu.enqueue_dma source(%dma_start3A_1016 : memref<80x128xf32, #tpu.memory_space<vmem_shared>>) target(%dma_start3A_1014 : memref<80x128xf32, #tpu.memory_space<hbm>>) target_semaphore(%arg51 : memref<!tpu.dma_semaphore, #tpu.memory_space<semaphore_mem>>)
    } else {
    }
    %add3A_834 = arith.constant 384 : i32
    %add3A_835 = arith.addi %add3A, %add3A_834 : i32
    %lt3A_836 = arith.constant 625 : i32
    %lt3A_837 = arith.cmpi slt, %add3A_835, %lt3A_836 : i32
    %convert_element_type3A_838 = arith.extui %lt3A_837 : i1 to i32
    %cond3A_839 = arith.constant 0 : i32
    %cond3A_840 = arith.cmpi ne, %convert_element_type3A_838, %cond3A_839 : i32
    scf.if %cond3A_840 {
      %mul3A_1002 = arith.constant 6 : i32
      %mul3A_1003 = arith.muli %arg1, %mul3A_1002 : i32
      %add3A_1004 = arith.constant 0 : i32
      %add3A_1005 = arith.addi %mul3A_1003, %add3A_1004 : i32
      %mul3A_1006 = arith.constant 80 : i32
      %mul3A_1007 = arith.muli %add3A_1005, %mul3A_1006 : i32
      %add3A_1008 = arith.constant 384 : i32
      %add3A_1009 = arith.addi %add3A, %add3A_1008 : i32
      %mul3A_1010 = arith.constant 80 : i32
      %mul3A_1011 = arith.muli %add3A_1009, %mul3A_1010 : i32
      %dma_wait3A = arith.constant 0 : i32
      %dma_wait3A_1012 = tpu.memref_slice %arg5[%mul3A_1011, %dma_wait3A] : memref<50000x128xf32, #tpu.memory_space<hbm>> -> memref<80x128xf32, #tpu.memory_space<hbm>>
      %dma_wait3A_1013 = arith.constant 0 : i32
      %dma_wait3A_1014 = tpu.memref_slice %arg24[%mul3A_1007, %dma_wait3A_1013] : memref<7680x128xf32, #tpu.memory_space<vmem_shared>> -> memref<80x128xf32, #tpu.memory_space<vmem_shared>>
      tpu.wait_dma2 semaphore(%arg49 : memref<!tpu.dma_semaphore, #tpu.memory_space<semaphore_mem>>) src(%dma_wait3A_1014 : memref<80x128xf32, #tpu.memory_space<vmem_shared>>) dst(%dma_wait3A_1012 : memref<80x128xf32, #tpu.memory_space<hbm>>)
    } else {
    }
    %add3A_841 = arith.constant 576 : i32
    %add3A_842 = arith.addi %add3A, %add3A_841 : i32
    %lt3A_843 = arith.constant 625 : i32
    %lt3A_844 = arith.cmpi slt, %add3A_842, %lt3A_843 : i32
    %convert_element_type3A_845 = arith.extui %lt3A_844 : i1 to i32
    %cond3A_846 = arith.constant 0 : i32
    %cond3A_847 = arith.cmpi ne, %convert_element_type3A_845, %cond3A_846 : i32
    scf.if %cond3A_847 {
      %add3A_1002 = arith.constant 576 : i32
      %add3A_1003 = arith.addi %add3A, %add3A_1002 : i32
      %mul3A_1004 = arith.constant 80 : i32
      %mul3A_1005 = arith.muli %add3A_1003, %mul3A_1004 : i32
      %dma_start3A = tpu.memref_slice %arg2[%mul3A_1005] : memref<50000xi32, #tpu.memory_space<hbm>> -> memref<80xi32, #tpu.memory_space<hbm>>
      %dma_start3A_1006 = tpu.memref_slice %arg2[%mul3A_1005] : memref<50000xi32, #tpu.memory_space<hbm>> -> memref<80xi32, #tpu.memory_space<hbm>>
      tpu.enqueue_dma source(%dma_start3A_1006 : memref<80xi32, #tpu.memory_space<hbm>>) target(%arg6 : memref<80xi32, #tpu.memory_space<vmem>>) target_semaphore(%arg25 : memref<!tpu.dma_semaphore, #tpu.memory_space<semaphore_mem>>)
      %add3A_1007 = arith.constant 576 : i32
      %add3A_1008 = arith.addi %add3A, %add3A_1007 : i32
      %mul3A_1009 = arith.constant 80 : i32
      %mul3A_1010 = arith.muli %add3A_1008, %mul3A_1009 : i32
      %mul3A_1011 = arith.constant 6 : i32
      %mul3A_1012 = arith.muli %arg1, %mul3A_1011 : i32
      %add3A_1013 = arith.constant 0 : i32
      %add3A_1014 = arith.addi %mul3A_1012, %add3A_1013 : i32
      %mul3A_1015 = arith.constant 80 : i32
      %mul3A_1016 = arith.muli %add3A_1014, %mul3A_1015 : i32
      %dma_start3A_1017 = arith.constant 0 : i32
      %dma_start3A_1018 = tpu.memref_slice %arg24[%mul3A_1016, %dma_start3A_1017] : memref<7680x128xf32, #tpu.memory_space<vmem_shared>> -> memref<80x128xf32, #tpu.memory_space<vmem_shared>>
      %dma_start3A_1019 = arith.constant 0 : i32
      %dma_start3A_1020 = tpu.memref_slice %arg3[%mul3A_1010, %dma_start3A_1019] : memref<50000x128xf32, #tpu.memory_space<hbm>> -> memref<80x128xf32, #tpu.memory_space<hbm>>
      tpu.enqueue_dma source(%dma_start3A_1020 : memref<80x128xf32, #tpu.memory_space<hbm>>) target(%dma_start3A_1018 : memref<80x128xf32, #tpu.memory_space<vmem_shared>>) target_semaphore(%arg31 : memref<!tpu.dma_semaphore, #tpu.memory_space<semaphore_mem>>)
    } else {
    }
    %add3A_848 = arith.constant 512 : i32
    %add3A_849 = arith.addi %add3A, %add3A_848 : i32
    %lt3A_850 = arith.constant 625 : i32
    %lt3A_851 = arith.cmpi slt, %add3A_849, %lt3A_850 : i32
    %convert_element_type3A_852 = arith.extui %lt3A_851 : i1 to i32
    %cond3A_853 = arith.constant 0 : i32
    %cond3A_854 = arith.cmpi ne, %convert_element_type3A_852, %cond3A_853 : i32
    scf.if %cond3A_854 {
      %add3A_1002 = arith.constant 512 : i32
      %add3A_1003 = arith.addi %add3A, %add3A_1002 : i32
      %mul3A_1004 = arith.constant 80 : i32
      %mul3A_1005 = arith.muli %add3A_1003, %mul3A_1004 : i32
      %dma_wait3A = tpu.memref_slice %arg2[%mul3A_1005] : memref<50000xi32, #tpu.memory_space<hbm>> -> memref<80xi32, #tpu.memory_space<hbm>>
      %dma_wait3A_1006 = tpu.memref_slice %arg2[%mul3A_1005] : memref<50000xi32, #tpu.memory_space<hbm>> -> memref<80xi32, #tpu.memory_space<hbm>>
      tpu.wait_dma2 semaphore(%arg29 : memref<!tpu.dma_semaphore, #tpu.memory_space<semaphore_mem>>) src(%dma_wait3A_1006 : memref<80xi32, #tpu.memory_space<hbm>>) dst(%arg10 : memref<80xi32, #tpu.memory_space<vmem>>)
      %dma_start3A = arith.constant 0 : i32
      %dma_start3A_1007 = arith.constant 0 : i32
      %dma_start3A_1008 = tpu.memref_slice %arg4[%dma_start3A, %dma_start3A_1007] : memref<100000x128xf32, #tpu.memory_space<hbm>> -> memref<100000x128xf32, #tpu.memory_space<hbm>>
      tpu.enqueue_indirect_dma source(%dma_start3A_1008 : memref<100000x128xf32, #tpu.memory_space<hbm>>) target(%arg16 : memref<80x128xf32, #tpu.memory_space<vmem>>) offsets(%arg10 : memref<80xi32, #tpu.memory_space<vmem>>) semaphore(%arg41 : memref<!tpu.dma_semaphore, #tpu.memory_space<semaphore_mem>>)
    } else {
    }
    %add3A_855 = arith.constant 480 : i32
    %add3A_856 = arith.addi %add3A, %add3A_855 : i32
    %lt3A_857 = arith.constant 625 : i32
    %lt3A_858 = arith.cmpi slt, %add3A_856, %lt3A_857 : i32
    %convert_element_type3A_859 = arith.extui %lt3A_858 : i1 to i32
    %cond3A_860 = arith.constant 0 : i32
    %cond3A_861 = arith.cmpi ne, %convert_element_type3A_859, %cond3A_860 : i32
    scf.if %cond3A_861 {
      %dma_wait3A = arith.constant 0 : i32
      %dma_wait3A_1002 = arith.constant 0 : i32
      %dma_wait3A_1003 = tpu.memref_slice %arg4[%dma_wait3A, %dma_wait3A_1002] : memref<100000x128xf32, #tpu.memory_space<hbm>> -> memref<100000x128xf32, #tpu.memory_space<hbm>>
      tpu.wait_indirect_dma semaphore(%arg40 : memref<!tpu.dma_semaphore, #tpu.memory_space<semaphore_mem>>) src(%dma_wait3A_1003 : memref<100000x128xf32, #tpu.memory_space<hbm>>) dst(%arg15 : memref<80x128xf32, #tpu.memory_space<vmem>>)
      %add3A_1004 = arith.constant 480 : i32
      %add3A_1005 = arith.addi %add3A, %add3A_1004 : i32
      %mul3A_1006 = arith.constant 80 : i32
      %mul3A_1007 = arith.muli %add3A_1005, %mul3A_1006 : i32
      %mul3A_1008 = arith.constant 6 : i32
      %mul3A_1009 = arith.muli %arg1, %mul3A_1008 : i32
      %add3A_1010 = arith.constant 3 : i32
      %add3A_1011 = arith.addi %mul3A_1009, %add3A_1010 : i32
      %mul3A_1012 = arith.constant 80 : i32
      %mul3A_1013 = arith.muli %add3A_1011, %mul3A_1012 : i32
      %dma_wait3A_1014 = arith.constant 0 : i32
      %dma_wait3A_1015 = tpu.memref_slice %arg24[%mul3A_1013, %dma_wait3A_1014] : memref<7680x128xf32, #tpu.memory_space<vmem_shared>> -> memref<80x128xf32, #tpu.memory_space<vmem_shared>>
      %dma_wait3A_1016 = arith.constant 0 : i32
      %dma_wait3A_1017 = tpu.memref_slice %arg3[%mul3A_1007, %dma_wait3A_1016] : memref<50000x128xf32, #tpu.memory_space<hbm>> -> memref<80x128xf32, #tpu.memory_space<hbm>>
      tpu.wait_dma2 semaphore(%arg34 : memref<!tpu.dma_semaphore, #tpu.memory_space<semaphore_mem>>) src(%dma_wait3A_1017 : memref<80x128xf32, #tpu.memory_space<hbm>>) dst(%dma_wait3A_1015 : memref<80x128xf32, #tpu.memory_space<vmem_shared>>)
      %dma_start3A = arith.constant 0 : i32
      %dma_start3A_1018 = arith.constant 0 : i32
      %dma_start3A_1019 = tpu.memref_slice %arg24[%dma_start3A, %dma_start3A_1018] : memref<7680x128xf32, #tpu.memory_space<vmem_shared>> -> memref<7680x128xf32, #tpu.memory_space<vmem_shared>>
      tpu.enqueue_indirect_dma source(%arg15 : memref<80x128xf32, #tpu.memory_space<vmem>>) target(%dma_start3A_1019 : memref<7680x128xf32, #tpu.memory_space<vmem_shared>>) offsets(%arg21 : memref<80xi32, #tpu.memory_space<vmem>>) semaphore(%arg46 : memref<!tpu.dma_semaphore, #tpu.memory_space<semaphore_mem>>) {add = true}
    } else {
    }
    %add3A_862 = arith.constant 480 : i32
    %add3A_863 = arith.addi %add3A, %add3A_862 : i32
    %lt3A_864 = arith.constant 625 : i32
    %lt3A_865 = arith.cmpi slt, %add3A_863, %lt3A_864 : i32
    %convert_element_type3A_866 = arith.extui %lt3A_865 : i1 to i32
    %cond3A_867 = arith.constant 0 : i32
    %cond3A_868 = arith.cmpi ne, %convert_element_type3A_866, %cond3A_867 : i32
    scf.if %cond3A_868 {
      %dma_wait3A = arith.constant 0 : i32
      %dma_wait3A_1002 = arith.constant 0 : i32
      %dma_wait3A_1003 = tpu.memref_slice %arg24[%dma_wait3A, %dma_wait3A_1002] : memref<7680x128xf32, #tpu.memory_space<vmem_shared>> -> memref<7680x128xf32, #tpu.memory_space<vmem_shared>>
      tpu.wait_indirect_dma semaphore(%arg46 : memref<!tpu.dma_semaphore, #tpu.memory_space<semaphore_mem>>) src(%arg15 : memref<80x128xf32, #tpu.memory_space<vmem>>) dst(%dma_wait3A_1003 : memref<7680x128xf32, #tpu.memory_space<vmem_shared>>)
      %mul3A_1004 = arith.constant 6 : i32
      %mul3A_1005 = arith.muli %arg1, %mul3A_1004 : i32
      %add3A_1006 = arith.constant 3 : i32
      %add3A_1007 = arith.addi %mul3A_1005, %add3A_1006 : i32
      %mul3A_1008 = arith.constant 80 : i32
      %mul3A_1009 = arith.muli %add3A_1007, %mul3A_1008 : i32
      %add3A_1010 = arith.constant 480 : i32
      %add3A_1011 = arith.addi %add3A, %add3A_1010 : i32
      %mul3A_1012 = arith.constant 80 : i32
      %mul3A_1013 = arith.muli %add3A_1011, %mul3A_1012 : i32
      %dma_start3A = arith.constant 0 : i32
      %dma_start3A_1014 = tpu.memref_slice %arg5[%mul3A_1013, %dma_start3A] : memref<50000x128xf32, #tpu.memory_space<hbm>> -> memref<80x128xf32, #tpu.memory_space<hbm>>
      %dma_start3A_1015 = arith.constant 0 : i32
      %dma_start3A_1016 = tpu.memref_slice %arg24[%mul3A_1009, %dma_start3A_1015] : memref<7680x128xf32, #tpu.memory_space<vmem_shared>> -> memref<80x128xf32, #tpu.memory_space<vmem_shared>>
      tpu.enqueue_dma source(%dma_start3A_1016 : memref<80x128xf32, #tpu.memory_space<vmem_shared>>) target(%dma_start3A_1014 : memref<80x128xf32, #tpu.memory_space<hbm>>) target_semaphore(%arg52 : memref<!tpu.dma_semaphore, #tpu.memory_space<semaphore_mem>>)
    } else {
    }
    %add3A_869 = arith.constant 416 : i32
    %add3A_870 = arith.addi %add3A, %add3A_869 : i32
    %lt3A_871 = arith.constant 625 : i32
    %lt3A_872 = arith.cmpi slt, %add3A_870, %lt3A_871 : i32
    %convert_element_type3A_873 = arith.extui %lt3A_872 : i1 to i32
    %cond3A_874 = arith.constant 0 : i32
    %cond3A_875 = arith.cmpi ne, %convert_element_type3A_873, %cond3A_874 : i32
    scf.if %cond3A_875 {
      %mul3A_1002 = arith.constant 6 : i32
      %mul3A_1003 = arith.muli %arg1, %mul3A_1002 : i32
      %add3A_1004 = arith.constant 1 : i32
      %add3A_1005 = arith.addi %mul3A_1003, %add3A_1004 : i32
      %mul3A_1006 = arith.constant 80 : i32
      %mul3A_1007 = arith.muli %add3A_1005, %mul3A_1006 : i32
      %add3A_1008 = arith.constant 416 : i32
      %add3A_1009 = arith.addi %add3A, %add3A_1008 : i32
      %mul3A_1010 = arith.constant 80 : i32
      %mul3A_1011 = arith.muli %add3A_1009, %mul3A_1010 : i32
      %dma_wait3A = arith.constant 0 : i32
      %dma_wait3A_1012 = tpu.memref_slice %arg5[%mul3A_1011, %dma_wait3A] : memref<50000x128xf32, #tpu.memory_space<hbm>> -> memref<80x128xf32, #tpu.memory_space<hbm>>
      %dma_wait3A_1013 = arith.constant 0 : i32
      %dma_wait3A_1014 = tpu.memref_slice %arg24[%mul3A_1007, %dma_wait3A_1013] : memref<7680x128xf32, #tpu.memory_space<vmem_shared>> -> memref<80x128xf32, #tpu.memory_space<vmem_shared>>
      tpu.wait_dma2 semaphore(%arg50 : memref<!tpu.dma_semaphore, #tpu.memory_space<semaphore_mem>>) src(%dma_wait3A_1014 : memref<80x128xf32, #tpu.memory_space<vmem_shared>>) dst(%dma_wait3A_1012 : memref<80x128xf32, #tpu.memory_space<hbm>>)
    } else {
    }
    %add3A_876 = arith.constant 608 : i32
    %add3A_877 = arith.addi %add3A, %add3A_876 : i32
    %lt3A_878 = arith.constant 625 : i32
    %lt3A_879 = arith.cmpi slt, %add3A_877, %lt3A_878 : i32
    %convert_element_type3A_880 = arith.extui %lt3A_879 : i1 to i32
    %cond3A_881 = arith.constant 0 : i32
    %cond3A_882 = arith.cmpi ne, %convert_element_type3A_880, %cond3A_881 : i32
    scf.if %cond3A_882 {
      %add3A_1002 = arith.constant 608 : i32
      %add3A_1003 = arith.addi %add3A, %add3A_1002 : i32
      %mul3A_1004 = arith.constant 80 : i32
      %mul3A_1005 = arith.muli %add3A_1003, %mul3A_1004 : i32
      %dma_start3A = tpu.memref_slice %arg2[%mul3A_1005] : memref<50000xi32, #tpu.memory_space<hbm>> -> memref<80xi32, #tpu.memory_space<hbm>>
      %dma_start3A_1006 = tpu.memref_slice %arg2[%mul3A_1005] : memref<50000xi32, #tpu.memory_space<hbm>> -> memref<80xi32, #tpu.memory_space<hbm>>
      tpu.enqueue_dma source(%dma_start3A_1006 : memref<80xi32, #tpu.memory_space<hbm>>) target(%arg7 : memref<80xi32, #tpu.memory_space<vmem>>) target_semaphore(%arg26 : memref<!tpu.dma_semaphore, #tpu.memory_space<semaphore_mem>>)
      %add3A_1007 = arith.constant 608 : i32
      %add3A_1008 = arith.addi %add3A, %add3A_1007 : i32
      %mul3A_1009 = arith.constant 80 : i32
      %mul3A_1010 = arith.muli %add3A_1008, %mul3A_1009 : i32
      %mul3A_1011 = arith.constant 6 : i32
      %mul3A_1012 = arith.muli %arg1, %mul3A_1011 : i32
      %add3A_1013 = arith.constant 1 : i32
      %add3A_1014 = arith.addi %mul3A_1012, %add3A_1013 : i32
      %mul3A_1015 = arith.constant 80 : i32
      %mul3A_1016 = arith.muli %add3A_1014, %mul3A_1015 : i32
      %dma_start3A_1017 = arith.constant 0 : i32
      %dma_start3A_1018 = tpu.memref_slice %arg24[%mul3A_1016, %dma_start3A_1017] : memref<7680x128xf32, #tpu.memory_space<vmem_shared>> -> memref<80x128xf32, #tpu.memory_space<vmem_shared>>
      %dma_start3A_1019 = arith.constant 0 : i32
      %dma_start3A_1020 = tpu.memref_slice %arg3[%mul3A_1010, %dma_start3A_1019] : memref<50000x128xf32, #tpu.memory_space<hbm>> -> memref<80x128xf32, #tpu.memory_space<hbm>>
      tpu.enqueue_dma source(%dma_start3A_1020 : memref<80x128xf32, #tpu.memory_space<hbm>>) target(%dma_start3A_1018 : memref<80x128xf32, #tpu.memory_space<vmem_shared>>) target_semaphore(%arg32 : memref<!tpu.dma_semaphore, #tpu.memory_space<semaphore_mem>>)
    } else {
    }
    %add3A_883 = arith.constant 544 : i32
    %add3A_884 = arith.addi %add3A, %add3A_883 : i32
    %lt3A_885 = arith.constant 625 : i32
    %lt3A_886 = arith.cmpi slt, %add3A_884, %lt3A_885 : i32
    %convert_element_type3A_887 = arith.extui %lt3A_886 : i1 to i32
    %cond3A_888 = arith.constant 0 : i32
    %cond3A_889 = arith.cmpi ne, %convert_element_type3A_887, %cond3A_888 : i32
    scf.if %cond3A_889 {
      %add3A_1002 = arith.constant 544 : i32
      %add3A_1003 = arith.addi %add3A, %add3A_1002 : i32
      %mul3A_1004 = arith.constant 80 : i32
      %mul3A_1005 = arith.muli %add3A_1003, %mul3A_1004 : i32
      %dma_wait3A = tpu.memref_slice %arg2[%mul3A_1005] : memref<50000xi32, #tpu.memory_space<hbm>> -> memref<80xi32, #tpu.memory_space<hbm>>
      %dma_wait3A_1006 = tpu.memref_slice %arg2[%mul3A_1005] : memref<50000xi32, #tpu.memory_space<hbm>> -> memref<80xi32, #tpu.memory_space<hbm>>
      tpu.wait_dma2 semaphore(%arg30 : memref<!tpu.dma_semaphore, #tpu.memory_space<semaphore_mem>>) src(%dma_wait3A_1006 : memref<80xi32, #tpu.memory_space<hbm>>) dst(%arg11 : memref<80xi32, #tpu.memory_space<vmem>>)
      %dma_start3A = arith.constant 0 : i32
      %dma_start3A_1007 = arith.constant 0 : i32
      %dma_start3A_1008 = tpu.memref_slice %arg4[%dma_start3A, %dma_start3A_1007] : memref<100000x128xf32, #tpu.memory_space<hbm>> -> memref<100000x128xf32, #tpu.memory_space<hbm>>
      tpu.enqueue_indirect_dma source(%dma_start3A_1008 : memref<100000x128xf32, #tpu.memory_space<hbm>>) target(%arg17 : memref<80x128xf32, #tpu.memory_space<vmem>>) offsets(%arg11 : memref<80xi32, #tpu.memory_space<vmem>>) semaphore(%arg42 : memref<!tpu.dma_semaphore, #tpu.memory_space<semaphore_mem>>)
    } else {
    }
    %add3A_890 = arith.constant 512 : i32
    %add3A_891 = arith.addi %add3A, %add3A_890 : i32
    %lt3A_892 = arith.constant 625 : i32
    %lt3A_893 = arith.cmpi slt, %add3A_891, %lt3A_892 : i32
    %convert_element_type3A_894 = arith.extui %lt3A_893 : i1 to i32
    %cond3A_895 = arith.constant 0 : i32
    %cond3A_896 = arith.cmpi ne, %convert_element_type3A_894, %cond3A_895 : i32
    scf.if %cond3A_896 {
      %dma_wait3A = arith.constant 0 : i32
      %dma_wait3A_1002 = arith.constant 0 : i32
      %dma_wait3A_1003 = tpu.memref_slice %arg4[%dma_wait3A, %dma_wait3A_1002] : memref<100000x128xf32, #tpu.memory_space<hbm>> -> memref<100000x128xf32, #tpu.memory_space<hbm>>
      tpu.wait_indirect_dma semaphore(%arg41 : memref<!tpu.dma_semaphore, #tpu.memory_space<semaphore_mem>>) src(%dma_wait3A_1003 : memref<100000x128xf32, #tpu.memory_space<hbm>>) dst(%arg16 : memref<80x128xf32, #tpu.memory_space<vmem>>)
      %add3A_1004 = arith.constant 512 : i32
      %add3A_1005 = arith.addi %add3A, %add3A_1004 : i32
      %mul3A_1006 = arith.constant 80 : i32
      %mul3A_1007 = arith.muli %add3A_1005, %mul3A_1006 : i32
      %mul3A_1008 = arith.constant 6 : i32
      %mul3A_1009 = arith.muli %arg1, %mul3A_1008 : i32
      %add3A_1010 = arith.constant 4 : i32
      %add3A_1011 = arith.addi %mul3A_1009, %add3A_1010 : i32
      %mul3A_1012 = arith.constant 80 : i32
      %mul3A_1013 = arith.muli %add3A_1011, %mul3A_1012 : i32
      %dma_wait3A_1014 = arith.constant 0 : i32
      %dma_wait3A_1015 = tpu.memref_slice %arg24[%mul3A_1013, %dma_wait3A_1014] : memref<7680x128xf32, #tpu.memory_space<vmem_shared>> -> memref<80x128xf32, #tpu.memory_space<vmem_shared>>
      %dma_wait3A_1016 = arith.constant 0 : i32
      %dma_wait3A_1017 = tpu.memref_slice %arg3[%mul3A_1007, %dma_wait3A_1016] : memref<50000x128xf32, #tpu.memory_space<hbm>> -> memref<80x128xf32, #tpu.memory_space<hbm>>
      tpu.wait_dma2 semaphore(%arg35 : memref<!tpu.dma_semaphore, #tpu.memory_space<semaphore_mem>>) src(%dma_wait3A_1017 : memref<80x128xf32, #tpu.memory_space<hbm>>) dst(%dma_wait3A_1015 : memref<80x128xf32, #tpu.memory_space<vmem_shared>>)
      %dma_start3A = arith.constant 0 : i32
      %dma_start3A_1018 = arith.constant 0 : i32
      %dma_start3A_1019 = tpu.memref_slice %arg24[%dma_start3A, %dma_start3A_1018] : memref<7680x128xf32, #tpu.memory_space<vmem_shared>> -> memref<7680x128xf32, #tpu.memory_space<vmem_shared>>
      tpu.enqueue_indirect_dma source(%arg16 : memref<80x128xf32, #tpu.memory_space<vmem>>) target(%dma_start3A_1019 : memref<7680x128xf32, #tpu.memory_space<vmem_shared>>) offsets(%arg22 : memref<80xi32, #tpu.memory_space<vmem>>) semaphore(%arg47 : memref<!tpu.dma_semaphore, #tpu.memory_space<semaphore_mem>>) {add = true}
    } else {
    }
    %add3A_897 = arith.constant 512 : i32
    %add3A_898 = arith.addi %add3A, %add3A_897 : i32
    %lt3A_899 = arith.constant 625 : i32
    %lt3A_900 = arith.cmpi slt, %add3A_898, %lt3A_899 : i32
    %convert_element_type3A_901 = arith.extui %lt3A_900 : i1 to i32
    %cond3A_902 = arith.constant 0 : i32
    %cond3A_903 = arith.cmpi ne, %convert_element_type3A_901, %cond3A_902 : i32
    scf.if %cond3A_903 {
      %dma_wait3A = arith.constant 0 : i32
      %dma_wait3A_1002 = arith.constant 0 : i32
      %dma_wait3A_1003 = tpu.memref_slice %arg24[%dma_wait3A, %dma_wait3A_1002] : memref<7680x128xf32, #tpu.memory_space<vmem_shared>> -> memref<7680x128xf32, #tpu.memory_space<vmem_shared>>
      tpu.wait_indirect_dma semaphore(%arg47 : memref<!tpu.dma_semaphore, #tpu.memory_space<semaphore_mem>>) src(%arg16 : memref<80x128xf32, #tpu.memory_space<vmem>>) dst(%dma_wait3A_1003 : memref<7680x128xf32, #tpu.memory_space<vmem_shared>>)
      %mul3A_1004 = arith.constant 6 : i32
      %mul3A_1005 = arith.muli %arg1, %mul3A_1004 : i32
      %add3A_1006 = arith.constant 4 : i32
      %add3A_1007 = arith.addi %mul3A_1005, %add3A_1006 : i32
      %mul3A_1008 = arith.constant 80 : i32
      %mul3A_1009 = arith.muli %add3A_1007, %mul3A_1008 : i32
      %add3A_1010 = arith.constant 512 : i32
      %add3A_1011 = arith.addi %add3A, %add3A_1010 : i32
      %mul3A_1012 = arith.constant 80 : i32
      %mul3A_1013 = arith.muli %add3A_1011, %mul3A_1012 : i32
      %dma_start3A = arith.constant 0 : i32
      %dma_start3A_1014 = tpu.memref_slice %arg5[%mul3A_1013, %dma_start3A] : memref<50000x128xf32, #tpu.memory_space<hbm>> -> memref<80x128xf32, #tpu.memory_space<hbm>>
      %dma_start3A_1015 = arith.constant 0 : i32
      %dma_start3A_1016 = tpu.memref_slice %arg24[%mul3A_1009, %dma_start3A_1015] : memref<7680x128xf32, #tpu.memory_space<vmem_shared>> -> memref<80x128xf32, #tpu.memory_space<vmem_shared>>
      tpu.enqueue_dma source(%dma_start3A_1016 : memref<80x128xf32, #tpu.memory_space<vmem_shared>>) target(%dma_start3A_1014 : memref<80x128xf32, #tpu.memory_space<hbm>>) target_semaphore(%arg53 : memref<!tpu.dma_semaphore, #tpu.memory_space<semaphore_mem>>)
    } else {
    }
    %add3A_904 = arith.constant 448 : i32
    %add3A_905 = arith.addi %add3A, %add3A_904 : i32
    %lt3A_906 = arith.constant 625 : i32
    %lt3A_907 = arith.cmpi slt, %add3A_905, %lt3A_906 : i32
    %convert_element_type3A_908 = arith.extui %lt3A_907 : i1 to i32
    %cond3A_909 = arith.constant 0 : i32
    %cond3A_910 = arith.cmpi ne, %convert_element_type3A_908, %cond3A_909 : i32
    scf.if %cond3A_910 {
      %mul3A_1002 = arith.constant 6 : i32
      %mul3A_1003 = arith.muli %arg1, %mul3A_1002 : i32
      %add3A_1004 = arith.constant 2 : i32
      %add3A_1005 = arith.addi %mul3A_1003, %add3A_1004 : i32
      %mul3A_1006 = arith.constant 80 : i32
      %mul3A_1007 = arith.muli %add3A_1005, %mul3A_1006 : i32
      %add3A_1008 = arith.constant 448 : i32
      %add3A_1009 = arith.addi %add3A, %add3A_1008 : i32
      %mul3A_1010 = arith.constant 80 : i32
      %mul3A_1011 = arith.muli %add3A_1009, %mul3A_1010 : i32
      %dma_wait3A = arith.constant 0 : i32
      %dma_wait3A_1012 = tpu.memref_slice %arg5[%mul3A_1011, %dma_wait3A] : memref<50000x128xf32, #tpu.memory_space<hbm>> -> memref<80x128xf32, #tpu.memory_space<hbm>>
      %dma_wait3A_1013 = arith.constant 0 : i32
      %dma_wait3A_1014 = tpu.memref_slice %arg24[%mul3A_1007, %dma_wait3A_1013] : memref<7680x128xf32, #tpu.memory_space<vmem_shared>> -> memref<80x128xf32, #tpu.memory_space<vmem_shared>>
      tpu.wait_dma2 semaphore(%arg51 : memref<!tpu.dma_semaphore, #tpu.memory_space<semaphore_mem>>) src(%dma_wait3A_1014 : memref<80x128xf32, #tpu.memory_space<vmem_shared>>) dst(%dma_wait3A_1012 : memref<80x128xf32, #tpu.memory_space<hbm>>)
    } else {
    }
    %add3A_911 = arith.constant 576 : i32
    %add3A_912 = arith.addi %add3A, %add3A_911 : i32
    %lt3A_913 = arith.constant 625 : i32
    %lt3A_914 = arith.cmpi slt, %add3A_912, %lt3A_913 : i32
    %convert_element_type3A_915 = arith.extui %lt3A_914 : i1 to i32
    %cond3A_916 = arith.constant 0 : i32
    %cond3A_917 = arith.cmpi ne, %convert_element_type3A_915, %cond3A_916 : i32
    scf.if %cond3A_917 {
      %add3A_1002 = arith.constant 576 : i32
      %add3A_1003 = arith.addi %add3A, %add3A_1002 : i32
      %mul3A_1004 = arith.constant 80 : i32
      %mul3A_1005 = arith.muli %add3A_1003, %mul3A_1004 : i32
      %dma_wait3A = tpu.memref_slice %arg2[%mul3A_1005] : memref<50000xi32, #tpu.memory_space<hbm>> -> memref<80xi32, #tpu.memory_space<hbm>>
      %dma_wait3A_1006 = tpu.memref_slice %arg2[%mul3A_1005] : memref<50000xi32, #tpu.memory_space<hbm>> -> memref<80xi32, #tpu.memory_space<hbm>>
      tpu.wait_dma2 semaphore(%arg25 : memref<!tpu.dma_semaphore, #tpu.memory_space<semaphore_mem>>) src(%dma_wait3A_1006 : memref<80xi32, #tpu.memory_space<hbm>>) dst(%arg6 : memref<80xi32, #tpu.memory_space<vmem>>)
      %dma_start3A = arith.constant 0 : i32
      %dma_start3A_1007 = arith.constant 0 : i32
      %dma_start3A_1008 = tpu.memref_slice %arg4[%dma_start3A, %dma_start3A_1007] : memref<100000x128xf32, #tpu.memory_space<hbm>> -> memref<100000x128xf32, #tpu.memory_space<hbm>>
      tpu.enqueue_indirect_dma source(%dma_start3A_1008 : memref<100000x128xf32, #tpu.memory_space<hbm>>) target(%arg12 : memref<80x128xf32, #tpu.memory_space<vmem>>) offsets(%arg6 : memref<80xi32, #tpu.memory_space<vmem>>) semaphore(%arg37 : memref<!tpu.dma_semaphore, #tpu.memory_space<semaphore_mem>>)
    } else {
    }
    %add3A_918 = arith.constant 544 : i32
    %add3A_919 = arith.addi %add3A, %add3A_918 : i32
    %lt3A_920 = arith.constant 625 : i32
    %lt3A_921 = arith.cmpi slt, %add3A_919, %lt3A_920 : i32
    %convert_element_type3A_922 = arith.extui %lt3A_921 : i1 to i32
    %cond3A_923 = arith.constant 0 : i32
    %cond3A_924 = arith.cmpi ne, %convert_element_type3A_922, %cond3A_923 : i32
    scf.if %cond3A_924 {
      %dma_wait3A = arith.constant 0 : i32
      %dma_wait3A_1002 = arith.constant 0 : i32
      %dma_wait3A_1003 = tpu.memref_slice %arg4[%dma_wait3A, %dma_wait3A_1002] : memref<100000x128xf32, #tpu.memory_space<hbm>> -> memref<100000x128xf32, #tpu.memory_space<hbm>>
      tpu.wait_indirect_dma semaphore(%arg42 : memref<!tpu.dma_semaphore, #tpu.memory_space<semaphore_mem>>) src(%dma_wait3A_1003 : memref<100000x128xf32, #tpu.memory_space<hbm>>) dst(%arg17 : memref<80x128xf32, #tpu.memory_space<vmem>>)
      %add3A_1004 = arith.constant 544 : i32
      %add3A_1005 = arith.addi %add3A, %add3A_1004 : i32
      %mul3A_1006 = arith.constant 80 : i32
      %mul3A_1007 = arith.muli %add3A_1005, %mul3A_1006 : i32
      %mul3A_1008 = arith.constant 6 : i32
      %mul3A_1009 = arith.muli %arg1, %mul3A_1008 : i32
      %add3A_1010 = arith.constant 5 : i32
      %add3A_1011 = arith.addi %mul3A_1009, %add3A_1010 : i32
      %mul3A_1012 = arith.constant 80 : i32
      %mul3A_1013 = arith.muli %add3A_1011, %mul3A_1012 : i32
      %dma_wait3A_1014 = arith.constant 0 : i32
      %dma_wait3A_1015 = tpu.memref_slice %arg24[%mul3A_1013, %dma_wait3A_1014] : memref<7680x128xf32, #tpu.memory_space<vmem_shared>> -> memref<80x128xf32, #tpu.memory_space<vmem_shared>>
      %dma_wait3A_1016 = arith.constant 0 : i32
      %dma_wait3A_1017 = tpu.memref_slice %arg3[%mul3A_1007, %dma_wait3A_1016] : memref<50000x128xf32, #tpu.memory_space<hbm>> -> memref<80x128xf32, #tpu.memory_space<hbm>>
      tpu.wait_dma2 semaphore(%arg36 : memref<!tpu.dma_semaphore, #tpu.memory_space<semaphore_mem>>) src(%dma_wait3A_1017 : memref<80x128xf32, #tpu.memory_space<hbm>>) dst(%dma_wait3A_1015 : memref<80x128xf32, #tpu.memory_space<vmem_shared>>)
      %dma_start3A = arith.constant 0 : i32
      %dma_start3A_1018 = arith.constant 0 : i32
      %dma_start3A_1019 = tpu.memref_slice %arg24[%dma_start3A, %dma_start3A_1018] : memref<7680x128xf32, #tpu.memory_space<vmem_shared>> -> memref<7680x128xf32, #tpu.memory_space<vmem_shared>>
      tpu.enqueue_indirect_dma source(%arg17 : memref<80x128xf32, #tpu.memory_space<vmem>>) target(%dma_start3A_1019 : memref<7680x128xf32, #tpu.memory_space<vmem_shared>>) offsets(%arg23 : memref<80xi32, #tpu.memory_space<vmem>>) semaphore(%arg48 : memref<!tpu.dma_semaphore, #tpu.memory_space<semaphore_mem>>) {add = true}
    } else {
    }
    %add3A_925 = arith.constant 544 : i32
    %add3A_926 = arith.addi %add3A, %add3A_925 : i32
    %lt3A_927 = arith.constant 625 : i32
    %lt3A_928 = arith.cmpi slt, %add3A_926, %lt3A_927 : i32
    %convert_element_type3A_929 = arith.extui %lt3A_928 : i1 to i32
    %cond3A_930 = arith.constant 0 : i32
    %cond3A_931 = arith.cmpi ne, %convert_element_type3A_929, %cond3A_930 : i32
    scf.if %cond3A_931 {
      %dma_wait3A = arith.constant 0 : i32
      %dma_wait3A_1002 = arith.constant 0 : i32
      %dma_wait3A_1003 = tpu.memref_slice %arg24[%dma_wait3A, %dma_wait3A_1002] : memref<7680x128xf32, #tpu.memory_space<vmem_shared>> -> memref<7680x128xf32, #tpu.memory_space<vmem_shared>>
      tpu.wait_indirect_dma semaphore(%arg48 : memref<!tpu.dma_semaphore, #tpu.memory_space<semaphore_mem>>) src(%arg17 : memref<80x128xf32, #tpu.memory_space<vmem>>) dst(%dma_wait3A_1003 : memref<7680x128xf32, #tpu.memory_space<vmem_shared>>)
      %mul3A_1004 = arith.constant 6 : i32
      %mul3A_1005 = arith.muli %arg1, %mul3A_1004 : i32
      %add3A_1006 = arith.constant 5 : i32
      %add3A_1007 = arith.addi %mul3A_1005, %add3A_1006 : i32
      %mul3A_1008 = arith.constant 80 : i32
      %mul3A_1009 = arith.muli %add3A_1007, %mul3A_1008 : i32
      %add3A_1010 = arith.constant 544 : i32
      %add3A_1011 = arith.addi %add3A, %add3A_1010 : i32
      %mul3A_1012 = arith.constant 80 : i32
      %mul3A_1013 = arith.muli %add3A_1011, %mul3A_1012 : i32
      %dma_start3A = arith.constant 0 : i32
      %dma_start3A_1014 = tpu.memref_slice %arg5[%mul3A_1013, %dma_start3A] : memref<50000x128xf32, #tpu.memory_space<hbm>> -> memref<80x128xf32, #tpu.memory_space<hbm>>
      %dma_start3A_1015 = arith.constant 0 : i32
      %dma_start3A_1016 = tpu.memref_slice %arg24[%mul3A_1009, %dma_start3A_1015] : memref<7680x128xf32, #tpu.memory_space<vmem_shared>> -> memref<80x128xf32, #tpu.memory_space<vmem_shared>>
      tpu.enqueue_dma source(%dma_start3A_1016 : memref<80x128xf32, #tpu.memory_space<vmem_shared>>) target(%dma_start3A_1014 : memref<80x128xf32, #tpu.memory_space<hbm>>) target_semaphore(%arg54 : memref<!tpu.dma_semaphore, #tpu.memory_space<semaphore_mem>>)
    } else {
    }
    %add3A_932 = arith.constant 480 : i32
    %add3A_933 = arith.addi %add3A, %add3A_932 : i32
    %lt3A_934 = arith.constant 625 : i32
    %lt3A_935 = arith.cmpi slt, %add3A_933, %lt3A_934 : i32
    %convert_element_type3A_936 = arith.extui %lt3A_935 : i1 to i32
    %cond3A_937 = arith.constant 0 : i32
    %cond3A_938 = arith.cmpi ne, %convert_element_type3A_936, %cond3A_937 : i32
    scf.if %cond3A_938 {
      %mul3A_1002 = arith.constant 6 : i32
      %mul3A_1003 = arith.muli %arg1, %mul3A_1002 : i32
      %add3A_1004 = arith.constant 3 : i32
      %add3A_1005 = arith.addi %mul3A_1003, %add3A_1004 : i32
      %mul3A_1006 = arith.constant 80 : i32
      %mul3A_1007 = arith.muli %add3A_1005, %mul3A_1006 : i32
      %add3A_1008 = arith.constant 480 : i32
      %add3A_1009 = arith.addi %add3A, %add3A_1008 : i32
      %mul3A_1010 = arith.constant 80 : i32
      %mul3A_1011 = arith.muli %add3A_1009, %mul3A_1010 : i32
      %dma_wait3A = arith.constant 0 : i32
      %dma_wait3A_1012 = tpu.memref_slice %arg5[%mul3A_1011, %dma_wait3A] : memref<50000x128xf32, #tpu.memory_space<hbm>> -> memref<80x128xf32, #tpu.memory_space<hbm>>
      %dma_wait3A_1013 = arith.constant 0 : i32
      %dma_wait3A_1014 = tpu.memref_slice %arg24[%mul3A_1007, %dma_wait3A_1013] : memref<7680x128xf32, #tpu.memory_space<vmem_shared>> -> memref<80x128xf32, #tpu.memory_space<vmem_shared>>
      tpu.wait_dma2 semaphore(%arg52 : memref<!tpu.dma_semaphore, #tpu.memory_space<semaphore_mem>>) src(%dma_wait3A_1014 : memref<80x128xf32, #tpu.memory_space<vmem_shared>>) dst(%dma_wait3A_1012 : memref<80x128xf32, #tpu.memory_space<hbm>>)
    } else {
    }
    %add3A_939 = arith.constant 608 : i32
    %add3A_940 = arith.addi %add3A, %add3A_939 : i32
    %lt3A_941 = arith.constant 625 : i32
    %lt3A_942 = arith.cmpi slt, %add3A_940, %lt3A_941 : i32
    %convert_element_type3A_943 = arith.extui %lt3A_942 : i1 to i32
    %cond3A_944 = arith.constant 0 : i32
    %cond3A_945 = arith.cmpi ne, %convert_element_type3A_943, %cond3A_944 : i32
    scf.if %cond3A_945 {
      %add3A_1002 = arith.constant 608 : i32
      %add3A_1003 = arith.addi %add3A, %add3A_1002 : i32
      %mul3A_1004 = arith.constant 80 : i32
      %mul3A_1005 = arith.muli %add3A_1003, %mul3A_1004 : i32
      %dma_wait3A = tpu.memref_slice %arg2[%mul3A_1005] : memref<50000xi32, #tpu.memory_space<hbm>> -> memref<80xi32, #tpu.memory_space<hbm>>
      %dma_wait3A_1006 = tpu.memref_slice %arg2[%mul3A_1005] : memref<50000xi32, #tpu.memory_space<hbm>> -> memref<80xi32, #tpu.memory_space<hbm>>
      tpu.wait_dma2 semaphore(%arg26 : memref<!tpu.dma_semaphore, #tpu.memory_space<semaphore_mem>>) src(%dma_wait3A_1006 : memref<80xi32, #tpu.memory_space<hbm>>) dst(%arg7 : memref<80xi32, #tpu.memory_space<vmem>>)
      %dma_start3A = arith.constant 0 : i32
      %dma_start3A_1007 = arith.constant 0 : i32
      %dma_start3A_1008 = tpu.memref_slice %arg4[%dma_start3A, %dma_start3A_1007] : memref<100000x128xf32, #tpu.memory_space<hbm>> -> memref<100000x128xf32, #tpu.memory_space<hbm>>
      tpu.enqueue_indirect_dma source(%dma_start3A_1008 : memref<100000x128xf32, #tpu.memory_space<hbm>>) target(%arg13 : memref<80x128xf32, #tpu.memory_space<vmem>>) offsets(%arg7 : memref<80xi32, #tpu.memory_space<vmem>>) semaphore(%arg38 : memref<!tpu.dma_semaphore, #tpu.memory_space<semaphore_mem>>)
    } else {
    }
    %add3A_946 = arith.constant 576 : i32
    %add3A_947 = arith.addi %add3A, %add3A_946 : i32
    %lt3A_948 = arith.constant 625 : i32
    %lt3A_949 = arith.cmpi slt, %add3A_947, %lt3A_948 : i32
    %convert_element_type3A_950 = arith.extui %lt3A_949 : i1 to i32
    %cond3A_951 = arith.constant 0 : i32
    %cond3A_952 = arith.cmpi ne, %convert_element_type3A_950, %cond3A_951 : i32
    scf.if %cond3A_952 {
      %dma_wait3A = arith.constant 0 : i32
      %dma_wait3A_1002 = arith.constant 0 : i32
      %dma_wait3A_1003 = tpu.memref_slice %arg4[%dma_wait3A, %dma_wait3A_1002] : memref<100000x128xf32, #tpu.memory_space<hbm>> -> memref<100000x128xf32, #tpu.memory_space<hbm>>
      tpu.wait_indirect_dma semaphore(%arg37 : memref<!tpu.dma_semaphore, #tpu.memory_space<semaphore_mem>>) src(%dma_wait3A_1003 : memref<100000x128xf32, #tpu.memory_space<hbm>>) dst(%arg12 : memref<80x128xf32, #tpu.memory_space<vmem>>)
      %add3A_1004 = arith.constant 576 : i32
      %add3A_1005 = arith.addi %add3A, %add3A_1004 : i32
      %mul3A_1006 = arith.constant 80 : i32
      %mul3A_1007 = arith.muli %add3A_1005, %mul3A_1006 : i32
      %mul3A_1008 = arith.constant 6 : i32
      %mul3A_1009 = arith.muli %arg1, %mul3A_1008 : i32
      %add3A_1010 = arith.constant 0 : i32
      %add3A_1011 = arith.addi %mul3A_1009, %add3A_1010 : i32
      %mul3A_1012 = arith.constant 80 : i32
      %mul3A_1013 = arith.muli %add3A_1011, %mul3A_1012 : i32
      %dma_wait3A_1014 = arith.constant 0 : i32
      %dma_wait3A_1015 = tpu.memref_slice %arg24[%mul3A_1013, %dma_wait3A_1014] : memref<7680x128xf32, #tpu.memory_space<vmem_shared>> -> memref<80x128xf32, #tpu.memory_space<vmem_shared>>
      %dma_wait3A_1016 = arith.constant 0 : i32
      %dma_wait3A_1017 = tpu.memref_slice %arg3[%mul3A_1007, %dma_wait3A_1016] : memref<50000x128xf32, #tpu.memory_space<hbm>> -> memref<80x128xf32, #tpu.memory_space<hbm>>
      tpu.wait_dma2 semaphore(%arg31 : memref<!tpu.dma_semaphore, #tpu.memory_space<semaphore_mem>>) src(%dma_wait3A_1017 : memref<80x128xf32, #tpu.memory_space<hbm>>) dst(%dma_wait3A_1015 : memref<80x128xf32, #tpu.memory_space<vmem_shared>>)
      %dma_start3A = arith.constant 0 : i32
      %dma_start3A_1018 = arith.constant 0 : i32
      %dma_start3A_1019 = tpu.memref_slice %arg24[%dma_start3A, %dma_start3A_1018] : memref<7680x128xf32, #tpu.memory_space<vmem_shared>> -> memref<7680x128xf32, #tpu.memory_space<vmem_shared>>
      tpu.enqueue_indirect_dma source(%arg12 : memref<80x128xf32, #tpu.memory_space<vmem>>) target(%dma_start3A_1019 : memref<7680x128xf32, #tpu.memory_space<vmem_shared>>) offsets(%arg18 : memref<80xi32, #tpu.memory_space<vmem>>) semaphore(%arg43 : memref<!tpu.dma_semaphore, #tpu.memory_space<semaphore_mem>>) {add = true}
    } else {
    }
    %add3A_953 = arith.constant 576 : i32
    %add3A_954 = arith.addi %add3A, %add3A_953 : i32
    %lt3A_955 = arith.constant 625 : i32
    %lt3A_956 = arith.cmpi slt, %add3A_954, %lt3A_955 : i32
    %convert_element_type3A_957 = arith.extui %lt3A_956 : i1 to i32
    %cond3A_958 = arith.constant 0 : i32
    %cond3A_959 = arith.cmpi ne, %convert_element_type3A_957, %cond3A_958 : i32
    scf.if %cond3A_959 {
      %dma_wait3A = arith.constant 0 : i32
      %dma_wait3A_1002 = arith.constant 0 : i32
      %dma_wait3A_1003 = tpu.memref_slice %arg24[%dma_wait3A, %dma_wait3A_1002] : memref<7680x128xf32, #tpu.memory_space<vmem_shared>> -> memref<7680x128xf32, #tpu.memory_space<vmem_shared>>
      tpu.wait_indirect_dma semaphore(%arg43 : memref<!tpu.dma_semaphore, #tpu.memory_space<semaphore_mem>>) src(%arg12 : memref<80x128xf32, #tpu.memory_space<vmem>>) dst(%dma_wait3A_1003 : memref<7680x128xf32, #tpu.memory_space<vmem_shared>>)
      %mul3A_1004 = arith.constant 6 : i32
      %mul3A_1005 = arith.muli %arg1, %mul3A_1004 : i32
      %add3A_1006 = arith.constant 0 : i32
      %add3A_1007 = arith.addi %mul3A_1005, %add3A_1006 : i32
      %mul3A_1008 = arith.constant 80 : i32
      %mul3A_1009 = arith.muli %add3A_1007, %mul3A_1008 : i32
      %add3A_1010 = arith.constant 576 : i32
      %add3A_1011 = arith.addi %add3A, %add3A_1010 : i32
      %mul3A_1012 = arith.constant 80 : i32
      %mul3A_1013 = arith.muli %add3A_1011, %mul3A_1012 : i32
      %dma_start3A = arith.constant 0 : i32
      %dma_start3A_1014 = tpu.memref_slice %arg5[%mul3A_1013, %dma_start3A] : memref<50000x128xf32, #tpu.memory_space<hbm>> -> memref<80x128xf32, #tpu.memory_space<hbm>>
      %dma_start3A_1015 = arith.constant 0 : i32
      %dma_start3A_1016 = tpu.memref_slice %arg24[%mul3A_1009, %dma_start3A_1015] : memref<7680x128xf32, #tpu.memory_space<vmem_shared>> -> memref<80x128xf32, #tpu.memory_space<vmem_shared>>
      tpu.enqueue_dma source(%dma_start3A_1016 : memref<80x128xf32, #tpu.memory_space<vmem_shared>>) target(%dma_start3A_1014 : memref<80x128xf32, #tpu.memory_space<hbm>>) target_semaphore(%arg49 : memref<!tpu.dma_semaphore, #tpu.memory_space<semaphore_mem>>)
    } else {
    }
    %add3A_960 = arith.constant 512 : i32
    %add3A_961 = arith.addi %add3A, %add3A_960 : i32
    %lt3A_962 = arith.constant 625 : i32
    %lt3A_963 = arith.cmpi slt, %add3A_961, %lt3A_962 : i32
    %convert_element_type3A_964 = arith.extui %lt3A_963 : i1 to i32
    %cond3A_965 = arith.constant 0 : i32
    %cond3A_966 = arith.cmpi ne, %convert_element_type3A_964, %cond3A_965 : i32
    scf.if %cond3A_966 {
      %mul3A_1002 = arith.constant 6 : i32
      %mul3A_1003 = arith.muli %arg1, %mul3A_1002 : i32
      %add3A_1004 = arith.constant 4 : i32
      %add3A_1005 = arith.addi %mul3A_1003, %add3A_1004 : i32
      %mul3A_1006 = arith.constant 80 : i32
      %mul3A_1007 = arith.muli %add3A_1005, %mul3A_1006 : i32
      %add3A_1008 = arith.constant 512 : i32
      %add3A_1009 = arith.addi %add3A, %add3A_1008 : i32
      %mul3A_1010 = arith.constant 80 : i32
      %mul3A_1011 = arith.muli %add3A_1009, %mul3A_1010 : i32
      %dma_wait3A = arith.constant 0 : i32
      %dma_wait3A_1012 = tpu.memref_slice %arg5[%mul3A_1011, %dma_wait3A] : memref<50000x128xf32, #tpu.memory_space<hbm>> -> memref<80x128xf32, #tpu.memory_space<hbm>>
      %dma_wait3A_1013 = arith.constant 0 : i32
      %dma_wait3A_1014 = tpu.memref_slice %arg24[%mul3A_1007, %dma_wait3A_1013] : memref<7680x128xf32, #tpu.memory_space<vmem_shared>> -> memref<80x128xf32, #tpu.memory_space<vmem_shared>>
      tpu.wait_dma2 semaphore(%arg53 : memref<!tpu.dma_semaphore, #tpu.memory_space<semaphore_mem>>) src(%dma_wait3A_1014 : memref<80x128xf32, #tpu.memory_space<vmem_shared>>) dst(%dma_wait3A_1012 : memref<80x128xf32, #tpu.memory_space<hbm>>)
    } else {
    }
    %add3A_967 = arith.constant 608 : i32
    %add3A_968 = arith.addi %add3A, %add3A_967 : i32
    %lt3A_969 = arith.constant 625 : i32
    %lt3A_970 = arith.cmpi slt, %add3A_968, %lt3A_969 : i32
    %convert_element_type3A_971 = arith.extui %lt3A_970 : i1 to i32
    %cond3A_972 = arith.constant 0 : i32
    %cond3A_973 = arith.cmpi ne, %convert_element_type3A_971, %cond3A_972 : i32
    scf.if %cond3A_973 {
      %dma_wait3A = arith.constant 0 : i32
      %dma_wait3A_1002 = arith.constant 0 : i32
      %dma_wait3A_1003 = tpu.memref_slice %arg4[%dma_wait3A, %dma_wait3A_1002] : memref<100000x128xf32, #tpu.memory_space<hbm>> -> memref<100000x128xf32, #tpu.memory_space<hbm>>
      tpu.wait_indirect_dma semaphore(%arg38 : memref<!tpu.dma_semaphore, #tpu.memory_space<semaphore_mem>>) src(%dma_wait3A_1003 : memref<100000x128xf32, #tpu.memory_space<hbm>>) dst(%arg13 : memref<80x128xf32, #tpu.memory_space<vmem>>)
      %add3A_1004 = arith.constant 608 : i32
      %add3A_1005 = arith.addi %add3A, %add3A_1004 : i32
      %mul3A_1006 = arith.constant 80 : i32
      %mul3A_1007 = arith.muli %add3A_1005, %mul3A_1006 : i32
      %mul3A_1008 = arith.constant 6 : i32
      %mul3A_1009 = arith.muli %arg1, %mul3A_1008 : i32
      %add3A_1010 = arith.constant 1 : i32
      %add3A_1011 = arith.addi %mul3A_1009, %add3A_1010 : i32
      %mul3A_1012 = arith.constant 80 : i32
      %mul3A_1013 = arith.muli %add3A_1011, %mul3A_1012 : i32
      %dma_wait3A_1014 = arith.constant 0 : i32
      %dma_wait3A_1015 = tpu.memref_slice %arg24[%mul3A_1013, %dma_wait3A_1014] : memref<7680x128xf32, #tpu.memory_space<vmem_shared>> -> memref<80x128xf32, #tpu.memory_space<vmem_shared>>
      %dma_wait3A_1016 = arith.constant 0 : i32
      %dma_wait3A_1017 = tpu.memref_slice %arg3[%mul3A_1007, %dma_wait3A_1016] : memref<50000x128xf32, #tpu.memory_space<hbm>> -> memref<80x128xf32, #tpu.memory_space<hbm>>
      tpu.wait_dma2 semaphore(%arg32 : memref<!tpu.dma_semaphore, #tpu.memory_space<semaphore_mem>>) src(%dma_wait3A_1017 : memref<80x128xf32, #tpu.memory_space<hbm>>) dst(%dma_wait3A_1015 : memref<80x128xf32, #tpu.memory_space<vmem_shared>>)
      %dma_start3A = arith.constant 0 : i32
      %dma_start3A_1018 = arith.constant 0 : i32
      %dma_start3A_1019 = tpu.memref_slice %arg24[%dma_start3A, %dma_start3A_1018] : memref<7680x128xf32, #tpu.memory_space<vmem_shared>> -> memref<7680x128xf32, #tpu.memory_space<vmem_shared>>
      tpu.enqueue_indirect_dma source(%arg13 : memref<80x128xf32, #tpu.memory_space<vmem>>) target(%dma_start3A_1019 : memref<7680x128xf32, #tpu.memory_space<vmem_shared>>) offsets(%arg19 : memref<80xi32, #tpu.memory_space<vmem>>) semaphore(%arg44 : memref<!tpu.dma_semaphore, #tpu.memory_space<semaphore_mem>>) {add = true}
    } else {
    }
    %add3A_974 = arith.constant 608 : i32
    %add3A_975 = arith.addi %add3A, %add3A_974 : i32
    %lt3A_976 = arith.constant 625 : i32
    %lt3A_977 = arith.cmpi slt, %add3A_975, %lt3A_976 : i32
    %convert_element_type3A_978 = arith.extui %lt3A_977 : i1 to i32
    %cond3A_979 = arith.constant 0 : i32
    %cond3A_980 = arith.cmpi ne, %convert_element_type3A_978, %cond3A_979 : i32
    scf.if %cond3A_980 {
      %dma_wait3A = arith.constant 0 : i32
      %dma_wait3A_1002 = arith.constant 0 : i32
      %dma_wait3A_1003 = tpu.memref_slice %arg24[%dma_wait3A, %dma_wait3A_1002] : memref<7680x128xf32, #tpu.memory_space<vmem_shared>> -> memref<7680x128xf32, #tpu.memory_space<vmem_shared>>
      tpu.wait_indirect_dma semaphore(%arg44 : memref<!tpu.dma_semaphore, #tpu.memory_space<semaphore_mem>>) src(%arg13 : memref<80x128xf32, #tpu.memory_space<vmem>>) dst(%dma_wait3A_1003 : memref<7680x128xf32, #tpu.memory_space<vmem_shared>>)
      %mul3A_1004 = arith.constant 6 : i32
      %mul3A_1005 = arith.muli %arg1, %mul3A_1004 : i32
      %add3A_1006 = arith.constant 1 : i32
      %add3A_1007 = arith.addi %mul3A_1005, %add3A_1006 : i32
      %mul3A_1008 = arith.constant 80 : i32
      %mul3A_1009 = arith.muli %add3A_1007, %mul3A_1008 : i32
      %add3A_1010 = arith.constant 608 : i32
      %add3A_1011 = arith.addi %add3A, %add3A_1010 : i32
      %mul3A_1012 = arith.constant 80 : i32
      %mul3A_1013 = arith.muli %add3A_1011, %mul3A_1012 : i32
      %dma_start3A = arith.constant 0 : i32
      %dma_start3A_1014 = tpu.memref_slice %arg5[%mul3A_1013, %dma_start3A] : memref<50000x128xf32, #tpu.memory_space<hbm>> -> memref<80x128xf32, #tpu.memory_space<hbm>>
      %dma_start3A_1015 = arith.constant 0 : i32
      %dma_start3A_1016 = tpu.memref_slice %arg24[%mul3A_1009, %dma_start3A_1015] : memref<7680x128xf32, #tpu.memory_space<vmem_shared>> -> memref<80x128xf32, #tpu.memory_space<vmem_shared>>
      tpu.enqueue_dma source(%dma_start3A_1016 : memref<80x128xf32, #tpu.memory_space<vmem_shared>>) target(%dma_start3A_1014 : memref<80x128xf32, #tpu.memory_space<hbm>>) target_semaphore(%arg50 : memref<!tpu.dma_semaphore, #tpu.memory_space<semaphore_mem>>)
    } else {
    }
    %add3A_981 = arith.constant 544 : i32
    %add3A_982 = arith.addi %add3A, %add3A_981 : i32
    %lt3A_983 = arith.constant 625 : i32
    %lt3A_984 = arith.cmpi slt, %add3A_982, %lt3A_983 : i32
    %convert_element_type3A_985 = arith.extui %lt3A_984 : i1 to i32
    %cond3A_986 = arith.constant 0 : i32
    %cond3A_987 = arith.cmpi ne, %convert_element_type3A_985, %cond3A_986 : i32
    scf.if %cond3A_987 {
      %mul3A_1002 = arith.constant 6 : i32
      %mul3A_1003 = arith.muli %arg1, %mul3A_1002 : i32
      %add3A_1004 = arith.constant 5 : i32
      %add3A_1005 = arith.addi %mul3A_1003, %add3A_1004 : i32
      %mul3A_1006 = arith.constant 80 : i32
      %mul3A_1007 = arith.muli %add3A_1005, %mul3A_1006 : i32
      %add3A_1008 = arith.constant 544 : i32
      %add3A_1009 = arith.addi %add3A, %add3A_1008 : i32
      %mul3A_1010 = arith.constant 80 : i32
      %mul3A_1011 = arith.muli %add3A_1009, %mul3A_1010 : i32
      %dma_wait3A = arith.constant 0 : i32
      %dma_wait3A_1012 = tpu.memref_slice %arg5[%mul3A_1011, %dma_wait3A] : memref<50000x128xf32, #tpu.memory_space<hbm>> -> memref<80x128xf32, #tpu.memory_space<hbm>>
      %dma_wait3A_1013 = arith.constant 0 : i32
      %dma_wait3A_1014 = tpu.memref_slice %arg24[%mul3A_1007, %dma_wait3A_1013] : memref<7680x128xf32, #tpu.memory_space<vmem_shared>> -> memref<80x128xf32, #tpu.memory_space<vmem_shared>>
      tpu.wait_dma2 semaphore(%arg54 : memref<!tpu.dma_semaphore, #tpu.memory_space<semaphore_mem>>) src(%dma_wait3A_1014 : memref<80x128xf32, #tpu.memory_space<vmem_shared>>) dst(%dma_wait3A_1012 : memref<80x128xf32, #tpu.memory_space<hbm>>)
    } else {
    }
    %add3A_988 = arith.constant 576 : i32
    %add3A_989 = arith.addi %add3A, %add3A_988 : i32
    %lt3A_990 = arith.constant 625 : i32
    %lt3A_991 = arith.cmpi slt, %add3A_989, %lt3A_990 : i32
    %convert_element_type3A_992 = arith.extui %lt3A_991 : i1 to i32
    %cond3A_993 = arith.constant 0 : i32
    %cond3A_994 = arith.cmpi ne, %convert_element_type3A_992, %cond3A_993 : i32
    scf.if %cond3A_994 {
      %mul3A_1002 = arith.constant 6 : i32
      %mul3A_1003 = arith.muli %arg1, %mul3A_1002 : i32
      %add3A_1004 = arith.constant 0 : i32
      %add3A_1005 = arith.addi %mul3A_1003, %add3A_1004 : i32
      %mul3A_1006 = arith.constant 80 : i32
      %mul3A_1007 = arith.muli %add3A_1005, %mul3A_1006 : i32
      %add3A_1008 = arith.constant 576 : i32
      %add3A_1009 = arith.addi %add3A, %add3A_1008 : i32
      %mul3A_1010 = arith.constant 80 : i32
      %mul3A_1011 = arith.muli %add3A_1009, %mul3A_1010 : i32
      %dma_wait3A = arith.constant 0 : i32
      %dma_wait3A_1012 = tpu.memref_slice %arg5[%mul3A_1011, %dma_wait3A] : memref<50000x128xf32, #tpu.memory_space<hbm>> -> memref<80x128xf32, #tpu.memory_space<hbm>>
      %dma_wait3A_1013 = arith.constant 0 : i32
      %dma_wait3A_1014 = tpu.memref_slice %arg24[%mul3A_1007, %dma_wait3A_1013] : memref<7680x128xf32, #tpu.memory_space<vmem_shared>> -> memref<80x128xf32, #tpu.memory_space<vmem_shared>>
      tpu.wait_dma2 semaphore(%arg49 : memref<!tpu.dma_semaphore, #tpu.memory_space<semaphore_mem>>) src(%dma_wait3A_1014 : memref<80x128xf32, #tpu.memory_space<vmem_shared>>) dst(%dma_wait3A_1012 : memref<80x128xf32, #tpu.memory_space<hbm>>)
    } else {
    }
    %add3A_995 = arith.constant 608 : i32
    %add3A_996 = arith.addi %add3A, %add3A_995 : i32
    %lt3A_997 = arith.constant 625 : i32
    %lt3A_998 = arith.cmpi slt, %add3A_996, %lt3A_997 : i32
    %convert_element_type3A_999 = arith.extui %lt3A_998 : i1 to i32
    %cond3A_1000 = arith.constant 0 : i32
    %cond3A_1001 = arith.cmpi ne, %convert_element_type3A_999, %cond3A_1000 : i32
    scf.if %cond3A_1001 {
      %mul3A_1002 = arith.constant 6 : i32
      %mul3A_1003 = arith.muli %arg1, %mul3A_1002 : i32
      %add3A_1004 = arith.constant 1 : i32
      %add3A_1005 = arith.addi %mul3A_1003, %add3A_1004 : i32
      %mul3A_1006 = arith.constant 80 : i32
      %mul3A_1007 = arith.muli %add3A_1005, %mul3A_1006 : i32
      %add3A_1008 = arith.constant 608 : i32
      %add3A_1009 = arith.addi %add3A, %add3A_1008 : i32
      %mul3A_1010 = arith.constant 80 : i32
      %mul3A_1011 = arith.muli %add3A_1009, %mul3A_1010 : i32
      %dma_wait3A = arith.constant 0 : i32
      %dma_wait3A_1012 = tpu.memref_slice %arg5[%mul3A_1011, %dma_wait3A] : memref<50000x128xf32, #tpu.memory_space<hbm>> -> memref<80x128xf32, #tpu.memory_space<hbm>>
      %dma_wait3A_1013 = arith.constant 0 : i32
      %dma_wait3A_1014 = tpu.memref_slice %arg24[%mul3A_1007, %dma_wait3A_1013] : memref<7680x128xf32, #tpu.memory_space<vmem_shared>> -> memref<80x128xf32, #tpu.memory_space<vmem_shared>>
      tpu.wait_dma2 semaphore(%arg50 : memref<!tpu.dma_semaphore, #tpu.memory_space<semaphore_mem>>) src(%dma_wait3A_1014 : memref<80x128xf32, #tpu.memory_space<vmem_shared>>) dst(%dma_wait3A_1012 : memref<80x128xf32, #tpu.memory_space<hbm>>)
    } else {
    }
    return
  }
}

</mosaic_0001>

<sc_bundles>
// kernel: _run.3.cloned.1.call-start
scs
__scs_entry_jumppad:
0x0: {  	(pc) =	sbr.rel $0x88, $3  }
0x1: {  	(tag) =	ssettag $0x0;
	lr =	simm.s32 $0x1  }
0x2: {  	[smem:$0x3F9E] =	sst lr;
	_ =	strace $0xD0000000  }
0x3: {  	_ = 	snop  }
0x4: {  	_ = 	snop  }
0x5: {  	_ = 	snop  }
0x6: {  	_ = 	snop  }
0x7: {  	_ = 	snop  }
__scs_overlays_trampoline_lowered:
0x8: {  	[smem:$0x3FAD] =	sst s0  }
0x9: {  	[smem:$0x3FAE] =	sst s1  }
0xa: {  	[smem:$0x3FAF] =	sst s2  }
0xb: {  	[smem:$0x3FB0] =	sst s3  }
0xc: {  	[smem:$0x3FB1] =	sst s4  }
0xd: {  	[smem:$0x3FB2] =	sst s5  }
0xe: {  	[smem:$0x3FB3] =	sst s6  }
0xf: {  	[smem:$0x3FB4] =	sst s7  }
0x10: {  	[smem:$0x3FB5] =	sst s8  }
0x11: {  	[smem:$0x3FB6] =	sst s9;
	s0 =	simm.s32 @!p0 $0x0  }
0x12: {  	s1 =	sld [smem:$0x3F9C];
	s0 =	simm.s32 @p0 $0x1  }
0x13: {  	[smem:$0x3FB7] =	sst s0;
	s0 =	simm.s32 @!p1 $0x0  }
0x14: {  	s2 =	sld [smem:$0x3F9B];
	s0 =	simm.s32 @p1 $0x1  }
0x15: {  	[smem:$0x3FB8] =	sst s0;
	s0 =	simm.s32 @!p2 $0x0  }
0x16: {  	s3 =	sld [smem:$0x3FDB];
	s0 =	simm.s32 @p2 $0x1  }
0x17: {  	s4 =	simm.s32 $0x1BF5;
	[smem:$0x3FBA] =	sst s0  }
0x18: {  	s0 =	sld [smem:$0x3F9D];
	_ =	swait.ge [sflag:s4], $0x0  }
0x19: {  	s7 =	sld [smem:$0x3F9E]  }
0x1a: {  	s8 =	sadd.s32 $0xFFFFE003, lr  }
0x1b: {  	s9 =	sadd.s32 $0xFFFFFEF7, lr;
	s5 =	simm.s32 $0xFFFFFFFF;
	p2 =	slt.u32 s8, $0xFFFFF086  }
0x1c: {  	p1 =	slt.u32 s9, $0xF7A;
	s5 =	simm.s32 @!p2 $0x0  }
0x1d: {  	s5 =	simm.s32 @p1 $0x1;
	p0 =	seq.s32 s7, s2  }
0x1e: {  	s7 =	smul.u32 @!p0 $0xF7A, s2;
	p2 =	seq.s32 @!p0 s5, $0x0  }
0x1f: {  	s9 =	smul.u32 $0xF7A, s1;
	s8 =	simm.s32 @!p0 $0x1BF5;
	p2 =	por !p2, p0  }
0x20: {  	[sflag:s8] =	ssyncset.s32 @!p0 $0xFFFFF086;
	s6 =	sadd.s32 @!p0 s3, s7;
	s7 =	simm.s32 @!p0 $0x108  }
0x21: {  	s3 =	sadd.s32 s3, s9;
	s6 =	sadd.s32 @!p0 $0x88, s6;
	s7 =	simm.s32 @p2 $0x1082  }
0x22: {  	[simem:s7], [sflag:s8] =	dma.local @!p0 [hbm:s6], $0xF7A  }
0x23: {  	s9 =	sor.u32 $0xD0000000, s2;
	s6 =	simm.s32 $0x108;
	_ =	swait.ge @!p0 [sflag:s8], $0x0  }
0x24: {  	s3 =	sadd.s32 $0x88, s3;
	s6 =	simm.s32 @!p1 $0x1082;
	[sflag:s4] =	ssyncset.s32 $0xFFFFF086  }
0x25: {  	[simem:s6], [sflag:s4] =	dma.local [hbm:s3], $0xF7A  }
0x26: {  	[smem:$0x3F9E] =	sst s1;
	(tag) =	ssettag s2;
	_ =	strace s9  }
0x27: {  	s1 =	sld [smem:$0x3FAE]  }
0x28: {  	s2 =	sld [smem:$0x3FAF]  }
0x29: {  	s4 =	sld [smem:$0x3FB1]  }
0x2a: {  	p0 =	seq.s32 s5, $0x0;
	s5 =	sld [smem:$0x3FB2]  }
0x2b: {  	s6 =	sld [smem:$0x3FB3]  }
0x2c: {  	s7 =	sld [smem:$0x3FB4]  }
0x2d: {  	s3 =	simm.s32 $0x108;
	s8 =	sld [smem:$0x3FB5]  }
0x2e: {  	s3 =	simm.s32 @!p0 $0x1082;
	s9 =	sld [smem:$0x3FB6]  }
0x2f: {  	lr =	sadd.s32 s0, s3;
	s0 =	sld [smem:$0x3FAD]  }
0x30: {  	s3 =	sld [smem:$0x3FB0]  }
0x31: {  	[smem:$0x3FB9] =	sst s10  }
0x32: {  	s10 =	sld [smem:$0x3FB7];
	_ =	sdelay $0x3  }
0x33: {  	p0 =	seq.s32 s10, $0x1;
	s10 =	sld [smem:$0x3FB9];
	_ =	sdelay $0x3  }
0x34: {  	[smem:$0x3FB9] =	sst s10  }
0x35: {  	s10 =	sld [smem:$0x3FB8];
	_ =	sdelay $0x3  }
0x36: {  	p1 =	seq.s32 s10, $0x1;
	s10 =	sld [smem:$0x3FB9];
	_ =	sdelay $0x3  }
0x37: {  	[smem:$0x3FB9] =	sst s10  }
0x38: {  	s10 =	sld [smem:$0x3FBA]  }
0x39: {  	_ = 	snop;
	(pc) =	sbr.ind lr, $3  }
0x3a: {  	_ = 	snop  }
0x3b: {  	_ = 	snop  }
0x3c: {  	p2 =	seq.s32 s10, $0x1;
	s10 =	sld [smem:$0x3FB9]  }
0x3d: {  	_ =	shalt  }
0x3e: {  	_ =	shalt  }
0x3f: {  	_ =	shalt  }
0x40: {  	_ =	shalt  }
0x41: {  	_ =	shalt  }
0x42: {  	_ =	shalt  }
0x43: {  	_ =	shalt  }
0x44: {  	_ =	shalt  }
0x45: {  	_ =	shalt  }
0x46: {  	_ =	shalt  }
0x47: {  	_ =	shalt  }
0x48: {  	_ =	shalt  }
0x49: {  	_ =	shalt  }
0x4a: {  	_ =	shalt  }
0x4b: {  	_ =	shalt  }
0x4c: {  	_ =	shalt  }
0x4d: {  	_ =	shalt  }
0x4e: {  	_ =	shalt  }
0x4f: {  	_ =	shalt  }
0x50: {  	_ =	shalt  }
0x51: {  	_ =	shalt  }
0x52: {  	_ =	shalt  }
0x53: {  	_ =	shalt  }
0x54: {  	_ =	shalt  }
0x55: {  	_ =	shalt  }
0x56: {  	_ =	shalt  }
0x57: {  	_ =	shalt  }
0x58: {  	_ =	shalt  }
0x59: {  	_ =	shalt  }
0x5a: {  	_ =	shalt  }
0x5b: {  	_ =	shalt  }
0x5c: {  	_ =	shalt  }
0x5d: {  	_ =	shalt  }
0x5e: {  	_ =	shalt  }
0x5f: {  	_ =	shalt  }
0x60: {  	_ =	shalt  }
0x61: {  	_ =	shalt  }
0x62: {  	_ =	shalt  }
0x63: {  	_ =	shalt  }
0x64: {  	_ =	shalt  }
0x65: {  	_ =	shalt  }
0x66: {  	_ =	shalt  }
0x67: {  	_ =	shalt  }
0x68: {  	_ =	shalt  }
0x69: {  	_ =	shalt  }
0x6a: {  	_ =	shalt  }
0x6b: {  	_ =	shalt  }
0x6c: {  	_ =	shalt  }
0x6d: {  	_ =	shalt  }
0x6e: {  	_ =	shalt  }
0x6f: {  	_ =	shalt  }
0x70: {  	_ =	shalt  }
0x71: {  	_ =	shalt  }
0x72: {  	_ =	shalt  }
0x73: {  	_ =	shalt  }
0x74: {  	_ =	shalt  }
0x75: {  	_ =	shalt  }
0x76: {  	_ =	shalt  }
0x77: {  	_ =	shalt  }
0x78: {  	_ =	shalt  }
0x79: {  	_ =	shalt  }
0x7a: {  	_ =	shalt  }
0x7b: {  	_ =	shalt  }
0x7c: {  	_ =	shalt  }
0x7d: {  	_ =	shalt  }
0x7e: {  	_ =	shalt  }
0x7f: {  	_ =	shalt  }
0x80: {  	_ =	shalt  }
0x81: {  	_ =	shalt  }
0x82: {  	_ =	shalt  }
0x83: {  	_ =	shalt  }
0x84: {  	_ =	shalt  }
0x85: {  	_ =	shalt  }
0x86: {  	_ =	shalt  }
0x87: {  	_ =	shalt  }
.Lfunc_end0:
.L_simem_size_0:
called_computation_lowered:
.L_overlay_start_0:
0x88: {  	s2 =	sld [smem:$0x3FD9]  }
0x89: {  	s3 =	sld [smem:$0x3FFE];
	_ =	sdelay $0x1  }
0x8a: {  	s1 =	srdreg.scid  }
0x8b: {  	s0 =	sand.u32 $0x1, s1  }
0x8c: {  	s18 =	sshll.u32 s0, $0xA;
	s2 =	sadd.s32 s3, s2  }
0x8d: {  	s2 =	sadd.s32 s2, s18  }
0x8e: {  	[smem:$0x3FC5] =	sst s2  }
0x8f: {  	_ = 	snop  }
0x90: {  	s2 =	sld [smem:$0x3FC9]  }
0x91: {  	s19 =	sld [smem:$0x3FC8]  }
0x92: {  	s4 =	sld [smem:$0x3FC7]  }
0x93: {  	s5 =	sld [smem:$0x3FD0];
	(tm) =	ssettm $0x1  }
0x94: {  	s6 =	sld [smem:$0x3FFB];
	_ =	sdelay $0x3  }
0x95: {  	_ =	strace s6  }
0x96: {  	s6 =	sld [smem:$0x3FFC];
	_ =	sdelay $0x3  }
0x97: {  	_ =	strace s6  }
0x98: {  	s6 =	sld [smem:$0x3FFD];
	_ =	sdelay $0x3  }
0x99: {  	_ =	strace s6  }
0x9a: {  	_ =	strace $0x8FFFFFFF  }
0x9b: {  	s20 =	sld [smem:$0x3FDB];
	_ =	sdelay $0x1  }
0x9c: {  	s7 =	simm.s32 $_scs_section_size  }
0x9d: {  	s8 =	simm.s32 $_size__tile_overlayer_lowered;
	s9 =	simm.s32 $_tile_overlayer_lowered  }
0x9e: {  	s23 =	simm.s32 $0x1BFF;
	s22 =	sshll.u32 s9, $0x1;
	s6 =	sadd.s32 s7, s20  }
0x9f: {  	s10 =	simm.s32 $0x0;
	s21 =	sshll.u32 s8, $0x1;
	s8 =	sadd.s32 s22, s6  }
0xa0: {  	[timem:s10], [sflag:s23] =	dma.local [hbm:s8], s21  }
0xa1: {  	_ =	swait.ge [sflag:s23], s21  }
0xa2: {  	s7 =	ssub.s32 $0x0, s21;
	[sflag:s23] =	ssyncset.done $0x0  }
0xa3: {  	[sflag:s23] =	ssyncadd.s32 s7;
	_ =	sdelay $0x1  }
0xa4: {  	s24 =	simm.s32 $0x1B8B  }
0xa5: {  	_ =	swait.ge [sflag:s24], $0x1  }
0xa6: {  	[sflag:s24] =	ssyncset.done $0x0  }
0xa7: {  	s25 =	simm.s32 $0x1B8E;
	[sflag:s24] =	ssyncadd.s32 $0xFFFFFFFF  }
0xa8: {  	s26 =	simm.s32 $execute0_lowered;
	[smem:$0x3FD2] =	sst s25  }
0xa9: {  	s7 =	sshll.u32 s26, $0x1;
	_ =	strace $0x80000046;
	[dreg:$0x1] =	wrdreg $0xFFFFFFFF  }
0xaa: {  	s28 =	simm.s32 $_size_execute0_lowered;
	s6 =	sadd.s32 s6, s7;
	[dreg:$0x0] =	wrdreg $0x0  }
0xab: {  	s7 =	sshll.u32 s28, $0x1;
	[dreg:$0x2] =	wrdreg s6  }
0xac: {  	[dreg:$0x3] =	wrdreg s7  }
0xad: {  	[dreg:$0x4] =	wrdreg $0xC0  }
0xae: {  	_ =	task [dreg:s10], $0x5FFFF  }
0xaf: {  	[dreg:$0x1] =	wrdreg $0xFFFFFFFF  }
0xb0: {  	[dreg:$0x0] =	wrdreg $0x60  }
0xb1: {  	[dreg:$0x2] =	wrdreg s2  }
0xb2: {  	[dreg:$0x3] =	wrdreg s19  }
0xb3: {  	[dreg:$0x4] =	wrdreg s4  }
0xb4: {  	[dreg:$0x5] =	wrdreg s5  }
0xb5: {  	[dreg:$0x6] =	wrdreg $0xF6000  }
0xb6: {  	[dreg:$0x7] =	wrdreg $0x9  }
0xb7: {  	_ =	task.clear_ibuf [dreg:s10], $0x8FFFF;
	_ =	strace $0x90000046  }
0xb8: {  	s29 =	simm.s32 $0x9;
	_ =	strace $0x80000048  }
0xb9: {  	_ =	swait.ge [sflag:s29], $0x1  }
0xba: {  	[sflag:s29] =	ssyncadd.s32 $0xFFFFFFFF  }
0xbb: {  	_ =	strace $0x90000048  }
0xbc: {  	_ =	sfence  }
0xbd: {  	s30 =	sld [smem:$0x0];
	_ =	sdelay $0x2  }
0xbe: {  	s31 =	sshll.u32 s1, $0xD;
	s1 =	sshrl.u32 s1, $0x2  }
0xbf: {  	s3 =	sand.u32 $0x4000, s31;
	s1 =	sadd.s32 s1, s30  }
0xc0: {  	s0 =	sor.u32 s3, s0;
	s1 =	sshll.u32 s1, $0x11  }
0xc1: {  	s0 =	sor.u32 s1, s0  }
0xc2: {  	s0 =	sadd.s32 $0x8F2B, s0  }
0xc3: {  	[sflag:s0] =	ssyncadd.remote.s32 $0x1  }
0xc4: {  	_ =	sfence.sel $0xFFFF  }
0xc5: {  	[dreg:$0x0] =	wrdreg $0xFFFFFFFF;
	(pc) =	sbr.abs _section_cstart, $3  }
0xc6: {  	[dreg:$0x1] =	wrdreg $0xFFFFFFFF  }
0xc7: {  	_ =	task.clear_ibuf [dreg:s10], $0x2FFFF;
	_ =	strace $0x9FFFFFFF  }
0xc8: {  	(tm) =	ssettm $0x7FFFFFFF  }
0xc9: {  	_ =	shalt  }
tec
execute0_lowered:
.L_overlay_start_1:
0x0: {  	(tag) =	ssettag $0x1  }
0x1: {  	s6 =	rddreg [dreg:$0x0]  }
0x2: {  	s5 =	rddreg [dreg:$0x1]  }
0x3: {  	s3 =	rddreg [dreg:$0x2];
	s1 =	srdreg.scid  }
0x4: {  	s15 =	stileid.u32;
	s0 =	rddreg [dreg:$0x3];
	s21 =	simm.s32 $0x0  }
0x5: {  	s2 =	sand.u32 $0x1, s1;
	s20 =	sshll.u32 s15, $0x1;
	[smem:$0x7FF] =	sst s21  }
0x6: {  	s7 =	smul.u32 $0x3C000, s15;
	[smem:$0x7FC] =	sst s2;
	s4 =	sor.u32 s2, s20  }
0x7: {  	s25 =	rddreg [dreg:$0x4];
	s1 =	smul.u32 $0xA, s4;
	_ =	strace $0x80000047  }
0x8: {  	s7 =	sshrl.u32 s7, $0x2;
	s9 =	smul.u32 $0x500, s4;
	s23 =	sor.u32 $0x20, s4  }
0x9: {  	s29 =	sor.u32 $0x40, s4;
	s31 =	sor.u32 $0x60, s4;
	s18 =	sor.u32 $0x80, s4  }
0xa: {  	s21 =	sor.u32 $0xA0, s4;
	s22 =	sadd.s32 s7, s25;
	s10 =	smul.u32 $0xA, s23  }
0xb: {  	s28 =	smul.u32 $0x500, s23;
	s1 =	sadd.s32 s6, s1;
	[dreg:$0x7] =	wrdreg s22  }
0xc: {  	s30 =	smul.u32 $0xA, s29;
	s24 =	sadd.s32 s5, s9;
	[dreg:$0x6] =	wrdreg s1  }
0xd: {  	s14 =	smul.u32 $0x500, s29;
	s9 =	sadd.s32 s0, s9;
	[dreg:$0x8] =	wrdreg s24  }
0xe: {  	s8 =	smul.u32 $0xA, s31;
	s26 =	sadd.s32 s6, s10;
	[dreg:$0xf] =	wrdreg s9  }
0xf: {  	s16 =	smul.u32 $0x500, s31;
	s11 =	sadd.s32 s5, s28;
	[dreg:$0x9] =	wrdreg s26  }
0x10: {  	s1 =	smul.u32 $0x1E0, s15;
	s2 =	sadd.s32 s6, s30;
	[dreg:$0xa] =	wrdreg s11  }
0x11: {  	s12 =	sadd.s32 s5, s14;
	s13 =	sadd.s32 s6, s8;
	[dreg:$0xb] =	wrdreg s2  }
0x12: {  	s17 =	sadd.s32 s5, s16;
	s14 =	sadd.s32 s0, s14;
	[dreg:$0xc] =	wrdreg s12  }
0x13: {  	s30 =	sor.u32 $0xE0, s4;
	[dreg:$0xd] =	wrdreg s13;
	s13 =	smul.u32 $0xA, s18  }
0x14: {  	[dreg:$0xe] =	wrdreg s17;
	s11 =	smul.u32 $0x500, s18;
	s18 =	sadd.s32 s0, s28  }
0x15: {  	s26 =	sor.u32 $0xC0, s4;
	[dreg:$0x17] =	wrdreg s14;
	s17 =	smul.u32 $0xA, s30  }
0x16: {  	s2 =	sadd.s32 $0x90, s1;
	s7 =	sadd.s32 $0xA0, s1;
	s12 =	sadd.s32 $0x140, s1  }
0x17: {  	s9 =	sadd.s32 $0xB0, s1;
	s10 =	sadd.s32 $0xC0, s1;
	[dreg:$0x13] =	wrdreg s18  }
0x18: {  	v29 =	vlaneseq.u32;
	s18 =	smul.u32 $0x500, s26;
	s13 =	sadd.s32 s6, s13;
	s8 =	sshll.u32 s12, $0x7  }
0x19: {  	s20 =	sadd.s32 s5, s11;
	s11 =	sadd.s32 s0, s11;
	v19 =	vor.u32 s9, v29;
	s9 =	sadd.s32 $0x40, s1  }
0x1a: {  	[dreg:$0x10] =	wrdreg s13;
	s19 =	sadd.s32 s8, s25;
	s8 =	smul.u32 $0x500, s21  }
0x1b: {  	[dreg:$0x12] =	wrdreg s20;
	s13 =	sadd.s32 $0x190, s1;
	s20 =	smul.u32 $0xA, s26  }
0x1c: {  	s31 =	sadd.s32 s5, s18;
	[dreg:$0x1d] =	wrdreg s11;
	s11 =	sadd.s32 $0x1A0, s1  }
0x1d: {  	[dreg:$0x11] =	wrdreg s19;
	s19 =	smul.u32 $0xA, s21;
	s23 =	sshll.u32 s13, $0x7  }
0x1e: {  	[dreg:$0x19] =	wrdreg s31;
	s21 =	sadd.s32 s0, s16;
	s16 =	smul.u32 $0x500, s30  }
0x1f: {  	v4 =	vor.u32 s11, v29;
	s11 =	sadd.s32 $0x150, s1;
	s24 =	sadd.s32 s23, s25;
	s28 =	sadd.s32 s5, s8  }
0x20: {  	s29 =	sadd.s32 s6, s20;
	[dreg:$0x1a] =	wrdreg s21;
	s23 =	sor.u32 $0x100, s4  }
0x21: {  	s20 =	sadd.s32 $0x100, s1;
	v9 =	vor.u32 s11, v29;
	s11 =	sor.u32 $0x220, s4;
	[dreg:$0x15] =	wrdreg s24  }
0x22: {  	s22 =	sadd.s32 s6, s19;
	[dreg:$0x16] =	wrdreg s28;
	s26 =	smul.u32 $0xA, s23  }
0x23: {  	[dreg:$0x18] =	wrdreg s29;
	s24 =	sadd.s32 s5, s16;
	s14 =	smul.u32 $0x500, s23  }
0x24: {  	s29 =	sor.u32 $0x120, s4;
	v14 =	vor.u32 s20, v29;
	s20 =	sor.u32 $0x260, s4;
	[dreg:$0x14] =	wrdreg s22  }
0x25: {  	s22 =	sadd.s32 s6, s17;
	[dreg:$0x1c] =	wrdreg s24;
	s31 =	smul.u32 $0xA, s29  }
0x26: {  	s17 =	sadd.s32 s0, s8;
	s8 =	smul.u32 $0x500, s29;
	[dreg:$0x1b] =	wrdreg s22  }
0x27: {  	s29 =	sor.u32 $0x160, s4;
	s28 =	sadd.s32 s6, s26;
	[smem:$0x7C6] =	sst s17  }
0x28: {  	v10 =	vor.u32 s12, v29;
	s12 =	smul.u32 $0x500, s20;
	s30 =	sadd.s32 s5, s14;
	[dreg:$0x1e] =	wrdreg s28  }
0x29: {  	s22 =	sor.u32 $0x140, s4;
	s26 =	sadd.s32 s0, s18;
	[dreg:$0x1f] =	wrdreg s30  }
0x2a: {  	s17 =	sadd.s32 s0, s16;
	s16 =	sadd.s32 $0xE0, s1;
	[smem:$0x7C9] =	sst s26  }
0x2b: {  	s21 =	sadd.s32 s6, s31;
	s24 =	smul.u32 $0xA, s22;
	[smem:$0x7CD] =	sst s17  }
0x2c: {  	s23 =	sadd.s32 s5, s8;
	s18 =	smul.u32 $0x500, s22;
	v16 =	vor.u32 s16, v29;
	s16 =	rddreg [dreg:$0x6]  }
0x2d: {  	s31 =	smul.u32 $0xA, s29;
	s17 =	sadd.s32 $0xF0, s1;
	[smem:$0x7C7] =	sst s21  }
0x2e: {  	[smem:$0x7C8] =	sst s23;
	s21 =	smul.u32 $0x500, s29;
	s28 =	sadd.s32 s6, s24  }
0x2f: {  	s23 =	sor.u32 $0x180, s4;
	s30 =	sadd.s32 s5, s18;
	[smem:$0x7CA] =	sst s28  }
0x30: {  	s22 =	sadd.s32 s6, s31;
	s26 =	smul.u32 $0xA, s23;
	[smem:$0x7CB] =	sst s30  }
0x31: {  	s19 =	smul.u32 $0x500, s23;
	s23 =	sadd.s32 s0, s8;
	[smem:$0x7CE] =	sst s22  }
0x32: {  	s31 =	sor.u32 $0x1A0, s4;
	s24 =	sadd.s32 s5, s21;
	[smem:$0x7D6] =	sst s23  }
0x33: {  	s28 =	sadd.s32 s0, s14;
	s14 =	sadd.s32 $0xD0, s1;
	[smem:$0x7CF] =	sst s24  }
0x34: {  	v0 =	vor.u32 s1, v29;
	s22 =	smul.u32 $0xA, s31;
	s21 =	sadd.s32 s0, s21;
	[smem:$0x7D1] =	sst s28  }
0x35: {  	[tilespmem:$0xF300] =	vst v0;
	s8 =	smul.u32 $0x500, s31;
	s23 =	sadd.s32 $0x1D0, s1;
	[smem:$0x7DF] =	sst s21  }
0x36: {  	v18 =	vor.u32 s10, v29;
	[tilespmem:$0xF500] =	vst v10;
	s31 =	sadd.s32 $0x1B0, s1;
	s29 =	sadd.s32 s6, s26;
	v17 =	vor.u32 s14, v29;
	s14 =	rddreg [dreg:$0x7]  }
0x37: {  	[tilespmem:$0xF420] =	vst v18;
	s30 =	sadd.s32 s5, s19;
	s26 =	sor.u32 $0x1C0, s4;
	[smem:$0x7D3] =	sst s29  }
0x38: {  	v20 =	vor.u32 s7, v29;
	[tilespmem:$0xF410] =	vst v19;
	s28 =	sadd.s32 $0x1C0, s1;
	s21 =	sadd.s32 $0x110, s1;
	[smem:$0x7D4] =	sst s30  }
0x39: {  	v21 =	vor.u32 s2, v29;
	[tilespmem:$0xF400] =	vst v20;
	s22 =	sadd.s32 s6, s22;
	s24 =	sadd.s32 s5, s8;
	s29 =	smul.u32 $0xA, s26  }
0x3a: {  	[tilespmem:$0xF3C0] =	vst v21;
	v26 =	vor.u32 s9, v29;
	s30 =	sadd.s32 s0, s18;
	s18 =	smul.u32 $0x500, s26;
	[smem:$0x7D7] =	sst s22  }
0x3b: {  	[tilespmem:$0xF340] =	vst v26;
	v2 =	vor.u32 s28, v29;
	s26 =	sor.u32 $0x1E0, s4;
	s28 =	sadd.s32 $0x170, s1;
	[smem:$0x7D8] =	sst s24  }
0x3c: {  	v5 =	vor.u32 s13, v29;
	[tilespmem:$0xF590] =	vst v4;
	[smem:$0x7DA] =	sst s30;
	s24 =	sadd.s32 $0x180, s1;
	s30 =	sadd.s32 $0x160, s1  }
0x3d: {  	[tilespmem:$0xF580] =	vst v5;
	v1 =	vor.u32 s23, v29;
	s13 =	smul.u32 $0x500, s26;
	s22 =	sadd.s32 s6, s29;
	s23 =	sadd.s32 s5, s18  }
0x3e: {  	[tilespmem:$0xF510] =	vst v9;
	v6 =	vor.u32 s24, v29;
	s29 =	smul.u32 $0xA, s26;
	s24 =	sor.u32 $0x200, s4;
	[smem:$0x7DC] =	sst s22  }
0x3f: {  	[tilespmem:$0xF490] =	vst v14;
	s26 =	sadd.s32 $0x130, s1;
	[smem:$0x7DD] =	sst s23;
	s23 =	sadd.s32 s5, s13  }
0x40: {  	v15 =	vor.u32 s17, v29;
	[tilespmem:$0xF440] =	vst v16;
	v3 =	vor.u32 s31, v29;
	v8 =	vor.u32 s30, v29;
	s30 =	sadd.s32 $0x120, s1;
	s31 =	sadd.s32 s6, s29;
	[smem:$0x7E1] =	sst s23  }
0x41: {  	[tilespmem:$0xF480] =	vst v15;
	v7 =	vor.u32 s28, v29;
	s28 =	smul.u32 $0xA, s24;
	s29 =	sadd.s32 s0, s19;
	[smem:$0x7E0] =	sst s31  }
0x42: {  	[tilespmem:$0xF5C0] =	vst v1;
	s19 =	smul.u32 $0x500, s24;
	s24 =	sadd.s32 s0, s8;
	[smem:$0x7E3] =	sst s29  }
0x43: {  	[tilespmem:$0xF5A0] =	vst v3;
	s23 =	smul.u32 $0xA, s11;
	s31 =	sadd.s32 s6, s28;
	[smem:$0x7E6] =	sst s24  }
0x44: {  	v13 =	vor.u32 s21, v29;
	[tilespmem:$0xF430] =	vst v17;
	s8 =	smul.u32 $0x500, s11;
	[smem:$0x7E4] =	sst s31;
	s21 =	sadd.s32 s5, s19  }
0x45: {  	[tilespmem:$0xF5B0] =	vst v2;
	v11 =	vor.u32 s26, v29;
	s22 =	smul.u32 $0xA, s20;
	s26 =	sadd.s32 s6, s23;
	[smem:$0x7E5] =	sst s21  }
0x46: {  	[tilespmem:$0xF4A0] =	vst v13;
	s28 =	sor.u32 $0x240, s4;
	s29 =	sadd.s32 s5, s8;
	[smem:$0x7E8] =	sst s26  }
0x47: {  	[tilespmem:$0xF530] =	vst v7;
	s24 =	sadd.s32 $0x80, s1;
	s31 =	sadd.s32 s0, s18;
	[smem:$0x7E9] =	sst s29  }
0x48: {  	[tilespmem:$0xF540] =	vst v6;
	v12 =	vor.u32 s30, v29;
	s30 =	smul.u32 $0xA, s28;
	s23 =	sadd.s32 s0, s13;
	[smem:$0x7EA] =	sst s31  }
0x49: {  	[tilespmem:$0xF520] =	vst v8;
	s11 =	smul.u32 $0x500, s28;
	s8 =	sadd.s32 s0, s8;
	[smem:$0x7EE] =	sst s23  }
0x4a: {  	[tilespmem:$0xF4C0] =	vst v11;
	s28 =	sadd.s32 $0x60, s1;
	s29 =	sadd.s32 s0, s19;
	[smem:$0x7F5] =	sst s8  }
0x4b: {  	[tilespmem:$0xF4B0] =	vst v12;
	v22 =	vor.u32 s24, v29;
	s13 =	sadd.s32 $0x20, s1;
	s18 =	sadd.s32 s6, s30;
	[smem:$0x7F4] =	sst s29  }
0x4c: {  	s26 =	sadd.s32 $0x70, s1;
	[tilespmem:$0xF3B0] =	vst v22;
	v24 =	vor.u32 s28, v29;
	s21 =	sadd.s32 s5, s11;
	[smem:$0x7EC] =	sst s18  }
0x4d: {  	v28 =	vor.u32 s13, v29;
	s31 =	sshll.u32 s15, $0x6;
	s6 =	sadd.s32 s6, s22;
	[tilespmem:$0xF390] =	vst v24;
	[smem:$0x7ED] =	sst s21  }
0x4e: {  	s5 =	sadd.s32 s5, s12;
	v23 =	vor.u32 s26, v29;
	s30 =	sadd.s32 $0x50, s1;
	[tilespmem:$0xF320] =	vst v28;
	[smem:$0x7F1] =	sst s6  }
0x4f: {  	s10 =	sadd.s32 s0, s11;
	s11 =	sadd.s32 $0x30, s1;
	[smem:$0x7F2] =	sst s5;
	[tilespmem:$0xF3A0] =	vst v23;
	v25 =	vor.u32 s30, v29  }
0x50: {  	s15 =	simm.s32 $0x0;
	s1 =	sor.u32 $0x10, s1;
	[smem:$0x7F7] =	sst s10;
	v27 =	vor.u32 s11, v29;
	[tilespmem:$0xF380] =	vst v25  }
0x51: {  	s0 =	sadd.s32 s0, s12;
	s8 =	sor.u32 $0x1C07, s31;
	v29 =	vor.u32 s1, v29;
	s18 =	rddreg [dreg:$0x8];
	[tilespmem:$0xF330] =	vst v27  }
0x52: {  	s26 =	sshrl.u32 s14, $0x3;
	[smem:$0x7F9] =	sst s0;
	s19 =	sshll.u32 s30, $0x7;
	[tilespmem:$0xF310] =	vst v29  }
0x53: {  	[tilespmem:s15], [sflag:$0x1] =	stream.linear.gather [hbm4b:s16+s15], $0x50, $0x38;
	[tilespmem:$0x1E600] =	vst v63  }
0x54: {  	[spmem:s26], [sflag:s8] =	dma.local [hbm:s18], $0x500  }
0x55: {  	s2 =	sadd.s32 s19, s25;
	[smem:$0x7D5] =	sst s8  }
0x56: {  	[smem:$0x7F3] =	sst s2  }
0x57: {  	s22 =	simm.s32 $0x80;
	s1 =	rddreg [dreg:$0x9]  }
0x58: {  	s23 =	sor.u32 $0x1C08, s31;
	s16 =	sshrl.u32 s2, $0x3;
	s21 =	rddreg [dreg:$0xa]  }
0x59: {  	[tilespmem:s22], [sflag:$0x2] =	stream.linear.gather [hbm4b:s1+s15], $0x50, $0x38;
	[tilespmem:$0x1E600] =	vst v63  }
0x5a: {  	[spmem:s16], [sflag:s23] =	dma.local [hbm:s21], $0x500  }
0x5b: {  	s20 =	sshll.u32 s7, $0x7;
	s28 =	sshll.u32 s17, $0x7;
	[smem:$0x7D9] =	sst s23  }
0x5c: {  	s29 =	simm.s32 $0x100;
	s0 =	sadd.s32 s20, s25;
	s24 =	rddreg [dreg:$0xb]  }
0x5d: {  	s12 =	sor.u32 $0x1C09, s31;
	s17 =	sshrl.u32 s0, $0x3;
	s30 =	rddreg [dreg:$0xc]  }
0x5e: {  	[tilespmem:s29], [sflag:$0x3] =	stream.linear.gather [hbm4b:s24+s15], $0x50, $0x38;
	[tilespmem:$0x1E600] =	vst v63  }
0x5f: {  	[spmem:s17], [sflag:s12] =	dma.local [hbm:s30], $0x500  }
0x60: {  	s13 =	simm.s32 $0x50;
	s10 =	simm.s32 $0x1;
	[smem:$0x7DE] =	sst s12  }
0x61: {  	s7 =	sadd.s32 s28, s25;
	s28 =	sor.u32 $0x1C0A, s31;
	_ =	swait.ge [sflag:s10], $0x50  }
0x62: {  	s20 =	simm.s32 $0x180;
	[sflag:s10] =	ssyncset.done $0x0;
	s19 =	rddreg [dreg:$0xe]  }
0x63: {  	s18 =	simm.s32 $0x300;
	s21 =	rddreg [dreg:$0xd];
	[sflag:s10] =	ssyncadd.s32 $0xFFFFFFB0  }
0x64: {  	[tilespmem:s18], [sflag:$0xD] =	stream.indirect.gather [hbm4b:s3+s13], $0x80, s15, s13, $0xb8;
	[tilespmem:$0x1E600] =	vst v63  }
0x65: {  	s22 =	sshrl.u32 s7, $0x3;
	s24 =	simm.s32 $0x2;
	[smem:$0x7E2] =	sst s28  }
0x66: {  	[tilespmem:s20], [sflag:$0x4] =	stream.linear.gather [hbm4b:s21+s15], $0x50, $0x38;
	[tilespmem:$0x1E600] =	vst v63  }
0x67: {  	[spmem:s22], [sflag:s28] =	dma.local [hbm:s19], $0x500  }
0x68: {  	_ =	swait.ge [sflag:s24], $0x50  }
0x69: {  	s11 =	simm.s32 $0x80;
	[sflag:s24] =	ssyncset.done $0x0  }
0x6a: {  	s29 =	simm.s32 $0x2B00;
	s15 =	simm.s32 $0xD;
	[sflag:s24] =	ssyncadd.s32 $0xFFFFFFB0  }
0x6b: {  	[tilespmem:s29], [sflag:$0xE] =	stream.indirect.gather [hbm4b:s3+s13], $0x80, s11, s13, $0xb8;
	[tilespmem:$0x1E600] =	vst v63  }
0x6c: {  	_ =	swait.ge [sflag:s15], $0x2800  }
0x6d: {  	[sflag:s15] =	ssyncset.done $0x0  }
0x6e: {  	s30 =	simm.s32 $0x7;
	[sflag:s15] =	ssyncadd.s32 $0xFFFFD800  }
0x6f: {  	_ =	swait.ge [sflag:s30], $0x500  }
0x70: {  	s9 =	smov.u32 s23;
	s5 =	simm.s32 $0x13;
	[sflag:s30] =	ssyncset.done $0x0  }
0x71: {  	s1 =	simm.s32 $0xF300;
	s23 =	simm.s32 $0x300;
	[sflag:s30] =	ssyncadd.s32 $0xFFFFFB00  }
0x72: {  	[spmem:s25] =	stream.indirect.scatter.add.f32 [tilespmem:s23], [sflag:$0x13], $0x80, s1, s13, $0xb8;
	[tilespmem:$0x1E600] =	vst v63  }
0x73: {  	_ =	swait.ge [sflag:s5], $0x2800  }
0x74: {  	s20 =	sor.u32 $0x1C19, s31;
	s18 =	rddreg [dreg:$0xf];
	[sflag:s5] =	ssyncset.done $0x0  }
0x75: {  	s28 =	sor.u32 $0x1C0B, s31;
	[smem:$0x7F8] =	sst s20;
	[sflag:s5] =	ssyncadd.s32 $0xFFFFD800  }
0x76: {  	[hbm:s18], [sflag:s20] =	dma.local [spmem:s26], $0x500  }
0x77: {  	[smem:$0x7CC] =	sst s28  }
0x78: {  	s0 =	rddreg [dreg:$0x10]  }
0x79: {  	s7 =	simm.s32 $0x0;
	s23 =	simm.s32 $0x200;
	s1 =	rddreg [dreg:$0x11]  }
0x7a: {  	[tilespmem:s23], [sflag:$0x5] =	stream.linear.gather [hbm4b:s0+s7], $0x50, $0x38;
	[tilespmem:$0x1E600] =	vst v63  }
0x7b: {  	s29 =	simm.s32 $0x3;
	s24 =	rddreg [dreg:$0x12];
	s2 =	sshrl.u32 s1, $0x3  }
0x7c: {  	[spmem:s2], [sflag:s28] =	dma.local [hbm:s24], $0x500  }
0x7d: {  	_ =	swait.ge [sflag:s29], $0x50  }
0x7e: {  	s14 =	simm.s32 $0x100;
	[sflag:s29] =	ssyncset.done $0x0  }
0x7f: {  	s30 =	simm.s32 $0x5300;
	s1 =	simm.s32 $0xE;
	[sflag:s29] =	ssyncadd.s32 $0xFFFFFFB0  }
0x80: {  	[tilespmem:s30], [sflag:$0xF] =	stream.indirect.gather [hbm4b:s3+s13], $0x80, s14, s13, $0xb8;
	[tilespmem:$0x1E600] =	vst v63  }
0x81: {  	_ =	swait.ge [sflag:s1], $0x2800  }
0x82: {  	[sflag:s1] =	ssyncset.done $0x0  }
0x83: {  	s11 =	smov.u32 s3;
	s3 =	simm.s32 $0x8;
	[sflag:s1] =	ssyncadd.s32 $0xFFFFD800  }
0x84: {  	_ =	swait.ge [sflag:s3], $0x500  }
0x85: {  	s6 =	simm.s32 $0x2B00;
	[sflag:s3] =	ssyncset.done $0x0  }
0x86: {  	s5 =	simm.s32 $0xF380;
	s20 =	simm.s32 $0x14;
	[sflag:s3] =	ssyncadd.s32 $0xFFFFFB00  }
0x87: {  	[spmem:s25] =	stream.indirect.scatter.add.f32 [tilespmem:s6], [sflag:$0x14], $0x80, s5, s13, $0xb8;
	[tilespmem:$0x1E600] =	vst v63  }
0x88: {  	_ =	swait.ge [sflag:s20], $0x2800  }
0x89: {  	s30 =	sor.u32 $0x1C0C, s31;
	[sflag:s20] =	ssyncset.done $0x0  }
0x8a: {  	s6 =	sor.u32 $0x1C1A, s31;
	s23 =	rddreg [dreg:$0x13];
	[sflag:s20] =	ssyncadd.s32 $0xFFFFD800  }
0x8b: {  	[hbm:s23], [sflag:s6] =	dma.local [spmem:s16], $0x500  }
0x8c: {  	[smem:$0x7D0] =	sst s30  }
0x8d: {  	s0 =	rddreg [dreg:$0x14]  }
0x8e: {  	s28 =	simm.s32 $0x280;
	s24 =	rddreg [dreg:$0x15]  }
0x8f: {  	[tilespmem:s28], [sflag:$0x6] =	stream.linear.gather [hbm4b:s0+s7], $0x50, $0x38;
	[tilespmem:$0x1E600] =	vst v63  }
0x90: {  	s1 =	simm.s32 $0x4;
	s29 =	rddreg [dreg:$0x16];
	s28 =	sshrl.u32 s24, $0x3  }
0x91: {  	[spmem:s28], [sflag:s30] =	dma.local [hbm:s29], $0x500  }
0x92: {  	_ =	swait.ge [sflag:s1], $0x50  }
0x93: {  	s21 =	simm.s32 $0x180;
	[sflag:s1] =	ssyncset.done $0x0  }
0x94: {  	s5 =	simm.s32 $0x7B00;
	s20 =	simm.s32 $0xF;
	[sflag:s1] =	ssyncadd.s32 $0xFFFFFFB0  }
0x95: {  	[tilespmem:s5], [sflag:$0x10] =	stream.indirect.gather [hbm4b:s11+s13], $0x80, s21, s13, $0xb8;
	[tilespmem:$0x1E600] =	vst v63  }
0x96: {  	_ =	swait.ge [sflag:s20], $0x2800  }
0x97: {  	[sflag:s20] =	ssyncset.done $0x0  }
0x98: {  	s21 =	simm.s32 $0x9;
	[sflag:s20] =	ssyncadd.s32 $0xFFFFD800  }
0x99: {  	_ =	swait.ge [sflag:s21], $0x500  }
0x9a: {  	s14 =	simm.s32 $0x5300;
	[sflag:s21] =	ssyncset.done $0x0  }
0x9b: {  	s23 =	simm.s32 $0xF400;
	s24 =	simm.s32 $0x15;
	[sflag:s21] =	ssyncadd.s32 $0xFFFFFB00  }
0x9c: {  	[spmem:s25] =	stream.indirect.scatter.add.f32 [tilespmem:s14], [sflag:$0x15], $0x80, s23, s13, $0xb8;
	[tilespmem:$0x1E600] =	vst v63  }
0x9d: {  	_ =	swait.ge [sflag:s24], $0x2800  }
0x9e: {  	s30 =	sor.u32 $0x1C1B, s31;
	s29 =	rddreg [dreg:$0x17];
	[sflag:s24] =	ssyncset.done $0x0  }
0x9f: {  	s0 =	simm.s32 $0x19;
	[smem:$0x7D2] =	sst s30;
	[sflag:s24] =	ssyncadd.s32 $0xFFFFD800  }
0xa0: {  	[hbm:s29], [sflag:s30] =	dma.local [spmem:s17], $0x500  }
0xa1: {  	_ =	swait.ge [sflag:s0], $0x500  }
0xa2: {  	s1 =	rddreg [dreg:$0x18];
	[sflag:s0] =	ssyncset.done $0x0  }
0xa3: {  	s21 =	simm.s32 $0x5;
	s20 =	rddreg [dreg:$0x19];
	[sflag:s0] =	ssyncadd.s32 $0xFFFFFB00  }
0xa4: {  	[tilespmem:s7], [sflag:$0x1] =	stream.linear.gather [hbm4b:s1+s7], $0x50, $0x38;
	[tilespmem:$0x1E600] =	vst v63  }
0xa5: {  	[spmem:s26], [sflag:s8] =	dma.local [hbm:s20], $0x500  }
0xa6: {  	_ =	swait.ge [sflag:s21], $0x50  }
0xa7: {  	s18 =	simm.s32 $0x200;
	[sflag:s21] =	ssyncset.done $0x0  }
0xa8: {  	s23 =	simm.s32 $0xA300;
	s24 =	simm.s32 $0x10;
	[sflag:s21] =	ssyncadd.s32 $0xFFFFFFB0  }
0xa9: {  	[tilespmem:s23], [sflag:$0x11] =	stream.indirect.gather [hbm4b:s11+s13], $0x80, s18, s13, $0xb8;
	[tilespmem:$0x1E600] =	vst v63  }
0xaa: {  	_ =	swait.ge [sflag:s24], $0x2800  }
0xab: {  	[sflag:s24] =	ssyncset.done $0x0  }
0xac: {  	s29 =	simm.s32 $0xA;
	[sflag:s24] =	ssyncadd.s32 $0xFFFFD800  }
0xad: {  	_ =	swait.ge [sflag:s29], $0x500  }
0xae: {  	s5 =	simm.s32 $0x7B00;
	[sflag:s29] =	ssyncset.done $0x0  }
0xaf: {  	s30 =	simm.s32 $0xF480;
	s0 =	simm.s32 $0x16;
	[sflag:s29] =	ssyncadd.s32 $0xFFFFFB00  }
0xb0: {  	[spmem:s25] =	stream.indirect.scatter.add.f32 [tilespmem:s5], [sflag:$0x16], $0x80, s30, s13, $0xb8;
	[tilespmem:$0x1E600] =	vst v63  }
0xb1: {  	_ =	swait.ge [sflag:s0], $0x2800  }
0xb2: {  	[sflag:s0] =	ssyncset.done $0x0  }
0xb3: {  	s23 =	sor.u32 $0x1C1C, s31;
	s5 =	rddreg [dreg:$0x1a];
	[sflag:s0] =	ssyncadd.s32 $0xFFFFD800  }
0xb4: {  	[hbm:s5], [sflag:s23] =	dma.local [spmem:s22], $0x500  }
0xb5: {  	s14 =	simm.s32 $0x1A;
	[smem:$0x7F0] =	sst s23  }
0xb6: {  	_ =	swait.ge [sflag:s14], $0x500  }
0xb7: {  	s24 =	simm.s32 $0x6;
	s20 =	rddreg [dreg:$0x1b];
	[sflag:s14] =	ssyncset.done $0x0  }
0xb8: {  	s21 =	rddreg [dreg:$0x1c];
	[sflag:s14] =	ssyncadd.s32 $0xFFFFFB00;
	s14 =	simm.s32 $0x80  }
0xb9: {  	[tilespmem:s14], [sflag:$0x2] =	stream.linear.gather [hbm4b:s20+s7], $0x50, $0x38;
	[tilespmem:$0x1E600] =	vst v63  }
0xba: {  	[spmem:s16], [sflag:s9] =	dma.local [hbm:s21], $0x500  }
0xbb: {  	_ =	swait.ge [sflag:s24], $0x50  }
0xbc: {  	s3 =	simm.s32 $0x280;
	[sflag:s24] =	ssyncset.done $0x0  }
0xbd: {  	s29 =	simm.s32 $0xCB00;
	s30 =	simm.s32 $0x11;
	[sflag:s24] =	ssyncadd.s32 $0xFFFFFFB0  }
0xbe: {  	[tilespmem:s29], [sflag:$0x12] =	stream.indirect.gather [hbm4b:s11+s13], $0x80, s3, s13, $0xb8;
	[tilespmem:$0x1E600] =	vst v63  }
0xbf: {  	_ =	swait.ge [sflag:s30], $0x2800  }
0xc0: {  	[sflag:s30] =	ssyncset.done $0x0  }
0xc1: {  	s1 =	simm.s32 $0xB;
	[sflag:s30] =	ssyncadd.s32 $0xFFFFD800  }
0xc2: {  	_ =	swait.ge [sflag:s1], $0x500  }
0xc3: {  	[sflag:s1] =	ssyncset.done $0x0  }
0xc4: {  	s8 =	simm.s32 $0xA300;
	s5 =	simm.s32 $0xF500;
	[sflag:s1] =	ssyncadd.s32 $0xFFFFFB00  }
0xc5: {  	[spmem:s25] =	stream.indirect.scatter.add.f32 [tilespmem:s8], [sflag:$0x17], $0x80, s5, s13, $0xb8;
	[tilespmem:$0x1E600] =	vst v63  }
0xc6: {  	s8 =	simm.s32 $0x17  }
0xc7: {  	_ =	swait.ge [sflag:s8], $0x2800  }
0xc8: {  	s20 =	sor.u32 $0x1C1D, s31;
	s9 =	rddreg [dreg:$0x1d];
	[sflag:s8] =	ssyncset.done $0x0  }
0xc9: {  	s24 =	simm.s32 $0x1B;
	[smem:$0x7DB] =	sst s20;
	[sflag:s8] =	ssyncadd.s32 $0xFFFFD800  }
0xca: {  	[hbm:s9], [sflag:s20] =	dma.local [spmem:s2], $0x500  }
0xcb: {  	_ =	swait.ge [sflag:s24], $0x500  }
0xcc: {  	s29 =	rddreg [dreg:$0x1e];
	[sflag:s24] =	ssyncset.done $0x0  }
0xcd: {  	s5 =	simm.s32 $0x100;
	s30 =	rddreg [dreg:$0x1f];
	[sflag:s24] =	ssyncadd.s32 $0xFFFFFB00  }
0xce: {  	[tilespmem:s5], [sflag:$0x3] =	stream.linear.gather [hbm4b:s29+s7], $0x50, $0x38;
	[tilespmem:$0x1E600] =	vst v63  }
0xcf: {  	[spmem:s17], [sflag:s12] =	dma.local [hbm:s30], $0x500  }
0xd0: {  	_ =	swait.ge [sflag:s10], $0x50  }
0xd1: {  	s21 =	smov.u32 s2;
	[sflag:s10] =	ssyncset.done $0x0  }
0xd2: {  	s1 =	simm.s32 $0x300;
	s2 =	simm.s32 $0x12;
	[sflag:s10] =	ssyncadd.s32 $0xFFFFFFB0  }
0xd3: {  	[tilespmem:s1], [sflag:$0xD] =	stream.indirect.gather [hbm4b:s11+s13], $0x80, s7, s13, $0xb8;
	[tilespmem:$0x1E600] =	vst v63  }
0xd4: {  	_ =	swait.ge [sflag:s2], $0x2800  }
0xd5: {  	[sflag:s2] =	ssyncset.done $0x0  }
0xd6: {  	s8 =	simm.s32 $0xC;
	[sflag:s2] =	ssyncadd.s32 $0xFFFFD800  }
0xd7: {  	_ =	swait.ge [sflag:s8], $0x500  }
0xd8: {  	s3 =	simm.s32 $0xCB00;
	[sflag:s8] =	ssyncset.done $0x0  }
0xd9: {  	s9 =	simm.s32 $0xF580;
	s10 =	simm.s32 $0x18;
	[sflag:s8] =	ssyncadd.s32 $0xFFFFFB00  }
0xda: {  	[spmem:s25] =	stream.indirect.scatter.add.f32 [tilespmem:s3], [sflag:$0x18], $0x80, s9, s13, $0xb8;
	[tilespmem:$0x1E600] =	vst v63  }
0xdb: {  	_ =	swait.ge [sflag:s10], $0x2800  }
0xdc: {  	s12 =	sld [smem:$0x7C6]  }
0xdd: {  	[sflag:s10] =	ssyncset.done $0x0  }
0xde: {  	s31 =	sor.u32 $0x1C1E, s31;
	s30 =	simm.s32 $0x1C;
	[sflag:s10] =	ssyncadd.s32 $0xFFFFD800  }
0xdf: {  	[hbm:s12], [sflag:s31] =	dma.local [spmem:s28], $0x500  }
0xe0: {  	_ =	swait.ge [sflag:s30], $0x500  }
0xe1: {  	s20 =	sld [smem:$0x7C7]  }
0xe2: {  	s24 =	sld [smem:$0x7C8]  }
0xe3: {  	[sflag:s30] =	ssyncset.done $0x0;
	s29 =	sld [smem:$0x7E2]  }
0xe4: {  	s2 =	simm.s32 $0x2;
	s8 =	simm.s32 $0x180;
	[sflag:s30] =	ssyncadd.s32 $0xFFFFFB00  }
0xe5: {  	[tilespmem:s8], [sflag:$0x4] =	stream.linear.gather [hbm4b:s20+s7], $0x50, $0x38;
	[tilespmem:$0x1E600] =	vst v63  }
0xe6: {  	[spmem:s22], [sflag:s29] =	dma.local [hbm:s24], $0x500  }
0xe7: {  	_ =	swait.ge [sflag:s2], $0x50  }
0xe8: {  	[sflag:s2] =	ssyncset.done $0x0  }
0xe9: {  	[sflag:s2] =	ssyncadd.s32 $0xFFFFFFB0;
	s2 =	simm.s32 $0x2B00  }
0xea: {  	[tilespmem:s2], [sflag:$0xE] =	stream.indirect.gather [hbm4b:s11+s13], $0x80, s14, s13, $0xb8;
	[tilespmem:$0x1E600] =	vst v63  }
0xeb: {  	_ =	swait.ge [sflag:s15], $0x2800  }
0xec: {  	[sflag:s15] =	ssyncset.done $0x0  }
0xed: {  	s19 =	simm.s32 $0x7;
	[sflag:s15] =	ssyncadd.s32 $0xFFFFD800  }
0xee: {  	_ =	swait.ge [sflag:s19], $0x500  }
0xef: {  	[sflag:s19] =	ssyncset.done $0x0  }
0xf0: {  	s3 =	simm.s32 $0xF300;
	s9 =	simm.s32 $0x13;
	[sflag:s19] =	ssyncadd.s32 $0xFFFFFB00  }
0xf1: {  	[spmem:s25] =	stream.indirect.scatter.add.f32 [tilespmem:s1], [sflag:$0x13], $0x80, s3, s13, $0xb8;
	[tilespmem:$0x1E600] =	vst v63  }
0xf2: {  	_ =	swait.ge [sflag:s9], $0x2800  }
0xf3: {  	s10 =	sld [smem:$0x7C9]  }
0xf4: {  	s3 =	sld [smem:$0x7F8]  }
0xf5: {  	[sflag:s9] =	ssyncset.done $0x0  }
0xf6: {  	s29 =	simm.s32 $0x1D;
	[sflag:s9] =	ssyncadd.s32 $0xFFFFD800  }
0xf7: {  	[hbm:s10], [sflag:s3] =	dma.local [spmem:s26], $0x500  }
0xf8: {  	_ =	swait.ge [sflag:s29], $0x500  }
0xf9: {  	s12 =	sld [smem:$0x7CA]  }
0xfa: {  	s14 =	sld [smem:$0x7CB]  }
0xfb: {  	[sflag:s29] =	ssyncset.done $0x0;
	s20 =	sld [smem:$0x7CC]  }
0xfc: {  	s18 =	simm.s32 $0x200;
	s19 =	simm.s32 $0x3;
	[sflag:s29] =	ssyncadd.s32 $0xFFFFFB00  }
0xfd: {  	[tilespmem:s18], [sflag:$0x5] =	stream.linear.gather [hbm4b:s12+s7], $0x50, $0x38;
	[tilespmem:$0x1E600] =	vst v63  }
0xfe: {  	[spmem:s21], [sflag:s20] =	dma.local [hbm:s14], $0x500  }
0xff: {  	_ =	swait.ge [sflag:s19], $0x50  }
0x100: {  	[sflag:s19] =	ssyncset.done $0x0  }
0x101: {  	s24 =	simm.s32 $0xE;
	s1 =	simm.s32 $0x5300;
	[sflag:s19] =	ssyncadd.s32 $0xFFFFFFB0  }
0x102: {  	[tilespmem:s1], [sflag:$0xF] =	stream.indirect.gather [hbm4b:s11+s13], $0x80, s5, s13, $0xb8;
	[tilespmem:$0x1E600] =	vst v63  }
0x103: {  	_ =	swait.ge [sflag:s24], $0x2800  }
0x104: {  	[sflag:s24] =	ssyncset.done $0x0  }
0x105: {  	s5 =	simm.s32 $0x8;
	[sflag:s24] =	ssyncadd.s32 $0xFFFFD800  }
0x106: {  	_ =	swait.ge [sflag:s5], $0x500  }
0x107: {  	[sflag:s5] =	ssyncset.done $0x0  }
0x108: {  	s9 =	simm.s32 $0xF380;
	s10 =	simm.s32 $0x14;
	[sflag:s5] =	ssyncadd.s32 $0xFFFFFB00  }
0x109: {  	[spmem:s25] =	stream.indirect.scatter.add.f32 [tilespmem:s2], [sflag:$0x14], $0x80, s9, s13, $0xb8;
	[tilespmem:$0x1E600] =	vst v63  }
0x10a: {  	_ =	swait.ge [sflag:s10], $0x2800  }
0x10b: {  	s14 =	sld [smem:$0x7CD]  }
0x10c: {  	[sflag:s10] =	ssyncset.done $0x0  }
0x10d: {  	[sflag:s10] =	ssyncadd.s32 $0xFFFFD800  }
0x10e: {  	[hbm:s14], [sflag:s6] =	dma.local [spmem:s16], $0x500  }
0x10f: {  	s10 =	smov.u32 s6;
	s6 =	simm.s32 $0x1E  }
0x110: {  	_ =	swait.ge [sflag:s6], $0x500  }
0x111: {  	s15 =	sld [smem:$0x7CE]  }
0x112: {  	s18 =	sld [smem:$0x7CF]  }
0x113: {  	[sflag:s6] =	ssyncset.done $0x0;
	s14 =	sld [smem:$0x7D0]  }
0x114: {  	s19 =	simm.s32 $0x4;
	s5 =	simm.s32 $0x280;
	[sflag:s6] =	ssyncadd.s32 $0xFFFFFB00  }
0x115: {  	[tilespmem:s5], [sflag:$0x6] =	stream.linear.gather [hbm4b:s15+s7], $0x50, $0x38;
	[tilespmem:$0x1E600] =	vst v63  }
0x116: {  	[spmem:s28], [sflag:s14] =	dma.local [hbm:s18], $0x500  }
0x117: {  	_ =	swait.ge [sflag:s19], $0x50  }
0x118: {  	[sflag:s19] =	ssyncset.done $0x0  }
0x119: {  	s0 =	simm.s32 $0x7B00;
	s24 =	simm.s32 $0xF;
	[sflag:s19] =	ssyncadd.s32 $0xFFFFFFB0  }
0x11a: {  	[tilespmem:s0], [sflag:$0x10] =	stream.indirect.gather [hbm4b:s11+s13], $0x80, s8, s13, $0xb8;
	[tilespmem:$0x1E600] =	vst v63  }
0x11b: {  	_ =	swait.ge [sflag:s24], $0x2800  }
0x11c: {  	[sflag:s24] =	ssyncset.done $0x0  }
0x11d: {  	s2 =	simm.s32 $0x9;
	[sflag:s24] =	ssyncadd.s32 $0xFFFFD800  }
0x11e: {  	_ =	swait.ge [sflag:s2], $0x500  }
0x11f: {  	[sflag:s2] =	ssyncset.done $0x0  }
0x120: {  	s15 =	simm.s32 $0x15;
	s8 =	simm.s32 $0xF400;
	[sflag:s2] =	ssyncadd.s32 $0xFFFFFB00  }
0x121: {  	[spmem:s25] =	stream.indirect.scatter.add.f32 [tilespmem:s1], [sflag:$0x15], $0x80, s8, s13, $0xb8;
	[tilespmem:$0x1E600] =	vst v63  }
0x122: {  	_ =	swait.ge [sflag:s15], $0x2800  }
0x123: {  	s18 =	sld [smem:$0x7D1]  }
0x124: {  	s19 =	sld [smem:$0x7D2]  }
0x125: {  	[sflag:s15] =	ssyncset.done $0x0  }
0x126: {  	s24 =	simm.s32 $0x19;
	[sflag:s15] =	ssyncadd.s32 $0xFFFFD800  }
0x127: {  	[hbm:s18], [sflag:s19] =	dma.local [spmem:s17], $0x500  }
0x128: {  	_ =	swait.ge [sflag:s24], $0x500  }
0x129: {  	s2 =	sld [smem:$0x7D3]  }
0x12a: {  	s8 =	sld [smem:$0x7D4]  }
0x12b: {  	[sflag:s24] =	ssyncset.done $0x0;
	s18 =	sld [smem:$0x7D5]  }
0x12c: {  	s15 =	simm.s32 $0x5;
	[sflag:s24] =	ssyncadd.s32 $0xFFFFFB00  }
0x12d: {  	[tilespmem:s7], [sflag:$0x1] =	stream.linear.gather [hbm4b:s2+s7], $0x50, $0x38;
	[tilespmem:$0x1E600] =	vst v63  }
0x12e: {  	[spmem:s26], [sflag:s18] =	dma.local [hbm:s8], $0x500  }
0x12f: {  	_ =	swait.ge [sflag:s15], $0x50  }
0x130: {  	s12 =	simm.s32 $0x200;
	[sflag:s15] =	ssyncset.done $0x0  }
0x131: {  	s1 =	simm.s32 $0xA300;
	s24 =	simm.s32 $0x10;
	[sflag:s15] =	ssyncadd.s32 $0xFFFFFFB0  }
0x132: {  	[tilespmem:s1], [sflag:$0x11] =	stream.indirect.gather [hbm4b:s11+s13], $0x80, s12, s13, $0xb8;
	[tilespmem:$0x1E600] =	vst v63  }
0x133: {  	_ =	swait.ge [sflag:s24], $0x2800  }
0x134: {  	[sflag:s24] =	ssyncset.done $0x0  }
0x135: {  	s2 =	simm.s32 $0xA;
	[sflag:s24] =	ssyncadd.s32 $0xFFFFD800  }
0x136: {  	_ =	swait.ge [sflag:s2], $0x500  }
0x137: {  	[sflag:s2] =	ssyncset.done $0x0  }
0x138: {  	s8 =	simm.s32 $0xF480;
	s12 =	simm.s32 $0x16;
	[sflag:s2] =	ssyncadd.s32 $0xFFFFFB00  }
0x139: {  	[spmem:s25] =	stream.indirect.scatter.add.f32 [tilespmem:s0], [sflag:$0x16], $0x80, s8, s13, $0xb8;
	[tilespmem:$0x1E600] =	vst v63  }
0x13a: {  	_ =	swait.ge [sflag:s12], $0x2800  }
0x13b: {  	s15 =	sld [smem:$0x7D6]  }
0x13c: {  	[sflag:s12] =	ssyncset.done $0x0  }
0x13d: {  	[sflag:s12] =	ssyncadd.s32 $0xFFFFD800  }
0x13e: {  	[hbm:s15], [sflag:s23] =	dma.local [spmem:s22], $0x500  }
0x13f: {  	s23 =	simm.s32 $0x1A  }
0x140: {  	_ =	swait.ge [sflag:s23], $0x500  }
0x141: {  	s24 =	sld [smem:$0x7D7]  }
0x142: {  	[sflag:s23] =	ssyncset.done $0x0  }
0x143: {  	s8 =	simm.s32 $0x80;
	s2 =	sld [smem:$0x7D8];
	[sflag:s23] =	ssyncadd.s32 $0xFFFFFB00  }
0x144: {  	[tilespmem:s8], [sflag:$0x2] =	stream.linear.gather [hbm4b:s24+s7], $0x50, $0x38;
	[tilespmem:$0x1E600] =	vst v63  }
0x145: {  	s24 =	sld [smem:$0x7D9];
	_ =	sdelay $0x1  }
0x146: {  	s9 =	simm.s32 $0x6  }
0x147: {  	[spmem:s16], [sflag:s24] =	dma.local [hbm:s2], $0x500  }
0x148: {  	_ =	swait.ge [sflag:s9], $0x50  }
0x149: {  	[sflag:s9] =	ssyncset.done $0x0  }
0x14a: {  	s0 =	simm.s32 $0xCB00;
	s12 =	simm.s32 $0x11;
	[sflag:s9] =	ssyncadd.s32 $0xFFFFFFB0  }
0x14b: {  	[tilespmem:s0], [sflag:$0x12] =	stream.indirect.gather [hbm4b:s11+s13], $0x80, s5, s13, $0xb8;
	[tilespmem:$0x1E600] =	vst v63  }
0x14c: {  	_ =	swait.ge [sflag:s12], $0x2800  }
0x14d: {  	[sflag:s12] =	ssyncset.done $0x0  }
0x14e: {  	s15 =	simm.s32 $0xB;
	[sflag:s12] =	ssyncadd.s32 $0xFFFFD800  }
0x14f: {  	_ =	swait.ge [sflag:s15], $0x500  }
0x150: {  	[sflag:s15] =	ssyncset.done $0x0  }
0x151: {  	s23 =	simm.s32 $0xF500;
	s2 =	simm.s32 $0x17;
	[sflag:s15] =	ssyncadd.s32 $0xFFFFFB00  }
0x152: {  	[spmem:s25] =	stream.indirect.scatter.add.f32 [tilespmem:s1], [sflag:$0x17], $0x80, s23, s13, $0xb8;
	[tilespmem:$0x1E600] =	vst v63  }
0x153: {  	_ =	swait.ge [sflag:s2], $0x2800  }
0x154: {  	s5 =	sld [smem:$0x7DA]  }
0x155: {  	s23 =	sld [smem:$0x7DB]  }
0x156: {  	[sflag:s2] =	ssyncset.done $0x0  }
0x157: {  	s12 =	simm.s32 $0x1B;
	[sflag:s2] =	ssyncadd.s32 $0xFFFFD800  }
0x158: {  	[hbm:s5], [sflag:s23] =	dma.local [spmem:s21], $0x500  }
0x159: {  	_ =	swait.ge [sflag:s12], $0x500  }
0x15a: {  	s15 =	sld [smem:$0x7DC]  }
0x15b: {  	[sflag:s12] =	ssyncset.done $0x0;
	s2 =	sld [smem:$0x7DD]  }
0x15c: {  	[sflag:s12] =	ssyncadd.s32 $0xFFFFFB00;
	s12 =	sld [smem:$0x7DE]  }
0x15d: {  	s5 =	simm.s32 $0x100  }
0x15e: {  	[tilespmem:s5], [sflag:$0x3] =	stream.linear.gather [hbm4b:s15+s7], $0x50, $0x38;
	[tilespmem:$0x1E600] =	vst v63  }
0x15f: {  	[spmem:s17], [sflag:s12] =	dma.local [hbm:s2], $0x500  }
0x160: {  	s2 =	simm.s32 $0x1  }
0x161: {  	_ =	swait.ge [sflag:s2], $0x50  }
0x162: {  	[sflag:s2] =	ssyncset.done $0x0  }
0x163: {  	s9 =	simm.s32 $0x12;
	[sflag:s2] =	ssyncadd.s32 $0xFFFFFFB0;
	s2 =	simm.s32 $0x300  }
0x164: {  	[tilespmem:s2], [sflag:$0xD] =	stream.indirect.gather [hbm4b:s11+s13], $0x80, s7, s13, $0xb8;
	[tilespmem:$0x1E600] =	vst v63  }
0x165: {  	_ =	swait.ge [sflag:s9], $0x2800  }
0x166: {  	[sflag:s9] =	ssyncset.done $0x0  }
0x167: {  	s12 =	simm.s32 $0xC;
	[sflag:s9] =	ssyncadd.s32 $0xFFFFD800  }
0x168: {  	_ =	swait.ge [sflag:s12], $0x500  }
0x169: {  	[sflag:s12] =	ssyncset.done $0x0  }
0x16a: {  	s15 =	simm.s32 $0xF580;
	s9 =	simm.s32 $0x18;
	[sflag:s12] =	ssyncadd.s32 $0xFFFFFB00  }
0x16b: {  	[spmem:s25] =	stream.indirect.scatter.add.f32 [tilespmem:s0], [sflag:$0x18], $0x80, s15, s13, $0xb8;
	[tilespmem:$0x1E600] =	vst v63  }
0x16c: {  	_ =	swait.ge [sflag:s9], $0x2800  }
0x16d: {  	s12 =	sld [smem:$0x7DF]  }
0x16e: {  	[sflag:s9] =	ssyncset.done $0x0  }
0x16f: {  	[sflag:s9] =	ssyncadd.s32 $0xFFFFD800  }
0x170: {  	[hbm:s12], [sflag:s31] =	dma.local [spmem:s28], $0x500  }
0x171: {  	_ =	swait.ge [sflag:s30], $0x500  }
0x172: {  	s15 =	sld [smem:$0x7E0]  }
0x173: {  	s0 =	sld [smem:$0x7E1]  }
0x174: {  	[sflag:s30] =	ssyncset.done $0x0;
	s1 =	sld [smem:$0x7E2]  }
0x175: {  	s9 =	simm.s32 $0x2;
	s12 =	simm.s32 $0x180;
	[sflag:s30] =	ssyncadd.s32 $0xFFFFFB00  }
0x176: {  	[tilespmem:s12], [sflag:$0x4] =	stream.linear.gather [hbm4b:s15+s7], $0x50, $0x38;
	[tilespmem:$0x1E600] =	vst v63  }
0x177: {  	[spmem:s22], [sflag:s1] =	dma.local [hbm:s0], $0x500  }
0x178: {  	_ =	swait.ge [sflag:s9], $0x50  }
0x179: {  	[sflag:s9] =	ssyncset.done $0x0  }
0x17a: {  	s15 =	simm.s32 $0xD;
	s1 =	simm.s32 $0x2B00;
	[sflag:s9] =	ssyncadd.s32 $0xFFFFFFB0  }
0x17b: {  	[tilespmem:s1], [sflag:$0xE] =	stream.indirect.gather [hbm4b:s11+s13], $0x80, s8, s13, $0xb8;
	[tilespmem:$0x1E600] =	vst v63  }
0x17c: {  	_ =	swait.ge [sflag:s15], $0x2800  }
0x17d: {  	[sflag:s15] =	ssyncset.done $0x0  }
0x17e: {  	s0 =	simm.s32 $0x7;
	[sflag:s15] =	ssyncadd.s32 $0xFFFFD800  }
0x17f: {  	_ =	swait.ge [sflag:s0], $0x500  }
0x180: {  	[sflag:s0] =	ssyncset.done $0x0  }
0x181: {  	s9 =	simm.s32 $0x13;
	s8 =	simm.s32 $0xF300;
	[sflag:s0] =	ssyncadd.s32 $0xFFFFFB00  }
0x182: {  	[spmem:s25] =	stream.indirect.scatter.add.f32 [tilespmem:s2], [sflag:$0x13], $0x80, s8, s13, $0xb8;
	[tilespmem:$0x1E600] =	vst v63  }
0x183: {  	_ =	swait.ge [sflag:s9], $0x2800  }
0x184: {  	s0 =	sld [smem:$0x7E3]  }
0x185: {  	[sflag:s9] =	ssyncset.done $0x0  }
0x186: {  	[sflag:s9] =	ssyncadd.s32 $0xFFFFD800  }
0x187: {  	[hbm:s0], [sflag:s3] =	dma.local [spmem:s26], $0x500  }
0x188: {  	_ =	swait.ge [sflag:s29], $0x500  }
0x189: {  	s2 =	sld [smem:$0x7E4]  }
0x18a: {  	[sflag:s29] =	ssyncset.done $0x0;
	s3 =	sld [smem:$0x7E5]  }
0x18b: {  	s8 =	simm.s32 $0x200;
	[sflag:s29] =	ssyncadd.s32 $0xFFFFFB00  }
0x18c: {  	[tilespmem:s8], [sflag:$0x5] =	stream.linear.gather [hbm4b:s2+s7], $0x50, $0x38;
	[tilespmem:$0x1E600] =	vst v63  }
0x18d: {  	[spmem:s21], [sflag:s20] =	dma.local [hbm:s3], $0x500  }
0x18e: {  	s20 =	simm.s32 $0x3  }
0x18f: {  	_ =	swait.ge [sflag:s20], $0x50  }
0x190: {  	[sflag:s20] =	ssyncset.done $0x0  }
0x191: {  	s2 =	simm.s32 $0xE;
	s3 =	simm.s32 $0x5300;
	[sflag:s20] =	ssyncadd.s32 $0xFFFFFFB0  }
0x192: {  	[tilespmem:s3], [sflag:$0xF] =	stream.indirect.gather [hbm4b:s11+s13], $0x80, s5, s13, $0xb8;
	[tilespmem:$0x1E600] =	vst v63  }
0x193: {  	_ =	swait.ge [sflag:s2], $0x2800  }
0x194: {  	[sflag:s2] =	ssyncset.done $0x0  }
0x195: {  	s5 =	simm.s32 $0x8;
	[sflag:s2] =	ssyncadd.s32 $0xFFFFD800  }
0x196: {  	_ =	swait.ge [sflag:s5], $0x500  }
0x197: {  	[sflag:s5] =	ssyncset.done $0x0  }
0x198: {  	s15 =	simm.s32 $0x14;
	s9 =	simm.s32 $0xF380;
	[sflag:s5] =	ssyncadd.s32 $0xFFFFFB00  }
0x199: {  	[spmem:s25] =	stream.indirect.scatter.add.f32 [tilespmem:s1], [sflag:$0x14], $0x80, s9, s13, $0xb8;
	[tilespmem:$0x1E600] =	vst v63  }
0x19a: {  	_ =	swait.ge [sflag:s15], $0x2800  }
0x19b: {  	s20 =	sld [smem:$0x7E6]  }
0x19c: {  	[sflag:s15] =	ssyncset.done $0x0  }
0x19d: {  	[smem:$0x7E7] =	sst s16;
	[sflag:s15] =	ssyncadd.s32 $0xFFFFD800  }
0x19e: {  	[hbm:s20], [sflag:s10] =	dma.local [spmem:s16], $0x500  }
0x19f: {  	_ =	swait.ge [sflag:s6], $0x500  }
0x1a0: {  	s1 =	sld [smem:$0x7E8]  }
0x1a1: {  	[sflag:s6] =	ssyncset.done $0x0;
	s5 =	sld [smem:$0x7E9]  }
0x1a2: {  	s2 =	simm.s32 $0x280;
	[sflag:s6] =	ssyncadd.s32 $0xFFFFFB00;
	s6 =	simm.s32 $0x4  }
0x1a3: {  	[tilespmem:s2], [sflag:$0x6] =	stream.linear.gather [hbm4b:s1+s7], $0x50, $0x38;
	[tilespmem:$0x1E600] =	vst v63  }
0x1a4: {  	[spmem:s28], [sflag:s14] =	dma.local [hbm:s5], $0x500  }
0x1a5: {  	_ =	swait.ge [sflag:s6], $0x50  }
0x1a6: {  	[sflag:s6] =	ssyncset.done $0x0  }
0x1a7: {  	s9 =	simm.s32 $0xF;
	s1 =	simm.s32 $0x7B00;
	[sflag:s6] =	ssyncadd.s32 $0xFFFFFFB0  }
0x1a8: {  	[tilespmem:s1], [sflag:$0x10] =	stream.indirect.gather [hbm4b:s11+s13], $0x80, s12, s13, $0xb8;
	[tilespmem:$0x1E600] =	vst v63  }
0x1a9: {  	_ =	swait.ge [sflag:s9], $0x2800  }
0x1aa: {  	[sflag:s9] =	ssyncset.done $0x0  }
0x1ab: {  	s12 =	simm.s32 $0x9;
	[sflag:s9] =	ssyncadd.s32 $0xFFFFD800  }
0x1ac: {  	_ =	swait.ge [sflag:s12], $0x500  }
0x1ad: {  	[sflag:s12] =	ssyncset.done $0x0  }
0x1ae: {  	s15 =	simm.s32 $0x15;
	s14 =	simm.s32 $0xF400;
	[sflag:s12] =	ssyncadd.s32 $0xFFFFFB00  }
0x1af: {  	[spmem:s25] =	stream.indirect.scatter.add.f32 [tilespmem:s3], [sflag:$0x15], $0x80, s14, s13, $0xb8;
	[tilespmem:$0x1E600] =	vst v63  }
0x1b0: {  	_ =	swait.ge [sflag:s15], $0x2800  }
0x1b1: {  	s16 =	sld [smem:$0x7EA]  }
0x1b2: {  	[sflag:s15] =	ssyncset.done $0x0  }
0x1b3: {  	[smem:$0x7EB] =	sst s17;
	[sflag:s15] =	ssyncadd.s32 $0xFFFFD800  }
0x1b4: {  	[hbm:s16], [sflag:s19] =	dma.local [spmem:s17], $0x500  }
0x1b5: {  	s17 =	simm.s32 $0x19  }
0x1b6: {  	_ =	swait.ge [sflag:s17], $0x500  }
0x1b7: {  	s19 =	sld [smem:$0x7EC]  }
0x1b8: {  	s20 =	simm.s32 $0x19;
	[sflag:s17] =	ssyncset.done $0x0;
	s3 =	sld [smem:$0x7ED]  }
0x1b9: {  	s5 =	simm.s32 $0x5;
	[sflag:s20] =	ssyncadd.s32 $0xFFFFFB00  }
0x1ba: {  	[tilespmem:s7], [sflag:$0x1] =	stream.linear.gather [hbm4b:s19+s7], $0x50, $0x38;
	[tilespmem:$0x1E600] =	vst v63  }
0x1bb: {  	[spmem:s26], [sflag:s18] =	dma.local [hbm:s3], $0x500  }
0x1bc: {  	_ =	swait.ge [sflag:s5], $0x50  }
0x1bd: {  	[sflag:s5] =	ssyncset.done $0x0  }
0x1be: {  	s6 =	simm.s32 $0xA300;
	[sflag:s5] =	ssyncadd.s32 $0xFFFFFFB0  }
0x1bf: {  	[tilespmem:s6], [sflag:$0x11] =	stream.indirect.gather [hbm4b:s11+s13], $0x80, s8, s13, $0xb8;
	[tilespmem:$0x1E600] =	vst v63  }
0x1c0: {  	s8 =	simm.s32 $0x10  }
0x1c1: {  	_ =	swait.ge [sflag:s8], $0x2800  }
0x1c2: {  	[sflag:s8] =	ssyncset.done $0x0  }
0x1c3: {  	s9 =	simm.s32 $0xA;
	[sflag:s8] =	ssyncadd.s32 $0xFFFFD800  }
0x1c4: {  	_ =	swait.ge [sflag:s9], $0x500  }
0x1c5: {  	[sflag:s9] =	ssyncset.done $0x0  }
0x1c6: {  	s12 =	simm.s32 $0xF480;
	s14 =	simm.s32 $0x16;
	[sflag:s9] =	ssyncadd.s32 $0xFFFFFB00  }
0x1c7: {  	[spmem:s25] =	stream.indirect.scatter.add.f32 [tilespmem:s1], [sflag:$0x16], $0x80, s12, s13, $0xb8;
	[tilespmem:$0x1E600] =	vst v63  }
0x1c8: {  	_ =	swait.ge [sflag:s14], $0x2800  }
0x1c9: {  	s15 =	sld [smem:$0x7EE]  }
0x1ca: {  	s16 =	sld [smem:$0x7F0]  }
0x1cb: {  	[sflag:s14] =	ssyncset.done $0x0  }
0x1cc: {  	s17 =	simm.s32 $0x1A;
	[smem:$0x7EF] =	sst s22;
	[sflag:s14] =	ssyncadd.s32 $0xFFFFD800  }
0x1cd: {  	[hbm:s15], [sflag:s16] =	dma.local [spmem:s22], $0x500  }
0x1ce: {  	p0 =	sgt.u32 s4, $0x10;
	_ =	swait.ge [sflag:s17], $0x500  }
0x1cf: {  	s0 =	simm.s32 @!p0 $0x80;
	s9 =	sld [smem:$0x7F1]  }
0x1d0: {  	s18 =	simm.s32 $0x1A;
	[sflag:s17] =	ssyncset.done $0x0;
	s1 =	sld [smem:$0x7F3]  }
0x1d1: {  	s8 =	simm.s32 @!p0 $0x0;
	s15 =	sld [smem:$0x7F2];
	[sflag:s18] =	ssyncadd.s32 $0xFFFFFB00  }
0x1d2: {  	[tilespmem:s0], [sflag:$0x2] =	stream.linear.gather @!p0 [hbm4b:s9+s8], $0x50, $0x38;
	[tilespmem:$0x1E600] =	vst v63  }
0x1d3: {  	s19 =	simm.s32 $0x6;
	s8 =	sshrl.u32 @!p0 s1, $0x3  }
0x1d4: {  	[spmem:s8], [sflag:s24] =	dma.local @!p0 [hbm:s15], $0x500  }
0x1d5: {  	_ =	swait.ge [sflag:s19], $0x50  }
0x1d6: {  	[sflag:s19] =	ssyncset.done $0x0  }
0x1d7: {  	s20 =	simm.s32 $0xCB00;
	s22 =	simm.s32 $0x11;
	[sflag:s19] =	ssyncadd.s32 $0xFFFFFFB0  }
0x1d8: {  	[tilespmem:s20], [sflag:$0x12] =	stream.indirect.gather [hbm4b:s11+s13], $0x80, s2, s13, $0xb8;
	[tilespmem:$0x1E600] =	vst v63  }
0x1d9: {  	_ =	swait.ge [sflag:s22], $0x2800  }
0x1da: {  	[sflag:s22] =	ssyncset.done $0x0  }
0x1db: {  	s24 =	simm.s32 $0xB;
	[sflag:s22] =	ssyncadd.s32 $0xFFFFD800  }
0x1dc: {  	_ =	swait.ge [sflag:s24], $0x500  }
0x1dd: {  	[sflag:s24] =	ssyncset.done $0x0  }
0x1de: {  	s5 =	simm.s32 $0x17;
	s2 =	simm.s32 $0xF500;
	[sflag:s24] =	ssyncadd.s32 $0xFFFFFB00  }
0x1df: {  	[spmem:s25] =	stream.indirect.scatter.add.f32 [tilespmem:s6], [sflag:$0x17], $0x80, s2, s13, $0xb8;
	[tilespmem:$0x1E600] =	vst v63  }
0x1e0: {  	_ =	swait.ge [sflag:s5], $0x2800  }
0x1e1: {  	s6 =	sld [smem:$0x7F4]  }
0x1e2: {  	[sflag:s5] =	ssyncset.done $0x0  }
0x1e3: {  	s9 =	simm.s32 $0x1B;
	[sflag:s5] =	ssyncadd.s32 $0xFFFFD800  }
0x1e4: {  	[hbm:s6], [sflag:s23] =	dma.local [spmem:s21], $0x500  }
0x1e5: {  	_ =	swait.ge [sflag:s9], $0x500  }
0x1e6: {  	[sflag:s9] =	ssyncset.done $0x0  }
0x1e7: {  	s12 =	simm.s32 $0x1;
	[sflag:s9] =	ssyncadd.s32 $0xFFFFFB00  }
0x1e8: {  	_ =	swait.ge [sflag:s12], $0x50  }
0x1e9: {  	[sflag:s12] =	ssyncset.done $0x0  }
0x1ea: {  	s14 =	simm.s32 $0x300;
	s15 =	simm.s32 $0x12;
	[sflag:s12] =	ssyncadd.s32 $0xFFFFFFB0  }
0x1eb: {  	[tilespmem:s14], [sflag:$0xD] =	stream.indirect.gather [hbm4b:s11+s13], $0x80, s7, s13, $0xb8;
	[tilespmem:$0x1E600] =	vst v63  }
0x1ec: {  	_ =	swait.ge [sflag:s15], $0x2800  }
0x1ed: {  	[sflag:s15] =	ssyncset.done $0x0  }
0x1ee: {  	s16 =	simm.s32 $0xC;
	[sflag:s15] =	ssyncadd.s32 $0xFFFFD800  }
0x1ef: {  	_ =	swait.ge [sflag:s16], $0x500  }
0x1f0: {  	[sflag:s16] =	ssyncset.done $0x0  }
0x1f1: {  	s17 =	simm.s32 $0xF580;
	s18 =	simm.s32 $0x18;
	[sflag:s16] =	ssyncadd.s32 $0xFFFFFB00  }
0x1f2: {  	[spmem:s25] =	stream.indirect.scatter.add.f32 [tilespmem:s20], [sflag:$0x18], $0x80, s17, s13, $0xb8;
	[tilespmem:$0x1E600] =	vst v63  }
0x1f3: {  	_ =	swait.ge [sflag:s18], $0x2800  }
0x1f4: {  	s19 =	sld [smem:$0x7F5]  }
0x1f5: {  	[sflag:s18] =	ssyncset.done $0x0  }
0x1f6: {  	[smem:$0x7F6] =	sst s31;
	[sflag:s18] =	ssyncadd.s32 $0xFFFFD800  }
0x1f7: {  	[hbm:s19], [sflag:s31] =	dma.local [spmem:s28], $0x500  }
0x1f8: {  	_ =	swait.ge [sflag:s30], $0x500  }
0x1f9: {  	[sflag:s30] =	ssyncset.done $0x0  }
0x1fa: {  	s2 =	simm.s32 @!p0 $0x2;
	[sflag:s30] =	ssyncadd.s32 $0xFFFFFB00  }
0x1fb: {  	_ =	swait.ge @!p0 [sflag:s2], $0x50  }
0x1fc: {  	s3 =	simm.s32 @!p0 $0x2B00;
	[sflag:s2] =	ssyncset.done @!p0 $0x0  }
0x1fd: {  	s20 =	simm.s32 $0xD;
	[sflag:s2] =	ssyncadd.s32 @!p0 $0xFFFFFFB0;
	s2 =	simm.s32 @!p0 $0x50  }
0x1fe: {  	[tilespmem:s3], [sflag:$0xE] =	stream.indirect.gather @!p0 [hbm4b:s11+s2], $0x80, s0, s2, $0xb8;
	[tilespmem:$0x1E600] =	vst v63  }
0x1ff: {  	_ =	swait.ge [sflag:s20], $0x2800  }
0x200: {  	[sflag:s20] =	ssyncset.done $0x0  }
0x201: {  	s21 =	simm.s32 $0x7;
	[sflag:s20] =	ssyncadd.s32 $0xFFFFD800  }
0x202: {  	_ =	swait.ge [sflag:s21], $0x500  }
0x203: {  	[sflag:s21] =	ssyncset.done $0x0  }
0x204: {  	s22 =	simm.s32 $0xF300;
	s23 =	simm.s32 $0x13;
	[sflag:s21] =	ssyncadd.s32 $0xFFFFFB00  }
0x205: {  	[spmem:s25] =	stream.indirect.scatter.add.f32 [tilespmem:s14], [sflag:$0x13], $0x80, s22, s13, $0xb8;
	[tilespmem:$0x1E600] =	vst v63  }
0x206: {  	_ =	swait.ge [sflag:s23], $0x2800  }
0x207: {  	s24 =	sld [smem:$0x7F7]  }
0x208: {  	s28 =	sld [smem:$0x7F8]  }
0x209: {  	[sflag:s23] =	ssyncset.done $0x0  }
0x20a: {  	[sflag:s23] =	ssyncadd.s32 $0xFFFFD800  }
0x20b: {  	[hbm:s24], [sflag:s28] =	dma.local [spmem:s26], $0x500  }
0x20c: {  	_ =	swait.ge [sflag:s29], $0x500  }
0x20d: {  	[sflag:s29] =	ssyncset.done $0x0  }
0x20e: {  	s0 =	simm.s32 @!p0 $0xE;
	[sflag:s29] =	ssyncadd.s32 $0xFFFFFB00  }
0x20f: {  	_ =	swait.ge @!p0 [sflag:s0], $0x2800  }
0x210: {  	[sflag:s0] =	ssyncset.done @!p0 $0x0  }
0x211: {  	[sflag:s0] =	ssyncadd.s32 @!p0 $0xFFFFD800;
	s0 =	simm.s32 @!p0 $0x8  }
0x212: {  	_ =	swait.ge @!p0 [sflag:s0], $0x500  }
0x213: {  	[sflag:s0] =	ssyncset.done @!p0 $0x0  }
0x214: {  	[sflag:s0] =	ssyncadd.s32 @!p0 $0xFFFFFB00;
	s0 =	simm.s32 @!p0 $0xF380  }
0x215: {  	[spmem:s25] =	stream.indirect.scatter.add.f32 @!p0 [tilespmem:s3], [sflag:$0x14], $0x80, s0, s2, $0xb8;
	[tilespmem:$0x1E600] =	vst v63  }
0x216: {  	s0 =	simm.s32 @!p0 $0x14  }
0x217: {  	_ =	swait.ge @!p0 [sflag:s0], $0x2800  }
0x218: {  	s9 =	sld [smem:$0x7F9]  }
0x219: {  	[sflag:s0] =	ssyncset.done @!p0 $0x0;
	[smem:$0x7FA] =	sst s10  }
0x21a: {  	[smem:$0x7FB] =	sst s8;
	[sflag:s0] =	ssyncadd.s32 @!p0 $0xFFFFD800  }
0x21b: {  	[hbm:s9], [sflag:s10] =	dma.local @!p0 [spmem:s8], $0x500  }
0x21c: {  	s29 =	sld [smem:$0x7FC];
	_ =	sdelay $0x2  }
0x21d: {  	s30 =	ssub.s32 $0x2, s29  }
0x21e: {  	s31 =	sshrl.u32 s30, $0x1  }
0x21f: {  	s9 =	ssub.s32 s30, s31  }
0x220: {  	s9 =	smax.u32 s9, $0x1  }
0x221: {  	s3 =	sadd.s32 $0xFFFFFFFF, s9  }
0x222: {  	s1 =	simm.s32 @!p0 $0x1E;
	p1 =	sne.s32 s3, $0x0  }
.Ltmp0:
0x223: {  	_ =	swait.ge @!p0 [sflag:s1], $0x500;
	(pc) =	sbr.rel @!p1 .LBB2_3-.Ltmp0, $4  }
0x224: {  	s0 =	simm.s32 @!p0 $0x19;
	[sflag:s1] =	ssyncset.done @!p0 $0x0  }
0x225: {  	s0 =	simm.s32 @p0 $0x1E;
	[sflag:s1] =	ssyncadd.s32 @!p0 $0xFFFFFB00  }
0x226: {  	_ =	swait.ge [sflag:s0], $0x500  }
0x227: {  	s2 =	simm.s32 @!p0 $0x1A;
	[smem:$0x7FD] =	sst s0  }
0x228: {  	s9 =	simm.s32 $0x0  }
.LBB2_2:
0x229: {  	s3 =	sadd.s32 $0xFFFFFFFF, s3;
	s15 =	simm.s32 @!p0 $0x1A;
	[sflag:s0] =	ssyncset.done $0x0  }
0x22a: {  	[smem:$0x7C5] =	sst s3;
	s15 =	simm.s32 @p0 $0x19;
	[sflag:s0] =	ssyncadd.s32 $0xFFFFFB00  }
0x22b: {  	_ =	swait.ge [sflag:s15], $0x500  }
0x22c: {  	[sflag:s15] =	ssyncset.done $0x0  }
0x22d: {  	[sflag:s15] =	ssyncadd.s32 $0xFFFFFB00  }
0x22e: {  	[tilespmem:$0xF300] =	vst v0  }
0x22f: {  	[tilespmem:$0xF5C0] =	vst v1  }
0x230: {  	[tilespmem:$0xF5B0] =	vst v2  }
0x231: {  	[tilespmem:$0xF5A0] =	vst v3  }
0x232: {  	[tilespmem:$0xF590] =	vst v4  }
0x233: {  	[tilespmem:$0xF580] =	vst v5  }
0x234: {  	[tilespmem:$0xF540] =	vst v6  }
0x235: {  	[tilespmem:$0xF530] =	vst v7  }
0x236: {  	[tilespmem:$0xF520] =	vst v8  }
0x237: {  	[tilespmem:$0xF510] =	vst v9  }
0x238: {  	[tilespmem:$0xF500] =	vst v10  }
0x239: {  	[tilespmem:$0xF4C0] =	vst v11  }
0x23a: {  	[tilespmem:$0xF4B0] =	vst v12  }
0x23b: {  	[tilespmem:$0xF4A0] =	vst v13  }
0x23c: {  	[tilespmem:$0xF490] =	vst v14  }
0x23d: {  	[tilespmem:$0xF480] =	vst v15  }
0x23e: {  	[tilespmem:$0xF440] =	vst v16  }
0x23f: {  	[tilespmem:$0xF430] =	vst v17  }
0x240: {  	[tilespmem:$0xF420] =	vst v18  }
0x241: {  	[tilespmem:$0xF410] =	vst v19  }
0x242: {  	[tilespmem:$0xF400] =	vst v20  }
0x243: {  	[tilespmem:$0xF3C0] =	vst v21  }
0x244: {  	[tilespmem:$0xF3B0] =	vst v22  }
0x245: {  	[tilespmem:$0xF3A0] =	vst v23  }
0x246: {  	[tilespmem:$0xF390] =	vst v24  }
0x247: {  	[tilespmem:$0xF380] =	vst v25  }
0x248: {  	s4 =	rddreg [dreg:$0x7];
	[tilespmem:$0xF340] =	vst v26  }
0x249: {  	s18 =	rddreg [dreg:$0x6];
	[tilespmem:$0xF330] =	vst v27  }
0x24a: {  	s7 =	sld [smem:$0x7D5];
	[tilespmem:$0xF320] =	vst v28  }
0x24b: {  	s19 =	rddreg [dreg:$0x8];
	s20 =	sshrl.u32 s4, $0x3;
	[tilespmem:$0xF310] =	vst v29  }
0x24c: {  	[tilespmem:s9], [sflag:$0x1] =	stream.linear.gather [hbm4b:s18+s9], $0x50, $0x38;
	[tilespmem:$0x1E600] =	vst v63  }
0x24d: {  	[spmem:s20], [sflag:s7] =	dma.local [hbm:s19], $0x500  }
0x24e: {  	s5 =	rddreg [dreg:$0x9]  }
0x24f: {  	s6 =	simm.s32 $0x80;
	s10 =	sld [smem:$0x7E7]  }
0x250: {  	[tilespmem:s6], [sflag:$0x2] =	stream.linear.gather [hbm4b:s5+s9], $0x50, $0x38;
	[tilespmem:$0x1E600] =	vst v63  }
0x251: {  	s6 =	sld [smem:$0x7D9];
	_ =	sdelay $0x1  }
0x252: {  	s19 =	rddreg [dreg:$0xa]  }
0x253: {  	[spmem:s10], [sflag:s6] =	dma.local [hbm:s19], $0x500  }
0x254: {  	s8 =	rddreg [dreg:$0xb]  }
0x255: {  	s23 =	sld [smem:$0x7DE]  }
0x256: {  	s22 =	sld [smem:$0x7EB]  }
0x257: {  	s11 =	simm.s32 $0x100;
	s12 =	simm.s32 $0x1;
	s19 =	rddreg [dreg:$0xc]  }
0x258: {  	[tilespmem:s11], [sflag:$0x3] =	stream.linear.gather [hbm4b:s8+s9], $0x50, $0x38;
	[tilespmem:$0x1E600] =	vst v63  }
0x259: {  	[spmem:s22], [sflag:s23] =	dma.local [hbm:s19], $0x500  }
0x25a: {  	_ =	swait.ge [sflag:s12], $0x50  }
0x25b: {  	s14 =	rddreg [dreg:$0xe]  }
0x25c: {  	[sflag:s12] =	ssyncset.done $0x0;
	s15 =	sld [smem:$0x7E2]  }
0x25d: {  	s25 =	sld [smem:$0x7EF];
	[sflag:s12] =	ssyncadd.s32 $0xFFFFFFB0  }
0x25e: {  	s17 =	simm.s32 $0x300;
	p1 =	sne.s32 s3, $0x0;
	s3 =	rddreg [dreg:$0x2]  }
0x25f: {  	[tilespmem:s17], [sflag:$0xD] =	stream.indirect.gather [hbm4b:s3+s13], $0x80, s9, s13, $0xb8;
	[tilespmem:$0x1E600] =	vst v63  }
0x260: {  	s1 =	simm.s32 $0x180;
	s24 =	simm.s32 $0x2;
	s16 =	rddreg [dreg:$0xd]  }
0x261: {  	[tilespmem:s1], [sflag:$0x4] =	stream.linear.gather [hbm4b:s16+s9], $0x50, $0x38;
	[tilespmem:$0x1E600] =	vst v63  }
0x262: {  	[spmem:s25], [sflag:s15] =	dma.local [hbm:s14], $0x500  }
0x263: {  	_ =	swait.ge [sflag:s24], $0x50  }
0x264: {  	s2 =	simm.s32 $0x80;
	[sflag:s24] =	ssyncset.done $0x0  }
0x265: {  	s26 =	simm.s32 $0x2B00;
	s28 =	simm.s32 $0xD;
	[sflag:s24] =	ssyncadd.s32 $0xFFFFFFB0  }
0x266: {  	[tilespmem:s26], [sflag:$0xE] =	stream.indirect.gather [hbm4b:s3+s13], $0x80, s2, s13, $0xb8;
	[tilespmem:$0x1E600] =	vst v63  }
0x267: {  	_ =	swait.ge [sflag:s28], $0x2800  }
0x268: {  	[sflag:s28] =	ssyncset.done $0x0  }
0x269: {  	s29 =	simm.s32 $0x7;
	[sflag:s28] =	ssyncadd.s32 $0xFFFFD800  }
0x26a: {  	_ =	swait.ge [sflag:s29], $0x500  }
0x26b: {  	[sflag:s29] =	ssyncset.done $0x0  }
0x26c: {  	s21 =	simm.s32 $0x300;
	[sflag:s29] =	ssyncadd.s32 $0xFFFFFB00  }
0x26d: {  	s30 =	simm.s32 $0xF300;
	s2 =	simm.s32 $0x13;
	s4 =	rddreg [dreg:$0x4]  }
0x26e: {  	[spmem:s4] =	stream.indirect.scatter.add.f32 [tilespmem:s21], [sflag:$0x13], $0x80, s30, s13, $0xb8;
	[tilespmem:$0x1E600] =	vst v63  }
0x26f: {  	_ =	swait.ge [sflag:s2], $0x2800  }
0x270: {  	s11 =	sld [smem:$0x7F8]  }
0x271: {  	[sflag:s2] =	ssyncset.done $0x0  }
0x272: {  	s5 =	rddreg [dreg:$0xf];
	[sflag:s2] =	ssyncadd.s32 $0xFFFFD800  }
0x273: {  	[hbm:s5], [sflag:s11] =	dma.local [spmem:s20], $0x500  }
0x274: {  	s17 =	simm.s32 $0x200;
	s18 =	rddreg [dreg:$0x10]  }
0x275: {  	[tilespmem:s17], [sflag:$0x5] =	stream.linear.gather [hbm4b:s18+s9], $0x50, $0x38;
	[tilespmem:$0x1E600] =	vst v63  }
0x276: {  	s18 =	sld [smem:$0x7CC]  }
0x277: {  	s26 =	rddreg [dreg:$0x11]  }
0x278: {  	s19 =	simm.s32 $0x3;
	s16 =	rddreg [dreg:$0x12];
	s30 =	sshrl.u32 s26, $0x3  }
0x279: {  	[spmem:s30], [sflag:s18] =	dma.local [hbm:s16], $0x500  }
0x27a: {  	_ =	swait.ge [sflag:s19], $0x50  }
0x27b: {  	s8 =	simm.s32 $0x100;
	[sflag:s19] =	ssyncset.done $0x0  }
0x27c: {  	s21 =	simm.s32 $0x5300;
	s26 =	simm.s32 $0xE;
	[sflag:s19] =	ssyncadd.s32 $0xFFFFFFB0  }
0x27d: {  	[tilespmem:s21], [sflag:$0xF] =	stream.indirect.gather [hbm4b:s3+s13], $0x80, s8, s13, $0xb8;
	[tilespmem:$0x1E600] =	vst v63  }
0x27e: {  	_ =	swait.ge [sflag:s26], $0x2800  }
0x27f: {  	[sflag:s26] =	ssyncset.done $0x0  }
0x280: {  	s28 =	simm.s32 $0x8;
	[sflag:s26] =	ssyncadd.s32 $0xFFFFD800  }
0x281: {  	_ =	swait.ge [sflag:s28], $0x500  }
0x282: {  	s0 =	simm.s32 $0x14;
	[sflag:s28] =	ssyncset.done $0x0  }
0x283: {  	s14 =	simm.s32 $0x2B00;
	s29 =	simm.s32 $0xF380;
	[sflag:s28] =	ssyncadd.s32 $0xFFFFFB00  }
0x284: {  	[spmem:s4] =	stream.indirect.scatter.add.f32 [tilespmem:s14], [sflag:$0x14], $0x80, s29, s13, $0xb8;
	[tilespmem:$0x1E600] =	vst v63  }
0x285: {  	_ =	swait.ge [sflag:s0], $0x2800  }
0x286: {  	s21 =	sld [smem:$0x7FA]  }
0x287: {  	[sflag:s0] =	ssyncset.done $0x0  }
0x288: {  	s2 =	rddreg [dreg:$0x13];
	[sflag:s0] =	ssyncadd.s32 $0xFFFFD800  }
0x289: {  	[hbm:s2], [sflag:s21] =	dma.local [spmem:s10], $0x500  }
0x28a: {  	s14 =	simm.s32 $0x280;
	s19 =	rddreg [dreg:$0x14]  }
0x28b: {  	[tilespmem:s14], [sflag:$0x6] =	stream.linear.gather [hbm4b:s19+s9], $0x50, $0x38;
	[tilespmem:$0x1E600] =	vst v63  }
0x28c: {  	s19 =	sld [smem:$0x7D0]  }
0x28d: {  	s29 =	rddreg [dreg:$0x15]  }
0x28e: {  	s16 =	simm.s32 $0x4;
	s8 =	rddreg [dreg:$0x16];
	s28 =	sshrl.u32 s29, $0x3  }
0x28f: {  	[spmem:s28], [sflag:s19] =	dma.local [hbm:s8], $0x500  }
0x290: {  	_ =	swait.ge [sflag:s16], $0x50  }
0x291: {  	s12 =	simm.s32 $0x180;
	[sflag:s16] =	ssyncset.done $0x0  }
0x292: {  	s26 =	simm.s32 $0x7B00;
	s29 =	simm.s32 $0xF;
	[sflag:s16] =	ssyncadd.s32 $0xFFFFFFB0  }
0x293: {  	[tilespmem:s26], [sflag:$0x10] =	stream.indirect.gather [hbm4b:s3+s13], $0x80, s12, s13, $0xb8;
	[tilespmem:$0x1E600] =	vst v63  }
0x294: {  	_ =	swait.ge [sflag:s29], $0x2800  }
0x295: {  	[sflag:s29] =	ssyncset.done $0x0  }
0x296: {  	s0 =	simm.s32 $0x9;
	[sflag:s29] =	ssyncadd.s32 $0xFFFFD800  }
0x297: {  	_ =	swait.ge [sflag:s0], $0x500  }
0x298: {  	s17 =	simm.s32 $0x5300;
	[sflag:s0] =	ssyncset.done $0x0  }
0x299: {  	s14 =	simm.s32 $0x15;
	s8 =	simm.s32 $0xF400;
	[sflag:s0] =	ssyncadd.s32 $0xFFFFFB00  }
0x29a: {  	[spmem:s4] =	stream.indirect.scatter.add.f32 [tilespmem:s17], [sflag:$0x15], $0x80, s8, s13, $0xb8;
	[tilespmem:$0x1E600] =	vst v63  }
0x29b: {  	_ =	swait.ge [sflag:s14], $0x2800  }
0x29c: {  	s17 =	sld [smem:$0x7D2]  }
0x29d: {  	[sflag:s14] =	ssyncset.done $0x0  }
0x29e: {  	s29 =	simm.s32 $0x19;
	s16 =	rddreg [dreg:$0x17];
	[sflag:s14] =	ssyncadd.s32 $0xFFFFD800  }
0x29f: {  	[hbm:s16], [sflag:s17] =	dma.local [spmem:s22], $0x500  }
0x2a0: {  	_ =	swait.ge [sflag:s29], $0x500  }
0x2a1: {  	[sflag:s29] =	ssyncset.done $0x0;
	s0 =	rddreg [dreg:$0x18]  }
0x2a2: {  	s1 =	rddreg [dreg:$0x19];
	[sflag:s29] =	ssyncadd.s32 $0xFFFFFB00  }
0x2a3: {  	[tilespmem:s9], [sflag:$0x1] =	stream.linear.gather [hbm4b:s0+s9], $0x50, $0x38;
	[tilespmem:$0x1E600] =	vst v63  }
0x2a4: {  	[spmem:s20], [sflag:s7] =	dma.local [hbm:s1], $0x500  }
0x2a5: {  	s17 =	smov.u32 s7;
	s7 =	simm.s32 $0x5  }
0x2a6: {  	_ =	swait.ge [sflag:s7], $0x50  }
0x2a7: {  	s5 =	simm.s32 $0x200;
	[sflag:s7] =	ssyncset.done $0x0  }
0x2a8: {  	s8 =	simm.s32 $0xA300;
	s14 =	simm.s32 $0x10;
	[sflag:s7] =	ssyncadd.s32 $0xFFFFFFB0  }
0x2a9: {  	[tilespmem:s8], [sflag:$0x11] =	stream.indirect.gather [hbm4b:s3+s13], $0x80, s5, s13, $0xb8;
	[tilespmem:$0x1E600] =	vst v63  }
0x2aa: {  	_ =	swait.ge [sflag:s14], $0x2800  }
0x2ab: {  	[sflag:s14] =	ssyncset.done $0x0  }
0x2ac: {  	s26 =	simm.s32 $0xA;
	[sflag:s14] =	ssyncadd.s32 $0xFFFFD800  }
0x2ad: {  	_ =	swait.ge [sflag:s26], $0x500  }
0x2ae: {  	s12 =	simm.s32 $0x7B00;
	[sflag:s26] =	ssyncset.done $0x0  }
0x2af: {  	s29 =	simm.s32 $0xF480;
	s0 =	simm.s32 $0x16;
	[sflag:s26] =	ssyncadd.s32 $0xFFFFFB00  }
0x2b0: {  	[spmem:s4] =	stream.indirect.scatter.add.f32 [tilespmem:s12], [sflag:$0x16], $0x80, s29, s13, $0xb8;
	[tilespmem:$0x1E600] =	vst v63  }
0x2b1: {  	_ =	swait.ge [sflag:s0], $0x2800  }
0x2b2: {  	s8 =	sld [smem:$0x7F0]  }
0x2b3: {  	[sflag:s0] =	ssyncset.done $0x0  }
0x2b4: {  	s12 =	simm.s32 $0x1A;
	s5 =	rddreg [dreg:$0x1a];
	[sflag:s0] =	ssyncadd.s32 $0xFFFFD800  }
0x2b5: {  	[hbm:s5], [sflag:s8] =	dma.local [spmem:s25], $0x500  }
0x2b6: {  	_ =	swait.ge [sflag:s12], $0x500  }
0x2b7: {  	s0 =	simm.s32 $0x80;
	[sflag:s12] =	ssyncset.done $0x0;
	s14 =	rddreg [dreg:$0x1b]  }
0x2b8: {  	s8 =	simm.s32 $0x6;
	s5 =	rddreg [dreg:$0x1c];
	[sflag:s12] =	ssyncadd.s32 $0xFFFFFB00  }
0x2b9: {  	[tilespmem:s0], [sflag:$0x2] =	stream.linear.gather [hbm4b:s14+s9], $0x50, $0x38;
	[tilespmem:$0x1E600] =	vst v63  }
0x2ba: {  	[spmem:s10], [sflag:s6] =	dma.local [hbm:s5], $0x500  }
0x2bb: {  	_ =	swait.ge [sflag:s8], $0x50  }
0x2bc: {  	s2 =	simm.s32 $0x280;
	[sflag:s8] =	ssyncset.done $0x0  }
0x2bd: {  	s12 =	simm.s32 $0xCB00;
	s14 =	simm.s32 $0x11;
	[sflag:s8] =	ssyncadd.s32 $0xFFFFFFB0  }
0x2be: {  	[tilespmem:s12], [sflag:$0x12] =	stream.indirect.gather [hbm4b:s3+s13], $0x80, s2, s13, $0xb8;
	[tilespmem:$0x1E600] =	vst v63  }
0x2bf: {  	_ =	swait.ge [sflag:s14], $0x2800  }
0x2c0: {  	[sflag:s14] =	ssyncset.done $0x0  }
0x2c1: {  	s26 =	simm.s32 $0xB;
	[sflag:s14] =	ssyncadd.s32 $0xFFFFD800  }
0x2c2: {  	_ =	swait.ge [sflag:s26], $0x500  }
0x2c3: {  	s7 =	simm.s32 $0xA300;
	[sflag:s26] =	ssyncset.done $0x0  }
0x2c4: {  	s29 =	simm.s32 $0xF500;
	s5 =	simm.s32 $0x17;
	[sflag:s26] =	ssyncadd.s32 $0xFFFFFB00  }
0x2c5: {  	[spmem:s4] =	stream.indirect.scatter.add.f32 [tilespmem:s7], [sflag:$0x17], $0x80, s29, s13, $0xb8;
	[tilespmem:$0x1E600] =	vst v63  }
0x2c6: {  	_ =	swait.ge [sflag:s5], $0x2800  }
0x2c7: {  	s7 =	sld [smem:$0x7DB]  }
0x2c8: {  	[sflag:s5] =	ssyncset.done $0x0  }
0x2c9: {  	s8 =	simm.s32 $0x1B;
	s6 =	rddreg [dreg:$0x1d];
	[sflag:s5] =	ssyncadd.s32 $0xFFFFD800  }
0x2ca: {  	[hbm:s6], [sflag:s7] =	dma.local [spmem:s30], $0x500  }
0x2cb: {  	_ =	swait.ge [sflag:s8], $0x500  }
0x2cc: {  	s31 =	simm.s32 $0x1;
	[sflag:s8] =	ssyncset.done $0x0;
	s12 =	rddreg [dreg:$0x1e]  }
0x2cd: {  	s5 =	simm.s32 $0x100;
	s14 =	rddreg [dreg:$0x1f];
	[sflag:s8] =	ssyncadd.s32 $0xFFFFFB00  }
0x2ce: {  	[tilespmem:s5], [sflag:$0x3] =	stream.linear.gather [hbm4b:s12+s9], $0x50, $0x38;
	[tilespmem:$0x1E600] =	vst v63  }
0x2cf: {  	[spmem:s22], [sflag:s23] =	dma.local [hbm:s14], $0x500  }
0x2d0: {  	_ =	swait.ge [sflag:s31], $0x50  }
0x2d1: {  	[sflag:s31] =	ssyncset.done $0x0  }
0x2d2: {  	s6 =	simm.s32 $0x300;
	[sflag:s31] =	ssyncadd.s32 $0xFFFFFFB0;
	s31 =	simm.s32 $0x12  }
0x2d3: {  	[tilespmem:s6], [sflag:$0xD] =	stream.indirect.gather [hbm4b:s3+s13], $0x80, s9, s13, $0xb8;
	[tilespmem:$0x1E600] =	vst v63  }
0x2d4: {  	_ =	swait.ge [sflag:s31], $0x2800  }
0x2d5: {  	[sflag:s31] =	ssyncset.done $0x0  }
0x2d6: {  	s26 =	simm.s32 $0xC;
	[sflag:s31] =	ssyncadd.s32 $0xFFFFD800  }
0x2d7: {  	_ =	swait.ge [sflag:s26], $0x500  }
0x2d8: {  	s2 =	simm.s32 $0xCB00;
	[sflag:s26] =	ssyncset.done $0x0  }
0x2d9: {  	s29 =	simm.s32 $0xF580;
	s7 =	simm.s32 $0x18;
	[sflag:s26] =	ssyncadd.s32 $0xFFFFFB00  }
0x2da: {  	[spmem:s4] =	stream.indirect.scatter.add.f32 [tilespmem:s2], [sflag:$0x18], $0x80, s29, s13, $0xb8;
	[tilespmem:$0x1E600] =	vst v63  }
0x2db: {  	_ =	swait.ge [sflag:s7], $0x2800  }
0x2dc: {  	s8 =	sld [smem:$0x7C6]  }
0x2dd: {  	s12 =	sld [smem:$0x7F6]  }
0x2de: {  	[sflag:s7] =	ssyncset.done $0x0  }
0x2df: {  	s14 =	simm.s32 $0x1C;
	[sflag:s7] =	ssyncadd.s32 $0xFFFFD800  }
0x2e0: {  	[hbm:s8], [sflag:s12] =	dma.local [spmem:s28], $0x500  }
0x2e1: {  	_ =	swait.ge [sflag:s14], $0x500  }
0x2e2: {  	s23 =	sld [smem:$0x7C7]  }
0x2e3: {  	[sflag:s14] =	ssyncset.done $0x0;
	s7 =	sld [smem:$0x7C8]  }
0x2e4: {  	s2 =	simm.s32 $0x180;
	[sflag:s14] =	ssyncadd.s32 $0xFFFFFB00  }
0x2e5: {  	[tilespmem:s2], [sflag:$0x4] =	stream.linear.gather [hbm4b:s23+s9], $0x50, $0x38;
	[tilespmem:$0x1E600] =	vst v63  }
0x2e6: {  	[spmem:s25], [sflag:s15] =	dma.local [hbm:s7], $0x500  }
0x2e7: {  	_ =	swait.ge [sflag:s24], $0x50  }
0x2e8: {  	[sflag:s24] =	ssyncset.done $0x0  }
0x2e9: {  	s1 =	simm.s32 $0x2B00;
	s8 =	simm.s32 $0xD;
	[sflag:s24] =	ssyncadd.s32 $0xFFFFFFB0  }
0x2ea: {  	[tilespmem:s1], [sflag:$0xE] =	stream.indirect.gather [hbm4b:s3+s13], $0x80, s0, s13, $0xb8;
	[tilespmem:$0x1E600] =	vst v63  }
0x2eb: {  	_ =	swait.ge [sflag:s8], $0x2800  }
0x2ec: {  	s12 =	simm.s32 $0xD;
	[sflag:s8] =	ssyncset.done $0x0  }
0x2ed: {  	s14 =	simm.s32 $0x7;
	[sflag:s12] =	ssyncadd.s32 $0xFFFFD800  }
0x2ee: {  	_ =	swait.ge [sflag:s14], $0x500  }
0x2ef: {  	s15 =	simm.s32 $0x7;
	[sflag:s14] =	ssyncset.done $0x0  }
0x2f0: {  	s29 =	simm.s32 $0x13;
	s23 =	simm.s32 $0xF300;
	[sflag:s15] =	ssyncadd.s32 $0xFFFFFB00  }
0x2f1: {  	[spmem:s4] =	stream.indirect.scatter.add.f32 [tilespmem:s6], [sflag:$0x13], $0x80, s23, s13, $0xb8;
	[tilespmem:$0x1E600] =	vst v63  }
0x2f2: {  	_ =	swait.ge [sflag:s29], $0x2800  }
0x2f3: {  	s7 =	sld [smem:$0x7C9]  }
0x2f4: {  	s6 =	simm.s32 $0x13;
	[sflag:s29] =	ssyncset.done $0x0  }
0x2f5: {  	s23 =	simm.s32 $0x1D;
	[sflag:s6] =	ssyncadd.s32 $0xFFFFD800  }
0x2f6: {  	[hbm:s7], [sflag:s11] =	dma.local [spmem:s20], $0x500  }
0x2f7: {  	_ =	swait.ge [sflag:s23], $0x500  }
0x2f8: {  	s8 =	sld [smem:$0x7CA]  }
0x2f9: {  	s15 =	smov.u32 s11;
	[sflag:s23] =	ssyncset.done $0x0;
	s11 =	sld [smem:$0x7CB]  }
0x2fa: {  	s16 =	simm.s32 $0x200;
	s12 =	simm.s32 $0x3;
	[sflag:s23] =	ssyncadd.s32 $0xFFFFFB00  }
0x2fb: {  	[tilespmem:s16], [sflag:$0x5] =	stream.linear.gather [hbm4b:s8+s9], $0x50, $0x38;
	[tilespmem:$0x1E600] =	vst v63  }
0x2fc: {  	[spmem:s30], [sflag:s18] =	dma.local [hbm:s11], $0x500  }
0x2fd: {  	_ =	swait.ge [sflag:s12], $0x50  }
0x2fe: {  	[sflag:s12] =	ssyncset.done $0x0  }
0x2ff: {  	s0 =	simm.s32 $0x5300;
	s14 =	simm.s32 $0xE;
	[sflag:s12] =	ssyncadd.s32 $0xFFFFFFB0  }
0x300: {  	[tilespmem:s0], [sflag:$0xF] =	stream.indirect.gather [hbm4b:s3+s13], $0x80, s5, s13, $0xb8;
	[tilespmem:$0x1E600] =	vst v63  }
0x301: {  	_ =	swait.ge [sflag:s14], $0x2800  }
0x302: {  	[sflag:s14] =	ssyncset.done $0x0  }
0x303: {  	s26 =	simm.s32 $0x8;
	[sflag:s14] =	ssyncadd.s32 $0xFFFFD800  }
0x304: {  	_ =	swait.ge [sflag:s26], $0x500  }
0x305: {  	[sflag:s26] =	ssyncset.done $0x0  }
0x306: {  	s29 =	simm.s32 $0xF380;
	s5 =	simm.s32 $0x14;
	[sflag:s26] =	ssyncadd.s32 $0xFFFFFB00  }
0x307: {  	[spmem:s4] =	stream.indirect.scatter.add.f32 [tilespmem:s1], [sflag:$0x14], $0x80, s29, s13, $0xb8;
	[tilespmem:$0x1E600] =	vst v63  }
0x308: {  	_ =	swait.ge [sflag:s5], $0x2800  }
0x309: {  	s6 =	sld [smem:$0x7CD]  }
0x30a: {  	[sflag:s5] =	ssyncset.done $0x0  }
0x30b: {  	s8 =	simm.s32 $0x1E;
	[sflag:s5] =	ssyncadd.s32 $0xFFFFD800  }
0x30c: {  	[hbm:s6], [sflag:s21] =	dma.local [spmem:s10], $0x500  }
0x30d: {  	_ =	swait.ge [sflag:s8], $0x500  }
0x30e: {  	s7 =	sld [smem:$0x7CE]  }
0x30f: {  	[sflag:s8] =	ssyncset.done $0x0;
	s11 =	sld [smem:$0x7CF]  }
0x310: {  	s12 =	simm.s32 $0x4;
	s5 =	simm.s32 $0x280;
	[sflag:s8] =	ssyncadd.s32 $0xFFFFFB00  }
0x311: {  	[tilespmem:s5], [sflag:$0x6] =	stream.linear.gather [hbm4b:s7+s9], $0x50, $0x38;
	[tilespmem:$0x1E600] =	vst v63  }
0x312: {  	[spmem:s28], [sflag:s19] =	dma.local [hbm:s11], $0x500  }
0x313: {  	_ =	swait.ge [sflag:s12], $0x50  }
0x314: {  	s14 =	smov.u32 s19;
	[sflag:s12] =	ssyncset.done $0x0  }
0x315: {  	s11 =	simm.s32 $0x7B00;
	s19 =	simm.s32 $0xF;
	[sflag:s12] =	ssyncadd.s32 $0xFFFFFFB0  }
0x316: {  	[tilespmem:s11], [sflag:$0x10] =	stream.indirect.gather [hbm4b:s3+s13], $0x80, s2, s13, $0xb8;
	[tilespmem:$0x1E600] =	vst v63  }
0x317: {  	_ =	swait.ge [sflag:s19], $0x2800  }
0x318: {  	[sflag:s19] =	ssyncset.done $0x0  }
0x319: {  	s26 =	simm.s32 $0x9;
	[sflag:s19] =	ssyncadd.s32 $0xFFFFD800  }
0x31a: {  	_ =	swait.ge [sflag:s26], $0x500  }
0x31b: {  	[sflag:s26] =	ssyncset.done $0x0  }
0x31c: {  	s29 =	simm.s32 $0xF400;
	s1 =	simm.s32 $0x15;
	[sflag:s26] =	ssyncadd.s32 $0xFFFFFB00  }
0x31d: {  	[spmem:s4] =	stream.indirect.scatter.add.f32 [tilespmem:s0], [sflag:$0x15], $0x80, s29, s13, $0xb8;
	[tilespmem:$0x1E600] =	vst v63  }
0x31e: {  	_ =	swait.ge [sflag:s1], $0x2800  }
0x31f: {  	s2 =	sld [smem:$0x7D1]  }
0x320: {  	s12 =	sld [smem:$0x7D2]  }
0x321: {  	[sflag:s1] =	ssyncset.done $0x0  }
0x322: {  	s6 =	simm.s32 $0x19;
	[sflag:s1] =	ssyncadd.s32 $0xFFFFD800  }
0x323: {  	[hbm:s2], [sflag:s12] =	dma.local [spmem:s22], $0x500  }
0x324: {  	_ =	swait.ge [sflag:s6], $0x500  }
0x325: {  	s7 =	sld [smem:$0x7D3]  }
0x326: {  	[sflag:s6] =	ssyncset.done $0x0;
	s19 =	sld [smem:$0x7D4]  }
0x327: {  	s29 =	simm.s32 $0x5;
	[sflag:s6] =	ssyncadd.s32 $0xFFFFFB00  }
0x328: {  	[tilespmem:s9], [sflag:$0x1] =	stream.linear.gather [hbm4b:s7+s9], $0x50, $0x38;
	[tilespmem:$0x1E600] =	vst v63  }
0x329: {  	[spmem:s20], [sflag:s17] =	dma.local [hbm:s19], $0x500  }
0x32a: {  	_ =	swait.ge [sflag:s29], $0x50  }
0x32b: {  	[sflag:s29] =	ssyncset.done $0x0  }
0x32c: {  	s0 =	simm.s32 $0xA300;
	s1 =	simm.s32 $0x10;
	[sflag:s29] =	ssyncadd.s32 $0xFFFFFFB0  }
0x32d: {  	[tilespmem:s0], [sflag:$0x11] =	stream.indirect.gather [hbm4b:s3+s13], $0x80, s16, s13, $0xb8;
	[tilespmem:$0x1E600] =	vst v63  }
0x32e: {  	_ =	swait.ge [sflag:s1], $0x2800  }
0x32f: {  	[sflag:s1] =	ssyncset.done $0x0  }
0x330: {  	s6 =	simm.s32 $0xA;
	[sflag:s1] =	ssyncadd.s32 $0xFFFFD800  }
0x331: {  	_ =	swait.ge [sflag:s6], $0x500  }
0x332: {  	[sflag:s6] =	ssyncset.done $0x0  }
0x333: {  	s7 =	simm.s32 $0xF480;
	s16 =	simm.s32 $0x16;
	[sflag:s6] =	ssyncadd.s32 $0xFFFFFB00  }
0x334: {  	[spmem:s4] =	stream.indirect.scatter.add.f32 [tilespmem:s11], [sflag:$0x16], $0x80, s7, s13, $0xb8;
	[tilespmem:$0x1E600] =	vst v63  }
0x335: {  	_ =	swait.ge [sflag:s16], $0x2800  }
0x336: {  	s17 =	sld [smem:$0x7D6]  }
0x337: {  	s19 =	sld [smem:$0x7F0]  }
0x338: {  	[sflag:s16] =	ssyncset.done $0x0  }
0x339: {  	s29 =	simm.s32 $0x1A;
	[sflag:s16] =	ssyncadd.s32 $0xFFFFD800  }
0x33a: {  	[hbm:s17], [sflag:s19] =	dma.local [spmem:s25], $0x500  }
0x33b: {  	_ =	swait.ge [sflag:s29], $0x500  }
0x33c: {  	s1 =	sld [smem:$0x7D7]  }
0x33d: {  	s6 =	sld [smem:$0x7D8]  }
0x33e: {  	[sflag:s29] =	ssyncset.done $0x0;
	s16 =	sld [smem:$0x7D9]  }
0x33f: {  	s7 =	simm.s32 $0x80;
	s11 =	simm.s32 $0x6;
	[sflag:s29] =	ssyncadd.s32 $0xFFFFFB00  }
0x340: {  	[tilespmem:s7], [sflag:$0x2] =	stream.linear.gather [hbm4b:s1+s9], $0x50, $0x38;
	[tilespmem:$0x1E600] =	vst v63  }
0x341: {  	[spmem:s10], [sflag:s16] =	dma.local [hbm:s6], $0x500  }
0x342: {  	_ =	swait.ge [sflag:s11], $0x50  }
0x343: {  	[sflag:s11] =	ssyncset.done $0x0  }
0x344: {  	s17 =	simm.s32 $0x11;
	s1 =	simm.s32 $0xCB00;
	[sflag:s11] =	ssyncadd.s32 $0xFFFFFFB0  }
0x345: {  	[tilespmem:s1], [sflag:$0x12] =	stream.indirect.gather [hbm4b:s3+s13], $0x80, s5, s13, $0xb8;
	[tilespmem:$0x1E600] =	vst v63  }
0x346: {  	_ =	swait.ge [sflag:s17], $0x2800  }
0x347: {  	[sflag:s17] =	ssyncset.done $0x0  }
0x348: {  	s26 =	simm.s32 $0xB;
	[sflag:s17] =	ssyncadd.s32 $0xFFFFD800  }
0x349: {  	_ =	swait.ge [sflag:s26], $0x500  }
0x34a: {  	[sflag:s26] =	ssyncset.done $0x0  }
0x34b: {  	s2 =	simm.s32 $0x17;
	s29 =	simm.s32 $0xF500;
	[sflag:s26] =	ssyncadd.s32 $0xFFFFFB00  }
0x34c: {  	[spmem:s4] =	stream.indirect.scatter.add.f32 [tilespmem:s0], [sflag:$0x17], $0x80, s29, s13, $0xb8;
	[tilespmem:$0x1E600] =	vst v63  }
0x34d: {  	_ =	swait.ge [sflag:s2], $0x2800  }
0x34e: {  	s5 =	sld [smem:$0x7DA]  }
0x34f: {  	s17 =	sld [smem:$0x7DB]  }
0x350: {  	[sflag:s2] =	ssyncset.done $0x0  }
0x351: {  	s6 =	simm.s32 $0x1B;
	[sflag:s2] =	ssyncadd.s32 $0xFFFFD800  }
0x352: {  	[hbm:s5], [sflag:s17] =	dma.local [spmem:s30], $0x500  }
0x353: {  	_ =	swait.ge [sflag:s6], $0x500  }
0x354: {  	s11 =	sld [smem:$0x7DC]  }
0x355: {  	[sflag:s6] =	ssyncset.done $0x0;
	s2 =	sld [smem:$0x7DD]  }
0x356: {  	s5 =	sld [smem:$0x7DE];
	[sflag:s6] =	ssyncadd.s32 $0xFFFFFB00;
	s6 =	simm.s32 $0x100  }
0x357: {  	[tilespmem:s6], [sflag:$0x3] =	stream.linear.gather [hbm4b:s11+s9], $0x50, $0x38;
	[tilespmem:$0x1E600] =	vst v63  }
0x358: {  	s11 =	simm.s32 $0x1  }
0x359: {  	[spmem:s22], [sflag:s5] =	dma.local [hbm:s2], $0x500  }
0x35a: {  	_ =	swait.ge [sflag:s11], $0x50  }
0x35b: {  	[sflag:s11] =	ssyncset.done $0x0  }
0x35c: {  	s2 =	simm.s32 $0x300;
	[sflag:s11] =	ssyncadd.s32 $0xFFFFFFB0  }
0x35d: {  	[tilespmem:s2], [sflag:$0xD] =	stream.indirect.gather [hbm4b:s3+s13], $0x80, s9, s13, $0xb8;
	[tilespmem:$0x1E600] =	vst v63  }
0x35e: {  	_ =	swait.ge [sflag:s31], $0x2800  }
0x35f: {  	[sflag:s31] =	ssyncset.done $0x0  }
0x360: {  	s26 =	simm.s32 $0xC;
	[sflag:s31] =	ssyncadd.s32 $0xFFFFD800  }
0x361: {  	_ =	swait.ge [sflag:s26], $0x500  }
0x362: {  	[sflag:s26] =	ssyncset.done $0x0  }
0x363: {  	s29 =	simm.s32 $0xF580;
	[sflag:s26] =	ssyncadd.s32 $0xFFFFFB00  }
0x364: {  	[spmem:s4] =	stream.indirect.scatter.add.f32 [tilespmem:s1], [sflag:$0x18], $0x80, s29, s13, $0xb8;
	[tilespmem:$0x1E600] =	vst v63  }
0x365: {  	s1 =	simm.s32 $0x18  }
0x366: {  	_ =	swait.ge [sflag:s1], $0x2800  }
0x367: {  	s5 =	sld [smem:$0x7DF]  }
0x368: {  	s11 =	sld [smem:$0x7F6]  }
0x369: {  	[sflag:s1] =	ssyncset.done $0x0  }
0x36a: {  	s29 =	simm.s32 $0x1C;
	[sflag:s1] =	ssyncadd.s32 $0xFFFFD800  }
0x36b: {  	[hbm:s5], [sflag:s11] =	dma.local [spmem:s28], $0x500  }
0x36c: {  	_ =	swait.ge [sflag:s29], $0x500  }
0x36d: {  	s1 =	sld [smem:$0x7E0]  }
0x36e: {  	[sflag:s29] =	ssyncset.done $0x0  }
0x36f: {  	s5 =	simm.s32 $0x180;
	s0 =	sld [smem:$0x7E1];
	[sflag:s29] =	ssyncadd.s32 $0xFFFFFB00  }
0x370: {  	[tilespmem:s5], [sflag:$0x4] =	stream.linear.gather [hbm4b:s1+s9], $0x50, $0x38;
	[tilespmem:$0x1E600] =	vst v63  }
0x371: {  	s1 =	sld [smem:$0x7E2];
	_ =	sdelay $0x2  }
0x372: {  	[spmem:s25], [sflag:s1] =	dma.local [hbm:s0], $0x500  }
0x373: {  	_ =	swait.ge [sflag:s24], $0x50  }
0x374: {  	[sflag:s24] =	ssyncset.done $0x0  }
0x375: {  	s1 =	simm.s32 $0x2B00;
	[sflag:s24] =	ssyncadd.s32 $0xFFFFFFB0  }
0x376: {  	[tilespmem:s1], [sflag:$0xE] =	stream.indirect.gather [hbm4b:s3+s13], $0x80, s7, s13, $0xb8;
	[tilespmem:$0x1E600] =	vst v63  }
0x377: {  	s7 =	simm.s32 $0xD  }
0x378: {  	_ =	swait.ge [sflag:s7], $0x2800  }
0x379: {  	[sflag:s7] =	ssyncset.done $0x0  }
0x37a: {  	s26 =	simm.s32 $0x7;
	[sflag:s7] =	ssyncadd.s32 $0xFFFFD800  }
0x37b: {  	_ =	swait.ge [sflag:s26], $0x500  }
0x37c: {  	[sflag:s26] =	ssyncset.done $0x0  }
0x37d: {  	s29 =	simm.s32 $0xF300;
	s0 =	simm.s32 $0x13;
	[sflag:s26] =	ssyncadd.s32 $0xFFFFFB00  }
0x37e: {  	[spmem:s4] =	stream.indirect.scatter.add.f32 [tilespmem:s2], [sflag:$0x13], $0x80, s29, s13, $0xb8;
	[tilespmem:$0x1E600] =	vst v63  }
0x37f: {  	_ =	swait.ge [sflag:s0], $0x2800  }
0x380: {  	s2 =	sld [smem:$0x7E3]  }
0x381: {  	[sflag:s0] =	ssyncset.done $0x0  }
0x382: {  	[sflag:s0] =	ssyncadd.s32 $0xFFFFD800  }
0x383: {  	[hbm:s2], [sflag:s15] =	dma.local [spmem:s20], $0x500  }
0x384: {  	_ =	swait.ge [sflag:s23], $0x500  }
0x385: {  	s7 =	sld [smem:$0x7E4]  }
0x386: {  	[sflag:s23] =	ssyncset.done $0x0  }
0x387: {  	s2 =	simm.s32 $0x200;
	s0 =	sld [smem:$0x7E5];
	[sflag:s23] =	ssyncadd.s32 $0xFFFFFB00  }
0x388: {  	[tilespmem:s2], [sflag:$0x5] =	stream.linear.gather [hbm4b:s7+s9], $0x50, $0x38;
	[tilespmem:$0x1E600] =	vst v63  }
0x389: {  	s7 =	simm.s32 $0x3  }
0x38a: {  	[spmem:s30], [sflag:s18] =	dma.local [hbm:s0], $0x500  }
0x38b: {  	_ =	swait.ge [sflag:s7], $0x50  }
0x38c: {  	s18 =	simm.s32 $0x3;
	[sflag:s7] =	ssyncset.done $0x0  }
0x38d: {  	s26 =	simm.s32 $0xE;
	s0 =	simm.s32 $0x5300;
	[sflag:s18] =	ssyncadd.s32 $0xFFFFFFB0  }
0x38e: {  	[tilespmem:s0], [sflag:$0xF] =	stream.indirect.gather [hbm4b:s3+s13], $0x80, s6, s13, $0xb8;
	[tilespmem:$0x1E600] =	vst v63  }
0x38f: {  	_ =	swait.ge [sflag:s26], $0x2800  }
0x390: {  	s29 =	simm.s32 $0xE;
	[sflag:s26] =	ssyncset.done $0x0  }
0x391: {  	s7 =	simm.s32 $0x8;
	[sflag:s29] =	ssyncadd.s32 $0xFFFFD800  }
0x392: {  	_ =	swait.ge [sflag:s7], $0x500  }
0x393: {  	s18 =	simm.s32 $0x8;
	[sflag:s7] =	ssyncset.done $0x0  }
0x394: {  	s26 =	simm.s32 $0xF380;
	s29 =	simm.s32 $0x14;
	[sflag:s18] =	ssyncadd.s32 $0xFFFFFB00  }
0x395: {  	[spmem:s4] =	stream.indirect.scatter.add.f32 [tilespmem:s1], [sflag:$0x14], $0x80, s26, s13, $0xb8;
	[tilespmem:$0x1E600] =	vst v63  }
0x396: {  	_ =	swait.ge [sflag:s29], $0x2800  }
0x397: {  	s7 =	sld [smem:$0x7E6]  }
0x398: {  	s6 =	simm.s32 $0x14;
	[sflag:s29] =	ssyncset.done $0x0  }
0x399: {  	[sflag:s6] =	ssyncadd.s32 $0xFFFFD800  }
0x39a: {  	[hbm:s7], [sflag:s21] =	dma.local [spmem:s10], $0x500  }
0x39b: {  	_ =	swait.ge [sflag:s8], $0x500  }
0x39c: {  	s18 =	sld [smem:$0x7E8]  }
0x39d: {  	[sflag:s8] =	ssyncset.done $0x0;
	s1 =	sld [smem:$0x7E9]  }
0x39e: {  	s6 =	simm.s32 $0x4;
	s10 =	simm.s32 $0x280;
	[sflag:s8] =	ssyncadd.s32 $0xFFFFFB00  }
0x39f: {  	[tilespmem:s10], [sflag:$0x6] =	stream.linear.gather [hbm4b:s18+s9], $0x50, $0x38;
	[tilespmem:$0x1E600] =	vst v63  }
0x3a0: {  	[spmem:s28], [sflag:s14] =	dma.local [hbm:s1], $0x500  }
0x3a1: {  	_ =	swait.ge [sflag:s6], $0x50  }
0x3a2: {  	s7 =	simm.s32 $0x4;
	[sflag:s6] =	ssyncset.done $0x0  }
0x3a3: {  	s8 =	simm.s32 $0xF;
	s6 =	simm.s32 $0x7B00;
	[sflag:s7] =	ssyncadd.s32 $0xFFFFFFB0  }
0x3a4: {  	[tilespmem:s6], [sflag:$0x10] =	stream.indirect.gather [hbm4b:s3+s13], $0x80, s5, s13, $0xb8;
	[tilespmem:$0x1E600] =	vst v63  }
0x3a5: {  	_ =	swait.ge [sflag:s8], $0x2800  }
0x3a6: {  	s14 =	simm.s32 $0xF;
	[sflag:s8] =	ssyncset.done $0x0  }
0x3a7: {  	s18 =	simm.s32 $0x9;
	[sflag:s14] =	ssyncadd.s32 $0xFFFFD800  }
0x3a8: {  	_ =	swait.ge [sflag:s18], $0x500  }
0x3a9: {  	s26 =	simm.s32 $0x9;
	[sflag:s18] =	ssyncset.done $0x0  }
0x3aa: {  	s29 =	simm.s32 $0xF400;
	s5 =	simm.s32 $0x15;
	[sflag:s26] =	ssyncadd.s32 $0xFFFFFB00  }
0x3ab: {  	[spmem:s4] =	stream.indirect.scatter.add.f32 [tilespmem:s0], [sflag:$0x15], $0x80, s29, s13, $0xb8;
	[tilespmem:$0x1E600] =	vst v63  }
0x3ac: {  	_ =	swait.ge [sflag:s5], $0x2800  }
0x3ad: {  	s8 =	sld [smem:$0x7EA]  }
0x3ae: {  	s7 =	simm.s32 $0x15;
	[sflag:s5] =	ssyncset.done $0x0  }
0x3af: {  	[sflag:s7] =	ssyncadd.s32 $0xFFFFD800  }
0x3b0: {  	[hbm:s8], [sflag:s12] =	dma.local [spmem:s22], $0x500  }
0x3b1: {  	s12 =	simm.s32 $0x19  }
0x3b2: {  	_ =	swait.ge [sflag:s12], $0x500  }
0x3b3: {  	s18 =	sld [smem:$0x7EC]  }
0x3b4: {  	s22 =	sld [smem:$0x7ED]  }
0x3b5: {  	s14 =	simm.s32 $0x19;
	[sflag:s12] =	ssyncset.done $0x0;
	s26 =	sld [smem:$0x7D5]  }
0x3b6: {  	s29 =	simm.s32 $0x5;
	[sflag:s14] =	ssyncadd.s32 $0xFFFFFB00  }
0x3b7: {  	[tilespmem:s9], [sflag:$0x1] =	stream.linear.gather [hbm4b:s18+s9], $0x50, $0x38;
	[tilespmem:$0x1E600] =	vst v63  }
0x3b8: {  	[spmem:s20], [sflag:s26] =	dma.local [hbm:s22], $0x500  }
0x3b9: {  	_ =	swait.ge [sflag:s29], $0x50  }
0x3ba: {  	s1 =	simm.s32 $0x5;
	[sflag:s29] =	ssyncset.done $0x0  }
0x3bb: {  	s5 =	simm.s32 $0x10;
	s7 =	simm.s32 $0xA300;
	[sflag:s1] =	ssyncadd.s32 $0xFFFFFFB0  }
0x3bc: {  	[tilespmem:s7], [sflag:$0x11] =	stream.indirect.gather [hbm4b:s3+s13], $0x80, s2, s13, $0xb8;
	[tilespmem:$0x1E600] =	vst v63  }
0x3bd: {  	_ =	swait.ge [sflag:s5], $0x2800  }
0x3be: {  	s8 =	simm.s32 $0x10;
	[sflag:s5] =	ssyncset.done $0x0  }
0x3bf: {  	s12 =	simm.s32 $0xA;
	[sflag:s8] =	ssyncadd.s32 $0xFFFFD800  }
0x3c0: {  	_ =	swait.ge [sflag:s12], $0x500  }
0x3c1: {  	s14 =	simm.s32 $0xA;
	[sflag:s12] =	ssyncset.done $0x0  }
0x3c2: {  	s18 =	simm.s32 $0xF480;
	s22 =	simm.s32 $0x16;
	[sflag:s14] =	ssyncadd.s32 $0xFFFFFB00  }
0x3c3: {  	[spmem:s4] =	stream.indirect.scatter.add.f32 [tilespmem:s6], [sflag:$0x16], $0x80, s18, s13, $0xb8;
	[tilespmem:$0x1E600] =	vst v63  }
0x3c4: {  	_ =	swait.ge [sflag:s22], $0x2800  }
0x3c5: {  	s29 =	sld [smem:$0x7EE]  }
0x3c6: {  	s26 =	simm.s32 $0x16;
	[sflag:s22] =	ssyncset.done $0x0  }
0x3c7: {  	s1 =	simm.s32 $0x1A;
	[sflag:s26] =	ssyncadd.s32 $0xFFFFD800  }
0x3c8: {  	[hbm:s29], [sflag:s19] =	dma.local [spmem:s25], $0x500  }
0x3c9: {  	_ =	swait.ge [sflag:s1], $0x500  }
0x3ca: {  	s26 =	sld [smem:$0x7F1]  }
0x3cb: {  	s0 =	simm.s32 @!p0 $0x80;
	s2 =	simm.s32 $0x1A;
	[sflag:s1] =	ssyncset.done $0x0  }
0x3cc: {  	s8 =	simm.s32 @!p0 $0x0;
	s29 =	sld [smem:$0x7F2];
	[sflag:s2] =	ssyncadd.s32 $0xFFFFFB00  }
0x3cd: {  	[tilespmem:s0], [sflag:$0x2] =	stream.linear.gather @!p0 [hbm4b:s26+s8], $0x50, $0x38;
	[tilespmem:$0x1E600] =	vst v63  }
0x3ce: {  	s8 =	sld [smem:$0x7FB];
	_ =	sdelay $0x1  }
0x3cf: {  	s5 =	simm.s32 $0x6  }
0x3d0: {  	[spmem:s8], [sflag:s16] =	dma.local @!p0 [hbm:s29], $0x500  }
0x3d1: {  	_ =	swait.ge [sflag:s5], $0x50  }
0x3d2: {  	s6 =	simm.s32 $0x6;
	[sflag:s5] =	ssyncset.done $0x0  }
0x3d3: {  	s1 =	simm.s32 $0xCB00;
	[sflag:s6] =	ssyncadd.s32 $0xFFFFFFB0  }
0x3d4: {  	[tilespmem:s1], [sflag:$0x12] =	stream.indirect.gather [hbm4b:s3+s13], $0x80, s10, s13, $0xb8;
	[tilespmem:$0x1E600] =	vst v63  }
0x3d5: {  	s10 =	simm.s32 $0x11  }
0x3d6: {  	_ =	swait.ge [sflag:s10], $0x2800  }
0x3d7: {  	s12 =	simm.s32 $0x11;
	[sflag:s10] =	ssyncset.done $0x0  }
0x3d8: {  	s14 =	simm.s32 $0xB;
	[sflag:s12] =	ssyncadd.s32 $0xFFFFD800  }
0x3d9: {  	_ =	swait.ge [sflag:s14], $0x500  }
0x3da: {  	s16 =	simm.s32 $0xB;
	[sflag:s14] =	ssyncset.done $0x0  }
0x3db: {  	s18 =	simm.s32 $0xF500;
	s19 =	simm.s32 $0x17;
	[sflag:s16] =	ssyncadd.s32 $0xFFFFFB00  }
0x3dc: {  	[spmem:s4] =	stream.indirect.scatter.add.f32 [tilespmem:s7], [sflag:$0x17], $0x80, s18, s13, $0xb8;
	[tilespmem:$0x1E600] =	vst v63  }
0x3dd: {  	_ =	swait.ge [sflag:s19], $0x2800  }
0x3de: {  	s25 =	sld [smem:$0x7F4]  }
0x3df: {  	s22 =	simm.s32 $0x17;
	[sflag:s19] =	ssyncset.done $0x0  }
0x3e0: {  	s26 =	simm.s32 $0x1B;
	[sflag:s22] =	ssyncadd.s32 $0xFFFFD800  }
0x3e1: {  	[hbm:s25], [sflag:s17] =	dma.local [spmem:s30], $0x500  }
0x3e2: {  	_ =	swait.ge [sflag:s26], $0x500  }
0x3e3: {  	s29 =	simm.s32 $0x1B;
	[sflag:s26] =	ssyncset.done $0x0  }
0x3e4: {  	s30 =	simm.s32 $0x1;
	[sflag:s29] =	ssyncadd.s32 $0xFFFFFB00  }
0x3e5: {  	_ =	swait.ge [sflag:s30], $0x50  }
0x3e6: {  	s5 =	simm.s32 $0x1;
	[sflag:s30] =	ssyncset.done $0x0  }
0x3e7: {  	s10 =	simm.s32 $0x300;
	[sflag:s5] =	ssyncadd.s32 $0xFFFFFFB0  }
0x3e8: {  	[tilespmem:s10], [sflag:$0xD] =	stream.indirect.gather [hbm4b:s3+s13], $0x80, s9, s13, $0xb8;
	[tilespmem:$0x1E600] =	vst v63  }
0x3e9: {  	_ =	swait.ge [sflag:s31], $0x2800  }
0x3ea: {  	[sflag:s31] =	ssyncset.done $0x0  }
0x3eb: {  	s6 =	simm.s32 $0xC;
	[sflag:s31] =	ssyncadd.s32 $0xFFFFD800  }
0x3ec: {  	_ =	swait.ge [sflag:s6], $0x500  }
0x3ed: {  	s7 =	simm.s32 $0xC;
	[sflag:s6] =	ssyncset.done $0x0  }
0x3ee: {  	s12 =	simm.s32 $0xF580;
	s14 =	simm.s32 $0x18;
	[sflag:s7] =	ssyncadd.s32 $0xFFFFFB00  }
0x3ef: {  	[spmem:s4] =	stream.indirect.scatter.add.f32 [tilespmem:s1], [sflag:$0x18], $0x80, s12, s13, $0xb8;
	[tilespmem:$0x1E600] =	vst v63  }
0x3f0: {  	_ =	swait.ge [sflag:s14], $0x2800  }
0x3f1: {  	s17 =	sld [smem:$0x7F5]  }
0x3f2: {  	s16 =	simm.s32 $0x18;
	[sflag:s14] =	ssyncset.done $0x0  }
0x3f3: {  	s19 =	simm.s32 $0x1C;
	[sflag:s16] =	ssyncadd.s32 $0xFFFFD800  }
0x3f4: {  	[hbm:s17], [sflag:s11] =	dma.local [spmem:s28], $0x500  }
0x3f5: {  	_ =	swait.ge [sflag:s19], $0x500  }
0x3f6: {  	s22 =	simm.s32 $0x1C;
	[sflag:s19] =	ssyncset.done $0x0  }
0x3f7: {  	s2 =	simm.s32 @!p0 $0x2;
	[sflag:s22] =	ssyncadd.s32 $0xFFFFFB00  }
0x3f8: {  	_ =	swait.ge @!p0 [sflag:s2], $0x50  }
0x3f9: {  	s25 =	simm.s32 $0xD;
	[sflag:s2] =	ssyncset.done @!p0 $0x0  }
0x3fa: {  	s5 =	simm.s32 @!p0 $0x2B00;
	[sflag:s2] =	ssyncadd.s32 @!p0 $0xFFFFFFB0;
	s2 =	simm.s32 @!p0 $0x50  }
0x3fb: {  	[tilespmem:s5], [sflag:$0xE] =	stream.indirect.gather @!p0 [hbm4b:s3+s2], $0x80, s0, s2, $0xb8;
	[tilespmem:$0x1E600] =	vst v63  }
0x3fc: {  	s3 =	sld [smem:$0x7C5];
	_ =	swait.ge [sflag:s25], $0x2800  }
0x3fd: {  	s26 =	simm.s32 $0xD;
	[sflag:s25] =	ssyncset.done $0x0  }
0x3fe: {  	s28 =	simm.s32 $0x7;
	[sflag:s26] =	ssyncadd.s32 $0xFFFFD800  }
0x3ff: {  	_ =	swait.ge [sflag:s28], $0x500  }
0x400: {  	s29 =	simm.s32 $0x7;
	[sflag:s28] =	ssyncset.done $0x0  }
0x401: {  	s24 =	simm.s32 $0x13;
	s30 =	simm.s32 $0xF300;
	[sflag:s29] =	ssyncadd.s32 $0xFFFFFB00  }
0x402: {  	[spmem:s4] =	stream.indirect.scatter.add.f32 [tilespmem:s10], [sflag:$0x13], $0x80, s30, s13, $0xb8;
	[tilespmem:$0x1E600] =	vst v63  }
0x403: {  	_ =	swait.ge [sflag:s24], $0x2800  }
0x404: {  	s31 =	sld [smem:$0x7F7]  }
0x405: {  	[sflag:s24] =	ssyncset.done $0x0  }
0x406: {  	[sflag:s24] =	ssyncadd.s32 $0xFFFFD800  }
0x407: {  	[hbm:s31], [sflag:s15] =	dma.local [spmem:s20], $0x500  }
0x408: {  	_ =	swait.ge [sflag:s23], $0x500  }
0x409: {  	[sflag:s23] =	ssyncset.done $0x0  }
0x40a: {  	s0 =	simm.s32 @!p0 $0xE;
	[sflag:s23] =	ssyncadd.s32 $0xFFFFFB00  }
0x40b: {  	_ =	swait.ge @!p0 [sflag:s0], $0x2800  }
0x40c: {  	[sflag:s0] =	ssyncset.done @!p0 $0x0  }
0x40d: {  	[sflag:s0] =	ssyncadd.s32 @!p0 $0xFFFFD800;
	s0 =	simm.s32 @!p0 $0x8  }
0x40e: {  	_ =	swait.ge @!p0 [sflag:s0], $0x500  }
0x40f: {  	[sflag:s0] =	ssyncset.done @!p0 $0x0  }
0x410: {  	[sflag:s0] =	ssyncadd.s32 @!p0 $0xFFFFFB00;
	s0 =	simm.s32 @!p0 $0xF380  }
0x411: {  	[spmem:s4] =	stream.indirect.scatter.add.f32 @!p0 [tilespmem:s5], [sflag:$0x14], $0x80, s0, s2, $0xb8;
	[tilespmem:$0x1E600] =	vst v63  }
0x412: {  	s0 =	simm.s32 @!p0 $0x14  }
0x413: {  	_ =	swait.ge @!p0 [sflag:s0], $0x2800  }
0x414: {  	s15 =	sld [smem:$0x7F9]  }
0x415: {  	[sflag:s0] =	ssyncset.done @!p0 $0x0  }
0x416: {  	[sflag:s0] =	ssyncadd.s32 @!p0 $0xFFFFD800;
	s0 =	sld [smem:$0x7FD]  }
0x417: {  	[hbm:s15], [sflag:s21] =	dma.local @!p0 [spmem:s8], $0x500  }
.Ltmp1:
0x418: {  	s1 =	simm.s32 @!p0 $0x1E;
	(pc) =	sbr.rel @p1 .LBB2_2-.Ltmp1, $4  }
0x419: {  	_ =	swait.ge @!p0 [sflag:s1], $0x500  }
0x41a: {  	[sflag:s1] =	ssyncset.done @!p0 $0x0  }
0x41b: {  	[sflag:s1] =	ssyncadd.s32 @!p0 $0xFFFFFB00  }
0x41c: {  	s2 =	simm.s32 @!p0 $0x1A;
	_ =	swait.ge [sflag:s0], $0x500  }
.LBB2_3:
0x41d: {  	[sflag:s0] =	ssyncset.done $0x0  }
0x41e: {  	s2 =	simm.s32 @p0 $0x19;
	[sflag:s0] =	ssyncadd.s32 $0xFFFFFB00  }
0x41f: {  	_ =	swait.ge [sflag:s2], $0x500  }
0x420: {  	[sflag:s2] =	ssyncset.done $0x0  }
0x421: {  	[sflag:s2] =	ssyncadd.s32 $0xFFFFFB00  }
0x422: {  	_ =	sfence.sel $0x180000  }
0x423: {  	[bflag:$0x0] =	sbarrier.arrive $0xFFFF  }
0x424: {  	_ =	strace $0x90000047  }
0x425: {  	s31 =	stileid.u32;
	[bflag:$0x2] =	sbarrier.arrive $0xFFFF  }
0x426: {  	p0 =	sne.s32 s31, $0x0;
	s0 =	rddreg [dreg:$0x5]  }
0x427: {  	s0 =	sadd.s32 @!p0 $0x100000, s0  }
0x428: {  	[sflag:s0] =	ssyncadd.tile.s32 @!p0 $0x1;
	_ =	shalt  }
.Lfunc_end2:
_tile_overlayer_lowered:
.L_overlay_start_2:
0x429: {  	(tag) =	ssettag $0x2  }
0x42a: {  	s0 =	rddreg [dreg:$0x0];
	s2 =	stileid.u32  }
0x42b: {  	s1 =	rddreg [dreg:$0x1];
	p0 =	sne.s32 s2, $0x0  }
0x42c: {  	s3 =	rddreg [dreg:$0x2];
	[bflag:$0x3] =	sbarrier.arrive $0xFFFF;
	s2 =	simm.s32 @!p0 $0x1C1F  }
0x42d: {  	[timem:s3], [sflag:s2] =	dma.local @!p0 [hbm:s0], s1  }
0x42e: {  	s0 =	simm.s32 @!p0 $0x1F  }
0x42f: {  	_ =	swait.ge @!p0 [sflag:s0], s1  }
0x430: {  	s1 =	ssub.s32 @!p0 $0x0, s1;
	[sflag:s0] =	ssyncset.done @!p0 $0x0  }
0x431: {  	[sflag:s0] =	ssyncadd.s32 @!p0 s1  }
0x432: {  	[bflag:$0x3] =	sbarrier.arrive $0xFFFF  }
0x433: {  	_ =	shalt  }

</sc_bundles>
